<compile_context>
chip_gen: v7x
topology: tpu7x:2x2x1
jax: 0.10.2.dev20260603
libtpu: 0.0.44.dev20260713+nightly
codegen_flags: <defaults>
</compile_context>

<pallas_src>
import functools
import math

import jax
import jax.numpy as jnp
from jax import lax
from jax.experimental import pallas as pl
from jax.experimental.pallas import tpu as pltpu
from jax.experimental.pallas import tpu_sc as plsc


def _bf16_bits(x_f32):
    b = jax.lax.bitcast_convert_type(x_f32.astype(jnp.bfloat16), jnp.uint16)
    return b.astype(jnp.int32)


def _kproj_body(hs_ref, hd_ref, wkse_ref, wkso_ref, wkde_ref, wkdo_ref,
                out_ref):
    hs = hs_ref[...].astype(jnp.bfloat16)
    hd = hd_ref[...].astype(jnp.bfloat16)
    ke = (jnp.dot(hs, wkse_ref[...].astype(jnp.bfloat16),
                  preferred_element_type=jnp.float32)
          + jnp.dot(hd, wkde_ref[...].astype(jnp.bfloat16),
                    preferred_element_type=jnp.float32))
    ko = (jnp.dot(hs, wkso_ref[...].astype(jnp.bfloat16),
                  preferred_element_type=jnp.float32)
          + jnp.dot(hd, wkdo_ref[...].astype(jnp.bfloat16),
                    preferred_element_type=jnp.float32))
    lo = _bf16_bits(ke)
    hi = _bf16_bits(ko)
    out_ref[...] = jax.lax.bitwise_or(jax.lax.shift_left(hi, 16), lo)


def _kproj(h_s, h_d, wks_e, wks_o, wkd_e, wkd_o, block_n=512):
    n, h = h_s.shape
    h2 = h // 2
    grid = (n // block_n,)
    return pl.pallas_call(
        _kproj_body,
        grid=grid,
        in_specs=[
            pl.BlockSpec((block_n, h), lambda i: (i, 0)),
            pl.BlockSpec((block_n, h), lambda i: (i, 0)),
            pl.BlockSpec((h, h2), lambda i: (0, 0)),
            pl.BlockSpec((h, h2), lambda i: (0, 0)),
            pl.BlockSpec((h, h2), lambda i: (0, 0)),
            pl.BlockSpec((h, h2), lambda i: (0, 0)),
        ],
        out_specs=pl.BlockSpec((block_n, h2), lambda i: (i, 0)),
        out_shape=jax.ShapeDtypeStruct((n, h2), jnp.int32),
    )(h_s, h_d, wks_e, wks_o, wkd_e, wkd_o)


def _sc_gather(table, idx_flat, chunk=128):
    n_rows = idx_flat.shape[0]
    h = table.shape[1]
    dt = table.dtype
    info = plsc.get_sparse_core_info()
    nw = info.num_cores * info.num_subcores
    rows_per_w = n_rows // nw
    n_chunks = rows_per_w // chunk
    mesh = plsc.VectorSubcoreMesh(core_axis_name="c", subcore_axis_name="s")

    nbuf = 3

    @functools.partial(
        pl.kernel,
        mesh=mesh,
        out_type=jax.ShapeDtypeStruct((n_rows, h), dt),
        scratch_types=[
            pltpu.VMEM((rows_per_w,), jnp.int32),
            pltpu.VMEM((chunk, h), dt),
            pltpu.VMEM((chunk, h), dt),
            pltpu.VMEM((chunk, h), dt),
            pltpu.SemaphoreType.DMA,
            pltpu.SemaphoreType.DMA,
            pltpu.SemaphoreType.DMA,
            pltpu.SemaphoreType.DMA,
        ],
    )
    def gather_kernel(table_hbm, idx_hbm, out_hbm, idx_v, rows_a, rows_b,
                      rows_c, gsem, osem_a, osem_b, osem_c):
        wid = lax.axis_index("s") * info.num_cores + lax.axis_index("c")
        base = wid * rows_per_w
        pltpu.sync_copy(idx_hbm.at[pl.ds(base, rows_per_w)], idx_v)
        bufs = (rows_a, rows_b, rows_c)
        osems = (osem_a, osem_b, osem_c)
        out_handles = [None] * nbuf
        for i in range(n_chunks):
            s = i % nbuf
            if out_handles[s] is not None:
                out_handles[s].wait()
            off = base + i * chunk
            pltpu.async_copy(
                table_hbm.at[idx_v.at[pl.ds(i * chunk, chunk)]], bufs[s], gsem
            ).wait()
            out_handles[s] = pltpu.async_copy(
                bufs[s], out_hbm.at[pl.ds(off, chunk)], osems[s])
        for hnd in out_handles:
            if hnd is not None:
                hnd.wait()

    return gather_kernel(table, idx_flat)


def _attn_body(ki_ref, hq_ref, wqe_ref, wqo_ref, g_ref, nidx_ref, nlen_ref,
               cur_ref, act_ref, lp_ref, *, m, h):
    bb = hq_ref.shape[0]
    hq = hq_ref[...].astype(jnp.bfloat16)
    qe = jnp.dot(hq, wqe_ref[...].astype(jnp.bfloat16),
                 preferred_element_type=jnp.float32)
    qo = jnp.dot(hq, wqo_ref[...].astype(jnp.bfloat16),
                 preferred_element_type=jnp.float32)
    w = ki_ref[...]
    lo = jax.lax.bitcast_convert_type(
        jax.lax.bitwise_and(w, 0xFFFF).astype(jnp.uint16), jnp.bfloat16
    ).astype(jnp.float32)
    hi = jax.lax.bitcast_convert_type(
        jax.lax.shift_right_logical(w, 16).astype(jnp.uint16), jnp.bfloat16
    ).astype(jnp.float32)
    qe_r = qe.astype(jnp.bfloat16).astype(jnp.float32)
    qo_r = qo.astype(jnp.bfloat16).astype(jnp.float32)
    compat = (
        jnp.sum(lo * qe_r[:, None, :], axis=-1)
        + jnp.sum(hi * qo_r[:, None, :], axis=-1)
    ) / math.sqrt(h)
    nlen = nlen_ref[...]
    lane = lax.broadcasted_iota(jnp.int32, (bb, m), 1)
    mask = lane < nlen
    logits = jnp.where(mask, compat, -1e9)
    z = logits + g_ref[...]
    idx = jnp.argmax(z, axis=1)
    mx = jnp.max(logits, axis=1, keepdims=True)
    shifted = logits - mx
    logp_all = shifted - jnp.log(jnp.sum(jnp.exp(shifted), axis=1, keepdims=True))
    sel = lane == idx[:, None]
    logp = jnp.sum(jnp.where(sel, logp_all, 0.0), axis=1)
    chosen = jnp.sum(jnp.where(sel, nidx_ref[...], 0), axis=1)
    empty = nlen[:, 0] == 0
    act_ref[...] = jnp.where(empty, cur_ref[...][:, 0], chosen)[:, None]
    lp_ref[...] = jnp.where(empty, 0.0, logp)[:, None]


def _attn_sample(ki, hq, wq_e, wq_o, gumbel, neigh_idx, neigh_len,
                 current_nodes, block_b=256):
    b, m = neigh_idx.shape
    h = hq.shape[1]
    h2 = h // 2
    grid = (b // block_b,)
    return pl.pallas_call(
        functools.partial(_attn_body, m=m, h=h),
        grid=grid,
        in_specs=[
            pl.BlockSpec((block_b, m, h2), lambda i: (i, 0, 0)),
            pl.BlockSpec((block_b, h), lambda i: (i, 0)),
            pl.BlockSpec((h, h2), lambda i: (0, 0)),
            pl.BlockSpec((h, h2), lambda i: (0, 0)),
            pl.BlockSpec((block_b, m), lambda i: (i, 0)),
            pl.BlockSpec((block_b, m), lambda i: (i, 0)),
            pl.BlockSpec((block_b, 1), lambda i: (i, 0)),
            pl.BlockSpec((block_b, 1), lambda i: (i, 0)),
        ],
        out_specs=[
            pl.BlockSpec((block_b, 1), lambda i: (i, 0)),
            pl.BlockSpec((block_b, 1), lambda i: (i, 0)),
        ],
        out_shape=[
            jax.ShapeDtypeStruct((b, 1), jnp.int32),
            jax.ShapeDtypeStruct((b, 1), jnp.float32),
        ],
    )(ki, hq, wq_e, wq_o, gumbel, neigh_idx, neigh_len, current_nodes)


def kernel(h_dynamic, h_static, W_skvl, W_dkvl, W_q, current_nodes, neigh_idx,
           neigh_len):
    n, h = h_static.shape
    b, m = neigh_idx.shape
    h2 = h // 2
    wks_e = W_skvl[:, 0:h2]
    wks_o = W_skvl[:, h2:h]
    wkd_e = W_dkvl[:, 0:h2]
    wkd_o = W_dkvl[:, h2:h]
    wq_e = W_q[:, 0:h2]
    wq_o = W_q[:, h2:h]

    kall_i32 = _kproj(h_static, h_dynamic, wks_e, wks_o, wkd_e, wkd_o)

    cur = current_nodes.astype(jnp.int32)
    hq = h_static[cur] + h_dynamic[cur]

    u = jax.random.uniform(jax.random.key(42), (b, m), minval=1e-9, maxval=1.0)
    gumbel = -jnp.log(-jnp.log(u))

    idx_flat = neigh_idx.reshape(b * m).astype(jnp.int32)
    nidx32 = neigh_idx.astype(jnp.int32)
    nlen2 = neigh_len.reshape(b, 1).astype(jnp.int32)
    cur2 = cur.reshape(b, 1)

    nsplit = 2
    bh = b // nsplit
    acts, lps = [], []
    kis = [
        _sc_gather(kall_i32, idx_flat[i * bh * m:(i + 1) * bh * m])
        .reshape(bh, m, h // 2)
        for i in range(nsplit)
    ]
    for i in range(nsplit):
        sl = slice(i * bh, (i + 1) * bh)
        a2, l2 = _attn_sample(
            kis[i], hq[sl], wq_e, wq_o, gumbel[sl],
            nidx32[sl], nlen2[sl], cur2[sl],
        )
        acts.append(a2[:, 0])
        lps.append(l2[:, 0])
    return jnp.concatenate(acts), jnp.concatenate(lps)

# --- scband reference (transcript-rebuilt; emitter-appended) ---
"""Pipeline reference for scband-attention-decoder-batch-56358560858502 (READ-ONLY COPY).

The authoritative reference and input builder live on the scoring server;
editing this copy changes nothing except your own understanding.
"""

import math
import jax, jax.numpy as jnp
import numpy as np

N, H, B, M = 32768, 512, 4096, 32

def setup_inputs(seed: int = 0) -> dict:
    key = jax.random.key(seed)
    ks = jax.random.split(key, 8)
    h_dynamic = jax.random.normal(ks[0], (N, H), dtype=jnp.float32)
    h_static = jax.random.normal(ks[1], (N, H), dtype=jnp.float32)
    current_nodes = jax.random.randint(ks[2], (B,), 0, N)
    neigh_idx = jax.random.randint(ks[3], (B, M), 0, N)
    neigh_len = jax.random.randint(ks[4], (B,), 0, M + 1).astype(jnp.int32)
    scale = 1.0 / math.sqrt(H)
    W_skvl = jax.random.normal(ks[5], (H, 3 * H), dtype=jnp.float32) * scale
    W_dkvl = jax.random.normal(ks[6], (H, 3 * H), dtype=jnp.float32) * scale
    W_q = jax.random.normal(ks[7], (H, H), dtype=jnp.float32) * scale
    return {"h_dynamic": h_dynamic, "h_static": h_static, "W_skvl": W_skvl, "W_dkvl": W_dkvl, "W_q": W_q, "current_nodes": current_nodes, "neigh_idx": neigh_idx, "neigh_len": neigh_len}

def reference(h_dynamic, h_static, W_skvl, W_dkvl, W_q, current_nodes, neigh_idx, neigh_len):
    # precompute(): static K/V/L projections over all nodes
    kvl_s = h_static @ W_skvl
    K_s, V_s, L_s = jnp.split(kvl_s, 3, axis=-1)
    # dynamic projections per step
    kvl_d = h_dynamic @ W_dkvl
    K_d, V_d, _ = jnp.split(kvl_d, 3, axis=-1)
    K = K_s + K_d
    V = V_s + V_d  # computed (as in torch forward) though unused for the sampled action
    q = (h_static[current_nodes] + h_dynamic[current_nodes]) @ W_q  # [B, H]
    # vectorized ragged neighbor attention (padded representation of valid_actions)
    K_i = K[neigh_idx]  # gather [B, M, H]
    compat = jnp.einsum('bmh,bh->bm', K_i, q) / math.sqrt(H)
    mask = jnp.arange(M)[None, :] < neigh_len[:, None]
    logits = jnp.where(mask, compat, -1e9)
    # Categorical sampling via Gumbel-max with a fixed key (deterministic)
    u = jax.random.uniform(jax.random.key(42), (B, M), minval=1e-9, maxval=1.0)
    gumbel = -jnp.log(-jnp.log(u))
    idx = jnp.argmax(logits + gumbel, axis=1)
    logp_all = jax.nn.log_softmax(logits, axis=-1)
    logp = jnp.take_along_axis(logp_all, idx[:, None], axis=1)[:, 0]
    chosen = jnp.take_along_axis(neigh_idx, idx[:, None], axis=1)[:, 0]
    empty = neigh_len == 0
    actions = jnp.where(empty, current_nodes, chosen)
    log_probs = jnp.where(empty, 0.0, logp)
    return actions, log_probs

if __name__ == "__main__":
    import jax
    _d = setup_inputs()
    print(jax.jit(kernel)(*tuple(_d.values())))

</pallas_src>

<mosaic_0001>
#map = affine_map<(d0, d1) -> (0, 0)>
#map1 = affine_map<(d0, d1) -> (0)>
module attributes {stable_mosaic.version = 14 : i64} {
  func.func @gather_kernel(%arg0: i32, %arg1: i32, %arg2: memref<32768x256xi32, #tpu.memory_space<hbm>>, %arg3: memref<65536xi32, #tpu.memory_space<hbm>>, %arg4: memref<65536x256xi32, #tpu.memory_space<hbm>>, %arg5: memref<2048xi32, #tpu.memory_space<vmem>>, %arg6: memref<128x256xi32, #tpu.memory_space<vmem>>, %arg7: memref<128x256xi32, #tpu.memory_space<vmem>>, %arg8: memref<128x256xi32, #tpu.memory_space<vmem>>, %arg9: memref<!tpu.dma_semaphore, #tpu.memory_space<semaphore_mem>>, %arg10: memref<!tpu.dma_semaphore, #tpu.memory_space<semaphore_mem>>, %arg11: memref<!tpu.dma_semaphore, #tpu.memory_space<semaphore_mem>>, %arg12: memref<!tpu.dma_semaphore, #tpu.memory_space<semaphore_mem>>) attributes {dimension_semantics = [#tpu.dimension_semantics<core_parallel>, #tpu.dimension_semantics<subcore_parallel>], iteration_bounds = array<i64: 2, 16>, scalar_prefetch = 0 : i64, scratch_operands = 8 : i64, tpu.core_type = #tpu.core_type<sc_vector_subcore>, window_params = [{transform_indices = #map}, {transform_indices = #map1}, {transform_indices = #map}]} {
    %mul3A = arith.constant 2 : i32
    %mul3A_0 = arith.muli %arg1, %mul3A : i32
    %add3A = arith.addi %mul3A_0, %arg0 : i32
    %mul3A_1 = arith.constant 2048 : i32
    %mul3A_2 = arith.muli %add3A, %mul3A_1 : i32
    "tpu.region"() ({
      %run_scoped3A = tpu.sem_alloc : memref<!tpu.dma_semaphore, #tpu.memory_space<semaphore_mem>>
      %dma_start3A_321 = tpu.memref_slice %arg3[%mul3A_2] : memref<65536xi32, #tpu.memory_space<hbm>> -> memref<2048xi32, #tpu.memory_space<hbm>>
      %dma_start3A_322 = tpu.memref_slice %arg3[%mul3A_2] : memref<65536xi32, #tpu.memory_space<hbm>> -> memref<2048xi32, #tpu.memory_space<hbm>>
      tpu.enqueue_dma source(%dma_start3A_322 : memref<2048xi32, #tpu.memory_space<hbm>>) target(%arg5 : memref<2048xi32, #tpu.memory_space<vmem>>) target_semaphore(%run_scoped3A : memref<!tpu.dma_semaphore, #tpu.memory_space<semaphore_mem>>)
      %dma_wait3A_323 = tpu.memref_slice %arg3[%mul3A_2] : memref<65536xi32, #tpu.memory_space<hbm>> -> memref<2048xi32, #tpu.memory_space<hbm>>
      %dma_wait3A_324 = tpu.memref_slice %arg3[%mul3A_2] : memref<65536xi32, #tpu.memory_space<hbm>> -> memref<2048xi32, #tpu.memory_space<hbm>>
      tpu.wait_dma2 semaphore(%run_scoped3A : memref<!tpu.dma_semaphore, #tpu.memory_space<semaphore_mem>>) src(%dma_wait3A_324 : memref<2048xi32, #tpu.memory_space<hbm>>) dst(%arg5 : memref<2048xi32, #tpu.memory_space<vmem>>)
      tpu.yield
    }) : () -> ()
    %add3A_3 = arith.constant 0 : i32
    %add3A_4 = arith.addi %mul3A_2, %add3A_3 : i32
    %dma_start3A = arith.constant 0 : i32
    %dma_start3A_5 = tpu.memref_slice %arg5[%dma_start3A] : memref<2048xi32, #tpu.memory_space<vmem>> -> memref<128xi32, #tpu.memory_space<vmem>>
    %dma_start3A_6 = arith.constant 0 : i32
    %dma_start3A_7 = arith.constant 0 : i32
    %dma_start3A_8 = tpu.memref_slice %arg2[%dma_start3A_6, %dma_start3A_7] : memref<32768x256xi32, #tpu.memory_space<hbm>> -> memref<32768x256xi32, #tpu.memory_space<hbm>>
    tpu.enqueue_indirect_dma source(%dma_start3A_8 : memref<32768x256xi32, #tpu.memory_space<hbm>>) target(%arg6 : memref<128x256xi32, #tpu.memory_space<vmem>>) offsets(%dma_start3A_5 : memref<128xi32, #tpu.memory_space<vmem>>) semaphore(%arg9 : memref<!tpu.dma_semaphore, #tpu.memory_space<semaphore_mem>>)
    %dma_wait3A = arith.constant 0 : i32
    %dma_wait3A_9 = tpu.memref_slice %arg5[%dma_wait3A] : memref<2048xi32, #tpu.memory_space<vmem>> -> memref<128xi32, #tpu.memory_space<vmem>>
    %dma_wait3A_10 = arith.constant 0 : i32
    %dma_wait3A_11 = arith.constant 0 : i32
    %dma_wait3A_12 = tpu.memref_slice %arg2[%dma_wait3A_10, %dma_wait3A_11] : memref<32768x256xi32, #tpu.memory_space<hbm>> -> memref<32768x256xi32, #tpu.memory_space<hbm>>
    tpu.wait_indirect_dma semaphore(%arg9 : memref<!tpu.dma_semaphore, #tpu.memory_space<semaphore_mem>>) src(%dma_wait3A_12 : memref<32768x256xi32, #tpu.memory_space<hbm>>) dst(%arg6 : memref<128x256xi32, #tpu.memory_space<vmem>>)
    %dma_start3A_13 = arith.constant 0 : i32
    %dma_start3A_14 = tpu.memref_slice %arg4[%add3A_4, %dma_start3A_13] : memref<65536x256xi32, #tpu.memory_space<hbm>> -> memref<128x256xi32, #tpu.memory_space<hbm>>
    %dma_start3A_15 = arith.constant 0 : i32
    %dma_start3A_16 = tpu.memref_slice %arg4[%add3A_4, %dma_start3A_15] : memref<65536x256xi32, #tpu.memory_space<hbm>> -> memref<128x256xi32, #tpu.memory_space<hbm>>
    tpu.enqueue_dma source(%arg6 : memref<128x256xi32, #tpu.memory_space<vmem>>) target(%dma_start3A_16 : memref<128x256xi32, #tpu.memory_space<hbm>>) target_semaphore(%arg10 : memref<!tpu.dma_semaphore, #tpu.memory_space<semaphore_mem>>)
    %add3A_17 = arith.constant 128 : i32
    %add3A_18 = arith.addi %mul3A_2, %add3A_17 : i32
    %dma_start3A_19 = arith.constant 128 : i32
    %dma_start3A_20 = tpu.memref_slice %arg5[%dma_start3A_19] : memref<2048xi32, #tpu.memory_space<vmem>> -> memref<128xi32, #tpu.memory_space<vmem>>
    %dma_start3A_21 = arith.constant 0 : i32
    %dma_start3A_22 = arith.constant 0 : i32
    %dma_start3A_23 = tpu.memref_slice %arg2[%dma_start3A_21, %dma_start3A_22] : memref<32768x256xi32, #tpu.memory_space<hbm>> -> memref<32768x256xi32, #tpu.memory_space<hbm>>
    tpu.enqueue_indirect_dma source(%dma_start3A_23 : memref<32768x256xi32, #tpu.memory_space<hbm>>) target(%arg7 : memref<128x256xi32, #tpu.memory_space<vmem>>) offsets(%dma_start3A_20 : memref<128xi32, #tpu.memory_space<vmem>>) semaphore(%arg9 : memref<!tpu.dma_semaphore, #tpu.memory_space<semaphore_mem>>)
    %dma_wait3A_24 = arith.constant 128 : i32
    %dma_wait3A_25 = tpu.memref_slice %arg5[%dma_wait3A_24] : memref<2048xi32, #tpu.memory_space<vmem>> -> memref<128xi32, #tpu.memory_space<vmem>>
    %dma_wait3A_26 = arith.constant 0 : i32
    %dma_wait3A_27 = arith.constant 0 : i32
    %dma_wait3A_28 = tpu.memref_slice %arg2[%dma_wait3A_26, %dma_wait3A_27] : memref<32768x256xi32, #tpu.memory_space<hbm>> -> memref<32768x256xi32, #tpu.memory_space<hbm>>
    tpu.wait_indirect_dma semaphore(%arg9 : memref<!tpu.dma_semaphore, #tpu.memory_space<semaphore_mem>>) src(%dma_wait3A_28 : memref<32768x256xi32, #tpu.memory_space<hbm>>) dst(%arg7 : memref<128x256xi32, #tpu.memory_space<vmem>>)
    %dma_start3A_29 = arith.constant 0 : i32
    %dma_start3A_30 = tpu.memref_slice %arg4[%add3A_18, %dma_start3A_29] : memref<65536x256xi32, #tpu.memory_space<hbm>> -> memref<128x256xi32, #tpu.memory_space<hbm>>
    %dma_start3A_31 = arith.constant 0 : i32
    %dma_start3A_32 = tpu.memref_slice %arg4[%add3A_18, %dma_start3A_31] : memref<65536x256xi32, #tpu.memory_space<hbm>> -> memref<128x256xi32, #tpu.memory_space<hbm>>
    tpu.enqueue_dma source(%arg7 : memref<128x256xi32, #tpu.memory_space<vmem>>) target(%dma_start3A_32 : memref<128x256xi32, #tpu.memory_space<hbm>>) target_semaphore(%arg11 : memref<!tpu.dma_semaphore, #tpu.memory_space<semaphore_mem>>)
    %add3A_33 = arith.constant 256 : i32
    %add3A_34 = arith.addi %mul3A_2, %add3A_33 : i32
    %dma_start3A_35 = arith.constant 256 : i32
    %dma_start3A_36 = tpu.memref_slice %arg5[%dma_start3A_35] : memref<2048xi32, #tpu.memory_space<vmem>> -> memref<128xi32, #tpu.memory_space<vmem>>
    %dma_start3A_37 = arith.constant 0 : i32
    %dma_start3A_38 = arith.constant 0 : i32
    %dma_start3A_39 = tpu.memref_slice %arg2[%dma_start3A_37, %dma_start3A_38] : memref<32768x256xi32, #tpu.memory_space<hbm>> -> memref<32768x256xi32, #tpu.memory_space<hbm>>
    tpu.enqueue_indirect_dma source(%dma_start3A_39 : memref<32768x256xi32, #tpu.memory_space<hbm>>) target(%arg8 : memref<128x256xi32, #tpu.memory_space<vmem>>) offsets(%dma_start3A_36 : memref<128xi32, #tpu.memory_space<vmem>>) semaphore(%arg9 : memref<!tpu.dma_semaphore, #tpu.memory_space<semaphore_mem>>)
    %dma_wait3A_40 = arith.constant 256 : i32
    %dma_wait3A_41 = tpu.memref_slice %arg5[%dma_wait3A_40] : memref<2048xi32, #tpu.memory_space<vmem>> -> memref<128xi32, #tpu.memory_space<vmem>>
    %dma_wait3A_42 = arith.constant 0 : i32
    %dma_wait3A_43 = arith.constant 0 : i32
    %dma_wait3A_44 = tpu.memref_slice %arg2[%dma_wait3A_42, %dma_wait3A_43] : memref<32768x256xi32, #tpu.memory_space<hbm>> -> memref<32768x256xi32, #tpu.memory_space<hbm>>
    tpu.wait_indirect_dma semaphore(%arg9 : memref<!tpu.dma_semaphore, #tpu.memory_space<semaphore_mem>>) src(%dma_wait3A_44 : memref<32768x256xi32, #tpu.memory_space<hbm>>) dst(%arg8 : memref<128x256xi32, #tpu.memory_space<vmem>>)
    %dma_start3A_45 = arith.constant 0 : i32
    %dma_start3A_46 = tpu.memref_slice %arg4[%add3A_34, %dma_start3A_45] : memref<65536x256xi32, #tpu.memory_space<hbm>> -> memref<128x256xi32, #tpu.memory_space<hbm>>
    %dma_start3A_47 = arith.constant 0 : i32
    %dma_start3A_48 = tpu.memref_slice %arg4[%add3A_34, %dma_start3A_47] : memref<65536x256xi32, #tpu.memory_space<hbm>> -> memref<128x256xi32, #tpu.memory_space<hbm>>
    tpu.enqueue_dma source(%arg8 : memref<128x256xi32, #tpu.memory_space<vmem>>) target(%dma_start3A_48 : memref<128x256xi32, #tpu.memory_space<hbm>>) target_semaphore(%arg12 : memref<!tpu.dma_semaphore, #tpu.memory_space<semaphore_mem>>)
    %dma_wait3A_49 = arith.constant 0 : i32
    %dma_wait3A_50 = tpu.memref_slice %arg4[%add3A_4, %dma_wait3A_49] : memref<65536x256xi32, #tpu.memory_space<hbm>> -> memref<128x256xi32, #tpu.memory_space<hbm>>
    %dma_wait3A_51 = arith.constant 0 : i32
    %dma_wait3A_52 = tpu.memref_slice %arg4[%add3A_4, %dma_wait3A_51] : memref<65536x256xi32, #tpu.memory_space<hbm>> -> memref<128x256xi32, #tpu.memory_space<hbm>>
    tpu.wait_dma2 semaphore(%arg10 : memref<!tpu.dma_semaphore, #tpu.memory_space<semaphore_mem>>) src(%arg6 : memref<128x256xi32, #tpu.memory_space<vmem>>) dst(%dma_wait3A_52 : memref<128x256xi32, #tpu.memory_space<hbm>>)
    %add3A_53 = arith.constant 384 : i32
    %add3A_54 = arith.addi %mul3A_2, %add3A_53 : i32
    %dma_start3A_55 = arith.constant 384 : i32
    %dma_start3A_56 = tpu.memref_slice %arg5[%dma_start3A_55] : memref<2048xi32, #tpu.memory_space<vmem>> -> memref<128xi32, #tpu.memory_space<vmem>>
    %dma_start3A_57 = arith.constant 0 : i32
    %dma_start3A_58 = arith.constant 0 : i32
    %dma_start3A_59 = tpu.memref_slice %arg2[%dma_start3A_57, %dma_start3A_58] : memref<32768x256xi32, #tpu.memory_space<hbm>> -> memref<32768x256xi32, #tpu.memory_space<hbm>>
    tpu.enqueue_indirect_dma source(%dma_start3A_59 : memref<32768x256xi32, #tpu.memory_space<hbm>>) target(%arg6 : memref<128x256xi32, #tpu.memory_space<vmem>>) offsets(%dma_start3A_56 : memref<128xi32, #tpu.memory_space<vmem>>) semaphore(%arg9 : memref<!tpu.dma_semaphore, #tpu.memory_space<semaphore_mem>>)
    %dma_wait3A_60 = arith.constant 384 : i32
    %dma_wait3A_61 = tpu.memref_slice %arg5[%dma_wait3A_60] : memref<2048xi32, #tpu.memory_space<vmem>> -> memref<128xi32, #tpu.memory_space<vmem>>
    %dma_wait3A_62 = arith.constant 0 : i32
    %dma_wait3A_63 = arith.constant 0 : i32
    %dma_wait3A_64 = tpu.memref_slice %arg2[%dma_wait3A_62, %dma_wait3A_63] : memref<32768x256xi32, #tpu.memory_space<hbm>> -> memref<32768x256xi32, #tpu.memory_space<hbm>>
    tpu.wait_indirect_dma semaphore(%arg9 : memref<!tpu.dma_semaphore, #tpu.memory_space<semaphore_mem>>) src(%dma_wait3A_64 : memref<32768x256xi32, #tpu.memory_space<hbm>>) dst(%arg6 : memref<128x256xi32, #tpu.memory_space<vmem>>)
    %dma_start3A_65 = arith.constant 0 : i32
    %dma_start3A_66 = tpu.memref_slice %arg4[%add3A_54, %dma_start3A_65] : memref<65536x256xi32, #tpu.memory_space<hbm>> -> memref<128x256xi32, #tpu.memory_space<hbm>>
    %dma_start3A_67 = arith.constant 0 : i32
    %dma_start3A_68 = tpu.memref_slice %arg4[%add3A_54, %dma_start3A_67] : memref<65536x256xi32, #tpu.memory_space<hbm>> -> memref<128x256xi32, #tpu.memory_space<hbm>>
    tpu.enqueue_dma source(%arg6 : memref<128x256xi32, #tpu.memory_space<vmem>>) target(%dma_start3A_68 : memref<128x256xi32, #tpu.memory_space<hbm>>) target_semaphore(%arg10 : memref<!tpu.dma_semaphore, #tpu.memory_space<semaphore_mem>>)
    %dma_wait3A_69 = arith.constant 0 : i32
    %dma_wait3A_70 = tpu.memref_slice %arg4[%add3A_18, %dma_wait3A_69] : memref<65536x256xi32, #tpu.memory_space<hbm>> -> memref<128x256xi32, #tpu.memory_space<hbm>>
    %dma_wait3A_71 = arith.constant 0 : i32
    %dma_wait3A_72 = tpu.memref_slice %arg4[%add3A_18, %dma_wait3A_71] : memref<65536x256xi32, #tpu.memory_space<hbm>> -> memref<128x256xi32, #tpu.memory_space<hbm>>
    tpu.wait_dma2 semaphore(%arg11 : memref<!tpu.dma_semaphore, #tpu.memory_space<semaphore_mem>>) src(%arg7 : memref<128x256xi32, #tpu.memory_space<vmem>>) dst(%dma_wait3A_72 : memref<128x256xi32, #tpu.memory_space<hbm>>)
    %add3A_73 = arith.constant 512 : i32
    %add3A_74 = arith.addi %mul3A_2, %add3A_73 : i32
    %dma_start3A_75 = arith.constant 512 : i32
    %dma_start3A_76 = tpu.memref_slice %arg5[%dma_start3A_75] : memref<2048xi32, #tpu.memory_space<vmem>> -> memref<128xi32, #tpu.memory_space<vmem>>
    %dma_start3A_77 = arith.constant 0 : i32
    %dma_start3A_78 = arith.constant 0 : i32
    %dma_start3A_79 = tpu.memref_slice %arg2[%dma_start3A_77, %dma_start3A_78] : memref<32768x256xi32, #tpu.memory_space<hbm>> -> memref<32768x256xi32, #tpu.memory_space<hbm>>
    tpu.enqueue_indirect_dma source(%dma_start3A_79 : memref<32768x256xi32, #tpu.memory_space<hbm>>) target(%arg7 : memref<128x256xi32, #tpu.memory_space<vmem>>) offsets(%dma_start3A_76 : memref<128xi32, #tpu.memory_space<vmem>>) semaphore(%arg9 : memref<!tpu.dma_semaphore, #tpu.memory_space<semaphore_mem>>)
    %dma_wait3A_80 = arith.constant 512 : i32
    %dma_wait3A_81 = tpu.memref_slice %arg5[%dma_wait3A_80] : memref<2048xi32, #tpu.memory_space<vmem>> -> memref<128xi32, #tpu.memory_space<vmem>>
    %dma_wait3A_82 = arith.constant 0 : i32
    %dma_wait3A_83 = arith.constant 0 : i32
    %dma_wait3A_84 = tpu.memref_slice %arg2[%dma_wait3A_82, %dma_wait3A_83] : memref<32768x256xi32, #tpu.memory_space<hbm>> -> memref<32768x256xi32, #tpu.memory_space<hbm>>
    tpu.wait_indirect_dma semaphore(%arg9 : memref<!tpu.dma_semaphore, #tpu.memory_space<semaphore_mem>>) src(%dma_wait3A_84 : memref<32768x256xi32, #tpu.memory_space<hbm>>) dst(%arg7 : memref<128x256xi32, #tpu.memory_space<vmem>>)
    %dma_start3A_85 = arith.constant 0 : i32
    %dma_start3A_86 = tpu.memref_slice %arg4[%add3A_74, %dma_start3A_85] : memref<65536x256xi32, #tpu.memory_space<hbm>> -> memref<128x256xi32, #tpu.memory_space<hbm>>
    %dma_start3A_87 = arith.constant 0 : i32
    %dma_start3A_88 = tpu.memref_slice %arg4[%add3A_74, %dma_start3A_87] : memref<65536x256xi32, #tpu.memory_space<hbm>> -> memref<128x256xi32, #tpu.memory_space<hbm>>
    tpu.enqueue_dma source(%arg7 : memref<128x256xi32, #tpu.memory_space<vmem>>) target(%dma_start3A_88 : memref<128x256xi32, #tpu.memory_space<hbm>>) target_semaphore(%arg11 : memref<!tpu.dma_semaphore, #tpu.memory_space<semaphore_mem>>)
    %dma_wait3A_89 = arith.constant 0 : i32
    %dma_wait3A_90 = tpu.memref_slice %arg4[%add3A_34, %dma_wait3A_89] : memref<65536x256xi32, #tpu.memory_space<hbm>> -> memref<128x256xi32, #tpu.memory_space<hbm>>
    %dma_wait3A_91 = arith.constant 0 : i32
    %dma_wait3A_92 = tpu.memref_slice %arg4[%add3A_34, %dma_wait3A_91] : memref<65536x256xi32, #tpu.memory_space<hbm>> -> memref<128x256xi32, #tpu.memory_space<hbm>>
    tpu.wait_dma2 semaphore(%arg12 : memref<!tpu.dma_semaphore, #tpu.memory_space<semaphore_mem>>) src(%arg8 : memref<128x256xi32, #tpu.memory_space<vmem>>) dst(%dma_wait3A_92 : memref<128x256xi32, #tpu.memory_space<hbm>>)
    %add3A_93 = arith.constant 640 : i32
    %add3A_94 = arith.addi %mul3A_2, %add3A_93 : i32
    %dma_start3A_95 = arith.constant 640 : i32
    %dma_start3A_96 = tpu.memref_slice %arg5[%dma_start3A_95] : memref<2048xi32, #tpu.memory_space<vmem>> -> memref<128xi32, #tpu.memory_space<vmem>>
    %dma_start3A_97 = arith.constant 0 : i32
    %dma_start3A_98 = arith.constant 0 : i32
    %dma_start3A_99 = tpu.memref_slice %arg2[%dma_start3A_97, %dma_start3A_98] : memref<32768x256xi32, #tpu.memory_space<hbm>> -> memref<32768x256xi32, #tpu.memory_space<hbm>>
    tpu.enqueue_indirect_dma source(%dma_start3A_99 : memref<32768x256xi32, #tpu.memory_space<hbm>>) target(%arg8 : memref<128x256xi32, #tpu.memory_space<vmem>>) offsets(%dma_start3A_96 : memref<128xi32, #tpu.memory_space<vmem>>) semaphore(%arg9 : memref<!tpu.dma_semaphore, #tpu.memory_space<semaphore_mem>>)
    %dma_wait3A_100 = arith.constant 640 : i32
    %dma_wait3A_101 = tpu.memref_slice %arg5[%dma_wait3A_100] : memref<2048xi32, #tpu.memory_space<vmem>> -> memref<128xi32, #tpu.memory_space<vmem>>
    %dma_wait3A_102 = arith.constant 0 : i32
    %dma_wait3A_103 = arith.constant 0 : i32
    %dma_wait3A_104 = tpu.memref_slice %arg2[%dma_wait3A_102, %dma_wait3A_103] : memref<32768x256xi32, #tpu.memory_space<hbm>> -> memref<32768x256xi32, #tpu.memory_space<hbm>>
    tpu.wait_indirect_dma semaphore(%arg9 : memref<!tpu.dma_semaphore, #tpu.memory_space<semaphore_mem>>) src(%dma_wait3A_104 : memref<32768x256xi32, #tpu.memory_space<hbm>>) dst(%arg8 : memref<128x256xi32, #tpu.memory_space<vmem>>)
    %dma_start3A_105 = arith.constant 0 : i32
    %dma_start3A_106 = tpu.memref_slice %arg4[%add3A_94, %dma_start3A_105] : memref<65536x256xi32, #tpu.memory_space<hbm>> -> memref<128x256xi32, #tpu.memory_space<hbm>>
    %dma_start3A_107 = arith.constant 0 : i32
    %dma_start3A_108 = tpu.memref_slice %arg4[%add3A_94, %dma_start3A_107] : memref<65536x256xi32, #tpu.memory_space<hbm>> -> memref<128x256xi32, #tpu.memory_space<hbm>>
    tpu.enqueue_dma source(%arg8 : memref<128x256xi32, #tpu.memory_space<vmem>>) target(%dma_start3A_108 : memref<128x256xi32, #tpu.memory_space<hbm>>) target_semaphore(%arg12 : memref<!tpu.dma_semaphore, #tpu.memory_space<semaphore_mem>>)
    %dma_wait3A_109 = arith.constant 0 : i32
    %dma_wait3A_110 = tpu.memref_slice %arg4[%add3A_54, %dma_wait3A_109] : memref<65536x256xi32, #tpu.memory_space<hbm>> -> memref<128x256xi32, #tpu.memory_space<hbm>>
    %dma_wait3A_111 = arith.constant 0 : i32
    %dma_wait3A_112 = tpu.memref_slice %arg4[%add3A_54, %dma_wait3A_111] : memref<65536x256xi32, #tpu.memory_space<hbm>> -> memref<128x256xi32, #tpu.memory_space<hbm>>
    tpu.wait_dma2 semaphore(%arg10 : memref<!tpu.dma_semaphore, #tpu.memory_space<semaphore_mem>>) src(%arg6 : memref<128x256xi32, #tpu.memory_space<vmem>>) dst(%dma_wait3A_112 : memref<128x256xi32, #tpu.memory_space<hbm>>)
    %add3A_113 = arith.constant 768 : i32
    %add3A_114 = arith.addi %mul3A_2, %add3A_113 : i32
    %dma_start3A_115 = arith.constant 768 : i32
    %dma_start3A_116 = tpu.memref_slice %arg5[%dma_start3A_115] : memref<2048xi32, #tpu.memory_space<vmem>> -> memref<128xi32, #tpu.memory_space<vmem>>
    %dma_start3A_117 = arith.constant 0 : i32
    %dma_start3A_118 = arith.constant 0 : i32
    %dma_start3A_119 = tpu.memref_slice %arg2[%dma_start3A_117, %dma_start3A_118] : memref<32768x256xi32, #tpu.memory_space<hbm>> -> memref<32768x256xi32, #tpu.memory_space<hbm>>
    tpu.enqueue_indirect_dma source(%dma_start3A_119 : memref<32768x256xi32, #tpu.memory_space<hbm>>) target(%arg6 : memref<128x256xi32, #tpu.memory_space<vmem>>) offsets(%dma_start3A_116 : memref<128xi32, #tpu.memory_space<vmem>>) semaphore(%arg9 : memref<!tpu.dma_semaphore, #tpu.memory_space<semaphore_mem>>)
    %dma_wait3A_120 = arith.constant 768 : i32
    %dma_wait3A_121 = tpu.memref_slice %arg5[%dma_wait3A_120] : memref<2048xi32, #tpu.memory_space<vmem>> -> memref<128xi32, #tpu.memory_space<vmem>>
    %dma_wait3A_122 = arith.constant 0 : i32
    %dma_wait3A_123 = arith.constant 0 : i32
    %dma_wait3A_124 = tpu.memref_slice %arg2[%dma_wait3A_122, %dma_wait3A_123] : memref<32768x256xi32, #tpu.memory_space<hbm>> -> memref<32768x256xi32, #tpu.memory_space<hbm>>
    tpu.wait_indirect_dma semaphore(%arg9 : memref<!tpu.dma_semaphore, #tpu.memory_space<semaphore_mem>>) src(%dma_wait3A_124 : memref<32768x256xi32, #tpu.memory_space<hbm>>) dst(%arg6 : memref<128x256xi32, #tpu.memory_space<vmem>>)
    %dma_start3A_125 = arith.constant 0 : i32
    %dma_start3A_126 = tpu.memref_slice %arg4[%add3A_114, %dma_start3A_125] : memref<65536x256xi32, #tpu.memory_space<hbm>> -> memref<128x256xi32, #tpu.memory_space<hbm>>
    %dma_start3A_127 = arith.constant 0 : i32
    %dma_start3A_128 = tpu.memref_slice %arg4[%add3A_114, %dma_start3A_127] : memref<65536x256xi32, #tpu.memory_space<hbm>> -> memref<128x256xi32, #tpu.memory_space<hbm>>
    tpu.enqueue_dma source(%arg6 : memref<128x256xi32, #tpu.memory_space<vmem>>) target(%dma_start3A_128 : memref<128x256xi32, #tpu.memory_space<hbm>>) target_semaphore(%arg10 : memref<!tpu.dma_semaphore, #tpu.memory_space<semaphore_mem>>)
    %dma_wait3A_129 = arith.constant 0 : i32
    %dma_wait3A_130 = tpu.memref_slice %arg4[%add3A_74, %dma_wait3A_129] : memref<65536x256xi32, #tpu.memory_space<hbm>> -> memref<128x256xi32, #tpu.memory_space<hbm>>
    %dma_wait3A_131 = arith.constant 0 : i32
    %dma_wait3A_132 = tpu.memref_slice %arg4[%add3A_74, %dma_wait3A_131] : memref<65536x256xi32, #tpu.memory_space<hbm>> -> memref<128x256xi32, #tpu.memory_space<hbm>>
    tpu.wait_dma2 semaphore(%arg11 : memref<!tpu.dma_semaphore, #tpu.memory_space<semaphore_mem>>) src(%arg7 : memref<128x256xi32, #tpu.memory_space<vmem>>) dst(%dma_wait3A_132 : memref<128x256xi32, #tpu.memory_space<hbm>>)
    %add3A_133 = arith.constant 896 : i32
    %add3A_134 = arith.addi %mul3A_2, %add3A_133 : i32
    %dma_start3A_135 = arith.constant 896 : i32
    %dma_start3A_136 = tpu.memref_slice %arg5[%dma_start3A_135] : memref<2048xi32, #tpu.memory_space<vmem>> -> memref<128xi32, #tpu.memory_space<vmem>>
    %dma_start3A_137 = arith.constant 0 : i32
    %dma_start3A_138 = arith.constant 0 : i32
    %dma_start3A_139 = tpu.memref_slice %arg2[%dma_start3A_137, %dma_start3A_138] : memref<32768x256xi32, #tpu.memory_space<hbm>> -> memref<32768x256xi32, #tpu.memory_space<hbm>>
    tpu.enqueue_indirect_dma source(%dma_start3A_139 : memref<32768x256xi32, #tpu.memory_space<hbm>>) target(%arg7 : memref<128x256xi32, #tpu.memory_space<vmem>>) offsets(%dma_start3A_136 : memref<128xi32, #tpu.memory_space<vmem>>) semaphore(%arg9 : memref<!tpu.dma_semaphore, #tpu.memory_space<semaphore_mem>>)
    %dma_wait3A_140 = arith.constant 896 : i32
    %dma_wait3A_141 = tpu.memref_slice %arg5[%dma_wait3A_140] : memref<2048xi32, #tpu.memory_space<vmem>> -> memref<128xi32, #tpu.memory_space<vmem>>
    %dma_wait3A_142 = arith.constant 0 : i32
    %dma_wait3A_143 = arith.constant 0 : i32
    %dma_wait3A_144 = tpu.memref_slice %arg2[%dma_wait3A_142, %dma_wait3A_143] : memref<32768x256xi32, #tpu.memory_space<hbm>> -> memref<32768x256xi32, #tpu.memory_space<hbm>>
    tpu.wait_indirect_dma semaphore(%arg9 : memref<!tpu.dma_semaphore, #tpu.memory_space<semaphore_mem>>) src(%dma_wait3A_144 : memref<32768x256xi32, #tpu.memory_space<hbm>>) dst(%arg7 : memref<128x256xi32, #tpu.memory_space<vmem>>)
    %dma_start3A_145 = arith.constant 0 : i32
    %dma_start3A_146 = tpu.memref_slice %arg4[%add3A_134, %dma_start3A_145] : memref<65536x256xi32, #tpu.memory_space<hbm>> -> memref<128x256xi32, #tpu.memory_space<hbm>>
    %dma_start3A_147 = arith.constant 0 : i32
    %dma_start3A_148 = tpu.memref_slice %arg4[%add3A_134, %dma_start3A_147] : memref<65536x256xi32, #tpu.memory_space<hbm>> -> memref<128x256xi32, #tpu.memory_space<hbm>>
    tpu.enqueue_dma source(%arg7 : memref<128x256xi32, #tpu.memory_space<vmem>>) target(%dma_start3A_148 : memref<128x256xi32, #tpu.memory_space<hbm>>) target_semaphore(%arg11 : memref<!tpu.dma_semaphore, #tpu.memory_space<semaphore_mem>>)
    %dma_wait3A_149 = arith.constant 0 : i32
    %dma_wait3A_150 = tpu.memref_slice %arg4[%add3A_94, %dma_wait3A_149] : memref<65536x256xi32, #tpu.memory_space<hbm>> -> memref<128x256xi32, #tpu.memory_space<hbm>>
    %dma_wait3A_151 = arith.constant 0 : i32
    %dma_wait3A_152 = tpu.memref_slice %arg4[%add3A_94, %dma_wait3A_151] : memref<65536x256xi32, #tpu.memory_space<hbm>> -> memref<128x256xi32, #tpu.memory_space<hbm>>
    tpu.wait_dma2 semaphore(%arg12 : memref<!tpu.dma_semaphore, #tpu.memory_space<semaphore_mem>>) src(%arg8 : memref<128x256xi32, #tpu.memory_space<vmem>>) dst(%dma_wait3A_152 : memref<128x256xi32, #tpu.memory_space<hbm>>)
    %add3A_153 = arith.constant 1024 : i32
    %add3A_154 = arith.addi %mul3A_2, %add3A_153 : i32
    %dma_start3A_155 = arith.constant 1024 : i32
    %dma_start3A_156 = tpu.memref_slice %arg5[%dma_start3A_155] : memref<2048xi32, #tpu.memory_space<vmem>> -> memref<128xi32, #tpu.memory_space<vmem>>
    %dma_start3A_157 = arith.constant 0 : i32
    %dma_start3A_158 = arith.constant 0 : i32
    %dma_start3A_159 = tpu.memref_slice %arg2[%dma_start3A_157, %dma_start3A_158] : memref<32768x256xi32, #tpu.memory_space<hbm>> -> memref<32768x256xi32, #tpu.memory_space<hbm>>
    tpu.enqueue_indirect_dma source(%dma_start3A_159 : memref<32768x256xi32, #tpu.memory_space<hbm>>) target(%arg8 : memref<128x256xi32, #tpu.memory_space<vmem>>) offsets(%dma_start3A_156 : memref<128xi32, #tpu.memory_space<vmem>>) semaphore(%arg9 : memref<!tpu.dma_semaphore, #tpu.memory_space<semaphore_mem>>)
    %dma_wait3A_160 = arith.constant 1024 : i32
    %dma_wait3A_161 = tpu.memref_slice %arg5[%dma_wait3A_160] : memref<2048xi32, #tpu.memory_space<vmem>> -> memref<128xi32, #tpu.memory_space<vmem>>
    %dma_wait3A_162 = arith.constant 0 : i32
    %dma_wait3A_163 = arith.constant 0 : i32
    %dma_wait3A_164 = tpu.memref_slice %arg2[%dma_wait3A_162, %dma_wait3A_163] : memref<32768x256xi32, #tpu.memory_space<hbm>> -> memref<32768x256xi32, #tpu.memory_space<hbm>>
    tpu.wait_indirect_dma semaphore(%arg9 : memref<!tpu.dma_semaphore, #tpu.memory_space<semaphore_mem>>) src(%dma_wait3A_164 : memref<32768x256xi32, #tpu.memory_space<hbm>>) dst(%arg8 : memref<128x256xi32, #tpu.memory_space<vmem>>)
    %dma_start3A_165 = arith.constant 0 : i32
    %dma_start3A_166 = tpu.memref_slice %arg4[%add3A_154, %dma_start3A_165] : memref<65536x256xi32, #tpu.memory_space<hbm>> -> memref<128x256xi32, #tpu.memory_space<hbm>>
    %dma_start3A_167 = arith.constant 0 : i32
    %dma_start3A_168 = tpu.memref_slice %arg4[%add3A_154, %dma_start3A_167] : memref<65536x256xi32, #tpu.memory_space<hbm>> -> memref<128x256xi32, #tpu.memory_space<hbm>>
    tpu.enqueue_dma source(%arg8 : memref<128x256xi32, #tpu.memory_space<vmem>>) target(%dma_start3A_168 : memref<128x256xi32, #tpu.memory_space<hbm>>) target_semaphore(%arg12 : memref<!tpu.dma_semaphore, #tpu.memory_space<semaphore_mem>>)
    %dma_wait3A_169 = arith.constant 0 : i32
    %dma_wait3A_170 = tpu.memref_slice %arg4[%add3A_114, %dma_wait3A_169] : memref<65536x256xi32, #tpu.memory_space<hbm>> -> memref<128x256xi32, #tpu.memory_space<hbm>>
    %dma_wait3A_171 = arith.constant 0 : i32
    %dma_wait3A_172 = tpu.memref_slice %arg4[%add3A_114, %dma_wait3A_171] : memref<65536x256xi32, #tpu.memory_space<hbm>> -> memref<128x256xi32, #tpu.memory_space<hbm>>
    tpu.wait_dma2 semaphore(%arg10 : memref<!tpu.dma_semaphore, #tpu.memory_space<semaphore_mem>>) src(%arg6 : memref<128x256xi32, #tpu.memory_space<vmem>>) dst(%dma_wait3A_172 : memref<128x256xi32, #tpu.memory_space<hbm>>)
    %add3A_173 = arith.constant 1152 : i32
    %add3A_174 = arith.addi %mul3A_2, %add3A_173 : i32
    %dma_start3A_175 = arith.constant 1152 : i32
    %dma_start3A_176 = tpu.memref_slice %arg5[%dma_start3A_175] : memref<2048xi32, #tpu.memory_space<vmem>> -> memref<128xi32, #tpu.memory_space<vmem>>
    %dma_start3A_177 = arith.constant 0 : i32
    %dma_start3A_178 = arith.constant 0 : i32
    %dma_start3A_179 = tpu.memref_slice %arg2[%dma_start3A_177, %dma_start3A_178] : memref<32768x256xi32, #tpu.memory_space<hbm>> -> memref<32768x256xi32, #tpu.memory_space<hbm>>
    tpu.enqueue_indirect_dma source(%dma_start3A_179 : memref<32768x256xi32, #tpu.memory_space<hbm>>) target(%arg6 : memref<128x256xi32, #tpu.memory_space<vmem>>) offsets(%dma_start3A_176 : memref<128xi32, #tpu.memory_space<vmem>>) semaphore(%arg9 : memref<!tpu.dma_semaphore, #tpu.memory_space<semaphore_mem>>)
    %dma_wait3A_180 = arith.constant 1152 : i32
    %dma_wait3A_181 = tpu.memref_slice %arg5[%dma_wait3A_180] : memref<2048xi32, #tpu.memory_space<vmem>> -> memref<128xi32, #tpu.memory_space<vmem>>
    %dma_wait3A_182 = arith.constant 0 : i32
    %dma_wait3A_183 = arith.constant 0 : i32
    %dma_wait3A_184 = tpu.memref_slice %arg2[%dma_wait3A_182, %dma_wait3A_183] : memref<32768x256xi32, #tpu.memory_space<hbm>> -> memref<32768x256xi32, #tpu.memory_space<hbm>>
    tpu.wait_indirect_dma semaphore(%arg9 : memref<!tpu.dma_semaphore, #tpu.memory_space<semaphore_mem>>) src(%dma_wait3A_184 : memref<32768x256xi32, #tpu.memory_space<hbm>>) dst(%arg6 : memref<128x256xi32, #tpu.memory_space<vmem>>)
    %dma_start3A_185 = arith.constant 0 : i32
    %dma_start3A_186 = tpu.memref_slice %arg4[%add3A_174, %dma_start3A_185] : memref<65536x256xi32, #tpu.memory_space<hbm>> -> memref<128x256xi32, #tpu.memory_space<hbm>>
    %dma_start3A_187 = arith.constant 0 : i32
    %dma_start3A_188 = tpu.memref_slice %arg4[%add3A_174, %dma_start3A_187] : memref<65536x256xi32, #tpu.memory_space<hbm>> -> memref<128x256xi32, #tpu.memory_space<hbm>>
    tpu.enqueue_dma source(%arg6 : memref<128x256xi32, #tpu.memory_space<vmem>>) target(%dma_start3A_188 : memref<128x256xi32, #tpu.memory_space<hbm>>) target_semaphore(%arg10 : memref<!tpu.dma_semaphore, #tpu.memory_space<semaphore_mem>>)
    %dma_wait3A_189 = arith.constant 0 : i32
    %dma_wait3A_190 = tpu.memref_slice %arg4[%add3A_134, %dma_wait3A_189] : memref<65536x256xi32, #tpu.memory_space<hbm>> -> memref<128x256xi32, #tpu.memory_space<hbm>>
    %dma_wait3A_191 = arith.constant 0 : i32
    %dma_wait3A_192 = tpu.memref_slice %arg4[%add3A_134, %dma_wait3A_191] : memref<65536x256xi32, #tpu.memory_space<hbm>> -> memref<128x256xi32, #tpu.memory_space<hbm>>
    tpu.wait_dma2 semaphore(%arg11 : memref<!tpu.dma_semaphore, #tpu.memory_space<semaphore_mem>>) src(%arg7 : memref<128x256xi32, #tpu.memory_space<vmem>>) dst(%dma_wait3A_192 : memref<128x256xi32, #tpu.memory_space<hbm>>)
    %add3A_193 = arith.constant 1280 : i32
    %add3A_194 = arith.addi %mul3A_2, %add3A_193 : i32
    %dma_start3A_195 = arith.constant 1280 : i32
    %dma_start3A_196 = tpu.memref_slice %arg5[%dma_start3A_195] : memref<2048xi32, #tpu.memory_space<vmem>> -> memref<128xi32, #tpu.memory_space<vmem>>
    %dma_start3A_197 = arith.constant 0 : i32
    %dma_start3A_198 = arith.constant 0 : i32
    %dma_start3A_199 = tpu.memref_slice %arg2[%dma_start3A_197, %dma_start3A_198] : memref<32768x256xi32, #tpu.memory_space<hbm>> -> memref<32768x256xi32, #tpu.memory_space<hbm>>
    tpu.enqueue_indirect_dma source(%dma_start3A_199 : memref<32768x256xi32, #tpu.memory_space<hbm>>) target(%arg7 : memref<128x256xi32, #tpu.memory_space<vmem>>) offsets(%dma_start3A_196 : memref<128xi32, #tpu.memory_space<vmem>>) semaphore(%arg9 : memref<!tpu.dma_semaphore, #tpu.memory_space<semaphore_mem>>)
    %dma_wait3A_200 = arith.constant 1280 : i32
    %dma_wait3A_201 = tpu.memref_slice %arg5[%dma_wait3A_200] : memref<2048xi32, #tpu.memory_space<vmem>> -> memref<128xi32, #tpu.memory_space<vmem>>
    %dma_wait3A_202 = arith.constant 0 : i32
    %dma_wait3A_203 = arith.constant 0 : i32
    %dma_wait3A_204 = tpu.memref_slice %arg2[%dma_wait3A_202, %dma_wait3A_203] : memref<32768x256xi32, #tpu.memory_space<hbm>> -> memref<32768x256xi32, #tpu.memory_space<hbm>>
    tpu.wait_indirect_dma semaphore(%arg9 : memref<!tpu.dma_semaphore, #tpu.memory_space<semaphore_mem>>) src(%dma_wait3A_204 : memref<32768x256xi32, #tpu.memory_space<hbm>>) dst(%arg7 : memref<128x256xi32, #tpu.memory_space<vmem>>)
    %dma_start3A_205 = arith.constant 0 : i32
    %dma_start3A_206 = tpu.memref_slice %arg4[%add3A_194, %dma_start3A_205] : memref<65536x256xi32, #tpu.memory_space<hbm>> -> memref<128x256xi32, #tpu.memory_space<hbm>>
    %dma_start3A_207 = arith.constant 0 : i32
    %dma_start3A_208 = tpu.memref_slice %arg4[%add3A_194, %dma_start3A_207] : memref<65536x256xi32, #tpu.memory_space<hbm>> -> memref<128x256xi32, #tpu.memory_space<hbm>>
    tpu.enqueue_dma source(%arg7 : memref<128x256xi32, #tpu.memory_space<vmem>>) target(%dma_start3A_208 : memref<128x256xi32, #tpu.memory_space<hbm>>) target_semaphore(%arg11 : memref<!tpu.dma_semaphore, #tpu.memory_space<semaphore_mem>>)
    %dma_wait3A_209 = arith.constant 0 : i32
    %dma_wait3A_210 = tpu.memref_slice %arg4[%add3A_154, %dma_wait3A_209] : memref<65536x256xi32, #tpu.memory_space<hbm>> -> memref<128x256xi32, #tpu.memory_space<hbm>>
    %dma_wait3A_211 = arith.constant 0 : i32
    %dma_wait3A_212 = tpu.memref_slice %arg4[%add3A_154, %dma_wait3A_211] : memref<65536x256xi32, #tpu.memory_space<hbm>> -> memref<128x256xi32, #tpu.memory_space<hbm>>
    tpu.wait_dma2 semaphore(%arg12 : memref<!tpu.dma_semaphore, #tpu.memory_space<semaphore_mem>>) src(%arg8 : memref<128x256xi32, #tpu.memory_space<vmem>>) dst(%dma_wait3A_212 : memref<128x256xi32, #tpu.memory_space<hbm>>)
    %add3A_213 = arith.constant 1408 : i32
    %add3A_214 = arith.addi %mul3A_2, %add3A_213 : i32
    %dma_start3A_215 = arith.constant 1408 : i32
    %dma_start3A_216 = tpu.memref_slice %arg5[%dma_start3A_215] : memref<2048xi32, #tpu.memory_space<vmem>> -> memref<128xi32, #tpu.memory_space<vmem>>
    %dma_start3A_217 = arith.constant 0 : i32
    %dma_start3A_218 = arith.constant 0 : i32
    %dma_start3A_219 = tpu.memref_slice %arg2[%dma_start3A_217, %dma_start3A_218] : memref<32768x256xi32, #tpu.memory_space<hbm>> -> memref<32768x256xi32, #tpu.memory_space<hbm>>
    tpu.enqueue_indirect_dma source(%dma_start3A_219 : memref<32768x256xi32, #tpu.memory_space<hbm>>) target(%arg8 : memref<128x256xi32, #tpu.memory_space<vmem>>) offsets(%dma_start3A_216 : memref<128xi32, #tpu.memory_space<vmem>>) semaphore(%arg9 : memref<!tpu.dma_semaphore, #tpu.memory_space<semaphore_mem>>)
    %dma_wait3A_220 = arith.constant 1408 : i32
    %dma_wait3A_221 = tpu.memref_slice %arg5[%dma_wait3A_220] : memref<2048xi32, #tpu.memory_space<vmem>> -> memref<128xi32, #tpu.memory_space<vmem>>
    %dma_wait3A_222 = arith.constant 0 : i32
    %dma_wait3A_223 = arith.constant 0 : i32
    %dma_wait3A_224 = tpu.memref_slice %arg2[%dma_wait3A_222, %dma_wait3A_223] : memref<32768x256xi32, #tpu.memory_space<hbm>> -> memref<32768x256xi32, #tpu.memory_space<hbm>>
    tpu.wait_indirect_dma semaphore(%arg9 : memref<!tpu.dma_semaphore, #tpu.memory_space<semaphore_mem>>) src(%dma_wait3A_224 : memref<32768x256xi32, #tpu.memory_space<hbm>>) dst(%arg8 : memref<128x256xi32, #tpu.memory_space<vmem>>)
    %dma_start3A_225 = arith.constant 0 : i32
    %dma_start3A_226 = tpu.memref_slice %arg4[%add3A_214, %dma_start3A_225] : memref<65536x256xi32, #tpu.memory_space<hbm>> -> memref<128x256xi32, #tpu.memory_space<hbm>>
    %dma_start3A_227 = arith.constant 0 : i32
    %dma_start3A_228 = tpu.memref_slice %arg4[%add3A_214, %dma_start3A_227] : memref<65536x256xi32, #tpu.memory_space<hbm>> -> memref<128x256xi32, #tpu.memory_space<hbm>>
    tpu.enqueue_dma source(%arg8 : memref<128x256xi32, #tpu.memory_space<vmem>>) target(%dma_start3A_228 : memref<128x256xi32, #tpu.memory_space<hbm>>) target_semaphore(%arg12 : memref<!tpu.dma_semaphore, #tpu.memory_space<semaphore_mem>>)
    %dma_wait3A_229 = arith.constant 0 : i32
    %dma_wait3A_230 = tpu.memref_slice %arg4[%add3A_174, %dma_wait3A_229] : memref<65536x256xi32, #tpu.memory_space<hbm>> -> memref<128x256xi32, #tpu.memory_space<hbm>>
    %dma_wait3A_231 = arith.constant 0 : i32
    %dma_wait3A_232 = tpu.memref_slice %arg4[%add3A_174, %dma_wait3A_231] : memref<65536x256xi32, #tpu.memory_space<hbm>> -> memref<128x256xi32, #tpu.memory_space<hbm>>
    tpu.wait_dma2 semaphore(%arg10 : memref<!tpu.dma_semaphore, #tpu.memory_space<semaphore_mem>>) src(%arg6 : memref<128x256xi32, #tpu.memory_space<vmem>>) dst(%dma_wait3A_232 : memref<128x256xi32, #tpu.memory_space<hbm>>)
    %add3A_233 = arith.constant 1536 : i32
    %add3A_234 = arith.addi %mul3A_2, %add3A_233 : i32
    %dma_start3A_235 = arith.constant 1536 : i32
    %dma_start3A_236 = tpu.memref_slice %arg5[%dma_start3A_235] : memref<2048xi32, #tpu.memory_space<vmem>> -> memref<128xi32, #tpu.memory_space<vmem>>
    %dma_start3A_237 = arith.constant 0 : i32
    %dma_start3A_238 = arith.constant 0 : i32
    %dma_start3A_239 = tpu.memref_slice %arg2[%dma_start3A_237, %dma_start3A_238] : memref<32768x256xi32, #tpu.memory_space<hbm>> -> memref<32768x256xi32, #tpu.memory_space<hbm>>
    tpu.enqueue_indirect_dma source(%dma_start3A_239 : memref<32768x256xi32, #tpu.memory_space<hbm>>) target(%arg6 : memref<128x256xi32, #tpu.memory_space<vmem>>) offsets(%dma_start3A_236 : memref<128xi32, #tpu.memory_space<vmem>>) semaphore(%arg9 : memref<!tpu.dma_semaphore, #tpu.memory_space<semaphore_mem>>)
    %dma_wait3A_240 = arith.constant 1536 : i32
    %dma_wait3A_241 = tpu.memref_slice %arg5[%dma_wait3A_240] : memref<2048xi32, #tpu.memory_space<vmem>> -> memref<128xi32, #tpu.memory_space<vmem>>
    %dma_wait3A_242 = arith.constant 0 : i32
    %dma_wait3A_243 = arith.constant 0 : i32
    %dma_wait3A_244 = tpu.memref_slice %arg2[%dma_wait3A_242, %dma_wait3A_243] : memref<32768x256xi32, #tpu.memory_space<hbm>> -> memref<32768x256xi32, #tpu.memory_space<hbm>>
    tpu.wait_indirect_dma semaphore(%arg9 : memref<!tpu.dma_semaphore, #tpu.memory_space<semaphore_mem>>) src(%dma_wait3A_244 : memref<32768x256xi32, #tpu.memory_space<hbm>>) dst(%arg6 : memref<128x256xi32, #tpu.memory_space<vmem>>)
    %dma_start3A_245 = arith.constant 0 : i32
    %dma_start3A_246 = tpu.memref_slice %arg4[%add3A_234, %dma_start3A_245] : memref<65536x256xi32, #tpu.memory_space<hbm>> -> memref<128x256xi32, #tpu.memory_space<hbm>>
    %dma_start3A_247 = arith.constant 0 : i32
    %dma_start3A_248 = tpu.memref_slice %arg4[%add3A_234, %dma_start3A_247] : memref<65536x256xi32, #tpu.memory_space<hbm>> -> memref<128x256xi32, #tpu.memory_space<hbm>>
    tpu.enqueue_dma source(%arg6 : memref<128x256xi32, #tpu.memory_space<vmem>>) target(%dma_start3A_248 : memref<128x256xi32, #tpu.memory_space<hbm>>) target_semaphore(%arg10 : memref<!tpu.dma_semaphore, #tpu.memory_space<semaphore_mem>>)
    %dma_wait3A_249 = arith.constant 0 : i32
    %dma_wait3A_250 = tpu.memref_slice %arg4[%add3A_194, %dma_wait3A_249] : memref<65536x256xi32, #tpu.memory_space<hbm>> -> memref<128x256xi32, #tpu.memory_space<hbm>>
    %dma_wait3A_251 = arith.constant 0 : i32
    %dma_wait3A_252 = tpu.memref_slice %arg4[%add3A_194, %dma_wait3A_251] : memref<65536x256xi32, #tpu.memory_space<hbm>> -> memref<128x256xi32, #tpu.memory_space<hbm>>
    tpu.wait_dma2 semaphore(%arg11 : memref<!tpu.dma_semaphore, #tpu.memory_space<semaphore_mem>>) src(%arg7 : memref<128x256xi32, #tpu.memory_space<vmem>>) dst(%dma_wait3A_252 : memref<128x256xi32, #tpu.memory_space<hbm>>)
    %add3A_253 = arith.constant 1664 : i32
    %add3A_254 = arith.addi %mul3A_2, %add3A_253 : i32
    %dma_start3A_255 = arith.constant 1664 : i32
    %dma_start3A_256 = tpu.memref_slice %arg5[%dma_start3A_255] : memref<2048xi32, #tpu.memory_space<vmem>> -> memref<128xi32, #tpu.memory_space<vmem>>
    %dma_start3A_257 = arith.constant 0 : i32
    %dma_start3A_258 = arith.constant 0 : i32
    %dma_start3A_259 = tpu.memref_slice %arg2[%dma_start3A_257, %dma_start3A_258] : memref<32768x256xi32, #tpu.memory_space<hbm>> -> memref<32768x256xi32, #tpu.memory_space<hbm>>
    tpu.enqueue_indirect_dma source(%dma_start3A_259 : memref<32768x256xi32, #tpu.memory_space<hbm>>) target(%arg7 : memref<128x256xi32, #tpu.memory_space<vmem>>) offsets(%dma_start3A_256 : memref<128xi32, #tpu.memory_space<vmem>>) semaphore(%arg9 : memref<!tpu.dma_semaphore, #tpu.memory_space<semaphore_mem>>)
    %dma_wait3A_260 = arith.constant 1664 : i32
    %dma_wait3A_261 = tpu.memref_slice %arg5[%dma_wait3A_260] : memref<2048xi32, #tpu.memory_space<vmem>> -> memref<128xi32, #tpu.memory_space<vmem>>
    %dma_wait3A_262 = arith.constant 0 : i32
    %dma_wait3A_263 = arith.constant 0 : i32
    %dma_wait3A_264 = tpu.memref_slice %arg2[%dma_wait3A_262, %dma_wait3A_263] : memref<32768x256xi32, #tpu.memory_space<hbm>> -> memref<32768x256xi32, #tpu.memory_space<hbm>>
    tpu.wait_indirect_dma semaphore(%arg9 : memref<!tpu.dma_semaphore, #tpu.memory_space<semaphore_mem>>) src(%dma_wait3A_264 : memref<32768x256xi32, #tpu.memory_space<hbm>>) dst(%arg7 : memref<128x256xi32, #tpu.memory_space<vmem>>)
    %dma_start3A_265 = arith.constant 0 : i32
    %dma_start3A_266 = tpu.memref_slice %arg4[%add3A_254, %dma_start3A_265] : memref<65536x256xi32, #tpu.memory_space<hbm>> -> memref<128x256xi32, #tpu.memory_space<hbm>>
    %dma_start3A_267 = arith.constant 0 : i32
    %dma_start3A_268 = tpu.memref_slice %arg4[%add3A_254, %dma_start3A_267] : memref<65536x256xi32, #tpu.memory_space<hbm>> -> memref<128x256xi32, #tpu.memory_space<hbm>>
    tpu.enqueue_dma source(%arg7 : memref<128x256xi32, #tpu.memory_space<vmem>>) target(%dma_start3A_268 : memref<128x256xi32, #tpu.memory_space<hbm>>) target_semaphore(%arg11 : memref<!tpu.dma_semaphore, #tpu.memory_space<semaphore_mem>>)
    %dma_wait3A_269 = arith.constant 0 : i32
    %dma_wait3A_270 = tpu.memref_slice %arg4[%add3A_214, %dma_wait3A_269] : memref<65536x256xi32, #tpu.memory_space<hbm>> -> memref<128x256xi32, #tpu.memory_space<hbm>>
    %dma_wait3A_271 = arith.constant 0 : i32
    %dma_wait3A_272 = tpu.memref_slice %arg4[%add3A_214, %dma_wait3A_271] : memref<65536x256xi32, #tpu.memory_space<hbm>> -> memref<128x256xi32, #tpu.memory_space<hbm>>
    tpu.wait_dma2 semaphore(%arg12 : memref<!tpu.dma_semaphore, #tpu.memory_space<semaphore_mem>>) src(%arg8 : memref<128x256xi32, #tpu.memory_space<vmem>>) dst(%dma_wait3A_272 : memref<128x256xi32, #tpu.memory_space<hbm>>)
    %add3A_273 = arith.constant 1792 : i32
    %add3A_274 = arith.addi %mul3A_2, %add3A_273 : i32
    %dma_start3A_275 = arith.constant 1792 : i32
    %dma_start3A_276 = tpu.memref_slice %arg5[%dma_start3A_275] : memref<2048xi32, #tpu.memory_space<vmem>> -> memref<128xi32, #tpu.memory_space<vmem>>
    %dma_start3A_277 = arith.constant 0 : i32
    %dma_start3A_278 = arith.constant 0 : i32
    %dma_start3A_279 = tpu.memref_slice %arg2[%dma_start3A_277, %dma_start3A_278] : memref<32768x256xi32, #tpu.memory_space<hbm>> -> memref<32768x256xi32, #tpu.memory_space<hbm>>
    tpu.enqueue_indirect_dma source(%dma_start3A_279 : memref<32768x256xi32, #tpu.memory_space<hbm>>) target(%arg8 : memref<128x256xi32, #tpu.memory_space<vmem>>) offsets(%dma_start3A_276 : memref<128xi32, #tpu.memory_space<vmem>>) semaphore(%arg9 : memref<!tpu.dma_semaphore, #tpu.memory_space<semaphore_mem>>)
    %dma_wait3A_280 = arith.constant 1792 : i32
    %dma_wait3A_281 = tpu.memref_slice %arg5[%dma_wait3A_280] : memref<2048xi32, #tpu.memory_space<vmem>> -> memref<128xi32, #tpu.memory_space<vmem>>
    %dma_wait3A_282 = arith.constant 0 : i32
    %dma_wait3A_283 = arith.constant 0 : i32
    %dma_wait3A_284 = tpu.memref_slice %arg2[%dma_wait3A_282, %dma_wait3A_283] : memref<32768x256xi32, #tpu.memory_space<hbm>> -> memref<32768x256xi32, #tpu.memory_space<hbm>>
    tpu.wait_indirect_dma semaphore(%arg9 : memref<!tpu.dma_semaphore, #tpu.memory_space<semaphore_mem>>) src(%dma_wait3A_284 : memref<32768x256xi32, #tpu.memory_space<hbm>>) dst(%arg8 : memref<128x256xi32, #tpu.memory_space<vmem>>)
    %dma_start3A_285 = arith.constant 0 : i32
    %dma_start3A_286 = tpu.memref_slice %arg4[%add3A_274, %dma_start3A_285] : memref<65536x256xi32, #tpu.memory_space<hbm>> -> memref<128x256xi32, #tpu.memory_space<hbm>>
    %dma_start3A_287 = arith.constant 0 : i32
    %dma_start3A_288 = tpu.memref_slice %arg4[%add3A_274, %dma_start3A_287] : memref<65536x256xi32, #tpu.memory_space<hbm>> -> memref<128x256xi32, #tpu.memory_space<hbm>>
    tpu.enqueue_dma source(%arg8 : memref<128x256xi32, #tpu.memory_space<vmem>>) target(%dma_start3A_288 : memref<128x256xi32, #tpu.memory_space<hbm>>) target_semaphore(%arg12 : memref<!tpu.dma_semaphore, #tpu.memory_space<semaphore_mem>>)
    %dma_wait3A_289 = arith.constant 0 : i32
    %dma_wait3A_290 = tpu.memref_slice %arg4[%add3A_234, %dma_wait3A_289] : memref<65536x256xi32, #tpu.memory_space<hbm>> -> memref<128x256xi32, #tpu.memory_space<hbm>>
    %dma_wait3A_291 = arith.constant 0 : i32
    %dma_wait3A_292 = tpu.memref_slice %arg4[%add3A_234, %dma_wait3A_291] : memref<65536x256xi32, #tpu.memory_space<hbm>> -> memref<128x256xi32, #tpu.memory_space<hbm>>
    tpu.wait_dma2 semaphore(%arg10 : memref<!tpu.dma_semaphore, #tpu.memory_space<semaphore_mem>>) src(%arg6 : memref<128x256xi32, #tpu.memory_space<vmem>>) dst(%dma_wait3A_292 : memref<128x256xi32, #tpu.memory_space<hbm>>)
    %add3A_293 = arith.constant 1920 : i32
    %add3A_294 = arith.addi %mul3A_2, %add3A_293 : i32
    %dma_start3A_295 = arith.constant 1920 : i32
    %dma_start3A_296 = tpu.memref_slice %arg5[%dma_start3A_295] : memref<2048xi32, #tpu.memory_space<vmem>> -> memref<128xi32, #tpu.memory_space<vmem>>
    %dma_start3A_297 = arith.constant 0 : i32
    %dma_start3A_298 = arith.constant 0 : i32
    %dma_start3A_299 = tpu.memref_slice %arg2[%dma_start3A_297, %dma_start3A_298] : memref<32768x256xi32, #tpu.memory_space<hbm>> -> memref<32768x256xi32, #tpu.memory_space<hbm>>
    tpu.enqueue_indirect_dma source(%dma_start3A_299 : memref<32768x256xi32, #tpu.memory_space<hbm>>) target(%arg6 : memref<128x256xi32, #tpu.memory_space<vmem>>) offsets(%dma_start3A_296 : memref<128xi32, #tpu.memory_space<vmem>>) semaphore(%arg9 : memref<!tpu.dma_semaphore, #tpu.memory_space<semaphore_mem>>)
    %dma_wait3A_300 = arith.constant 1920 : i32
    %dma_wait3A_301 = tpu.memref_slice %arg5[%dma_wait3A_300] : memref<2048xi32, #tpu.memory_space<vmem>> -> memref<128xi32, #tpu.memory_space<vmem>>
    %dma_wait3A_302 = arith.constant 0 : i32
    %dma_wait3A_303 = arith.constant 0 : i32
    %dma_wait3A_304 = tpu.memref_slice %arg2[%dma_wait3A_302, %dma_wait3A_303] : memref<32768x256xi32, #tpu.memory_space<hbm>> -> memref<32768x256xi32, #tpu.memory_space<hbm>>
    tpu.wait_indirect_dma semaphore(%arg9 : memref<!tpu.dma_semaphore, #tpu.memory_space<semaphore_mem>>) src(%dma_wait3A_304 : memref<32768x256xi32, #tpu.memory_space<hbm>>) dst(%arg6 : memref<128x256xi32, #tpu.memory_space<vmem>>)
    %dma_start3A_305 = arith.constant 0 : i32
    %dma_start3A_306 = tpu.memref_slice %arg4[%add3A_294, %dma_start3A_305] : memref<65536x256xi32, #tpu.memory_space<hbm>> -> memref<128x256xi32, #tpu.memory_space<hbm>>
    %dma_start3A_307 = arith.constant 0 : i32
    %dma_start3A_308 = tpu.memref_slice %arg4[%add3A_294, %dma_start3A_307] : memref<65536x256xi32, #tpu.memory_space<hbm>> -> memref<128x256xi32, #tpu.memory_space<hbm>>
    tpu.enqueue_dma source(%arg6 : memref<128x256xi32, #tpu.memory_space<vmem>>) target(%dma_start3A_308 : memref<128x256xi32, #tpu.memory_space<hbm>>) target_semaphore(%arg10 : memref<!tpu.dma_semaphore, #tpu.memory_space<semaphore_mem>>)
    %dma_wait3A_309 = arith.constant 0 : i32
    %dma_wait3A_310 = tpu.memref_slice %arg4[%add3A_294, %dma_wait3A_309] : memref<65536x256xi32, #tpu.memory_space<hbm>> -> memref<128x256xi32, #tpu.memory_space<hbm>>
    %dma_wait3A_311 = arith.constant 0 : i32
    %dma_wait3A_312 = tpu.memref_slice %arg4[%add3A_294, %dma_wait3A_311] : memref<65536x256xi32, #tpu.memory_space<hbm>> -> memref<128x256xi32, #tpu.memory_space<hbm>>
    tpu.wait_dma2 semaphore(%arg10 : memref<!tpu.dma_semaphore, #tpu.memory_space<semaphore_mem>>) src(%arg6 : memref<128x256xi32, #tpu.memory_space<vmem>>) dst(%dma_wait3A_312 : memref<128x256xi32, #tpu.memory_space<hbm>>)
    %dma_wait3A_313 = arith.constant 0 : i32
    %dma_wait3A_314 = tpu.memref_slice %arg4[%add3A_254, %dma_wait3A_313] : memref<65536x256xi32, #tpu.memory_space<hbm>> -> memref<128x256xi32, #tpu.memory_space<hbm>>
    %dma_wait3A_315 = arith.constant 0 : i32
    %dma_wait3A_316 = tpu.memref_slice %arg4[%add3A_254, %dma_wait3A_315] : memref<65536x256xi32, #tpu.memory_space<hbm>> -> memref<128x256xi32, #tpu.memory_space<hbm>>
    tpu.wait_dma2 semaphore(%arg11 : memref<!tpu.dma_semaphore, #tpu.memory_space<semaphore_mem>>) src(%arg7 : memref<128x256xi32, #tpu.memory_space<vmem>>) dst(%dma_wait3A_316 : memref<128x256xi32, #tpu.memory_space<hbm>>)
    %dma_wait3A_317 = arith.constant 0 : i32
    %dma_wait3A_318 = tpu.memref_slice %arg4[%add3A_274, %dma_wait3A_317] : memref<65536x256xi32, #tpu.memory_space<hbm>> -> memref<128x256xi32, #tpu.memory_space<hbm>>
    %dma_wait3A_319 = arith.constant 0 : i32
    %dma_wait3A_320 = tpu.memref_slice %arg4[%add3A_274, %dma_wait3A_319] : memref<65536x256xi32, #tpu.memory_space<hbm>> -> memref<128x256xi32, #tpu.memory_space<hbm>>
    tpu.wait_dma2 semaphore(%arg12 : memref<!tpu.dma_semaphore, #tpu.memory_space<semaphore_mem>>) src(%arg8 : memref<128x256xi32, #tpu.memory_space<vmem>>) dst(%dma_wait3A_320 : memref<128x256xi32, #tpu.memory_space<hbm>>)
    return
  }
}

#map = affine_map<(d0, d1) -> (0, 0)>
#map1 = affine_map<(d0, d1) -> (0)>
module attributes {stable_mosaic.version = 14 : i64} {
  func.func @gather_kernel(%arg0: i32, %arg1: i32, %arg2: memref<32768x256xi32, #tpu.memory_space<hbm>>, %arg3: memref<65536xi32, #tpu.memory_space<hbm>>, %arg4: memref<65536x256xi32, #tpu.memory_space<hbm>>, %arg5: memref<2048xi32, #tpu.memory_space<vmem>>, %arg6: memref<128x256xi32, #tpu.memory_space<vmem>>, %arg7: memref<128x256xi32, #tpu.memory_space<vmem>>, %arg8: memref<128x256xi32, #tpu.memory_space<vmem>>, %arg9: memref<!tpu.dma_semaphore, #tpu.memory_space<semaphore_mem>>, %arg10: memref<!tpu.dma_semaphore, #tpu.memory_space<semaphore_mem>>, %arg11: memref<!tpu.dma_semaphore, #tpu.memory_space<semaphore_mem>>, %arg12: memref<!tpu.dma_semaphore, #tpu.memory_space<semaphore_mem>>) attributes {dimension_semantics = [#tpu.dimension_semantics<core_parallel>, #tpu.dimension_semantics<subcore_parallel>], iteration_bounds = array<i64: 2, 16>, scalar_prefetch = 0 : i64, scratch_operands = 8 : i64, tpu.core_type = #tpu.core_type<sc_vector_subcore>, window_params = [{transform_indices = #map}, {transform_indices = #map1}, {transform_indices = #map}]} {
    %mul3A = arith.constant 2 : i32
    %mul3A_0 = arith.muli %arg1, %mul3A : i32
    %add3A = arith.addi %mul3A_0, %arg0 : i32
    %mul3A_1 = arith.constant 2048 : i32
    %mul3A_2 = arith.muli %add3A, %mul3A_1 : i32
    "tpu.region"() ({
      %run_scoped3A = tpu.sem_alloc : memref<!tpu.dma_semaphore, #tpu.memory_space<semaphore_mem>>
      %dma_start3A_321 = tpu.memref_slice %arg3[%mul3A_2] : memref<65536xi32, #tpu.memory_space<hbm>> -> memref<2048xi32, #tpu.memory_space<hbm>>
      %dma_start3A_322 = tpu.memref_slice %arg3[%mul3A_2] : memref<65536xi32, #tpu.memory_space<hbm>> -> memref<2048xi32, #tpu.memory_space<hbm>>
      tpu.enqueue_dma source(%dma_start3A_322 : memref<2048xi32, #tpu.memory_space<hbm>>) target(%arg5 : memref<2048xi32, #tpu.memory_space<vmem>>) target_semaphore(%run_scoped3A : memref<!tpu.dma_semaphore, #tpu.memory_space<semaphore_mem>>)
      %dma_wait3A_323 = tpu.memref_slice %arg3[%mul3A_2] : memref<65536xi32, #tpu.memory_space<hbm>> -> memref<2048xi32, #tpu.memory_space<hbm>>
      %dma_wait3A_324 = tpu.memref_slice %arg3[%mul3A_2] : memref<65536xi32, #tpu.memory_space<hbm>> -> memref<2048xi32, #tpu.memory_space<hbm>>
      tpu.wait_dma2 semaphore(%run_scoped3A : memref<!tpu.dma_semaphore, #tpu.memory_space<semaphore_mem>>) src(%dma_wait3A_324 : memref<2048xi32, #tpu.memory_space<hbm>>) dst(%arg5 : memref<2048xi32, #tpu.memory_space<vmem>>)
      tpu.yield
    }) : () -> ()
    %add3A_3 = arith.constant 0 : i32
    %add3A_4 = arith.addi %mul3A_2, %add3A_3 : i32
    %dma_start3A = arith.constant 0 : i32
    %dma_start3A_5 = tpu.memref_slice %arg5[%dma_start3A] : memref<2048xi32, #tpu.memory_space<vmem>> -> memref<128xi32, #tpu.memory_space<vmem>>
    %dma_start3A_6 = arith.constant 0 : i32
    %dma_start3A_7 = arith.constant 0 : i32
    %dma_start3A_8 = tpu.memref_slice %arg2[%dma_start3A_6, %dma_start3A_7] : memref<32768x256xi32, #tpu.memory_space<hbm>> -> memref<32768x256xi32, #tpu.memory_space<hbm>>
    tpu.enqueue_indirect_dma source(%dma_start3A_8 : memref<32768x256xi32, #tpu.memory_space<hbm>>) target(%arg6 : memref<128x256xi32, #tpu.memory_space<vmem>>) offsets(%dma_start3A_5 : memref<128xi32, #tpu.memory_space<vmem>>) semaphore(%arg9 : memref<!tpu.dma_semaphore, #tpu.memory_space<semaphore_mem>>)
    %dma_wait3A = arith.constant 0 : i32
    %dma_wait3A_9 = tpu.memref_slice %arg5[%dma_wait3A] : memref<2048xi32, #tpu.memory_space<vmem>> -> memref<128xi32, #tpu.memory_space<vmem>>
    %dma_wait3A_10 = arith.constant 0 : i32
    %dma_wait3A_11 = arith.constant 0 : i32
    %dma_wait3A_12 = tpu.memref_slice %arg2[%dma_wait3A_10, %dma_wait3A_11] : memref<32768x256xi32, #tpu.memory_space<hbm>> -> memref<32768x256xi32, #tpu.memory_space<hbm>>
    tpu.wait_indirect_dma semaphore(%arg9 : memref<!tpu.dma_semaphore, #tpu.memory_space<semaphore_mem>>) src(%dma_wait3A_12 : memref<32768x256xi32, #tpu.memory_space<hbm>>) dst(%arg6 : memref<128x256xi32, #tpu.memory_space<vmem>>)
    %dma_start3A_13 = arith.constant 0 : i32
    %dma_start3A_14 = tpu.memref_slice %arg4[%add3A_4, %dma_start3A_13] : memref<65536x256xi32, #tpu.memory_space<hbm>> -> memref<128x256xi32, #tpu.memory_space<hbm>>
    %dma_start3A_15 = arith.constant 0 : i32
    %dma_start3A_16 = tpu.memref_slice %arg4[%add3A_4, %dma_start3A_15] : memref<65536x256xi32, #tpu.memory_space<hbm>> -> memref<128x256xi32, #tpu.memory_space<hbm>>
    tpu.enqueue_dma source(%arg6 : memref<128x256xi32, #tpu.memory_space<vmem>>) target(%dma_start3A_16 : memref<128x256xi32, #tpu.memory_space<hbm>>) target_semaphore(%arg10 : memref<!tpu.dma_semaphore, #tpu.memory_space<semaphore_mem>>)
    %add3A_17 = arith.constant 128 : i32
    %add3A_18 = arith.addi %mul3A_2, %add3A_17 : i32
    %dma_start3A_19 = arith.constant 128 : i32
    %dma_start3A_20 = tpu.memref_slice %arg5[%dma_start3A_19] : memref<2048xi32, #tpu.memory_space<vmem>> -> memref<128xi32, #tpu.memory_space<vmem>>
    %dma_start3A_21 = arith.constant 0 : i32
    %dma_start3A_22 = arith.constant 0 : i32
    %dma_start3A_23 = tpu.memref_slice %arg2[%dma_start3A_21, %dma_start3A_22] : memref<32768x256xi32, #tpu.memory_space<hbm>> -> memref<32768x256xi32, #tpu.memory_space<hbm>>
    tpu.enqueue_indirect_dma source(%dma_start3A_23 : memref<32768x256xi32, #tpu.memory_space<hbm>>) target(%arg7 : memref<128x256xi32, #tpu.memory_space<vmem>>) offsets(%dma_start3A_20 : memref<128xi32, #tpu.memory_space<vmem>>) semaphore(%arg9 : memref<!tpu.dma_semaphore, #tpu.memory_space<semaphore_mem>>)
    %dma_wait3A_24 = arith.constant 128 : i32
    %dma_wait3A_25 = tpu.memref_slice %arg5[%dma_wait3A_24] : memref<2048xi32, #tpu.memory_space<vmem>> -> memref<128xi32, #tpu.memory_space<vmem>>
    %dma_wait3A_26 = arith.constant 0 : i32
    %dma_wait3A_27 = arith.constant 0 : i32
    %dma_wait3A_28 = tpu.memref_slice %arg2[%dma_wait3A_26, %dma_wait3A_27] : memref<32768x256xi32, #tpu.memory_space<hbm>> -> memref<32768x256xi32, #tpu.memory_space<hbm>>
    tpu.wait_indirect_dma semaphore(%arg9 : memref<!tpu.dma_semaphore, #tpu.memory_space<semaphore_mem>>) src(%dma_wait3A_28 : memref<32768x256xi32, #tpu.memory_space<hbm>>) dst(%arg7 : memref<128x256xi32, #tpu.memory_space<vmem>>)
    %dma_start3A_29 = arith.constant 0 : i32
    %dma_start3A_30 = tpu.memref_slice %arg4[%add3A_18, %dma_start3A_29] : memref<65536x256xi32, #tpu.memory_space<hbm>> -> memref<128x256xi32, #tpu.memory_space<hbm>>
    %dma_start3A_31 = arith.constant 0 : i32
    %dma_start3A_32 = tpu.memref_slice %arg4[%add3A_18, %dma_start3A_31] : memref<65536x256xi32, #tpu.memory_space<hbm>> -> memref<128x256xi32, #tpu.memory_space<hbm>>
    tpu.enqueue_dma source(%arg7 : memref<128x256xi32, #tpu.memory_space<vmem>>) target(%dma_start3A_32 : memref<128x256xi32, #tpu.memory_space<hbm>>) target_semaphore(%arg11 : memref<!tpu.dma_semaphore, #tpu.memory_space<semaphore_mem>>)
    %add3A_33 = arith.constant 256 : i32
    %add3A_34 = arith.addi %mul3A_2, %add3A_33 : i32
    %dma_start3A_35 = arith.constant 256 : i32
    %dma_start3A_36 = tpu.memref_slice %arg5[%dma_start3A_35] : memref<2048xi32, #tpu.memory_space<vmem>> -> memref<128xi32, #tpu.memory_space<vmem>>
    %dma_start3A_37 = arith.constant 0 : i32
    %dma_start3A_38 = arith.constant 0 : i32
    %dma_start3A_39 = tpu.memref_slice %arg2[%dma_start3A_37, %dma_start3A_38] : memref<32768x256xi32, #tpu.memory_space<hbm>> -> memref<32768x256xi32, #tpu.memory_space<hbm>>
    tpu.enqueue_indirect_dma source(%dma_start3A_39 : memref<32768x256xi32, #tpu.memory_space<hbm>>) target(%arg8 : memref<128x256xi32, #tpu.memory_space<vmem>>) offsets(%dma_start3A_36 : memref<128xi32, #tpu.memory_space<vmem>>) semaphore(%arg9 : memref<!tpu.dma_semaphore, #tpu.memory_space<semaphore_mem>>)
    %dma_wait3A_40 = arith.constant 256 : i32
    %dma_wait3A_41 = tpu.memref_slice %arg5[%dma_wait3A_40] : memref<2048xi32, #tpu.memory_space<vmem>> -> memref<128xi32, #tpu.memory_space<vmem>>
    %dma_wait3A_42 = arith.constant 0 : i32
    %dma_wait3A_43 = arith.constant 0 : i32
    %dma_wait3A_44 = tpu.memref_slice %arg2[%dma_wait3A_42, %dma_wait3A_43] : memref<32768x256xi32, #tpu.memory_space<hbm>> -> memref<32768x256xi32, #tpu.memory_space<hbm>>
    tpu.wait_indirect_dma semaphore(%arg9 : memref<!tpu.dma_semaphore, #tpu.memory_space<semaphore_mem>>) src(%dma_wait3A_44 : memref<32768x256xi32, #tpu.memory_space<hbm>>) dst(%arg8 : memref<128x256xi32, #tpu.memory_space<vmem>>)
    %dma_start3A_45 = arith.constant 0 : i32
    %dma_start3A_46 = tpu.memref_slice %arg4[%add3A_34, %dma_start3A_45] : memref<65536x256xi32, #tpu.memory_space<hbm>> -> memref<128x256xi32, #tpu.memory_space<hbm>>
    %dma_start3A_47 = arith.constant 0 : i32
    %dma_start3A_48 = tpu.memref_slice %arg4[%add3A_34, %dma_start3A_47] : memref<65536x256xi32, #tpu.memory_space<hbm>> -> memref<128x256xi32, #tpu.memory_space<hbm>>
    tpu.enqueue_dma source(%arg8 : memref<128x256xi32, #tpu.memory_space<vmem>>) target(%dma_start3A_48 : memref<128x256xi32, #tpu.memory_space<hbm>>) target_semaphore(%arg12 : memref<!tpu.dma_semaphore, #tpu.memory_space<semaphore_mem>>)
    %dma_wait3A_49 = arith.constant 0 : i32
    %dma_wait3A_50 = tpu.memref_slice %arg4[%add3A_4, %dma_wait3A_49] : memref<65536x256xi32, #tpu.memory_space<hbm>> -> memref<128x256xi32, #tpu.memory_space<hbm>>
    %dma_wait3A_51 = arith.constant 0 : i32
    %dma_wait3A_52 = tpu.memref_slice %arg4[%add3A_4, %dma_wait3A_51] : memref<65536x256xi32, #tpu.memory_space<hbm>> -> memref<128x256xi32, #tpu.memory_space<hbm>>
    tpu.wait_dma2 semaphore(%arg10 : memref<!tpu.dma_semaphore, #tpu.memory_space<semaphore_mem>>) src(%arg6 : memref<128x256xi32, #tpu.memory_space<vmem>>) dst(%dma_wait3A_52 : memref<128x256xi32, #tpu.memory_space<hbm>>)
    %add3A_53 = arith.constant 384 : i32
    %add3A_54 = arith.addi %mul3A_2, %add3A_53 : i32
    %dma_start3A_55 = arith.constant 384 : i32
    %dma_start3A_56 = tpu.memref_slice %arg5[%dma_start3A_55] : memref<2048xi32, #tpu.memory_space<vmem>> -> memref<128xi32, #tpu.memory_space<vmem>>
    %dma_start3A_57 = arith.constant 0 : i32
    %dma_start3A_58 = arith.constant 0 : i32
    %dma_start3A_59 = tpu.memref_slice %arg2[%dma_start3A_57, %dma_start3A_58] : memref<32768x256xi32, #tpu.memory_space<hbm>> -> memref<32768x256xi32, #tpu.memory_space<hbm>>
    tpu.enqueue_indirect_dma source(%dma_start3A_59 : memref<32768x256xi32, #tpu.memory_space<hbm>>) target(%arg6 : memref<128x256xi32, #tpu.memory_space<vmem>>) offsets(%dma_start3A_56 : memref<128xi32, #tpu.memory_space<vmem>>) semaphore(%arg9 : memref<!tpu.dma_semaphore, #tpu.memory_space<semaphore_mem>>)
    %dma_wait3A_60 = arith.constant 384 : i32
    %dma_wait3A_61 = tpu.memref_slice %arg5[%dma_wait3A_60] : memref<2048xi32, #tpu.memory_space<vmem>> -> memref<128xi32, #tpu.memory_space<vmem>>
    %dma_wait3A_62 = arith.constant 0 : i32
    %dma_wait3A_63 = arith.constant 0 : i32
    %dma_wait3A_64 = tpu.memref_slice %arg2[%dma_wait3A_62, %dma_wait3A_63] : memref<32768x256xi32, #tpu.memory_space<hbm>> -> memref<32768x256xi32, #tpu.memory_space<hbm>>
    tpu.wait_indirect_dma semaphore(%arg9 : memref<!tpu.dma_semaphore, #tpu.memory_space<semaphore_mem>>) src(%dma_wait3A_64 : memref<32768x256xi32, #tpu.memory_space<hbm>>) dst(%arg6 : memref<128x256xi32, #tpu.memory_space<vmem>>)
    %dma_start3A_65 = arith.constant 0 : i32
    %dma_start3A_66 = tpu.memref_slice %arg4[%add3A_54, %dma_start3A_65] : memref<65536x256xi32, #tpu.memory_space<hbm>> -> memref<128x256xi32, #tpu.memory_space<hbm>>
    %dma_start3A_67 = arith.constant 0 : i32
    %dma_start3A_68 = tpu.memref_slice %arg4[%add3A_54, %dma_start3A_67] : memref<65536x256xi32, #tpu.memory_space<hbm>> -> memref<128x256xi32, #tpu.memory_space<hbm>>
    tpu.enqueue_dma source(%arg6 : memref<128x256xi32, #tpu.memory_space<vmem>>) target(%dma_start3A_68 : memref<128x256xi32, #tpu.memory_space<hbm>>) target_semaphore(%arg10 : memref<!tpu.dma_semaphore, #tpu.memory_space<semaphore_mem>>)
    %dma_wait3A_69 = arith.constant 0 : i32
    %dma_wait3A_70 = tpu.memref_slice %arg4[%add3A_18, %dma_wait3A_69] : memref<65536x256xi32, #tpu.memory_space<hbm>> -> memref<128x256xi32, #tpu.memory_space<hbm>>
    %dma_wait3A_71 = arith.constant 0 : i32
    %dma_wait3A_72 = tpu.memref_slice %arg4[%add3A_18, %dma_wait3A_71] : memref<65536x256xi32, #tpu.memory_space<hbm>> -> memref<128x256xi32, #tpu.memory_space<hbm>>
    tpu.wait_dma2 semaphore(%arg11 : memref<!tpu.dma_semaphore, #tpu.memory_space<semaphore_mem>>) src(%arg7 : memref<128x256xi32, #tpu.memory_space<vmem>>) dst(%dma_wait3A_72 : memref<128x256xi32, #tpu.memory_space<hbm>>)
    %add3A_73 = arith.constant 512 : i32
    %add3A_74 = arith.addi %mul3A_2, %add3A_73 : i32
    %dma_start3A_75 = arith.constant 512 : i32
    %dma_start3A_76 = tpu.memref_slice %arg5[%dma_start3A_75] : memref<2048xi32, #tpu.memory_space<vmem>> -> memref<128xi32, #tpu.memory_space<vmem>>
    %dma_start3A_77 = arith.constant 0 : i32
    %dma_start3A_78 = arith.constant 0 : i32
    %dma_start3A_79 = tpu.memref_slice %arg2[%dma_start3A_77, %dma_start3A_78] : memref<32768x256xi32, #tpu.memory_space<hbm>> -> memref<32768x256xi32, #tpu.memory_space<hbm>>
    tpu.enqueue_indirect_dma source(%dma_start3A_79 : memref<32768x256xi32, #tpu.memory_space<hbm>>) target(%arg7 : memref<128x256xi32, #tpu.memory_space<vmem>>) offsets(%dma_start3A_76 : memref<128xi32, #tpu.memory_space<vmem>>) semaphore(%arg9 : memref<!tpu.dma_semaphore, #tpu.memory_space<semaphore_mem>>)
    %dma_wait3A_80 = arith.constant 512 : i32
    %dma_wait3A_81 = tpu.memref_slice %arg5[%dma_wait3A_80] : memref<2048xi32, #tpu.memory_space<vmem>> -> memref<128xi32, #tpu.memory_space<vmem>>
    %dma_wait3A_82 = arith.constant 0 : i32
    %dma_wait3A_83 = arith.constant 0 : i32
    %dma_wait3A_84 = tpu.memref_slice %arg2[%dma_wait3A_82, %dma_wait3A_83] : memref<32768x256xi32, #tpu.memory_space<hbm>> -> memref<32768x256xi32, #tpu.memory_space<hbm>>
    tpu.wait_indirect_dma semaphore(%arg9 : memref<!tpu.dma_semaphore, #tpu.memory_space<semaphore_mem>>) src(%dma_wait3A_84 : memref<32768x256xi32, #tpu.memory_space<hbm>>) dst(%arg7 : memref<128x256xi32, #tpu.memory_space<vmem>>)
    %dma_start3A_85 = arith.constant 0 : i32
    %dma_start3A_86 = tpu.memref_slice %arg4[%add3A_74, %dma_start3A_85] : memref<65536x256xi32, #tpu.memory_space<hbm>> -> memref<128x256xi32, #tpu.memory_space<hbm>>
    %dma_start3A_87 = arith.constant 0 : i32
    %dma_start3A_88 = tpu.memref_slice %arg4[%add3A_74, %dma_start3A_87] : memref<65536x256xi32, #tpu.memory_space<hbm>> -> memref<128x256xi32, #tpu.memory_space<hbm>>
    tpu.enqueue_dma source(%arg7 : memref<128x256xi32, #tpu.memory_space<vmem>>) target(%dma_start3A_88 : memref<128x256xi32, #tpu.memory_space<hbm>>) target_semaphore(%arg11 : memref<!tpu.dma_semaphore, #tpu.memory_space<semaphore_mem>>)
    %dma_wait3A_89 = arith.constant 0 : i32
    %dma_wait3A_90 = tpu.memref_slice %arg4[%add3A_34, %dma_wait3A_89] : memref<65536x256xi32, #tpu.memory_space<hbm>> -> memref<128x256xi32, #tpu.memory_space<hbm>>
    %dma_wait3A_91 = arith.constant 0 : i32
    %dma_wait3A_92 = tpu.memref_slice %arg4[%add3A_34, %dma_wait3A_91] : memref<65536x256xi32, #tpu.memory_space<hbm>> -> memref<128x256xi32, #tpu.memory_space<hbm>>
    tpu.wait_dma2 semaphore(%arg12 : memref<!tpu.dma_semaphore, #tpu.memory_space<semaphore_mem>>) src(%arg8 : memref<128x256xi32, #tpu.memory_space<vmem>>) dst(%dma_wait3A_92 : memref<128x256xi32, #tpu.memory_space<hbm>>)
    %add3A_93 = arith.constant 640 : i32
    %add3A_94 = arith.addi %mul3A_2, %add3A_93 : i32
    %dma_start3A_95 = arith.constant 640 : i32
    %dma_start3A_96 = tpu.memref_slice %arg5[%dma_start3A_95] : memref<2048xi32, #tpu.memory_space<vmem>> -> memref<128xi32, #tpu.memory_space<vmem>>
    %dma_start3A_97 = arith.constant 0 : i32
    %dma_start3A_98 = arith.constant 0 : i32
    %dma_start3A_99 = tpu.memref_slice %arg2[%dma_start3A_97, %dma_start3A_98] : memref<32768x256xi32, #tpu.memory_space<hbm>> -> memref<32768x256xi32, #tpu.memory_space<hbm>>
    tpu.enqueue_indirect_dma source(%dma_start3A_99 : memref<32768x256xi32, #tpu.memory_space<hbm>>) target(%arg8 : memref<128x256xi32, #tpu.memory_space<vmem>>) offsets(%dma_start3A_96 : memref<128xi32, #tpu.memory_space<vmem>>) semaphore(%arg9 : memref<!tpu.dma_semaphore, #tpu.memory_space<semaphore_mem>>)
    %dma_wait3A_100 = arith.constant 640 : i32
    %dma_wait3A_101 = tpu.memref_slice %arg5[%dma_wait3A_100] : memref<2048xi32, #tpu.memory_space<vmem>> -> memref<128xi32, #tpu.memory_space<vmem>>
    %dma_wait3A_102 = arith.constant 0 : i32
    %dma_wait3A_103 = arith.constant 0 : i32
    %dma_wait3A_104 = tpu.memref_slice %arg2[%dma_wait3A_102, %dma_wait3A_103] : memref<32768x256xi32, #tpu.memory_space<hbm>> -> memref<32768x256xi32, #tpu.memory_space<hbm>>
    tpu.wait_indirect_dma semaphore(%arg9 : memref<!tpu.dma_semaphore, #tpu.memory_space<semaphore_mem>>) src(%dma_wait3A_104 : memref<32768x256xi32, #tpu.memory_space<hbm>>) dst(%arg8 : memref<128x256xi32, #tpu.memory_space<vmem>>)
    %dma_start3A_105 = arith.constant 0 : i32
    %dma_start3A_106 = tpu.memref_slice %arg4[%add3A_94, %dma_start3A_105] : memref<65536x256xi32, #tpu.memory_space<hbm>> -> memref<128x256xi32, #tpu.memory_space<hbm>>
    %dma_start3A_107 = arith.constant 0 : i32
    %dma_start3A_108 = tpu.memref_slice %arg4[%add3A_94, %dma_start3A_107] : memref<65536x256xi32, #tpu.memory_space<hbm>> -> memref<128x256xi32, #tpu.memory_space<hbm>>
    tpu.enqueue_dma source(%arg8 : memref<128x256xi32, #tpu.memory_space<vmem>>) target(%dma_start3A_108 : memref<128x256xi32, #tpu.memory_space<hbm>>) target_semaphore(%arg12 : memref<!tpu.dma_semaphore, #tpu.memory_space<semaphore_mem>>)
    %dma_wait3A_109 = arith.constant 0 : i32
    %dma_wait3A_110 = tpu.memref_slice %arg4[%add3A_54, %dma_wait3A_109] : memref<65536x256xi32, #tpu.memory_space<hbm>> -> memref<128x256xi32, #tpu.memory_space<hbm>>
    %dma_wait3A_111 = arith.constant 0 : i32
    %dma_wait3A_112 = tpu.memref_slice %arg4[%add3A_54, %dma_wait3A_111] : memref<65536x256xi32, #tpu.memory_space<hbm>> -> memref<128x256xi32, #tpu.memory_space<hbm>>
    tpu.wait_dma2 semaphore(%arg10 : memref<!tpu.dma_semaphore, #tpu.memory_space<semaphore_mem>>) src(%arg6 : memref<128x256xi32, #tpu.memory_space<vmem>>) dst(%dma_wait3A_112 : memref<128x256xi32, #tpu.memory_space<hbm>>)
    %add3A_113 = arith.constant 768 : i32
    %add3A_114 = arith.addi %mul3A_2, %add3A_113 : i32
    %dma_start3A_115 = arith.constant 768 : i32
    %dma_start3A_116 = tpu.memref_slice %arg5[%dma_start3A_115] : memref<2048xi32, #tpu.memory_space<vmem>> -> memref<128xi32, #tpu.memory_space<vmem>>
    %dma_start3A_117 = arith.constant 0 : i32
    %dma_start3A_118 = arith.constant 0 : i32
    %dma_start3A_119 = tpu.memref_slice %arg2[%dma_start3A_117, %dma_start3A_118] : memref<32768x256xi32, #tpu.memory_space<hbm>> -> memref<32768x256xi32, #tpu.memory_space<hbm>>
    tpu.enqueue_indirect_dma source(%dma_start3A_119 : memref<32768x256xi32, #tpu.memory_space<hbm>>) target(%arg6 : memref<128x256xi32, #tpu.memory_space<vmem>>) offsets(%dma_start3A_116 : memref<128xi32, #tpu.memory_space<vmem>>) semaphore(%arg9 : memref<!tpu.dma_semaphore, #tpu.memory_space<semaphore_mem>>)
    %dma_wait3A_120 = arith.constant 768 : i32
    %dma_wait3A_121 = tpu.memref_slice %arg5[%dma_wait3A_120] : memref<2048xi32, #tpu.memory_space<vmem>> -> memref<128xi32, #tpu.memory_space<vmem>>
    %dma_wait3A_122 = arith.constant 0 : i32
    %dma_wait3A_123 = arith.constant 0 : i32
    %dma_wait3A_124 = tpu.memref_slice %arg2[%dma_wait3A_122, %dma_wait3A_123] : memref<32768x256xi32, #tpu.memory_space<hbm>> -> memref<32768x256xi32, #tpu.memory_space<hbm>>
    tpu.wait_indirect_dma semaphore(%arg9 : memref<!tpu.dma_semaphore, #tpu.memory_space<semaphore_mem>>) src(%dma_wait3A_124 : memref<32768x256xi32, #tpu.memory_space<hbm>>) dst(%arg6 : memref<128x256xi32, #tpu.memory_space<vmem>>)
    %dma_start3A_125 = arith.constant 0 : i32
    %dma_start3A_126 = tpu.memref_slice %arg4[%add3A_114, %dma_start3A_125] : memref<65536x256xi32, #tpu.memory_space<hbm>> -> memref<128x256xi32, #tpu.memory_space<hbm>>
    %dma_start3A_127 = arith.constant 0 : i32
    %dma_start3A_128 = tpu.memref_slice %arg4[%add3A_114, %dma_start3A_127] : memref<65536x256xi32, #tpu.memory_space<hbm>> -> memref<128x256xi32, #tpu.memory_space<hbm>>
    tpu.enqueue_dma source(%arg6 : memref<128x256xi32, #tpu.memory_space<vmem>>) target(%dma_start3A_128 : memref<128x256xi32, #tpu.memory_space<hbm>>) target_semaphore(%arg10 : memref<!tpu.dma_semaphore, #tpu.memory_space<semaphore_mem>>)
    %dma_wait3A_129 = arith.constant 0 : i32
    %dma_wait3A_130 = tpu.memref_slice %arg4[%add3A_74, %dma_wait3A_129] : memref<65536x256xi32, #tpu.memory_space<hbm>> -> memref<128x256xi32, #tpu.memory_space<hbm>>
    %dma_wait3A_131 = arith.constant 0 : i32
    %dma_wait3A_132 = tpu.memref_slice %arg4[%add3A_74, %dma_wait3A_131] : memref<65536x256xi32, #tpu.memory_space<hbm>> -> memref<128x256xi32, #tpu.memory_space<hbm>>
    tpu.wait_dma2 semaphore(%arg11 : memref<!tpu.dma_semaphore, #tpu.memory_space<semaphore_mem>>) src(%arg7 : memref<128x256xi32, #tpu.memory_space<vmem>>) dst(%dma_wait3A_132 : memref<128x256xi32, #tpu.memory_space<hbm>>)
    %add3A_133 = arith.constant 896 : i32
    %add3A_134 = arith.addi %mul3A_2, %add3A_133 : i32
    %dma_start3A_135 = arith.constant 896 : i32
    %dma_start3A_136 = tpu.memref_slice %arg5[%dma_start3A_135] : memref<2048xi32, #tpu.memory_space<vmem>> -> memref<128xi32, #tpu.memory_space<vmem>>
    %dma_start3A_137 = arith.constant 0 : i32
    %dma_start3A_138 = arith.constant 0 : i32
    %dma_start3A_139 = tpu.memref_slice %arg2[%dma_start3A_137, %dma_start3A_138] : memref<32768x256xi32, #tpu.memory_space<hbm>> -> memref<32768x256xi32, #tpu.memory_space<hbm>>
    tpu.enqueue_indirect_dma source(%dma_start3A_139 : memref<32768x256xi32, #tpu.memory_space<hbm>>) target(%arg7 : memref<128x256xi32, #tpu.memory_space<vmem>>) offsets(%dma_start3A_136 : memref<128xi32, #tpu.memory_space<vmem>>) semaphore(%arg9 : memref<!tpu.dma_semaphore, #tpu.memory_space<semaphore_mem>>)
    %dma_wait3A_140 = arith.constant 896 : i32
    %dma_wait3A_141 = tpu.memref_slice %arg5[%dma_wait3A_140] : memref<2048xi32, #tpu.memory_space<vmem>> -> memref<128xi32, #tpu.memory_space<vmem>>
    %dma_wait3A_142 = arith.constant 0 : i32
    %dma_wait3A_143 = arith.constant 0 : i32
    %dma_wait3A_144 = tpu.memref_slice %arg2[%dma_wait3A_142, %dma_wait3A_143] : memref<32768x256xi32, #tpu.memory_space<hbm>> -> memref<32768x256xi32, #tpu.memory_space<hbm>>
    tpu.wait_indirect_dma semaphore(%arg9 : memref<!tpu.dma_semaphore, #tpu.memory_space<semaphore_mem>>) src(%dma_wait3A_144 : memref<32768x256xi32, #tpu.memory_space<hbm>>) dst(%arg7 : memref<128x256xi32, #tpu.memory_space<vmem>>)
    %dma_start3A_145 = arith.constant 0 : i32
    %dma_start3A_146 = tpu.memref_slice %arg4[%add3A_134, %dma_start3A_145] : memref<65536x256xi32, #tpu.memory_space<hbm>> -> memref<128x256xi32, #tpu.memory_space<hbm>>
    %dma_start3A_147 = arith.constant 0 : i32
    %dma_start3A_148 = tpu.memref_slice %arg4[%add3A_134, %dma_start3A_147] : memref<65536x256xi32, #tpu.memory_space<hbm>> -> memref<128x256xi32, #tpu.memory_space<hbm>>
    tpu.enqueue_dma source(%arg7 : memref<128x256xi32, #tpu.memory_space<vmem>>) target(%dma_start3A_148 : memref<128x256xi32, #tpu.memory_space<hbm>>) target_semaphore(%arg11 : memref<!tpu.dma_semaphore, #tpu.memory_space<semaphore_mem>>)
    %dma_wait3A_149 = arith.constant 0 : i32
    %dma_wait3A_150 = tpu.memref_slice %arg4[%add3A_94, %dma_wait3A_149] : memref<65536x256xi32, #tpu.memory_space<hbm>> -> memref<128x256xi32, #tpu.memory_space<hbm>>
    %dma_wait3A_151 = arith.constant 0 : i32
    %dma_wait3A_152 = tpu.memref_slice %arg4[%add3A_94, %dma_wait3A_151] : memref<65536x256xi32, #tpu.memory_space<hbm>> -> memref<128x256xi32, #tpu.memory_space<hbm>>
    tpu.wait_dma2 semaphore(%arg12 : memref<!tpu.dma_semaphore, #tpu.memory_space<semaphore_mem>>) src(%arg8 : memref<128x256xi32, #tpu.memory_space<vmem>>) dst(%dma_wait3A_152 : memref<128x256xi32, #tpu.memory_space<hbm>>)
    %add3A_153 = arith.constant 1024 : i32
    %add3A_154 = arith.addi %mul3A_2, %add3A_153 : i32
    %dma_start3A_155 = arith.constant 1024 : i32
    %dma_start3A_156 = tpu.memref_slice %arg5[%dma_start3A_155] : memref<2048xi32, #tpu.memory_space<vmem>> -> memref<128xi32, #tpu.memory_space<vmem>>
    %dma_start3A_157 = arith.constant 0 : i32
    %dma_start3A_158 = arith.constant 0 : i32
    %dma_start3A_159 = tpu.memref_slice %arg2[%dma_start3A_157, %dma_start3A_158] : memref<32768x256xi32, #tpu.memory_space<hbm>> -> memref<32768x256xi32, #tpu.memory_space<hbm>>
    tpu.enqueue_indirect_dma source(%dma_start3A_159 : memref<32768x256xi32, #tpu.memory_space<hbm>>) target(%arg8 : memref<128x256xi32, #tpu.memory_space<vmem>>) offsets(%dma_start3A_156 : memref<128xi32, #tpu.memory_space<vmem>>) semaphore(%arg9 : memref<!tpu.dma_semaphore, #tpu.memory_space<semaphore_mem>>)
    %dma_wait3A_160 = arith.constant 1024 : i32
    %dma_wait3A_161 = tpu.memref_slice %arg5[%dma_wait3A_160] : memref<2048xi32, #tpu.memory_space<vmem>> -> memref<128xi32, #tpu.memory_space<vmem>>
    %dma_wait3A_162 = arith.constant 0 : i32
    %dma_wait3A_163 = arith.constant 0 : i32
    %dma_wait3A_164 = tpu.memref_slice %arg2[%dma_wait3A_162, %dma_wait3A_163] : memref<32768x256xi32, #tpu.memory_space<hbm>> -> memref<32768x256xi32, #tpu.memory_space<hbm>>
    tpu.wait_indirect_dma semaphore(%arg9 : memref<!tpu.dma_semaphore, #tpu.memory_space<semaphore_mem>>) src(%dma_wait3A_164 : memref<32768x256xi32, #tpu.memory_space<hbm>>) dst(%arg8 : memref<128x256xi32, #tpu.memory_space<vmem>>)
    %dma_start3A_165 = arith.constant 0 : i32
    %dma_start3A_166 = tpu.memref_slice %arg4[%add3A_154, %dma_start3A_165] : memref<65536x256xi32, #tpu.memory_space<hbm>> -> memref<128x256xi32, #tpu.memory_space<hbm>>
    %dma_start3A_167 = arith.constant 0 : i32
    %dma_start3A_168 = tpu.memref_slice %arg4[%add3A_154, %dma_start3A_167] : memref<65536x256xi32, #tpu.memory_space<hbm>> -> memref<128x256xi32, #tpu.memory_space<hbm>>
    tpu.enqueue_dma source(%arg8 : memref<128x256xi32, #tpu.memory_space<vmem>>) target(%dma_start3A_168 : memref<128x256xi32, #tpu.memory_space<hbm>>) target_semaphore(%arg12 : memref<!tpu.dma_semaphore, #tpu.memory_space<semaphore_mem>>)
    %dma_wait3A_169 = arith.constant 0 : i32
    %dma_wait3A_170 = tpu.memref_slice %arg4[%add3A_114, %dma_wait3A_169] : memref<65536x256xi32, #tpu.memory_space<hbm>> -> memref<128x256xi32, #tpu.memory_space<hbm>>
    %dma_wait3A_171 = arith.constant 0 : i32
    %dma_wait3A_172 = tpu.memref_slice %arg4[%add3A_114, %dma_wait3A_171] : memref<65536x256xi32, #tpu.memory_space<hbm>> -> memref<128x256xi32, #tpu.memory_space<hbm>>
    tpu.wait_dma2 semaphore(%arg10 : memref<!tpu.dma_semaphore, #tpu.memory_space<semaphore_mem>>) src(%arg6 : memref<128x256xi32, #tpu.memory_space<vmem>>) dst(%dma_wait3A_172 : memref<128x256xi32, #tpu.memory_space<hbm>>)
    %add3A_173 = arith.constant 1152 : i32
    %add3A_174 = arith.addi %mul3A_2, %add3A_173 : i32
    %dma_start3A_175 = arith.constant 1152 : i32
    %dma_start3A_176 = tpu.memref_slice %arg5[%dma_start3A_175] : memref<2048xi32, #tpu.memory_space<vmem>> -> memref<128xi32, #tpu.memory_space<vmem>>
    %dma_start3A_177 = arith.constant 0 : i32
    %dma_start3A_178 = arith.constant 0 : i32
    %dma_start3A_179 = tpu.memref_slice %arg2[%dma_start3A_177, %dma_start3A_178] : memref<32768x256xi32, #tpu.memory_space<hbm>> -> memref<32768x256xi32, #tpu.memory_space<hbm>>
    tpu.enqueue_indirect_dma source(%dma_start3A_179 : memref<32768x256xi32, #tpu.memory_space<hbm>>) target(%arg6 : memref<128x256xi32, #tpu.memory_space<vmem>>) offsets(%dma_start3A_176 : memref<128xi32, #tpu.memory_space<vmem>>) semaphore(%arg9 : memref<!tpu.dma_semaphore, #tpu.memory_space<semaphore_mem>>)
    %dma_wait3A_180 = arith.constant 1152 : i32
    %dma_wait3A_181 = tpu.memref_slice %arg5[%dma_wait3A_180] : memref<2048xi32, #tpu.memory_space<vmem>> -> memref<128xi32, #tpu.memory_space<vmem>>
    %dma_wait3A_182 = arith.constant 0 : i32
    %dma_wait3A_183 = arith.constant 0 : i32
    %dma_wait3A_184 = tpu.memref_slice %arg2[%dma_wait3A_182, %dma_wait3A_183] : memref<32768x256xi32, #tpu.memory_space<hbm>> -> memref<32768x256xi32, #tpu.memory_space<hbm>>
    tpu.wait_indirect_dma semaphore(%arg9 : memref<!tpu.dma_semaphore, #tpu.memory_space<semaphore_mem>>) src(%dma_wait3A_184 : memref<32768x256xi32, #tpu.memory_space<hbm>>) dst(%arg6 : memref<128x256xi32, #tpu.memory_space<vmem>>)
    %dma_start3A_185 = arith.constant 0 : i32
    %dma_start3A_186 = tpu.memref_slice %arg4[%add3A_174, %dma_start3A_185] : memref<65536x256xi32, #tpu.memory_space<hbm>> -> memref<128x256xi32, #tpu.memory_space<hbm>>
    %dma_start3A_187 = arith.constant 0 : i32
    %dma_start3A_188 = tpu.memref_slice %arg4[%add3A_174, %dma_start3A_187] : memref<65536x256xi32, #tpu.memory_space<hbm>> -> memref<128x256xi32, #tpu.memory_space<hbm>>
    tpu.enqueue_dma source(%arg6 : memref<128x256xi32, #tpu.memory_space<vmem>>) target(%dma_start3A_188 : memref<128x256xi32, #tpu.memory_space<hbm>>) target_semaphore(%arg10 : memref<!tpu.dma_semaphore, #tpu.memory_space<semaphore_mem>>)
    %dma_wait3A_189 = arith.constant 0 : i32
    %dma_wait3A_190 = tpu.memref_slice %arg4[%add3A_134, %dma_wait3A_189] : memref<65536x256xi32, #tpu.memory_space<hbm>> -> memref<128x256xi32, #tpu.memory_space<hbm>>
    %dma_wait3A_191 = arith.constant 0 : i32
    %dma_wait3A_192 = tpu.memref_slice %arg4[%add3A_134, %dma_wait3A_191] : memref<65536x256xi32, #tpu.memory_space<hbm>> -> memref<128x256xi32, #tpu.memory_space<hbm>>
    tpu.wait_dma2 semaphore(%arg11 : memref<!tpu.dma_semaphore, #tpu.memory_space<semaphore_mem>>) src(%arg7 : memref<128x256xi32, #tpu.memory_space<vmem>>) dst(%dma_wait3A_192 : memref<128x256xi32, #tpu.memory_space<hbm>>)
    %add3A_193 = arith.constant 1280 : i32
    %add3A_194 = arith.addi %mul3A_2, %add3A_193 : i32
    %dma_start3A_195 = arith.constant 1280 : i32
    %dma_start3A_196 = tpu.memref_slice %arg5[%dma_start3A_195] : memref<2048xi32, #tpu.memory_space<vmem>> -> memref<128xi32, #tpu.memory_space<vmem>>
    %dma_start3A_197 = arith.constant 0 : i32
    %dma_start3A_198 = arith.constant 0 : i32
    %dma_start3A_199 = tpu.memref_slice %arg2[%dma_start3A_197, %dma_start3A_198] : memref<32768x256xi32, #tpu.memory_space<hbm>> -> memref<32768x256xi32, #tpu.memory_space<hbm>>
    tpu.enqueue_indirect_dma source(%dma_start3A_199 : memref<32768x256xi32, #tpu.memory_space<hbm>>) target(%arg7 : memref<128x256xi32, #tpu.memory_space<vmem>>) offsets(%dma_start3A_196 : memref<128xi32, #tpu.memory_space<vmem>>) semaphore(%arg9 : memref<!tpu.dma_semaphore, #tpu.memory_space<semaphore_mem>>)
    %dma_wait3A_200 = arith.constant 1280 : i32
    %dma_wait3A_201 = tpu.memref_slice %arg5[%dma_wait3A_200] : memref<2048xi32, #tpu.memory_space<vmem>> -> memref<128xi32, #tpu.memory_space<vmem>>
    %dma_wait3A_202 = arith.constant 0 : i32
    %dma_wait3A_203 = arith.constant 0 : i32
    %dma_wait3A_204 = tpu.memref_slice %arg2[%dma_wait3A_202, %dma_wait3A_203] : memref<32768x256xi32, #tpu.memory_space<hbm>> -> memref<32768x256xi32, #tpu.memory_space<hbm>>
    tpu.wait_indirect_dma semaphore(%arg9 : memref<!tpu.dma_semaphore, #tpu.memory_space<semaphore_mem>>) src(%dma_wait3A_204 : memref<32768x256xi32, #tpu.memory_space<hbm>>) dst(%arg7 : memref<128x256xi32, #tpu.memory_space<vmem>>)
    %dma_start3A_205 = arith.constant 0 : i32
    %dma_start3A_206 = tpu.memref_slice %arg4[%add3A_194, %dma_start3A_205] : memref<65536x256xi32, #tpu.memory_space<hbm>> -> memref<128x256xi32, #tpu.memory_space<hbm>>
    %dma_start3A_207 = arith.constant 0 : i32
    %dma_start3A_208 = tpu.memref_slice %arg4[%add3A_194, %dma_start3A_207] : memref<65536x256xi32, #tpu.memory_space<hbm>> -> memref<128x256xi32, #tpu.memory_space<hbm>>
    tpu.enqueue_dma source(%arg7 : memref<128x256xi32, #tpu.memory_space<vmem>>) target(%dma_start3A_208 : memref<128x256xi32, #tpu.memory_space<hbm>>) target_semaphore(%arg11 : memref<!tpu.dma_semaphore, #tpu.memory_space<semaphore_mem>>)
    %dma_wait3A_209 = arith.constant 0 : i32
    %dma_wait3A_210 = tpu.memref_slice %arg4[%add3A_154, %dma_wait3A_209] : memref<65536x256xi32, #tpu.memory_space<hbm>> -> memref<128x256xi32, #tpu.memory_space<hbm>>
    %dma_wait3A_211 = arith.constant 0 : i32
    %dma_wait3A_212 = tpu.memref_slice %arg4[%add3A_154, %dma_wait3A_211] : memref<65536x256xi32, #tpu.memory_space<hbm>> -> memref<128x256xi32, #tpu.memory_space<hbm>>
    tpu.wait_dma2 semaphore(%arg12 : memref<!tpu.dma_semaphore, #tpu.memory_space<semaphore_mem>>) src(%arg8 : memref<128x256xi32, #tpu.memory_space<vmem>>) dst(%dma_wait3A_212 : memref<128x256xi32, #tpu.memory_space<hbm>>)
    %add3A_213 = arith.constant 1408 : i32
    %add3A_214 = arith.addi %mul3A_2, %add3A_213 : i32
    %dma_start3A_215 = arith.constant 1408 : i32
    %dma_start3A_216 = tpu.memref_slice %arg5[%dma_start3A_215] : memref<2048xi32, #tpu.memory_space<vmem>> -> memref<128xi32, #tpu.memory_space<vmem>>
    %dma_start3A_217 = arith.constant 0 : i32
    %dma_start3A_218 = arith.constant 0 : i32
    %dma_start3A_219 = tpu.memref_slice %arg2[%dma_start3A_217, %dma_start3A_218] : memref<32768x256xi32, #tpu.memory_space<hbm>> -> memref<32768x256xi32, #tpu.memory_space<hbm>>
    tpu.enqueue_indirect_dma source(%dma_start3A_219 : memref<32768x256xi32, #tpu.memory_space<hbm>>) target(%arg8 : memref<128x256xi32, #tpu.memory_space<vmem>>) offsets(%dma_start3A_216 : memref<128xi32, #tpu.memory_space<vmem>>) semaphore(%arg9 : memref<!tpu.dma_semaphore, #tpu.memory_space<semaphore_mem>>)
    %dma_wait3A_220 = arith.constant 1408 : i32
    %dma_wait3A_221 = tpu.memref_slice %arg5[%dma_wait3A_220] : memref<2048xi32, #tpu.memory_space<vmem>> -> memref<128xi32, #tpu.memory_space<vmem>>
    %dma_wait3A_222 = arith.constant 0 : i32
    %dma_wait3A_223 = arith.constant 0 : i32
    %dma_wait3A_224 = tpu.memref_slice %arg2[%dma_wait3A_222, %dma_wait3A_223] : memref<32768x256xi32, #tpu.memory_space<hbm>> -> memref<32768x256xi32, #tpu.memory_space<hbm>>
    tpu.wait_indirect_dma semaphore(%arg9 : memref<!tpu.dma_semaphore, #tpu.memory_space<semaphore_mem>>) src(%dma_wait3A_224 : memref<32768x256xi32, #tpu.memory_space<hbm>>) dst(%arg8 : memref<128x256xi32, #tpu.memory_space<vmem>>)
    %dma_start3A_225 = arith.constant 0 : i32
    %dma_start3A_226 = tpu.memref_slice %arg4[%add3A_214, %dma_start3A_225] : memref<65536x256xi32, #tpu.memory_space<hbm>> -> memref<128x256xi32, #tpu.memory_space<hbm>>
    %dma_start3A_227 = arith.constant 0 : i32
    %dma_start3A_228 = tpu.memref_slice %arg4[%add3A_214, %dma_start3A_227] : memref<65536x256xi32, #tpu.memory_space<hbm>> -> memref<128x256xi32, #tpu.memory_space<hbm>>
    tpu.enqueue_dma source(%arg8 : memref<128x256xi32, #tpu.memory_space<vmem>>) target(%dma_start3A_228 : memref<128x256xi32, #tpu.memory_space<hbm>>) target_semaphore(%arg12 : memref<!tpu.dma_semaphore, #tpu.memory_space<semaphore_mem>>)
    %dma_wait3A_229 = arith.constant 0 : i32
    %dma_wait3A_230 = tpu.memref_slice %arg4[%add3A_174, %dma_wait3A_229] : memref<65536x256xi32, #tpu.memory_space<hbm>> -> memref<128x256xi32, #tpu.memory_space<hbm>>
    %dma_wait3A_231 = arith.constant 0 : i32
    %dma_wait3A_232 = tpu.memref_slice %arg4[%add3A_174, %dma_wait3A_231] : memref<65536x256xi32, #tpu.memory_space<hbm>> -> memref<128x256xi32, #tpu.memory_space<hbm>>
    tpu.wait_dma2 semaphore(%arg10 : memref<!tpu.dma_semaphore, #tpu.memory_space<semaphore_mem>>) src(%arg6 : memref<128x256xi32, #tpu.memory_space<vmem>>) dst(%dma_wait3A_232 : memref<128x256xi32, #tpu.memory_space<hbm>>)
    %add3A_233 = arith.constant 1536 : i32
    %add3A_234 = arith.addi %mul3A_2, %add3A_233 : i32
    %dma_start3A_235 = arith.constant 1536 : i32
    %dma_start3A_236 = tpu.memref_slice %arg5[%dma_start3A_235] : memref<2048xi32, #tpu.memory_space<vmem>> -> memref<128xi32, #tpu.memory_space<vmem>>
    %dma_start3A_237 = arith.constant 0 : i32
    %dma_start3A_238 = arith.constant 0 : i32
    %dma_start3A_239 = tpu.memref_slice %arg2[%dma_start3A_237, %dma_start3A_238] : memref<32768x256xi32, #tpu.memory_space<hbm>> -> memref<32768x256xi32, #tpu.memory_space<hbm>>
    tpu.enqueue_indirect_dma source(%dma_start3A_239 : memref<32768x256xi32, #tpu.memory_space<hbm>>) target(%arg6 : memref<128x256xi32, #tpu.memory_space<vmem>>) offsets(%dma_start3A_236 : memref<128xi32, #tpu.memory_space<vmem>>) semaphore(%arg9 : memref<!tpu.dma_semaphore, #tpu.memory_space<semaphore_mem>>)
    %dma_wait3A_240 = arith.constant 1536 : i32
    %dma_wait3A_241 = tpu.memref_slice %arg5[%dma_wait3A_240] : memref<2048xi32, #tpu.memory_space<vmem>> -> memref<128xi32, #tpu.memory_space<vmem>>
    %dma_wait3A_242 = arith.constant 0 : i32
    %dma_wait3A_243 = arith.constant 0 : i32
    %dma_wait3A_244 = tpu.memref_slice %arg2[%dma_wait3A_242, %dma_wait3A_243] : memref<32768x256xi32, #tpu.memory_space<hbm>> -> memref<32768x256xi32, #tpu.memory_space<hbm>>
    tpu.wait_indirect_dma semaphore(%arg9 : memref<!tpu.dma_semaphore, #tpu.memory_space<semaphore_mem>>) src(%dma_wait3A_244 : memref<32768x256xi32, #tpu.memory_space<hbm>>) dst(%arg6 : memref<128x256xi32, #tpu.memory_space<vmem>>)
    %dma_start3A_245 = arith.constant 0 : i32
    %dma_start3A_246 = tpu.memref_slice %arg4[%add3A_234, %dma_start3A_245] : memref<65536x256xi32, #tpu.memory_space<hbm>> -> memref<128x256xi32, #tpu.memory_space<hbm>>
    %dma_start3A_247 = arith.constant 0 : i32
    %dma_start3A_248 = tpu.memref_slice %arg4[%add3A_234, %dma_start3A_247] : memref<65536x256xi32, #tpu.memory_space<hbm>> -> memref<128x256xi32, #tpu.memory_space<hbm>>
    tpu.enqueue_dma source(%arg6 : memref<128x256xi32, #tpu.memory_space<vmem>>) target(%dma_start3A_248 : memref<128x256xi32, #tpu.memory_space<hbm>>) target_semaphore(%arg10 : memref<!tpu.dma_semaphore, #tpu.memory_space<semaphore_mem>>)
    %dma_wait3A_249 = arith.constant 0 : i32
    %dma_wait3A_250 = tpu.memref_slice %arg4[%add3A_194, %dma_wait3A_249] : memref<65536x256xi32, #tpu.memory_space<hbm>> -> memref<128x256xi32, #tpu.memory_space<hbm>>
    %dma_wait3A_251 = arith.constant 0 : i32
    %dma_wait3A_252 = tpu.memref_slice %arg4[%add3A_194, %dma_wait3A_251] : memref<65536x256xi32, #tpu.memory_space<hbm>> -> memref<128x256xi32, #tpu.memory_space<hbm>>
    tpu.wait_dma2 semaphore(%arg11 : memref<!tpu.dma_semaphore, #tpu.memory_space<semaphore_mem>>) src(%arg7 : memref<128x256xi32, #tpu.memory_space<vmem>>) dst(%dma_wait3A_252 : memref<128x256xi32, #tpu.memory_space<hbm>>)
    %add3A_253 = arith.constant 1664 : i32
    %add3A_254 = arith.addi %mul3A_2, %add3A_253 : i32
    %dma_start3A_255 = arith.constant 1664 : i32
    %dma_start3A_256 = tpu.memref_slice %arg5[%dma_start3A_255] : memref<2048xi32, #tpu.memory_space<vmem>> -> memref<128xi32, #tpu.memory_space<vmem>>
    %dma_start3A_257 = arith.constant 0 : i32
    %dma_start3A_258 = arith.constant 0 : i32
    %dma_start3A_259 = tpu.memref_slice %arg2[%dma_start3A_257, %dma_start3A_258] : memref<32768x256xi32, #tpu.memory_space<hbm>> -> memref<32768x256xi32, #tpu.memory_space<hbm>>
    tpu.enqueue_indirect_dma source(%dma_start3A_259 : memref<32768x256xi32, #tpu.memory_space<hbm>>) target(%arg7 : memref<128x256xi32, #tpu.memory_space<vmem>>) offsets(%dma_start3A_256 : memref<128xi32, #tpu.memory_space<vmem>>) semaphore(%arg9 : memref<!tpu.dma_semaphore, #tpu.memory_space<semaphore_mem>>)
    %dma_wait3A_260 = arith.constant 1664 : i32
    %dma_wait3A_261 = tpu.memref_slice %arg5[%dma_wait3A_260] : memref<2048xi32, #tpu.memory_space<vmem>> -> memref<128xi32, #tpu.memory_space<vmem>>
    %dma_wait3A_262 = arith.constant 0 : i32
    %dma_wait3A_263 = arith.constant 0 : i32
    %dma_wait3A_264 = tpu.memref_slice %arg2[%dma_wait3A_262, %dma_wait3A_263] : memref<32768x256xi32, #tpu.memory_space<hbm>> -> memref<32768x256xi32, #tpu.memory_space<hbm>>
    tpu.wait_indirect_dma semaphore(%arg9 : memref<!tpu.dma_semaphore, #tpu.memory_space<semaphore_mem>>) src(%dma_wait3A_264 : memref<32768x256xi32, #tpu.memory_space<hbm>>) dst(%arg7 : memref<128x256xi32, #tpu.memory_space<vmem>>)
    %dma_start3A_265 = arith.constant 0 : i32
    %dma_start3A_266 = tpu.memref_slice %arg4[%add3A_254, %dma_start3A_265] : memref<65536x256xi32, #tpu.memory_space<hbm>> -> memref<128x256xi32, #tpu.memory_space<hbm>>
    %dma_start3A_267 = arith.constant 0 : i32
    %dma_start3A_268 = tpu.memref_slice %arg4[%add3A_254, %dma_start3A_267] : memref<65536x256xi32, #tpu.memory_space<hbm>> -> memref<128x256xi32, #tpu.memory_space<hbm>>
    tpu.enqueue_dma source(%arg7 : memref<128x256xi32, #tpu.memory_space<vmem>>) target(%dma_start3A_268 : memref<128x256xi32, #tpu.memory_space<hbm>>) target_semaphore(%arg11 : memref<!tpu.dma_semaphore, #tpu.memory_space<semaphore_mem>>)
    %dma_wait3A_269 = arith.constant 0 : i32
    %dma_wait3A_270 = tpu.memref_slice %arg4[%add3A_214, %dma_wait3A_269] : memref<65536x256xi32, #tpu.memory_space<hbm>> -> memref<128x256xi32, #tpu.memory_space<hbm>>
    %dma_wait3A_271 = arith.constant 0 : i32
    %dma_wait3A_272 = tpu.memref_slice %arg4[%add3A_214, %dma_wait3A_271] : memref<65536x256xi32, #tpu.memory_space<hbm>> -> memref<128x256xi32, #tpu.memory_space<hbm>>
    tpu.wait_dma2 semaphore(%arg12 : memref<!tpu.dma_semaphore, #tpu.memory_space<semaphore_mem>>) src(%arg8 : memref<128x256xi32, #tpu.memory_space<vmem>>) dst(%dma_wait3A_272 : memref<128x256xi32, #tpu.memory_space<hbm>>)
    %add3A_273 = arith.constant 1792 : i32
    %add3A_274 = arith.addi %mul3A_2, %add3A_273 : i32
    %dma_start3A_275 = arith.constant 1792 : i32
    %dma_start3A_276 = tpu.memref_slice %arg5[%dma_start3A_275] : memref<2048xi32, #tpu.memory_space<vmem>> -> memref<128xi32, #tpu.memory_space<vmem>>
    %dma_start3A_277 = arith.constant 0 : i32
    %dma_start3A_278 = arith.constant 0 : i32
    %dma_start3A_279 = tpu.memref_slice %arg2[%dma_start3A_277, %dma_start3A_278] : memref<32768x256xi32, #tpu.memory_space<hbm>> -> memref<32768x256xi32, #tpu.memory_space<hbm>>
    tpu.enqueue_indirect_dma source(%dma_start3A_279 : memref<32768x256xi32, #tpu.memory_space<hbm>>) target(%arg8 : memref<128x256xi32, #tpu.memory_space<vmem>>) offsets(%dma_start3A_276 : memref<128xi32, #tpu.memory_space<vmem>>) semaphore(%arg9 : memref<!tpu.dma_semaphore, #tpu.memory_space<semaphore_mem>>)
    %dma_wait3A_280 = arith.constant 1792 : i32
    %dma_wait3A_281 = tpu.memref_slice %arg5[%dma_wait3A_280] : memref<2048xi32, #tpu.memory_space<vmem>> -> memref<128xi32, #tpu.memory_space<vmem>>
    %dma_wait3A_282 = arith.constant 0 : i32
    %dma_wait3A_283 = arith.constant 0 : i32
    %dma_wait3A_284 = tpu.memref_slice %arg2[%dma_wait3A_282, %dma_wait3A_283] : memref<32768x256xi32, #tpu.memory_space<hbm>> -> memref<32768x256xi32, #tpu.memory_space<hbm>>
    tpu.wait_indirect_dma semaphore(%arg9 : memref<!tpu.dma_semaphore, #tpu.memory_space<semaphore_mem>>) src(%dma_wait3A_284 : memref<32768x256xi32, #tpu.memory_space<hbm>>) dst(%arg8 : memref<128x256xi32, #tpu.memory_space<vmem>>)
    %dma_start3A_285 = arith.constant 0 : i32
    %dma_start3A_286 = tpu.memref_slice %arg4[%add3A_274, %dma_start3A_285] : memref<65536x256xi32, #tpu.memory_space<hbm>> -> memref<128x256xi32, #tpu.memory_space<hbm>>
    %dma_start3A_287 = arith.constant 0 : i32
    %dma_start3A_288 = tpu.memref_slice %arg4[%add3A_274, %dma_start3A_287] : memref<65536x256xi32, #tpu.memory_space<hbm>> -> memref<128x256xi32, #tpu.memory_space<hbm>>
    tpu.enqueue_dma source(%arg8 : memref<128x256xi32, #tpu.memory_space<vmem>>) target(%dma_start3A_288 : memref<128x256xi32, #tpu.memory_space<hbm>>) target_semaphore(%arg12 : memref<!tpu.dma_semaphore, #tpu.memory_space<semaphore_mem>>)
    %dma_wait3A_289 = arith.constant 0 : i32
    %dma_wait3A_290 = tpu.memref_slice %arg4[%add3A_234, %dma_wait3A_289] : memref<65536x256xi32, #tpu.memory_space<hbm>> -> memref<128x256xi32, #tpu.memory_space<hbm>>
    %dma_wait3A_291 = arith.constant 0 : i32
    %dma_wait3A_292 = tpu.memref_slice %arg4[%add3A_234, %dma_wait3A_291] : memref<65536x256xi32, #tpu.memory_space<hbm>> -> memref<128x256xi32, #tpu.memory_space<hbm>>
    tpu.wait_dma2 semaphore(%arg10 : memref<!tpu.dma_semaphore, #tpu.memory_space<semaphore_mem>>) src(%arg6 : memref<128x256xi32, #tpu.memory_space<vmem>>) dst(%dma_wait3A_292 : memref<128x256xi32, #tpu.memory_space<hbm>>)
    %add3A_293 = arith.constant 1920 : i32
    %add3A_294 = arith.addi %mul3A_2, %add3A_293 : i32
    %dma_start3A_295 = arith.constant 1920 : i32
    %dma_start3A_296 = tpu.memref_slice %arg5[%dma_start3A_295] : memref<2048xi32, #tpu.memory_space<vmem>> -> memref<128xi32, #tpu.memory_space<vmem>>
    %dma_start3A_297 = arith.constant 0 : i32
    %dma_start3A_298 = arith.constant 0 : i32
    %dma_start3A_299 = tpu.memref_slice %arg2[%dma_start3A_297, %dma_start3A_298] : memref<32768x256xi32, #tpu.memory_space<hbm>> -> memref<32768x256xi32, #tpu.memory_space<hbm>>
    tpu.enqueue_indirect_dma source(%dma_start3A_299 : memref<32768x256xi32, #tpu.memory_space<hbm>>) target(%arg6 : memref<128x256xi32, #tpu.memory_space<vmem>>) offsets(%dma_start3A_296 : memref<128xi32, #tpu.memory_space<vmem>>) semaphore(%arg9 : memref<!tpu.dma_semaphore, #tpu.memory_space<semaphore_mem>>)
    %dma_wait3A_300 = arith.constant 1920 : i32
    %dma_wait3A_301 = tpu.memref_slice %arg5[%dma_wait3A_300] : memref<2048xi32, #tpu.memory_space<vmem>> -> memref<128xi32, #tpu.memory_space<vmem>>
    %dma_wait3A_302 = arith.constant 0 : i32
    %dma_wait3A_303 = arith.constant 0 : i32
    %dma_wait3A_304 = tpu.memref_slice %arg2[%dma_wait3A_302, %dma_wait3A_303] : memref<32768x256xi32, #tpu.memory_space<hbm>> -> memref<32768x256xi32, #tpu.memory_space<hbm>>
    tpu.wait_indirect_dma semaphore(%arg9 : memref<!tpu.dma_semaphore, #tpu.memory_space<semaphore_mem>>) src(%dma_wait3A_304 : memref<32768x256xi32, #tpu.memory_space<hbm>>) dst(%arg6 : memref<128x256xi32, #tpu.memory_space<vmem>>)
    %dma_start3A_305 = arith.constant 0 : i32
    %dma_start3A_306 = tpu.memref_slice %arg4[%add3A_294, %dma_start3A_305] : memref<65536x256xi32, #tpu.memory_space<hbm>> -> memref<128x256xi32, #tpu.memory_space<hbm>>
    %dma_start3A_307 = arith.constant 0 : i32
    %dma_start3A_308 = tpu.memref_slice %arg4[%add3A_294, %dma_start3A_307] : memref<65536x256xi32, #tpu.memory_space<hbm>> -> memref<128x256xi32, #tpu.memory_space<hbm>>
    tpu.enqueue_dma source(%arg6 : memref<128x256xi32, #tpu.memory_space<vmem>>) target(%dma_start3A_308 : memref<128x256xi32, #tpu.memory_space<hbm>>) target_semaphore(%arg10 : memref<!tpu.dma_semaphore, #tpu.memory_space<semaphore_mem>>)
    %dma_wait3A_309 = arith.constant 0 : i32
    %dma_wait3A_310 = tpu.memref_slice %arg4[%add3A_294, %dma_wait3A_309] : memref<65536x256xi32, #tpu.memory_space<hbm>> -> memref<128x256xi32, #tpu.memory_space<hbm>>
    %dma_wait3A_311 = arith.constant 0 : i32
    %dma_wait3A_312 = tpu.memref_slice %arg4[%add3A_294, %dma_wait3A_311] : memref<65536x256xi32, #tpu.memory_space<hbm>> -> memref<128x256xi32, #tpu.memory_space<hbm>>
    tpu.wait_dma2 semaphore(%arg10 : memref<!tpu.dma_semaphore, #tpu.memory_space<semaphore_mem>>) src(%arg6 : memref<128x256xi32, #tpu.memory_space<vmem>>) dst(%dma_wait3A_312 : memref<128x256xi32, #tpu.memory_space<hbm>>)
    %dma_wait3A_313 = arith.constant 0 : i32
    %dma_wait3A_314 = tpu.memref_slice %arg4[%add3A_254, %dma_wait3A_313] : memref<65536x256xi32, #tpu.memory_space<hbm>> -> memref<128x256xi32, #tpu.memory_space<hbm>>
    %dma_wait3A_315 = arith.constant 0 : i32
    %dma_wait3A_316 = tpu.memref_slice %arg4[%add3A_254, %dma_wait3A_315] : memref<65536x256xi32, #tpu.memory_space<hbm>> -> memref<128x256xi32, #tpu.memory_space<hbm>>
    tpu.wait_dma2 semaphore(%arg11 : memref<!tpu.dma_semaphore, #tpu.memory_space<semaphore_mem>>) src(%arg7 : memref<128x256xi32, #tpu.memory_space<vmem>>) dst(%dma_wait3A_316 : memref<128x256xi32, #tpu.memory_space<hbm>>)
    %dma_wait3A_317 = arith.constant 0 : i32
    %dma_wait3A_318 = tpu.memref_slice %arg4[%add3A_274, %dma_wait3A_317] : memref<65536x256xi32, #tpu.memory_space<hbm>> -> memref<128x256xi32, #tpu.memory_space<hbm>>
    %dma_wait3A_319 = arith.constant 0 : i32
    %dma_wait3A_320 = tpu.memref_slice %arg4[%add3A_274, %dma_wait3A_319] : memref<65536x256xi32, #tpu.memory_space<hbm>> -> memref<128x256xi32, #tpu.memory_space<hbm>>
    tpu.wait_dma2 semaphore(%arg12 : memref<!tpu.dma_semaphore, #tpu.memory_space<semaphore_mem>>) src(%arg8 : memref<128x256xi32, #tpu.memory_space<vmem>>) dst(%dma_wait3A_320 : memref<128x256xi32, #tpu.memory_space<hbm>>)
    return
  }
}

module attributes {stable_mosaic.version = 14 : i64} {
  func.func @_kproj_body(%arg0: i32, %arg1: memref<512x512xf32, #tpu.memory_space<vmem>>, %arg2: memref<512x512xf32, #tpu.memory_space<vmem>>, %arg3: memref<512x256xf32, #tpu.memory_space<vmem>>, %arg4: memref<512x256xf32, #tpu.memory_space<vmem>>, %arg5: memref<512x256xf32, #tpu.memory_space<vmem>>, %arg6: memref<512x256xf32, #tpu.memory_space<vmem>>, %arg7: memref<512x256xi32, #tpu.memory_space<vmem>>) attributes {dimension_semantics = [#tpu.dimension_semantics<arbitrary>], iteration_bounds = array<i64: 64>, scalar_prefetch = 0 : i64, scratch_operands = 0 : i64, tpu.core_type = #tpu.core_type<tc>, window_params = [{transform_indices = @transform_0, window_bounds = array<i64: 512, 512>}, {transform_indices = @transform_1, window_bounds = array<i64: 512, 512>}, {pipeline_mode = #tpu.pipeline_mode<synchronous>, transform_indices = @transform_2, window_bounds = array<i64: 512, 256>}, {pipeline_mode = #tpu.pipeline_mode<synchronous>, transform_indices = @transform_3, window_bounds = array<i64: 512, 256>}, {pipeline_mode = #tpu.pipeline_mode<synchronous>, transform_indices = @transform_4, window_bounds = array<i64: 512, 256>}, {pipeline_mode = #tpu.pipeline_mode<synchronous>, transform_indices = @transform_5, window_bounds = array<i64: 512, 256>}, {transform_indices = @transform_6, window_bounds = array<i64: 512, 256>}]} {
    %get3A = arith.constant 0 : index
    %get3A_0 = arith.constant 0 : index
    %get3A_1 = vector.load %arg1[%get3A, %get3A_0] : memref<512x512xf32, #tpu.memory_space<vmem>>, vector<512x512xf32>
    %convert_element_type3A = arith.truncf %get3A_1 : vector<512x512xf32> to vector<512x512xbf16>
    %get3A_2 = arith.constant 0 : index
    %get3A_3 = arith.constant 0 : index
    %get3A_4 = vector.load %arg2[%get3A_2, %get3A_3] : memref<512x512xf32, #tpu.memory_space<vmem>>, vector<512x512xf32>
    %convert_element_type3A_5 = arith.truncf %get3A_4 : vector<512x512xf32> to vector<512x512xbf16>
    %get3A_6 = arith.constant 0 : index
    %get3A_7 = arith.constant 0 : index
    %get3A_8 = vector.load %arg3[%get3A_6, %get3A_7] : memref<512x256xf32, #tpu.memory_space<vmem>>, vector<512x256xf32>
    %convert_element_type3A_9 = arith.truncf %get3A_8 : vector<512x256xf32> to vector<512x256xbf16>
    %dot_general3A = arith.constant dense<0.000000e+00> : vector<512x256xf32>
    %dot_general3A_10 = tpu.matmul %convert_element_type3A, %convert_element_type3A_9, %dot_general3A {dimension_numbers = #tpu.dot_dimension_numbers<[1], [0], [0], [1], [0, 0, 1, 1], [], []>, transpose_lhs_hint = false} : vector<512x512xbf16>, vector<512x256xbf16>, vector<512x256xf32> -> vector<512x256xf32>
    %get3A_11 = arith.constant 0 : index
    %get3A_12 = arith.constant 0 : index
    %get3A_13 = vector.load %arg5[%get3A_11, %get3A_12] : memref<512x256xf32, #tpu.memory_space<vmem>>, vector<512x256xf32>
    %convert_element_type3A_14 = arith.truncf %get3A_13 : vector<512x256xf32> to vector<512x256xbf16>
    %dot_general3A_15 = arith.constant dense<0.000000e+00> : vector<512x256xf32>
    %dot_general3A_16 = tpu.matmul %convert_element_type3A_5, %convert_element_type3A_14, %dot_general3A_15 {dimension_numbers = #tpu.dot_dimension_numbers<[1], [0], [0], [1], [0, 0, 1, 1], [], []>, transpose_lhs_hint = false} : vector<512x512xbf16>, vector<512x256xbf16>, vector<512x256xf32> -> vector<512x256xf32>
    %add3A = arith.addf %dot_general3A_10, %dot_general3A_16 : vector<512x256xf32>
    %get3A_17 = arith.constant 0 : index
    %get3A_18 = arith.constant 0 : index
    %get3A_19 = vector.load %arg4[%get3A_17, %get3A_18] : memref<512x256xf32, #tpu.memory_space<vmem>>, vector<512x256xf32>
    %convert_element_type3A_20 = arith.truncf %get3A_19 : vector<512x256xf32> to vector<512x256xbf16>
    %dot_general3A_21 = arith.constant dense<0.000000e+00> : vector<512x256xf32>
    %dot_general3A_22 = tpu.matmul %convert_element_type3A, %convert_element_type3A_20, %dot_general3A_21 {dimension_numbers = #tpu.dot_dimension_numbers<[1], [0], [0], [1], [0, 0, 1, 1], [], []>, transpose_lhs_hint = false} : vector<512x512xbf16>, vector<512x256xbf16>, vector<512x256xf32> -> vector<512x256xf32>
    %get3A_23 = arith.constant 0 : index
    %get3A_24 = arith.constant 0 : index
    %get3A_25 = vector.load %arg6[%get3A_23, %get3A_24] : memref<512x256xf32, #tpu.memory_space<vmem>>, vector<512x256xf32>
    %convert_element_type3A_26 = arith.truncf %get3A_25 : vector<512x256xf32> to vector<512x256xbf16>
    %dot_general3A_27 = arith.constant dense<0.000000e+00> : vector<512x256xf32>
    %dot_general3A_28 = tpu.matmul %convert_element_type3A_5, %convert_element_type3A_26, %dot_general3A_27 {dimension_numbers = #tpu.dot_dimension_numbers<[1], [0], [0], [1], [0, 0, 1, 1], [], []>, transpose_lhs_hint = false} : vector<512x512xbf16>, vector<512x256xbf16>, vector<512x256xf32> -> vector<512x256xf32>
    %add3A_29 = arith.addf %dot_general3A_22, %dot_general3A_28 : vector<512x256xf32>
    %convert_element_type3A_30 = arith.truncf %add3A : vector<512x256xf32> to vector<512x256xbf16>
    %bitcast_convert_type3A = tpu.bitcast %convert_element_type3A_30 : vector<512x256xbf16> -> vector<512x256xi16>
    %convert_element_type3A_31 = arith.extui %bitcast_convert_type3A : vector<512x256xi16> to vector<512x256xi32>
    %convert_element_type3A_32 = arith.truncf %add3A_29 : vector<512x256xf32> to vector<512x256xbf16>
    %bitcast_convert_type3A_33 = tpu.bitcast %convert_element_type3A_32 : vector<512x256xbf16> -> vector<512x256xi16>
    %convert_element_type3A_34 = arith.extui %bitcast_convert_type3A_33 : vector<512x256xi16> to vector<512x256xi32>
    %shift_left3A = arith.constant 16 : i32
    %shift_left3A_35 = vector.broadcast %shift_left3A : i32 to vector<512x256xi32>
    %shift_left3A_36 = arith.shli %convert_element_type3A_34, %shift_left3A_35 : vector<512x256xi32>
    %or3A = arith.ori %shift_left3A_36, %convert_element_type3A_31 : vector<512x256xi32>
    %swap3A = arith.constant 0 : index
    %swap3A_37 = arith.constant 0 : index
    %swap3A_38 = vector.load %arg7[%swap3A, %swap3A_37] : memref<512x256xi32, #tpu.memory_space<vmem>>, vector<512x256xi32>
    tpu.vector_store %arg7[%swap3A, %swap3A_37], %or3A {strides = array<i32>} : memref<512x256xi32, #tpu.memory_space<vmem>>, vector<512x256xi32>,
    return
  }
  func.func @transform_0(%arg0: i32) -> (i32, i32) {
    %c0_i32 = arith.constant 0 : i32
    %c0_i32_0 = arith.constant 0 : i32
    return %arg0, %c0_i32 : i32, i32
  }
  func.func @transform_1(%arg0: i32) -> (i32, i32) {
    %c0_i32 = arith.constant 0 : i32
    %c0_i32_0 = arith.constant 0 : i32
    return %arg0, %c0_i32 : i32, i32
  }
  func.func @transform_2(%arg0: i32) -> (i32, i32) {
    %c0_i32 = arith.constant 0 : i32
    %c0_i32_0 = arith.constant 0 : i32
    %c0_i32_1 = arith.constant 0 : i32
    return %c0_i32, %c0_i32_0 : i32, i32
  }
  func.func @transform_3(%arg0: i32) -> (i32, i32) {
    %c0_i32 = arith.constant 0 : i32
    %c0_i32_0 = arith.constant 0 : i32
    %c0_i32_1 = arith.constant 0 : i32
    return %c0_i32, %c0_i32_0 : i32, i32
  }
  func.func @transform_4(%arg0: i32) -> (i32, i32) {
    %c0_i32 = arith.constant 0 : i32
    %c0_i32_0 = arith.constant 0 : i32
    %c0_i32_1 = arith.constant 0 : i32
    return %c0_i32, %c0_i32_0 : i32, i32
  }
  func.func @transform_5(%arg0: i32) -> (i32, i32) {
    %c0_i32 = arith.constant 0 : i32
    %c0_i32_0 = arith.constant 0 : i32
    %c0_i32_1 = arith.constant 0 : i32
    return %c0_i32, %c0_i32_0 : i32, i32
  }
  func.func @transform_6(%arg0: i32) -> (i32, i32) {
    %c0_i32 = arith.constant 0 : i32
    %c0_i32_0 = arith.constant 0 : i32
    return %arg0, %c0_i32 : i32, i32
  }
}

module attributes {stable_mosaic.version = 14 : i64} {
  func.func @_attn_body(%arg0: i32, %arg1: memref<256x32x256xi32, #tpu.memory_space<vmem>>, %arg2: memref<256x512xf32, #tpu.memory_space<vmem>>, %arg3: memref<512x256xf32, #tpu.memory_space<vmem>>, %arg4: memref<512x256xf32, #tpu.memory_space<vmem>>, %arg5: memref<256x32xf32, #tpu.memory_space<vmem>>, %arg6: memref<256x32xi32, #tpu.memory_space<vmem>>, %arg7: memref<256x1xi32, #tpu.memory_space<vmem>>, %arg8: memref<256x1xi32, #tpu.memory_space<vmem>>, %arg9: memref<256x1xi32, #tpu.memory_space<vmem>>, %arg10: memref<256x1xf32, #tpu.memory_space<vmem>>) attributes {dimension_semantics = [#tpu.dimension_semantics<arbitrary>], iteration_bounds = array<i64: 8>, scalar_prefetch = 0 : i64, scratch_operands = 0 : i64, tpu.core_type = #tpu.core_type<tc>, window_params = [{transform_indices = @transform_0, window_bounds = array<i64: 256, 32, 256>}, {transform_indices = @transform_1, window_bounds = array<i64: 256, 512>}, {pipeline_mode = #tpu.pipeline_mode<synchronous>, transform_indices = @transform_2, window_bounds = array<i64: 512, 256>}, {pipeline_mode = #tpu.pipeline_mode<synchronous>, transform_indices = @transform_3, window_bounds = array<i64: 512, 256>}, {transform_indices = @transform_4, window_bounds = array<i64: 256, 32>}, {transform_indices = @transform_5, window_bounds = array<i64: 256, 32>}, {transform_indices = @transform_6, window_bounds = array<i64: 256, 1>}, {transform_indices = @transform_7, window_bounds = array<i64: 256, 1>}, {transform_indices = @transform_8, window_bounds = array<i64: 256, 1>}, {transform_indices = @transform_9, window_bounds = array<i64: 256, 1>}]} {
    %get3A = arith.constant 0 : index
    %get3A_0 = arith.constant 0 : index
    %get3A_1 = vector.load %arg2[%get3A, %get3A_0] : memref<256x512xf32, #tpu.memory_space<vmem>>, vector<256x512xf32>
    %convert_element_type3A = arith.truncf %get3A_1 : vector<256x512xf32> to vector<256x512xbf16>
    %get3A_2 = arith.constant 0 : index
    %get3A_3 = arith.constant 0 : index
    %get3A_4 = vector.load %arg3[%get3A_2, %get3A_3] : memref<512x256xf32, #tpu.memory_space<vmem>>, vector<512x256xf32>
    %convert_element_type3A_5 = arith.truncf %get3A_4 : vector<512x256xf32> to vector<512x256xbf16>
    %dot_general3A = arith.constant dense<0.000000e+00> : vector<256x256xf32>
    %dot_general3A_6 = tpu.matmul %convert_element_type3A, %convert_element_type3A_5, %dot_general3A {dimension_numbers = #tpu.dot_dimension_numbers<[1], [0], [0], [1], [0, 0, 1, 1], [], []>, transpose_lhs_hint = false} : vector<256x512xbf16>, vector<512x256xbf16>, vector<256x256xf32> -> vector<256x256xf32>
    %get3A_7 = arith.constant 0 : index
    %get3A_8 = arith.constant 0 : index
    %get3A_9 = vector.load %arg4[%get3A_7, %get3A_8] : memref<512x256xf32, #tpu.memory_space<vmem>>, vector<512x256xf32>
    %convert_element_type3A_10 = arith.truncf %get3A_9 : vector<512x256xf32> to vector<512x256xbf16>
    %dot_general3A_11 = arith.constant dense<0.000000e+00> : vector<256x256xf32>
    %dot_general3A_12 = tpu.matmul %convert_element_type3A, %convert_element_type3A_10, %dot_general3A_11 {dimension_numbers = #tpu.dot_dimension_numbers<[1], [0], [0], [1], [0, 0, 1, 1], [], []>, transpose_lhs_hint = false} : vector<256x512xbf16>, vector<512x256xbf16>, vector<256x256xf32> -> vector<256x256xf32>
    %get3A_13 = arith.constant 0 : index
    %get3A_14 = arith.constant 0 : index
    %get3A_15 = arith.constant 0 : index
    %get3A_16 = vector.load %arg1[%get3A_13, %get3A_14, %get3A_15] : memref<256x32x256xi32, #tpu.memory_space<vmem>>, vector<256x32x256xi32>
    %and3A = arith.constant 65535 : i32
    %and3A_17 = vector.broadcast %and3A : i32 to vector<256x32x256xi32>
    %and3A_18 = arith.andi %get3A_16, %and3A_17 : vector<256x32x256xi32>
    %convert_element_type3A_19 = arith.trunci %and3A_18 : vector<256x32x256xi32> to vector<256x32x256xi16>
    %bitcast_convert_type3A = tpu.bitcast %convert_element_type3A_19 : vector<256x32x256xi16> -> vector<256x32x256xbf16>
    %convert_element_type3A_20 = arith.extf %bitcast_convert_type3A : vector<256x32x256xbf16> to vector<256x32x256xf32>
    %shift_right_logical3A = arith.constant 16 : i32
    %shift_right_logical3A_21 = vector.broadcast %shift_right_logical3A : i32 to vector<256x32x256xi32>
    %shift_right_logical3A_22 = arith.shrui %get3A_16, %shift_right_logical3A_21 : vector<256x32x256xi32>
    %convert_element_type3A_23 = arith.trunci %shift_right_logical3A_22 : vector<256x32x256xi32> to vector<256x32x256xi16>
    %bitcast_convert_type3A_24 = tpu.bitcast %convert_element_type3A_23 : vector<256x32x256xi16> -> vector<256x32x256xbf16>
    %convert_element_type3A_25 = arith.extf %bitcast_convert_type3A_24 : vector<256x32x256xbf16> to vector<256x32x256xf32>
    %convert_element_type3A_26 = arith.truncf %dot_general3A_6 : vector<256x256xf32> to vector<256x256xbf16>
    %convert_element_type3A_27 = arith.extf %convert_element_type3A_26 : vector<256x256xbf16> to vector<256x256xf32>
    %convert_element_type3A_28 = arith.truncf %dot_general3A_12 : vector<256x256xf32> to vector<256x256xbf16>
    %convert_element_type3A_29 = arith.extf %convert_element_type3A_28 : vector<256x256xbf16> to vector<256x256xf32>
    %broadcast_in_dim3A = vector.shape_cast %convert_element_type3A_27 : vector<256x256xf32> to vector<256x1x256xf32>
    %mul3A = vector.broadcast %broadcast_in_dim3A : vector<256x1x256xf32> to vector<256x32x256xf32>
    %mul3A_30 = arith.mulf %convert_element_type3A_20, %mul3A : vector<256x32x256xf32>
    %reduce_sum3A = arith.constant dense<0.000000e+00> : vector<256x32xf32>
    %reduce_sum3A_31 = vector.multi_reduction <add>, %mul3A_30, %reduce_sum3A [2] : vector<256x32x256xf32> to vector<256x32xf32>
    %broadcast_in_dim3A_32 = vector.shape_cast %convert_element_type3A_29 : vector<256x256xf32> to vector<256x1x256xf32>
    %mul3A_33 = vector.broadcast %broadcast_in_dim3A_32 : vector<256x1x256xf32> to vector<256x32x256xf32>
    %mul3A_34 = arith.mulf %convert_element_type3A_25, %mul3A_33 : vector<256x32x256xf32>
    %reduce_sum3A_35 = arith.constant dense<0.000000e+00> : vector<256x32xf32>
    %reduce_sum3A_36 = vector.multi_reduction <add>, %mul3A_34, %reduce_sum3A_35 [2] : vector<256x32x256xf32> to vector<256x32xf32>
    %add3A = arith.addf %reduce_sum3A_31, %reduce_sum3A_36 : vector<256x32xf32>
    %div3A = arith.constant 22.6274166 : f32
    %div3A_37 = vector.broadcast %div3A : f32 to vector<256x32xf32>
    %div3A_38 = arith.divf %add3A, %div3A_37 : vector<256x32xf32>
    %get3A_39 = arith.constant 0 : index
    %get3A_40 = arith.constant 0 : index
    %get3A_41 = vector.load %arg7[%get3A_39, %get3A_40] : memref<256x1xi32, #tpu.memory_space<vmem>>, vector<256x1xi32>
    %iota3A = tpu.iota {dimensions = array<i32: 1>} : vector<256x32xi32>
    %lt3A = vector.broadcast %get3A_41 : vector<256x1xi32> to vector<256x32xi32>
    %lt3A_42 = arith.cmpi slt, %iota3A, %lt3A : vector<256x32xi32>
    %jit3A = arith.constant -1.000000e+09 : f32
    %broadcast_in_dim3A_43 = vector.broadcast %jit3A : f32 to vector<256x32xf32>
    %select_n3A = arith.select %lt3A_42, %div3A_38, %broadcast_in_dim3A_43 : vector<256x32xi1>, vector<256x32xf32>
    %get3A_44 = arith.constant 0 : index
    %get3A_45 = arith.constant 0 : index
    %get3A_46 = vector.load %arg5[%get3A_44, %get3A_45] : memref<256x32xf32, #tpu.memory_space<vmem>>, vector<256x32xf32>
    %add3A_47 = arith.addf %select_n3A, %get3A_46 : vector<256x32xf32>
    %argmax3A = tpu.reduce_index %add3A_47 {axis = 1 : i32, kind = #tpu.reduction_kind<arg_max>} : vector<256x32xf32> -> vector<256xi32>
    %reduce_max3A = arith.constant dense<0xFF800000> : vector<256xf32>
    %reduce_max3A_48 = vector.multi_reduction <maximumf>, %select_n3A, %reduce_max3A [1] : vector<256x32xf32> to vector<256xf32>
    %broadcast_in_dim3A_49 = vector.shape_cast %reduce_max3A_48 : vector<256xf32> to vector<256x1xf32>
    %sub3A = vector.broadcast %broadcast_in_dim3A_49 : vector<256x1xf32> to vector<256x32xf32>
    %sub3A_50 = arith.subf %select_n3A, %sub3A : vector<256x32xf32>
    %exp3A = math.exp %sub3A_50 : vector<256x32xf32>
    %reduce_sum3A_51 = arith.constant dense<0.000000e+00> : vector<256xf32>
    %reduce_sum3A_52 = vector.multi_reduction <add>, %exp3A, %reduce_sum3A_51 [1] : vector<256x32xf32> to vector<256xf32>
    %broadcast_in_dim3A_53 = vector.shape_cast %reduce_sum3A_52 : vector<256xf32> to vector<256x1xf32>
    %log3A = math.log %broadcast_in_dim3A_53 : vector<256x1xf32>
    %sub3A_54 = vector.broadcast %log3A : vector<256x1xf32> to vector<256x32xf32>
    %sub3A_55 = arith.subf %sub3A_50, %sub3A_54 : vector<256x32xf32>
    %broadcast_in_dim3A_56 = vector.shape_cast %argmax3A : vector<256xi32> to vector<256x1xi32>
    %eq3A = vector.broadcast %broadcast_in_dim3A_56 : vector<256x1xi32> to vector<256x32xi32>
    %eq3A_57 = arith.cmpi eq, %iota3A, %eq3A : vector<256x32xi32>
    %jit3A_58 = arith.constant 0.000000e+00 : f32
    %broadcast_in_dim3A_59 = vector.broadcast %jit3A_58 : f32 to vector<256x32xf32>
    %select_n3A_60 = arith.select %eq3A_57, %sub3A_55, %broadcast_in_dim3A_59 : vector<256x32xi1>, vector<256x32xf32>
    %reduce_sum3A_61 = arith.constant dense<0.000000e+00> : vector<256xf32>
    %reduce_sum3A_62 = vector.multi_reduction <add>, %select_n3A_60, %reduce_sum3A_61 [1] : vector<256x32xf32> to vector<256xf32>
    %get3A_63 = arith.constant 0 : index
    %get3A_64 = arith.constant 0 : index
    %get3A_65 = vector.load %arg6[%get3A_63, %get3A_64] : memref<256x32xi32, #tpu.memory_space<vmem>>, vector<256x32xi32>
    %jit3A_66 = arith.constant 0 : i32
    %broadcast_in_dim3A_67 = vector.broadcast %jit3A_66 : i32 to vector<256x32xi32>
    %select_n3A_68 = arith.select %eq3A_57, %get3A_65, %broadcast_in_dim3A_67 : vector<256x32xi1>, vector<256x32xi32>
    %reduce_sum3A_69 = arith.constant dense<0> : vector<256xi32>
    %reduce_sum3A_70 = vector.multi_reduction <add>, %select_n3A_68, %reduce_sum3A_69 [1] : vector<256x32xi32> to vector<256xi32>
    %squeeze3A = vector.shape_cast %get3A_41 : vector<256x1xi32> to vector<256xi32>
    %eq3A_71 = arith.constant 0 : i32
    %eq3A_72 = vector.broadcast %eq3A_71 : i32 to vector<256xi32>
    %eq3A_73 = arith.cmpi eq, %squeeze3A, %eq3A_72 : vector<256xi32>
    %get3A_74 = arith.constant 0 : index
    %get3A_75 = arith.constant 0 : index
    %get3A_76 = vector.load %arg8[%get3A_74, %get3A_75] : memref<256x1xi32, #tpu.memory_space<vmem>>, vector<256x1xi32>
    %squeeze3A_77 = vector.shape_cast %get3A_76 : vector<256x1xi32> to vector<256xi32>
    %select_n3A_78 = arith.select %eq3A_73, %squeeze3A_77, %reduce_sum3A_70 : vector<256xi1>, vector<256xi32>
    %broadcast_in_dim3A_79 = vector.shape_cast %select_n3A_78 : vector<256xi32> to vector<256x1xi32>
    %swap3A = arith.constant 0 : index
    %swap3A_80 = arith.constant 0 : index
    %swap3A_81 = vector.load %arg9[%swap3A, %swap3A_80] : memref<256x1xi32, #tpu.memory_space<vmem>>, vector<256x1xi32>
    tpu.vector_store %arg9[%swap3A, %swap3A_80], %broadcast_in_dim3A_79 {strides = array<i32>} : memref<256x1xi32, #tpu.memory_space<vmem>>, vector<256x1xi32>,
    %jit3A_82 = arith.constant 0.000000e+00 : f32
    %broadcast_in_dim3A_83 = vector.broadcast %jit3A_82 : f32 to vector<256xf32>
    %select_n3A_84 = arith.select %eq3A_73, %broadcast_in_dim3A_83, %reduce_sum3A_62 : vector<256xi1>, vector<256xf32>
    %broadcast_in_dim3A_85 = vector.shape_cast %select_n3A_84 : vector<256xf32> to vector<256x1xf32>
    %swap3A_86 = arith.constant 0 : index
    %swap3A_87 = arith.constant 0 : index
    %swap3A_88 = vector.load %arg10[%swap3A_86, %swap3A_87] : memref<256x1xf32, #tpu.memory_space<vmem>>, vector<256x1xf32>
    tpu.vector_store %arg10[%swap3A_86, %swap3A_87], %broadcast_in_dim3A_85 {strides = array<i32>} : memref<256x1xf32, #tpu.memory_space<vmem>>, vector<256x1xf32>,
    return
  }
  func.func @transform_0(%arg0: i32) -> (i32, i32, i32) {
    %c0_i32 = arith.constant 0 : i32
    %c0_i32_0 = arith.constant 0 : i32
    %c0_i32_1 = arith.constant 0 : i32
    return %arg0, %c0_i32, %c0_i32_0 : i32, i32, i32
  }
  func.func @transform_1(%arg0: i32) -> (i32, i32) {
    %c0_i32 = arith.constant 0 : i32
    %c0_i32_0 = arith.constant 0 : i32
    return %arg0, %c0_i32 : i32, i32
  }
  func.func @transform_2(%arg0: i32) -> (i32, i32) {
    %c0_i32 = arith.constant 0 : i32
    %c0_i32_0 = arith.constant 0 : i32
    %c0_i32_1 = arith.constant 0 : i32
    return %c0_i32, %c0_i32_0 : i32, i32
  }
  func.func @transform_3(%arg0: i32) -> (i32, i32) {
    %c0_i32 = arith.constant 0 : i32
    %c0_i32_0 = arith.constant 0 : i32
    %c0_i32_1 = arith.constant 0 : i32
    return %c0_i32, %c0_i32_0 : i32, i32
  }
  func.func @transform_4(%arg0: i32) -> (i32, i32) {
    %c0_i32 = arith.constant 0 : i32
    %c0_i32_0 = arith.constant 0 : i32
    return %arg0, %c0_i32 : i32, i32
  }
  func.func @transform_5(%arg0: i32) -> (i32, i32) {
    %c0_i32 = arith.constant 0 : i32
    %c0_i32_0 = arith.constant 0 : i32
    return %arg0, %c0_i32 : i32, i32
  }
  func.func @transform_6(%arg0: i32) -> (i32, i32) {
    %c0_i32 = arith.constant 0 : i32
    %c0_i32_0 = arith.constant 0 : i32
    return %arg0, %c0_i32 : i32, i32
  }
  func.func @transform_7(%arg0: i32) -> (i32, i32) {
    %c0_i32 = arith.constant 0 : i32
    %c0_i32_0 = arith.constant 0 : i32
    return %arg0, %c0_i32 : i32, i32
  }
  func.func @transform_8(%arg0: i32) -> (i32, i32) {
    %c0_i32 = arith.constant 0 : i32
    %c0_i32_0 = arith.constant 0 : i32
    return %arg0, %c0_i32 : i32, i32
  }
  func.func @transform_9(%arg0: i32) -> (i32, i32) {
    %c0_i32 = arith.constant 0 : i32
    %c0_i32_0 = arith.constant 0 : i32
    return %arg0, %c0_i32 : i32, i32
  }
}

</mosaic_0001>

<sc_bundles>
// kernel: gather_offload_async_start.1
scs
__scs_entry_jumppad:
0x0: {  	(pc) =	sbr.rel $0x88, $3  }
0x1: {  	(tag) =	ssettag $0x0;
	lr =	simm.s32 $0x1  }
0x2: {  	[smem:$0x3F99] =	sst lr;
	_ =	strace $0xD0000000  }
0x3: {  	_ = 	snop  }
0x4: {  	_ = 	snop  }
0x5: {  	_ = 	snop  }
0x6: {  	_ = 	snop  }
0x7: {  	_ = 	snop  }
__scs_overlays_trampoline_lowered:
0x8: {  	[smem:$0x3FA8] =	sst s0  }
0x9: {  	[smem:$0x3FA9] =	sst s1  }
0xa: {  	[smem:$0x3FAA] =	sst s2  }
0xb: {  	[smem:$0x3FAB] =	sst s3  }
0xc: {  	[smem:$0x3FAC] =	sst s4  }
0xd: {  	[smem:$0x3FAD] =	sst s5  }
0xe: {  	[smem:$0x3FAE] =	sst s6  }
0xf: {  	[smem:$0x3FAF] =	sst s7  }
0x10: {  	[smem:$0x3FB0] =	sst s8  }
0x11: {  	[smem:$0x3FB1] =	sst s9;
	s0 =	simm.s32 @!p0 $0x0  }
0x12: {  	s1 =	sld [smem:$0x3F97];
	s0 =	simm.s32 @p0 $0x1  }
0x13: {  	[smem:$0x3FB2] =	sst s0;
	s0 =	simm.s32 @!p1 $0x0  }
0x14: {  	s2 =	sld [smem:$0x3F96];
	s0 =	simm.s32 @p1 $0x1  }
0x15: {  	[smem:$0x3FB3] =	sst s0;
	s0 =	simm.s32 @!p2 $0x0  }
0x16: {  	s3 =	sld [smem:$0x3FDB];
	s0 =	simm.s32 @p2 $0x1  }
0x17: {  	s4 =	simm.s32 $0x1BF5;
	[smem:$0x3FB5] =	sst s0  }
0x18: {  	s0 =	sld [smem:$0x3F98];
	_ =	swait.ge [sflag:s4], $0x0  }
0x19: {  	s7 =	sld [smem:$0x3F99]  }
0x1a: {  	s8 =	sadd.s32 $0xFFFFE003, lr  }
0x1b: {  	s9 =	sadd.s32 $0xFFFFFEF7, lr;
	s5 =	simm.s32 $0xFFFFFFFF;
	p2 =	slt.u32 s8, $0xFFFFF086  }
0x1c: {  	p1 =	slt.u32 s9, $0xF7A;
	s5 =	simm.s32 @!p2 $0x0  }
0x1d: {  	s5 =	simm.s32 @p1 $0x1;
	p0 =	seq.s32 s7, s2  }
0x1e: {  	s7 =	smul.u32 @!p0 $0xF7A, s2;
	p2 =	seq.s32 @!p0 s5, $0x0  }
0x1f: {  	s9 =	smul.u32 $0xF7A, s1;
	s8 =	simm.s32 @!p0 $0x1BF5;
	p2 =	por !p2, p0  }
0x20: {  	[sflag:s8] =	ssyncset.s32 @!p0 $0xFFFFF086;
	s6 =	sadd.s32 @!p0 s3, s7;
	s7 =	simm.s32 @!p0 $0x108  }
0x21: {  	s3 =	sadd.s32 s3, s9;
	s6 =	sadd.s32 @!p0 $0x88, s6;
	s7 =	simm.s32 @p2 $0x1082  }
0x22: {  	[simem:s7], [sflag:s8] =	dma.local @!p0 [hbm:s6], $0xF7A  }
0x23: {  	s9 =	sor.u32 $0xD0000000, s2;
	s6 =	simm.s32 $0x108;
	_ =	swait.ge @!p0 [sflag:s8], $0x0  }
0x24: {  	s3 =	sadd.s32 $0x88, s3;
	s6 =	simm.s32 @!p1 $0x1082;
	[sflag:s4] =	ssyncset.s32 $0xFFFFF086  }
0x25: {  	[simem:s6], [sflag:s4] =	dma.local [hbm:s3], $0xF7A  }
0x26: {  	[smem:$0x3F99] =	sst s1;
	(tag) =	ssettag s2;
	_ =	strace s9  }
0x27: {  	s1 =	sld [smem:$0x3FA9]  }
0x28: {  	s2 =	sld [smem:$0x3FAA]  }
0x29: {  	s4 =	sld [smem:$0x3FAC]  }
0x2a: {  	p0 =	seq.s32 s5, $0x0;
	s5 =	sld [smem:$0x3FAD]  }
0x2b: {  	s6 =	sld [smem:$0x3FAE]  }
0x2c: {  	s7 =	sld [smem:$0x3FAF]  }
0x2d: {  	s3 =	simm.s32 $0x108;
	s8 =	sld [smem:$0x3FB0]  }
0x2e: {  	s3 =	simm.s32 @!p0 $0x1082;
	s9 =	sld [smem:$0x3FB1]  }
0x2f: {  	lr =	sadd.s32 s0, s3;
	s0 =	sld [smem:$0x3FA8]  }
0x30: {  	s3 =	sld [smem:$0x3FAB]  }
0x31: {  	[smem:$0x3FB4] =	sst s10  }
0x32: {  	s10 =	sld [smem:$0x3FB2];
	_ =	sdelay $0x3  }
0x33: {  	p0 =	seq.s32 s10, $0x1;
	s10 =	sld [smem:$0x3FB4];
	_ =	sdelay $0x3  }
0x34: {  	[smem:$0x3FB4] =	sst s10  }
0x35: {  	s10 =	sld [smem:$0x3FB3];
	_ =	sdelay $0x3  }
0x36: {  	p1 =	seq.s32 s10, $0x1;
	s10 =	sld [smem:$0x3FB4];
	_ =	sdelay $0x3  }
0x37: {  	[smem:$0x3FB4] =	sst s10  }
0x38: {  	s10 =	sld [smem:$0x3FB5]  }
0x39: {  	_ = 	snop;
	(pc) =	sbr.ind lr, $3  }
0x3a: {  	_ = 	snop  }
0x3b: {  	_ = 	snop  }
0x3c: {  	p2 =	seq.s32 s10, $0x1;
	s10 =	sld [smem:$0x3FB4]  }
0x3d: {  	_ =	shalt  }
0x3e: {  	_ =	shalt  }
0x3f: {  	_ =	shalt  }
0x40: {  	_ =	shalt  }
0x41: {  	_ =	shalt  }
0x42: {  	_ =	shalt  }
0x43: {  	_ =	shalt  }
0x44: {  	_ =	shalt  }
0x45: {  	_ =	shalt  }
0x46: {  	_ =	shalt  }
0x47: {  	_ =	shalt  }
0x48: {  	_ =	shalt  }
0x49: {  	_ =	shalt  }
0x4a: {  	_ =	shalt  }
0x4b: {  	_ =	shalt  }
0x4c: {  	_ =	shalt  }
0x4d: {  	_ =	shalt  }
0x4e: {  	_ =	shalt  }
0x4f: {  	_ =	shalt  }
0x50: {  	_ =	shalt  }
0x51: {  	_ =	shalt  }
0x52: {  	_ =	shalt  }
0x53: {  	_ =	shalt  }
0x54: {  	_ =	shalt  }
0x55: {  	_ =	shalt  }
0x56: {  	_ =	shalt  }
0x57: {  	_ =	shalt  }
0x58: {  	_ =	shalt  }
0x59: {  	_ =	shalt  }
0x5a: {  	_ =	shalt  }
0x5b: {  	_ =	shalt  }
0x5c: {  	_ =	shalt  }
0x5d: {  	_ =	shalt  }
0x5e: {  	_ =	shalt  }
0x5f: {  	_ =	shalt  }
0x60: {  	_ =	shalt  }
0x61: {  	_ =	shalt  }
0x62: {  	_ =	shalt  }
0x63: {  	_ =	shalt  }
0x64: {  	_ =	shalt  }
0x65: {  	_ =	shalt  }
0x66: {  	_ =	shalt  }
0x67: {  	_ =	shalt  }
0x68: {  	_ =	shalt  }
0x69: {  	_ =	shalt  }
0x6a: {  	_ =	shalt  }
0x6b: {  	_ =	shalt  }
0x6c: {  	_ =	shalt  }
0x6d: {  	_ =	shalt  }
0x6e: {  	_ =	shalt  }
0x6f: {  	_ =	shalt  }
0x70: {  	_ =	shalt  }
0x71: {  	_ =	shalt  }
0x72: {  	_ =	shalt  }
0x73: {  	_ =	shalt  }
0x74: {  	_ =	shalt  }
0x75: {  	_ =	shalt  }
0x76: {  	_ =	shalt  }
0x77: {  	_ =	shalt  }
0x78: {  	_ =	shalt  }
0x79: {  	_ =	shalt  }
0x7a: {  	_ =	shalt  }
0x7b: {  	_ =	shalt  }
0x7c: {  	_ =	shalt  }
0x7d: {  	_ =	shalt  }
0x7e: {  	_ =	shalt  }
0x7f: {  	_ =	shalt  }
0x80: {  	_ =	shalt  }
0x81: {  	_ =	shalt  }
0x82: {  	_ =	shalt  }
0x83: {  	_ =	shalt  }
0x84: {  	_ =	shalt  }
0x85: {  	_ =	shalt  }
0x86: {  	_ =	shalt  }
0x87: {  	_ =	shalt  }
.Lfunc_end0:
.L_simem_size_0:
called_computation.1_lowered:
.L_overlay_start_0:
0x88: {  	s2 =	sld [smem:$0x3FD9]  }
0x89: {  	s3 =	sld [smem:$0x3FFE];
	_ =	sdelay $0x1  }
0x8a: {  	s1 =	srdreg.scid  }
0x8b: {  	s0 =	sand.u32 $0x1, s1  }
0x8c: {  	s14 =	sshll.u32 s0, $0xA;
	s2 =	sadd.s32 s3, s2  }
0x8d: {  	s2 =	sadd.s32 s2, s14  }
0x8e: {  	[smem:$0x3FC0] =	sst s2  }
0x8f: {  	_ = 	snop  }
0x90: {  	s2 =	sld [smem:$0x3FD0];
	_ =	sdelay $0x2  }
0x91: {  	s4 =	simm.s32 $0xD;
	s5 =	simm.s32 $0x10;
	s15 =	sld [smem:$0x3FC9]  }
0x92: {  	[smem:s5], [sflag:s4] =	dma.local [hbm:s2], $0x1  }
0x93: {  	_ =	swait.eq [sflag:s4], $0x1  }
0x94: {  	[sflag:s4] =	ssyncset.done $0x0  }
0x95: {  	[sflag:s4] =	ssyncadd.s32 $0xFFFFFFFF  }
0x96: {  	s16 =	sld [smem:$0x11];
	(tm) =	ssettm $0x1  }
0x97: {  	s17 =	sld [smem:$0x3FFB];
	_ =	sdelay $0x3  }
0x98: {  	_ =	strace s17  }
0x99: {  	s4 =	sld [smem:$0x3FFC];
	_ =	sdelay $0x3  }
0x9a: {  	_ =	strace s4  }
0x9b: {  	s4 =	sld [smem:$0x3FFD];
	_ =	sdelay $0x3  }
0x9c: {  	_ =	strace s4  }
0x9d: {  	_ =	strace $0x8FFFFFFF  }
0x9e: {  	s18 =	sld [smem:$0x3FDB];
	_ =	sdelay $0x1  }
0x9f: {  	s19 =	simm.s32 $_scs_section_size  }
0xa0: {  	s6 =	simm.s32 $_size__tile_overlayer_lowered;
	s7 =	simm.s32 $_tile_overlayer_lowered  }
0xa1: {  	s22 =	simm.s32 $0x1BFF;
	s21 =	sshll.u32 s7, $0x1;
	s4 =	sadd.s32 s19, s18  }
0xa2: {  	s8 =	simm.s32 $0x0;
	s20 =	sshll.u32 s6, $0x1;
	s6 =	sadd.s32 s21, s4  }
0xa3: {  	[timem:s8], [sflag:s22] =	dma.local [hbm:s6], s20  }
0xa4: {  	_ =	swait.ge [sflag:s22], s20  }
0xa5: {  	s5 =	ssub.s32 $0x0, s20;
	[sflag:s22] =	ssyncset.done $0x0  }
0xa6: {  	[sflag:s22] =	ssyncadd.s32 s5;
	_ =	sdelay $0x1  }
0xa7: {  	s23 =	simm.s32 $0x1B8B  }
0xa8: {  	_ =	swait.ge [sflag:s23], $0x1  }
0xa9: {  	[sflag:s23] =	ssyncset.done $0x0  }
0xaa: {  	s25 =	simm.s32 $0x1B8E;
	s24 =	sld [smem:$0x3FFE];
	[sflag:s23] =	ssyncadd.s32 $0xFFFFFFFF  }
0xab: {  	s26 =	simm.s32 $execute0_lowered;
	[smem:$0x3FD2] =	sst s25  }
0xac: {  	s6 =	sshll.u32 s26, $0x1;
	_ =	strace $0x80000046;
	[dreg:$0x1] =	wrdreg $0xFFFFFFFF  }
0xad: {  	s28 =	simm.s32 $_size_execute0_lowered;
	s4 =	sadd.s32 s4, s6;
	[dreg:$0x0] =	wrdreg $0x0  }
0xae: {  	s6 =	sshll.u32 s28, $0x1;
	[dreg:$0x2] =	wrdreg s4  }
0xaf: {  	[dreg:$0x3] =	wrdreg s6  }
0xb0: {  	[dreg:$0x4] =	wrdreg $0xC0  }
0xb1: {  	_ =	task [dreg:s8], $0x5FFFF  }
0xb2: {  	[dreg:$0x1] =	wrdreg $0xFFFFFFFF  }
0xb3: {  	[dreg:$0x0] =	wrdreg $0x60  }
0xb4: {  	[dreg:$0x2] =	wrdreg s15  }
0xb5: {  	[dreg:$0x3] =	wrdreg s16  }
0xb6: {  	[dreg:$0x4] =	wrdreg s24  }
0xb7: {  	[dreg:$0x5] =	wrdreg $0xA  }
0xb8: {  	_ =	task.clear_ibuf [dreg:s8], $0x6FFFF;
	_ =	strace $0x90000046  }
0xb9: {  	s29 =	simm.s32 $0xA;
	_ =	strace $0x80000048  }
0xba: {  	_ =	swait.ge [sflag:s29], $0x1  }
0xbb: {  	[sflag:s29] =	ssyncadd.s32 $0xFFFFFFFF  }
0xbc: {  	_ =	strace $0x90000048  }
0xbd: {  	_ =	sfence  }
0xbe: {  	s30 =	sld [smem:$0x0];
	_ =	sdelay $0x2  }
0xbf: {  	s31 =	sshll.u32 s1, $0xD;
	s1 =	sshrl.u32 s1, $0x2  }
0xc0: {  	s3 =	sand.u32 $0x4000, s31;
	s1 =	sadd.s32 s1, s30  }
0xc1: {  	s0 =	sor.u32 s3, s0;
	s1 =	sshll.u32 s1, $0x11  }
0xc2: {  	s0 =	sor.u32 s1, s0  }
0xc3: {  	s0 =	sadd.s32 $0x8F2B, s0  }
0xc4: {  	[sflag:s0] =	ssyncadd.remote.s32 $0x1  }
0xc5: {  	_ =	sfence.sel $0xFFFF  }
0xc6: {  	[dreg:$0x0] =	wrdreg $0xFFFFFFFF;
	(pc) =	sbr.abs _section_cstart, $3  }
0xc7: {  	[dreg:$0x1] =	wrdreg $0xFFFFFFFF  }
0xc8: {  	_ =	task.clear_ibuf [dreg:s8], $0x2FFFF;
	_ =	strace $0x9FFFFFFF  }
0xc9: {  	(tm) =	ssettm $0x7FFFFFFF  }
tec
execute0_lowered:
.L_overlay_start_1:
0x0: {  	(tag) =	ssettag $0x1  }
0x1: {  	s2 =	rddreg [dreg:$0x0]  }
0x2: {  	s3 =	rddreg [dreg:$0x1]  }
0x3: {  	s7 =	rddreg [dreg:$0x2]  }
0x4: {  	s0 =	rddreg [dreg:$0x3];
	s1 =	srdreg.scid;
	_ =	strace $0x80000047  }
0x5: {  	s4 =	simm.s32 $0x1;
	s9 =	simm.s32 $0x3;
	s5 =	sshll.u32 s1, $0x4  }
.Ltmp0:
0x6: {  	s1 =	stileid.u32;
	s5 =	sand.u32 $0x10, s5;
	(pc) =	sbr.rel .LBB2_1-.Ltmp0, $4  }
0x7: {  	s11 =	simm.s32 $0x0;
	p0 =	por $0x0, $0x0;
	s6 =	sor.u32 s1, s5  }
0x8: {  	[sflag:s4] =	ssyncpa.u1 $0x0;
	s5 =	simm.s32 $0x2;
	s6 =	sshll.u32 s6, $0x7  }
0x9: {  	s7 =	sadd.s32 $0x1600, s7;
	[sflag:s5] =	ssyncpa.u1 $0x0;
	s8 =	sadd.s32 $0x80, s6  }
0xa: {  	vm0 =	vmmov $0xff;
	vm1 =	vcmask $0x3F20;
	[sflag:s9] =	ssyncpa.u1 $0x0;
	s10 =	smov.u32 s6;
	s9 =	simm.s32 $0x0  }
.LBB2_9:
0xb: {  	p1 =	slt.u32 s9, $0x2;
	s11 =	sadd.s32 $0x40, s10  }
0xc: {  	s13 =	smov.u32 s6;
	s9 =	sadd.s32 $0x1, s9;
	p2 =	slt.s32 s11, s8  }
0xd: {  	s13 =	smov.u32 @p2 s11;
	p2 =	sne.s32 s9, $0x4  }
.Ltmp1:
0xe: {  	_ = 	snop;
	(pc) =	sbr.rel @!p2 .LBB2_10-.Ltmp1, $4  }
0xf: {  	s12 =	simm.s32 @!p1 $0x3  }
0x10: {  	_ =	swait.ge @!p1 [sflag:s12], $0x8000  }
0x11: {  	p0 =	por !p0, !p0;
	[sflag:s12] =	ssyncset.done @!p1 $0x0  }
0x12: {  	s11 =	smov.u32 s10;
	s10 =	smov.u32 s13;
	[sflag:s12] =	ssyncadd.s32 @!p1 $0xFFFF8000  }
.LBB2_1:
0x13: {  	p1 =	sgt.u32 s9, $0x1  }
0x14: {  	s12 =	sshll.u32 @!p1 s9, $0x6;
	s13 =	sshrl.u32 @!p1 s10, $0x3  }
0x15: {  	s14 =	sand.u32 @!p1 $0x7, s10;
	s12 =	sxor.u32 @!p1 $0x40, s12;
	s13 =	sadd.s32 @!p1 s3, s13  }
0x16: {  	[tilespmem:s12], [sflag:$0x2] =	stream.linear.gather @!p1 [hbm4b:s13+s14], $0x40, $0x38;
	[tilespmem:$0x10080] =	vst v63  }
0x17: {  	p1 =	seq.s32 s9, $0x0  }
0x18: {  	p2 =	seq.s32 @!p1 s9, $0x3  }
0x19: {  	p1 =	por p1, p2  }
.Ltmp2:
0x1a: {  	_ = 	snop;
	(pc) =	sbr.rel @p1 .LBB2_9-.Ltmp2, $1  }
0x1b: {  	_ =	sdelay $0x3  }
0x1c: {  	s12 =	simm.s32 $0x1  }
0x1d: {  	s12 =	simm.s32 @!p0 $0x0  }
0x1e: {  	_ =	swait.ge [sflag:s5], $0x40;
	s13 =	sand.u32 $0x1, s9;
	s12 =	sshll.u32 s12, $0xF  }
0x1f: {  	s14 =	simm.s32 $0x0;
	[sflag:s5] =	ssyncset.done $0x0;
	s12 =	sor.u32 $0x80, s12  }
0x20: {  	s13 =	sshll.u32 s13, $0x6;
	[sflag:s5] =	ssyncadd.s32 $0xFFFFFFC0;
	s15 =	smov.u32 s12  }
.LBB2_3:
0x21: {  	s16 =	sshll.u32 s14, $0x4  }
0x22: {  	s16 =	sand.u32 $0x3FFFFFF0, s16  }
0x23: {  	s16 =	sadd.s32 s16, s13  }
0x24: {  	v0 =	vld.msk [tilespmem:s16+$0x0 ss:$0x1], $0xffff;
	_ =	sdelay $0x4  }
0x25: {  	vm2 =	vgt.s32 v0, $0x0  }
0x26: {  	v0 =	vnsel vm2, $0x0, v0  }
0x27: {  	v0 =	vmin.u32 v0, $0x7FFF  }
0x28: {  	v1 =	vshll.u32 v0, $0x6;
	v0 =	vshll.u32 v0, $0x4  }
0x29: {  	v1 =	vand.u32 $0x1FFE00, v1;
	v0 =	vand.u32 $0x70, v0  }
0x2a: {  	v0 =	vor.u32 v0, v1;
	_ =	sdelay $0x3  }
0x2b: {  	s17 =	sadd.s32 $0x0, s15  }
0x2c: {  	[tilespmem:s17], [sflag:$0x1] =	stream.indirect_vreg.gather [hbm:s2], $0x80, v0, vm0, $0x38;
	[tilespmem:$0x10080] =	vst v63  }
0x2d: {  	s16 =	simm.s32 $0x1000;
	v1 =	vadd.s32 $0x80, v0;
	s17 =	sadd.s32 $0x1000, s17  }
.LBB2_4:
0x2e: {  	[tilespmem:s17], [sflag:$0x1] =	stream.indirect_vreg.gather [hbm:s2], $0x80, v0, vm1, $0x38;
	[tilespmem:$0x10080] =	vst v63  }
0x2f: {  	v0 =	vmov v1;
	s17 =	smov.u32 s16;
	p1 =	sne.s32 s16, $0x3000  }
.Ltmp3:
0x30: {  	s16 =	sadd.s32 $0x1000, s16;
	(pc) =	sbr.rel @p1 .LBB2_4-.Ltmp3, $4  }
0x31: {  	s17 =	sshra.s32 s17, $0x2  }
0x32: {  	s17 =	sadd.s32 s17, s15  }
0x33: {  	[tilespmem:s17], [sflag:$0x1] =	stream.indirect_vreg.gather [hbm:s2], $0x80, v1, vm0, $0x38;
	[tilespmem:$0x10080] =	vst v63  }
0x34: {  	s17 =	sadd.s32 $0x1000, s17;
	v1 =	vadd.s32 $0x80, v1  }
0x35: {  	s14 =	sadd.s32 $0x1, s14  }
0x36: {  	p1 =	sne.s32 s14, $0x4  }
.Ltmp4:
0x37: {  	_ = 	snop;
	(pc) =	sbr.rel @p1 .LBB2_3-.Ltmp4, $3  }
0x38: {  	_ =	sdelay $0x1  }
0x39: {  	[tilespmem:s17], [sflag:$0x1] =	stream.indirect_vreg.gather [hbm:s2], $0x80, v0, vm1, $0x38;
	[tilespmem:$0x10080] =	vst v63  }
0x3a: {  	s15 =	sadd.s32 $0x2000, s15  }
0x3b: {  	s13 =	sshll.u32 s11, $0x6  }
0x3c: {  	s31 =	sshll.u32 s11, $0x4;
	s13 =	sand.u32 $0xFFFFFE00, s13  }
0x3d: {  	_ =	swait.ge [sflag:s4], $0x8000;
	s11 =	sand.u32 $0x70, s31;
	s13 =	sadd.s32 s13, s7  }
0x3e: {  	s14 =	sadd.s32 $0x1000, s12;
	[sflag:s4] =	ssyncset.done $0x0;
	s11 =	sadd.s32 s11, s13  }
0x3f: {  	[sflag:s4] =	ssyncadd.s32 $0xFFFF8000;
	s13 =	simm.s32 $0x200;
	s15 =	sadd.s32 $0x0, s11  }
.LBB2_7:
0x40: {  	[hbm:s15] =	stream.linear.scatter [tilespmem:s12], [sflag:$0x3], $0x1000, $0x38;
	[tilespmem:$0x10080] =	vst v63  }
0x41: {  	s15 =	smov.u32 s13;
	s12 =	smov.u32 s14;
	p1 =	sne.s32 s13, $0xE00  }
.Ltmp5:
0x42: {  	s13 =	sadd.s32 $0x200, s13;
	(pc) =	sbr.rel @p1 .LBB2_7-.Ltmp5, $2  }
0x43: {  	_ =	sdelay $0x2  }
0x44: {  	s14 =	sadd.s32 $0x1000, s14;
	s15 =	sadd.s32 s15, s11  }
.Ltmp6:
0x45: {  	(pc) =	sbr.rel .LBB2_9-.Ltmp6, $2  }
0x46: {  	_ =	sdelay $0x2  }
0x47: {  	[hbm:s15] =	stream.linear.scatter [tilespmem:s12], [sflag:$0x3], $0x1000, $0x38;
	[tilespmem:$0x10080] =	vst v63  }
.LBB2_10:
0x48: {  	_ =	sfence.sel $0x180000  }
0x49: {  	s2 =	simm.s32 $0x2;
	[bflag:$0x0] =	sbarrier.arrive $0xFFFF  }
0x4a: {  	s30 =	simm.s32 $0x3;
	[sflag:s2] =	ssyncpa.u1 $0x1  }
0x4b: {  	s31 =	simm.s32 $0x1;
	[sflag:s30] =	ssyncpa.u1 $0x1  }
0x4c: {  	[sflag:s31] =	ssyncpa.u1 $0x1  }
0x4d: {  	p0 =	sne.s32 s1, $0x0;
	_ =	strace $0x90000047  }
0x4e: {  	s0 =	sadd.s32 @!p0 $0x100000, s0;
	[bflag:$0x2] =	sbarrier.arrive $0xFFFF  }
0x4f: {  	[sflag:s0] =	ssyncadd.tile.s32 @!p0 $0x1;
	_ =	shalt  }
.Lfunc_end2:
_tile_overlayer_lowered:
.L_overlay_start_2:
0x50: {  	(tag) =	ssettag $0x2  }
0x51: {  	s0 =	rddreg [dreg:$0x0];
	s2 =	stileid.u32  }
0x52: {  	s1 =	rddreg [dreg:$0x1];
	p0 =	sne.s32 s2, $0x0  }
0x53: {  	s3 =	rddreg [dreg:$0x2];
	[bflag:$0x3] =	sbarrier.arrive $0xFFFF;
	s2 =	simm.s32 @!p0 $0x1C01  }
0x54: {  	[timem:s3], [sflag:s2] =	dma.local @!p0 [hbm:s0], s1  }
0x55: {  	s0 =	simm.s32 @!p0 $0x1  }
0x56: {  	_ =	swait.ge @!p0 [sflag:s0], s1  }
0x57: {  	s1 =	ssub.s32 @!p0 $0x0, s1;
	[sflag:s0] =	ssyncset.done @!p0 $0x0  }
0x58: {  	[sflag:s0] =	ssyncadd.s32 @!p0 s1  }
0x59: {  	[bflag:$0x3] =	sbarrier.arrive $0xFFFF  }
0x5a: {  	_ =	shalt  }

// kernel: gather_offload_async_start
scs
__scs_entry_jumppad:
0x0: {  	(pc) =	sbr.rel $0x88, $3  }
0x1: {  	(tag) =	ssettag $0x0;
	lr =	simm.s32 $0x1  }
0x2: {  	[smem:$0x3F99] =	sst lr;
	_ =	strace $0xD0000000  }
0x3: {  	_ = 	snop  }
0x4: {  	_ = 	snop  }
0x5: {  	_ = 	snop  }
0x6: {  	_ = 	snop  }
0x7: {  	_ = 	snop  }
__scs_overlays_trampoline_lowered:
0x8: {  	[smem:$0x3FA8] =	sst s0  }
0x9: {  	[smem:$0x3FA9] =	sst s1  }
0xa: {  	[smem:$0x3FAA] =	sst s2  }
0xb: {  	[smem:$0x3FAB] =	sst s3  }
0xc: {  	[smem:$0x3FAC] =	sst s4  }
0xd: {  	[smem:$0x3FAD] =	sst s5  }
0xe: {  	[smem:$0x3FAE] =	sst s6  }
0xf: {  	[smem:$0x3FAF] =	sst s7  }
0x10: {  	[smem:$0x3FB0] =	sst s8  }
0x11: {  	[smem:$0x3FB1] =	sst s9;
	s0 =	simm.s32 @!p0 $0x0  }
0x12: {  	s1 =	sld [smem:$0x3F97];
	s0 =	simm.s32 @p0 $0x1  }
0x13: {  	[smem:$0x3FB2] =	sst s0;
	s0 =	simm.s32 @!p1 $0x0  }
0x14: {  	s2 =	sld [smem:$0x3F96];
	s0 =	simm.s32 @p1 $0x1  }
0x15: {  	[smem:$0x3FB3] =	sst s0;
	s0 =	simm.s32 @!p2 $0x0  }
0x16: {  	s3 =	sld [smem:$0x3FDB];
	s0 =	simm.s32 @p2 $0x1  }
0x17: {  	s4 =	simm.s32 $0x1BF5;
	[smem:$0x3FB5] =	sst s0  }
0x18: {  	s0 =	sld [smem:$0x3F98];
	_ =	swait.ge [sflag:s4], $0x0  }
0x19: {  	s7 =	sld [smem:$0x3F99]  }
0x1a: {  	s8 =	sadd.s32 $0xFFFFE003, lr  }
0x1b: {  	s9 =	sadd.s32 $0xFFFFFEF7, lr;
	s5 =	simm.s32 $0xFFFFFFFF;
	p2 =	slt.u32 s8, $0xFFFFF086  }
0x1c: {  	p1 =	slt.u32 s9, $0xF7A;
	s5 =	simm.s32 @!p2 $0x0  }
0x1d: {  	s5 =	simm.s32 @p1 $0x1;
	p0 =	seq.s32 s7, s2  }
0x1e: {  	s7 =	smul.u32 @!p0 $0xF7A, s2;
	p2 =	seq.s32 @!p0 s5, $0x0  }
0x1f: {  	s9 =	smul.u32 $0xF7A, s1;
	s8 =	simm.s32 @!p0 $0x1BF5;
	p2 =	por !p2, p0  }
0x20: {  	[sflag:s8] =	ssyncset.s32 @!p0 $0xFFFFF086;
	s6 =	sadd.s32 @!p0 s3, s7;
	s7 =	simm.s32 @!p0 $0x108  }
0x21: {  	s3 =	sadd.s32 s3, s9;
	s6 =	sadd.s32 @!p0 $0x88, s6;
	s7 =	simm.s32 @p2 $0x1082  }
0x22: {  	[simem:s7], [sflag:s8] =	dma.local @!p0 [hbm:s6], $0xF7A  }
0x23: {  	s9 =	sor.u32 $0xD0000000, s2;
	s6 =	simm.s32 $0x108;
	_ =	swait.ge @!p0 [sflag:s8], $0x0  }
0x24: {  	s3 =	sadd.s32 $0x88, s3;
	s6 =	simm.s32 @!p1 $0x1082;
	[sflag:s4] =	ssyncset.s32 $0xFFFFF086  }
0x25: {  	[simem:s6], [sflag:s4] =	dma.local [hbm:s3], $0xF7A  }
0x26: {  	[smem:$0x3F99] =	sst s1;
	(tag) =	ssettag s2;
	_ =	strace s9  }
0x27: {  	s1 =	sld [smem:$0x3FA9]  }
0x28: {  	s2 =	sld [smem:$0x3FAA]  }
0x29: {  	s4 =	sld [smem:$0x3FAC]  }
0x2a: {  	p0 =	seq.s32 s5, $0x0;
	s5 =	sld [smem:$0x3FAD]  }
0x2b: {  	s6 =	sld [smem:$0x3FAE]  }
0x2c: {  	s7 =	sld [smem:$0x3FAF]  }
0x2d: {  	s3 =	simm.s32 $0x108;
	s8 =	sld [smem:$0x3FB0]  }
0x2e: {  	s3 =	simm.s32 @!p0 $0x1082;
	s9 =	sld [smem:$0x3FB1]  }
0x2f: {  	lr =	sadd.s32 s0, s3;
	s0 =	sld [smem:$0x3FA8]  }
0x30: {  	s3 =	sld [smem:$0x3FAB]  }
0x31: {  	[smem:$0x3FB4] =	sst s10  }
0x32: {  	s10 =	sld [smem:$0x3FB2];
	_ =	sdelay $0x3  }
0x33: {  	p0 =	seq.s32 s10, $0x1;
	s10 =	sld [smem:$0x3FB4];
	_ =	sdelay $0x3  }
0x34: {  	[smem:$0x3FB4] =	sst s10  }
0x35: {  	s10 =	sld [smem:$0x3FB3];
	_ =	sdelay $0x3  }
0x36: {  	p1 =	seq.s32 s10, $0x1;
	s10 =	sld [smem:$0x3FB4];
	_ =	sdelay $0x3  }
0x37: {  	[smem:$0x3FB4] =	sst s10  }
0x38: {  	s10 =	sld [smem:$0x3FB5]  }
0x39: {  	_ = 	snop;
	(pc) =	sbr.ind lr, $3  }
0x3a: {  	_ = 	snop  }
0x3b: {  	_ = 	snop  }
0x3c: {  	p2 =	seq.s32 s10, $0x1;
	s10 =	sld [smem:$0x3FB4]  }
0x3d: {  	_ =	shalt  }
0x3e: {  	_ =	shalt  }
0x3f: {  	_ =	shalt  }
0x40: {  	_ =	shalt  }
0x41: {  	_ =	shalt  }
0x42: {  	_ =	shalt  }
0x43: {  	_ =	shalt  }
0x44: {  	_ =	shalt  }
0x45: {  	_ =	shalt  }
0x46: {  	_ =	shalt  }
0x47: {  	_ =	shalt  }
0x48: {  	_ =	shalt  }
0x49: {  	_ =	shalt  }
0x4a: {  	_ =	shalt  }
0x4b: {  	_ =	shalt  }
0x4c: {  	_ =	shalt  }
0x4d: {  	_ =	shalt  }
0x4e: {  	_ =	shalt  }
0x4f: {  	_ =	shalt  }
0x50: {  	_ =	shalt  }
0x51: {  	_ =	shalt  }
0x52: {  	_ =	shalt  }
0x53: {  	_ =	shalt  }
0x54: {  	_ =	shalt  }
0x55: {  	_ =	shalt  }
0x56: {  	_ =	shalt  }
0x57: {  	_ =	shalt  }
0x58: {  	_ =	shalt  }
0x59: {  	_ =	shalt  }
0x5a: {  	_ =	shalt  }
0x5b: {  	_ =	shalt  }
0x5c: {  	_ =	shalt  }
0x5d: {  	_ =	shalt  }
0x5e: {  	_ =	shalt  }
0x5f: {  	_ =	shalt  }
0x60: {  	_ =	shalt  }
0x61: {  	_ =	shalt  }
0x62: {  	_ =	shalt  }
0x63: {  	_ =	shalt  }
0x64: {  	_ =	shalt  }
0x65: {  	_ =	shalt  }
0x66: {  	_ =	shalt  }
0x67: {  	_ =	shalt  }
0x68: {  	_ =	shalt  }
0x69: {  	_ =	shalt  }
0x6a: {  	_ =	shalt  }
0x6b: {  	_ =	shalt  }
0x6c: {  	_ =	shalt  }
0x6d: {  	_ =	shalt  }
0x6e: {  	_ =	shalt  }
0x6f: {  	_ =	shalt  }
0x70: {  	_ =	shalt  }
0x71: {  	_ =	shalt  }
0x72: {  	_ =	shalt  }
0x73: {  	_ =	shalt  }
0x74: {  	_ =	shalt  }
0x75: {  	_ =	shalt  }
0x76: {  	_ =	shalt  }
0x77: {  	_ =	shalt  }
0x78: {  	_ =	shalt  }
0x79: {  	_ =	shalt  }
0x7a: {  	_ =	shalt  }
0x7b: {  	_ =	shalt  }
0x7c: {  	_ =	shalt  }
0x7d: {  	_ =	shalt  }
0x7e: {  	_ =	shalt  }
0x7f: {  	_ =	shalt  }
0x80: {  	_ =	shalt  }
0x81: {  	_ =	shalt  }
0x82: {  	_ =	shalt  }
0x83: {  	_ =	shalt  }
0x84: {  	_ =	shalt  }
0x85: {  	_ =	shalt  }
0x86: {  	_ =	shalt  }
0x87: {  	_ =	shalt  }
.Lfunc_end0:
.L_simem_size_0:
called_computation_lowered:
.L_overlay_start_0:
0x88: {  	s2 =	sld [smem:$0x3FD9]  }
0x89: {  	s3 =	sld [smem:$0x3FFE];
	_ =	sdelay $0x1  }
0x8a: {  	s1 =	srdreg.scid  }
0x8b: {  	s0 =	sand.u32 $0x1, s1  }
0x8c: {  	s15 =	sshll.u32 s0, $0xA;
	s2 =	sadd.s32 s3, s2  }
0x8d: {  	s2 =	sadd.s32 s2, s15  }
0x8e: {  	[smem:$0x3FC0] =	sst s2  }
0x8f: {  	_ = 	snop  }
0x90: {  	s16 =	sld [smem:$0x3FD0];
	_ =	sdelay $0x2  }
0x91: {  	s4 =	simm.s32 $0xD;
	s5 =	simm.s32 $0x10;
	s2 =	sld [smem:$0x3FC8]  }
0x92: {  	[smem:s5], [sflag:s4] =	dma.local [hbm:s16], $0x1  }
0x93: {  	_ =	swait.eq [sflag:s4], $0x1  }
0x94: {  	[sflag:s4] =	ssyncset.done $0x0  }
0x95: {  	[sflag:s4] =	ssyncadd.s32 $0xFFFFFFFF  }
0x96: {  	s17 =	sld [smem:$0x11];
	(tm) =	ssettm $0x1  }
0x97: {  	s18 =	sld [smem:$0x3FFB];
	_ =	sdelay $0x3  }
0x98: {  	_ =	strace s18  }
0x99: {  	s3 =	sld [smem:$0x3FFC];
	_ =	sdelay $0x3  }
0x9a: {  	_ =	strace s3  }
0x9b: {  	s3 =	sld [smem:$0x3FFD];
	_ =	sdelay $0x3  }
0x9c: {  	_ =	strace s3  }
0x9d: {  	_ =	strace $0x8FFFFFFF  }
0x9e: {  	s19 =	sld [smem:$0x3FDB];
	_ =	sdelay $0x1  }
0x9f: {  	s20 =	simm.s32 $_scs_section_size  }
0xa0: {  	s6 =	simm.s32 $_size__tile_overlayer_lowered;
	s7 =	simm.s32 $_tile_overlayer_lowered  }
0xa1: {  	s8 =	simm.s32 $0x1BFF;
	s21 =	sshll.u32 s7, $0x1;
	s5 =	sadd.s32 s20, s19  }
0xa2: {  	s22 =	simm.s32 $0x0;
	s6 =	sshll.u32 s6, $0x1;
	s7 =	sadd.s32 s21, s5  }
0xa3: {  	[timem:s22], [sflag:s8] =	dma.local [hbm:s7], s6  }
0xa4: {  	_ =	swait.ge [sflag:s8], s6  }
0xa5: {  	s6 =	ssub.s32 $0x0, s6;
	[sflag:s8] =	ssyncset.done $0x0  }
0xa6: {  	[sflag:s8] =	ssyncadd.s32 s6;
	_ =	sdelay $0x1  }
0xa7: {  	s23 =	simm.s32 $0x1B8B  }
0xa8: {  	_ =	swait.ge [sflag:s23], $0x1  }
0xa9: {  	[sflag:s23] =	ssyncset.done $0x0  }
0xaa: {  	[sflag:s23] =	ssyncadd.s32 $0xFFFFFFFF  }
0xab: {  	s6 =	sld [smem:$0x0]  }
0xac: {  	s7 =	sand.u32 $0xFFFFFFFE, s1  }
0xad: {  	p0 =	sne.s32 s1, s7  }
0xae: {  	s7 =	sshll.u32 @p0 s7, $0xE  }
0xaf: {  	s7 =	sadd.s32 @p0 $0x11B8D, s7;
	s8 =	sshll.u32 @p0 s6, $0x11  }
0xb0: {  	s7 =	sor.u32 @p0 s8, s7  }
0xb1: {  	[sflag:s7] =	ssyncadd.remote.s32 @p0 $0x1;
	_ =	sdelay $0x1  }
0xb2: {  	s7 =	simm.s32 @p0 $0x1B8D  }
0xb3: {  	_ =	swait.eq @p0 [sflag:s7], $0x1  }
0xb4: {  	[sflag:s7] =	ssyncadd.s32 @p0 $0xFFFFFFFF  }
0xb5: {  	s8 =	sshll.u32 @!p0 s1, $0xE  }
0xb6: {  	s8 =	sor.u32 @!p0 $0x4000, s8;
	s7 =	simm.s32 @!p0 $0x1B8D  }
0xb7: {  	s6 =	sshll.u32 @!p0 s6, $0x11;
	s8 =	sadd.s32 @!p0 $0x11B8D, s8;
	_ =	swait.eq @!p0 [sflag:s7], $0x1  }
0xb8: {  	s6 =	sor.u32 @!p0 s6, s8;
	[sflag:s7] =	ssyncadd.s32 @!p0 $0xFFFFFFFF  }
0xb9: {  	s25 =	simm.s32 $0x1B8E;
	s24 =	sld [smem:$0x3FFE];
	[sflag:s6] =	ssyncadd.remote.s32 @!p0 $0x1  }
0xba: {  	s26 =	simm.s32 $execute0_lowered;
	[smem:$0x3FD2] =	sst s25  }
0xbb: {  	s7 =	sshll.u32 s26, $0x1;
	_ =	strace $0x80000049;
	[dreg:$0x1] =	wrdreg $0xFFFFFFFF  }
0xbc: {  	s28 =	simm.s32 $_size_execute0_lowered;
	s5 =	sadd.s32 s5, s7;
	[dreg:$0x0] =	wrdreg $0x0  }
0xbd: {  	s7 =	sshll.u32 s28, $0x1;
	[dreg:$0x2] =	wrdreg s5  }
0xbe: {  	[dreg:$0x3] =	wrdreg s7  }
0xbf: {  	[dreg:$0x4] =	wrdreg $0xC0  }
0xc0: {  	_ =	task [dreg:s22], $0x5FFFF  }
0xc1: {  	[dreg:$0x1] =	wrdreg $0xFFFFFFFF  }
0xc2: {  	[dreg:$0x0] =	wrdreg $0x60  }
0xc3: {  	[dreg:$0x2] =	wrdreg s2  }
0xc4: {  	[dreg:$0x3] =	wrdreg s17  }
0xc5: {  	[dreg:$0x4] =	wrdreg s24  }
0xc6: {  	[dreg:$0x5] =	wrdreg $0x9  }
0xc7: {  	_ =	task.clear_ibuf [dreg:s22], $0x6FFFF;
	_ =	strace $0x90000049  }
0xc8: {  	s29 =	simm.s32 $0x9;
	_ =	strace $0x8000004B  }
0xc9: {  	_ =	swait.ge [sflag:s29], $0x1  }
0xca: {  	[sflag:s29] =	ssyncadd.s32 $0xFFFFFFFF  }
0xcb: {  	_ =	strace $0x9000004B  }
0xcc: {  	_ =	sfence  }
0xcd: {  	s30 =	sld [smem:$0x0];
	_ =	sdelay $0x2  }
0xce: {  	s31 =	sshll.u32 s1, $0xD;
	s1 =	sshrl.u32 s1, $0x2  }
0xcf: {  	s4 =	sand.u32 $0x4000, s31;
	s1 =	sadd.s32 s1, s30  }
0xd0: {  	s0 =	sor.u32 s4, s0;
	s1 =	sshll.u32 s1, $0x11  }
0xd1: {  	s0 =	sor.u32 s1, s0  }
0xd2: {  	s0 =	sadd.s32 $0x8F2B, s0  }
0xd3: {  	[sflag:s0] =	ssyncadd.remote.s32 $0x1  }
0xd4: {  	_ =	sfence.sel $0xFFFF  }
0xd5: {  	[dreg:$0x0] =	wrdreg $0xFFFFFFFF;
	(pc) =	sbr.abs _section_cstart, $3  }
0xd6: {  	[dreg:$0x1] =	wrdreg $0xFFFFFFFF  }
0xd7: {  	_ =	task.clear_ibuf [dreg:s22], $0x2FFFF;
	_ =	strace $0x9FFFFFFF  }
0xd8: {  	(tm) =	ssettm $0x7FFFFFFF  }
0xd9: {  	_ =	shalt  }
tec
execute0_lowered:
.L_overlay_start_1:
0x0: {  	(tag) =	ssettag $0x1  }
0x1: {  	s2 =	rddreg [dreg:$0x0]  }
0x2: {  	s3 =	rddreg [dreg:$0x1]  }
0x3: {  	s7 =	rddreg [dreg:$0x2]  }
0x4: {  	s0 =	rddreg [dreg:$0x3];
	s1 =	srdreg.scid;
	_ =	strace $0x8000004A  }
0x5: {  	s4 =	simm.s32 $0x1;
	s9 =	simm.s32 $0x3;
	s5 =	sshll.u32 s1, $0x4  }
.Ltmp0:
0x6: {  	s1 =	stileid.u32;
	s5 =	sand.u32 $0x10, s5;
	(pc) =	sbr.rel .LBB2_1-.Ltmp0, $4  }
0x7: {  	s11 =	simm.s32 $0x0;
	p0 =	por $0x0, $0x0;
	s6 =	sor.u32 s1, s5  }
0x8: {  	[sflag:s4] =	ssyncpa.u1 $0x0;
	s5 =	simm.s32 $0x2;
	s6 =	sshll.u32 s6, $0x7  }
0x9: {  	s7 =	sadd.s32 $0x41600, s7;
	[sflag:s5] =	ssyncpa.u1 $0x0;
	s8 =	sadd.s32 $0x80, s6  }
0xa: {  	vm0 =	vmmov $0xff;
	vm1 =	vcmask $0x3F20;
	[sflag:s9] =	ssyncpa.u1 $0x0;
	s10 =	smov.u32 s6;
	s9 =	simm.s32 $0x0  }
.LBB2_9:
0xb: {  	p1 =	slt.u32 s9, $0x2;
	s11 =	sadd.s32 $0x40, s10  }
0xc: {  	s13 =	smov.u32 s6;
	s9 =	sadd.s32 $0x1, s9;
	p2 =	slt.s32 s11, s8  }
0xd: {  	s13 =	smov.u32 @p2 s11;
	p2 =	sne.s32 s9, $0x4  }
.Ltmp1:
0xe: {  	_ = 	snop;
	(pc) =	sbr.rel @!p2 .LBB2_10-.Ltmp1, $4  }
0xf: {  	s12 =	simm.s32 @!p1 $0x3  }
0x10: {  	_ =	swait.ge @!p1 [sflag:s12], $0x8000  }
0x11: {  	p0 =	por !p0, !p0;
	[sflag:s12] =	ssyncset.done @!p1 $0x0  }
0x12: {  	s11 =	smov.u32 s10;
	s10 =	smov.u32 s13;
	[sflag:s12] =	ssyncadd.s32 @!p1 $0xFFFF8000  }
.LBB2_1:
0x13: {  	p1 =	sgt.u32 s9, $0x1  }
0x14: {  	s12 =	sshll.u32 @!p1 s9, $0x6;
	s13 =	sshrl.u32 @!p1 s10, $0x3  }
0x15: {  	s14 =	sand.u32 @!p1 $0x7, s10;
	s12 =	sxor.u32 @!p1 $0x40, s12;
	s13 =	sadd.s32 @!p1 s3, s13  }
0x16: {  	[tilespmem:s12], [sflag:$0x2] =	stream.linear.gather @!p1 [hbm4b:s13+s14], $0x40, $0x38;
	[tilespmem:$0x10080] =	vst v63  }
0x17: {  	p1 =	seq.s32 s9, $0x0  }
0x18: {  	p2 =	seq.s32 @!p1 s9, $0x3  }
0x19: {  	p1 =	por p1, p2  }
.Ltmp2:
0x1a: {  	_ = 	snop;
	(pc) =	sbr.rel @p1 .LBB2_9-.Ltmp2, $1  }
0x1b: {  	_ =	sdelay $0x3  }
0x1c: {  	s12 =	simm.s32 $0x1  }
0x1d: {  	s12 =	simm.s32 @!p0 $0x0  }
0x1e: {  	_ =	swait.ge [sflag:s5], $0x40;
	s13 =	sand.u32 $0x1, s9;
	s12 =	sshll.u32 s12, $0xF  }
0x1f: {  	s14 =	simm.s32 $0x0;
	[sflag:s5] =	ssyncset.done $0x0;
	s12 =	sor.u32 $0x80, s12  }
0x20: {  	s13 =	sshll.u32 s13, $0x6;
	[sflag:s5] =	ssyncadd.s32 $0xFFFFFFC0;
	s15 =	smov.u32 s12  }
.LBB2_3:
0x21: {  	s16 =	sshll.u32 s14, $0x4  }
0x22: {  	s16 =	sand.u32 $0x3FFFFFF0, s16  }
0x23: {  	s16 =	sadd.s32 s16, s13  }
0x24: {  	v0 =	vld.msk [tilespmem:s16+$0x0 ss:$0x1], $0xffff;
	_ =	sdelay $0x4  }
0x25: {  	vm2 =	vgt.s32 v0, $0x0  }
0x26: {  	v0 =	vnsel vm2, $0x0, v0  }
0x27: {  	v0 =	vmin.u32 v0, $0x7FFF  }
0x28: {  	v1 =	vshll.u32 v0, $0x6;
	v0 =	vshll.u32 v0, $0x4  }
0x29: {  	v1 =	vand.u32 $0x1FFE00, v1;
	v0 =	vand.u32 $0x70, v0  }
0x2a: {  	v0 =	vor.u32 v0, v1;
	_ =	sdelay $0x3  }
0x2b: {  	s17 =	sadd.s32 $0x0, s15  }
0x2c: {  	[tilespmem:s17], [sflag:$0x1] =	stream.indirect_vreg.gather [hbm:s2], $0x80, v0, vm0, $0x38;
	[tilespmem:$0x10080] =	vst v63  }
0x2d: {  	s16 =	simm.s32 $0x1000;
	v1 =	vadd.s32 $0x80, v0;
	s17 =	sadd.s32 $0x1000, s17  }
.LBB2_4:
0x2e: {  	[tilespmem:s17], [sflag:$0x1] =	stream.indirect_vreg.gather [hbm:s2], $0x80, v0, vm1, $0x38;
	[tilespmem:$0x10080] =	vst v63  }
0x2f: {  	v0 =	vmov v1;
	s17 =	smov.u32 s16;
	p1 =	sne.s32 s16, $0x3000  }
.Ltmp3:
0x30: {  	s16 =	sadd.s32 $0x1000, s16;
	(pc) =	sbr.rel @p1 .LBB2_4-.Ltmp3, $4  }
0x31: {  	s17 =	sshra.s32 s17, $0x2  }
0x32: {  	s17 =	sadd.s32 s17, s15  }
0x33: {  	[tilespmem:s17], [sflag:$0x1] =	stream.indirect_vreg.gather [hbm:s2], $0x80, v1, vm0, $0x38;
	[tilespmem:$0x10080] =	vst v63  }
0x34: {  	s17 =	sadd.s32 $0x1000, s17;
	v1 =	vadd.s32 $0x80, v1  }
0x35: {  	s14 =	sadd.s32 $0x1, s14  }
0x36: {  	p1 =	sne.s32 s14, $0x4  }
.Ltmp4:
0x37: {  	_ = 	snop;
	(pc) =	sbr.rel @p1 .LBB2_3-.Ltmp4, $3  }
0x38: {  	_ =	sdelay $0x1  }
0x39: {  	[tilespmem:s17], [sflag:$0x1] =	stream.indirect_vreg.gather [hbm:s2], $0x80, v0, vm1, $0x38;
	[tilespmem:$0x10080] =	vst v63  }
0x3a: {  	s15 =	sadd.s32 $0x2000, s15  }
0x3b: {  	s13 =	sshll.u32 s11, $0x6  }
0x3c: {  	s31 =	sshll.u32 s11, $0x4;
	s13 =	sand.u32 $0xFFFFFE00, s13  }
0x3d: {  	_ =	swait.ge [sflag:s4], $0x8000;
	s11 =	sand.u32 $0x70, s31;
	s13 =	sadd.s32 s13, s7  }
0x3e: {  	s14 =	sadd.s32 $0x1000, s12;
	[sflag:s4] =	ssyncset.done $0x0;
	s11 =	sadd.s32 s11, s13  }
0x3f: {  	[sflag:s4] =	ssyncadd.s32 $0xFFFF8000;
	s13 =	simm.s32 $0x200;
	s15 =	sadd.s32 $0x0, s11  }
.LBB2_7:
0x40: {  	[hbm:s15] =	stream.linear.scatter [tilespmem:s12], [sflag:$0x3], $0x1000, $0x38;
	[tilespmem:$0x10080] =	vst v63  }
0x41: {  	s15 =	smov.u32 s13;
	s12 =	smov.u32 s14;
	p1 =	sne.s32 s13, $0xE00  }
.Ltmp5:
0x42: {  	s13 =	sadd.s32 $0x200, s13;
	(pc) =	sbr.rel @p1 .LBB2_7-.Ltmp5, $2  }
0x43: {  	_ =	sdelay $0x2  }
0x44: {  	s14 =	sadd.s32 $0x1000, s14;
	s15 =	sadd.s32 s15, s11  }
.Ltmp6:
0x45: {  	(pc) =	sbr.rel .LBB2_9-.Ltmp6, $2  }
0x46: {  	_ =	sdelay $0x2  }
0x47: {  	[hbm:s15] =	stream.linear.scatter [tilespmem:s12], [sflag:$0x3], $0x1000, $0x38;
	[tilespmem:$0x10080] =	vst v63  }
.LBB2_10:
0x48: {  	_ =	sfence.sel $0x180000  }
0x49: {  	s2 =	simm.s32 $0x2;
	[bflag:$0x0] =	sbarrier.arrive $0xFFFF  }
0x4a: {  	s30 =	simm.s32 $0x3;
	[sflag:s2] =	ssyncpa.u1 $0x1  }
0x4b: {  	s31 =	simm.s32 $0x1;
	[sflag:s30] =	ssyncpa.u1 $0x1  }
0x4c: {  	[sflag:s31] =	ssyncpa.u1 $0x1  }
0x4d: {  	p0 =	sne.s32 s1, $0x0;
	_ =	strace $0x9000004A  }
0x4e: {  	s0 =	sadd.s32 @!p0 $0x100000, s0;
	[bflag:$0x2] =	sbarrier.arrive $0xFFFF  }
0x4f: {  	[sflag:s0] =	ssyncadd.tile.s32 @!p0 $0x1;
	_ =	shalt  }
.Lfunc_end2:
_tile_overlayer_lowered:
.L_overlay_start_2:
0x50: {  	(tag) =	ssettag $0x2  }
0x51: {  	s0 =	rddreg [dreg:$0x0];
	s2 =	stileid.u32  }
0x52: {  	s1 =	rddreg [dreg:$0x1];
	p0 =	sne.s32 s2, $0x0  }
0x53: {  	s3 =	rddreg [dreg:$0x2];
	[bflag:$0x3] =	sbarrier.arrive $0xFFFF;
	s2 =	simm.s32 @!p0 $0x1C01  }
0x54: {  	[timem:s3], [sflag:s2] =	dma.local @!p0 [hbm:s0], s1  }
0x55: {  	s0 =	simm.s32 @!p0 $0x1  }
0x56: {  	_ =	swait.ge @!p0 [sflag:s0], s1  }
0x57: {  	s1 =	ssub.s32 @!p0 $0x0, s1;
	[sflag:s0] =	ssyncset.done @!p0 $0x0  }
0x58: {  	[sflag:s0] =	ssyncadd.s32 @!p0 s1  }
0x59: {  	[bflag:$0x3] =	sbarrier.arrive $0xFFFF  }
0x5a: {  	_ =	shalt  }

// kernel: kernel.10.cloned.1.call-start
scs
__scs_entry_jumppad:
0x0: {  	(pc) =	sbr.rel $0x88, $3  }
0x1: {  	(tag) =	ssettag $0x0;
	lr =	simm.s32 $0x1  }
0x2: {  	[smem:$0x3F99] =	sst lr;
	_ =	strace $0xD0000000  }
0x3: {  	_ = 	snop  }
0x4: {  	_ = 	snop  }
0x5: {  	_ = 	snop  }
0x6: {  	_ = 	snop  }
0x7: {  	_ = 	snop  }
__scs_overlays_trampoline_lowered:
0x8: {  	[smem:$0x3FA8] =	sst s0  }
0x9: {  	[smem:$0x3FA9] =	sst s1  }
0xa: {  	[smem:$0x3FAA] =	sst s2  }
0xb: {  	[smem:$0x3FAB] =	sst s3  }
0xc: {  	[smem:$0x3FAC] =	sst s4  }
0xd: {  	[smem:$0x3FAD] =	sst s5  }
0xe: {  	[smem:$0x3FAE] =	sst s6  }
0xf: {  	[smem:$0x3FAF] =	sst s7  }
0x10: {  	[smem:$0x3FB0] =	sst s8  }
0x11: {  	[smem:$0x3FB1] =	sst s9;
	s0 =	simm.s32 @!p0 $0x0  }
0x12: {  	s1 =	sld [smem:$0x3F97];
	s0 =	simm.s32 @p0 $0x1  }
0x13: {  	[smem:$0x3FB2] =	sst s0;
	s0 =	simm.s32 @!p1 $0x0  }
0x14: {  	s2 =	sld [smem:$0x3F96];
	s0 =	simm.s32 @p1 $0x1  }
0x15: {  	[smem:$0x3FB3] =	sst s0;
	s0 =	simm.s32 @!p2 $0x0  }
0x16: {  	s3 =	sld [smem:$0x3FDB];
	s0 =	simm.s32 @p2 $0x1  }
0x17: {  	s4 =	simm.s32 $0x1BF5;
	[smem:$0x3FB5] =	sst s0  }
0x18: {  	s0 =	sld [smem:$0x3F98];
	_ =	swait.ge [sflag:s4], $0x0  }
0x19: {  	s7 =	sld [smem:$0x3F99]  }
0x1a: {  	s8 =	sadd.s32 $0xFFFFE003, lr  }
0x1b: {  	s9 =	sadd.s32 $0xFFFFFEF7, lr;
	s5 =	simm.s32 $0xFFFFFFFF;
	p2 =	slt.u32 s8, $0xFFFFF086  }
0x1c: {  	p1 =	slt.u32 s9, $0xF7A;
	s5 =	simm.s32 @!p2 $0x0  }
0x1d: {  	s5 =	simm.s32 @p1 $0x1;
	p0 =	seq.s32 s7, s2  }
0x1e: {  	s7 =	smul.u32 @!p0 $0xF7A, s2;
	p2 =	seq.s32 @!p0 s5, $0x0  }
0x1f: {  	s9 =	smul.u32 $0xF7A, s1;
	s8 =	simm.s32 @!p0 $0x1BF5;
	p2 =	por !p2, p0  }
0x20: {  	[sflag:s8] =	ssyncset.s32 @!p0 $0xFFFFF086;
	s6 =	sadd.s32 @!p0 s3, s7;
	s7 =	simm.s32 @!p0 $0x108  }
0x21: {  	s3 =	sadd.s32 s3, s9;
	s6 =	sadd.s32 @!p0 $0x88, s6;
	s7 =	simm.s32 @p2 $0x1082  }
0x22: {  	[simem:s7], [sflag:s8] =	dma.local @!p0 [hbm:s6], $0xF7A  }
0x23: {  	s9 =	sor.u32 $0xD0000000, s2;
	s6 =	simm.s32 $0x108;
	_ =	swait.ge @!p0 [sflag:s8], $0x0  }
0x24: {  	s3 =	sadd.s32 $0x88, s3;
	s6 =	simm.s32 @!p1 $0x1082;
	[sflag:s4] =	ssyncset.s32 $0xFFFFF086  }
0x25: {  	[simem:s6], [sflag:s4] =	dma.local [hbm:s3], $0xF7A  }
0x26: {  	[smem:$0x3F99] =	sst s1;
	(tag) =	ssettag s2;
	_ =	strace s9  }
0x27: {  	s1 =	sld [smem:$0x3FA9]  }
0x28: {  	s2 =	sld [smem:$0x3FAA]  }
0x29: {  	s4 =	sld [smem:$0x3FAC]  }
0x2a: {  	p0 =	seq.s32 s5, $0x0;
	s5 =	sld [smem:$0x3FAD]  }
0x2b: {  	s6 =	sld [smem:$0x3FAE]  }
0x2c: {  	s7 =	sld [smem:$0x3FAF]  }
0x2d: {  	s3 =	simm.s32 $0x108;
	s8 =	sld [smem:$0x3FB0]  }
0x2e: {  	s3 =	simm.s32 @!p0 $0x1082;
	s9 =	sld [smem:$0x3FB1]  }
0x2f: {  	lr =	sadd.s32 s0, s3;
	s0 =	sld [smem:$0x3FA8]  }
0x30: {  	s3 =	sld [smem:$0x3FAB]  }
0x31: {  	[smem:$0x3FB4] =	sst s10  }
0x32: {  	s10 =	sld [smem:$0x3FB2];
	_ =	sdelay $0x3  }
0x33: {  	p0 =	seq.s32 s10, $0x1;
	s10 =	sld [smem:$0x3FB4];
	_ =	sdelay $0x3  }
0x34: {  	[smem:$0x3FB4] =	sst s10  }
0x35: {  	s10 =	sld [smem:$0x3FB3];
	_ =	sdelay $0x3  }
0x36: {  	p1 =	seq.s32 s10, $0x1;
	s10 =	sld [smem:$0x3FB4];
	_ =	sdelay $0x3  }
0x37: {  	[smem:$0x3FB4] =	sst s10  }
0x38: {  	s10 =	sld [smem:$0x3FB5]  }
0x39: {  	_ = 	snop;
	(pc) =	sbr.ind lr, $3  }
0x3a: {  	_ = 	snop  }
0x3b: {  	_ = 	snop  }
0x3c: {  	p2 =	seq.s32 s10, $0x1;
	s10 =	sld [smem:$0x3FB4]  }
0x3d: {  	_ =	shalt  }
0x3e: {  	_ =	shalt  }
0x3f: {  	_ =	shalt  }
0x40: {  	_ =	shalt  }
0x41: {  	_ =	shalt  }
0x42: {  	_ =	shalt  }
0x43: {  	_ =	shalt  }
0x44: {  	_ =	shalt  }
0x45: {  	_ =	shalt  }
0x46: {  	_ =	shalt  }
0x47: {  	_ =	shalt  }
0x48: {  	_ =	shalt  }
0x49: {  	_ =	shalt  }
0x4a: {  	_ =	shalt  }
0x4b: {  	_ =	shalt  }
0x4c: {  	_ =	shalt  }
0x4d: {  	_ =	shalt  }
0x4e: {  	_ =	shalt  }
0x4f: {  	_ =	shalt  }
0x50: {  	_ =	shalt  }
0x51: {  	_ =	shalt  }
0x52: {  	_ =	shalt  }
0x53: {  	_ =	shalt  }
0x54: {  	_ =	shalt  }
0x55: {  	_ =	shalt  }
0x56: {  	_ =	shalt  }
0x57: {  	_ =	shalt  }
0x58: {  	_ =	shalt  }
0x59: {  	_ =	shalt  }
0x5a: {  	_ =	shalt  }
0x5b: {  	_ =	shalt  }
0x5c: {  	_ =	shalt  }
0x5d: {  	_ =	shalt  }
0x5e: {  	_ =	shalt  }
0x5f: {  	_ =	shalt  }
0x60: {  	_ =	shalt  }
0x61: {  	_ =	shalt  }
0x62: {  	_ =	shalt  }
0x63: {  	_ =	shalt  }
0x64: {  	_ =	shalt  }
0x65: {  	_ =	shalt  }
0x66: {  	_ =	shalt  }
0x67: {  	_ =	shalt  }
0x68: {  	_ =	shalt  }
0x69: {  	_ =	shalt  }
0x6a: {  	_ =	shalt  }
0x6b: {  	_ =	shalt  }
0x6c: {  	_ =	shalt  }
0x6d: {  	_ =	shalt  }
0x6e: {  	_ =	shalt  }
0x6f: {  	_ =	shalt  }
0x70: {  	_ =	shalt  }
0x71: {  	_ =	shalt  }
0x72: {  	_ =	shalt  }
0x73: {  	_ =	shalt  }
0x74: {  	_ =	shalt  }
0x75: {  	_ =	shalt  }
0x76: {  	_ =	shalt  }
0x77: {  	_ =	shalt  }
0x78: {  	_ =	shalt  }
0x79: {  	_ =	shalt  }
0x7a: {  	_ =	shalt  }
0x7b: {  	_ =	shalt  }
0x7c: {  	_ =	shalt  }
0x7d: {  	_ =	shalt  }
0x7e: {  	_ =	shalt  }
0x7f: {  	_ =	shalt  }
0x80: {  	_ =	shalt  }
0x81: {  	_ =	shalt  }
0x82: {  	_ =	shalt  }
0x83: {  	_ =	shalt  }
0x84: {  	_ =	shalt  }
0x85: {  	_ =	shalt  }
0x86: {  	_ =	shalt  }
0x87: {  	_ =	shalt  }
.Lfunc_end0:
.L_simem_size_0:
called_computation.3_lowered:
.L_overlay_start_0:
0x88: {  	s2 =	sld [smem:$0x3FD9]  }
0x89: {  	s3 =	sld [smem:$0x3FFE];
	_ =	sdelay $0x1  }
0x8a: {  	s1 =	srdreg.scid  }
0x8b: {  	s0 =	sand.u32 $0x1, s1  }
0x8c: {  	s17 =	sshll.u32 s0, $0xA;
	s2 =	sadd.s32 s3, s2  }
0x8d: {  	s2 =	sadd.s32 s2, s17  }
0x8e: {  	[smem:$0x3FC0] =	sst s2  }
0x8f: {  	_ = 	snop  }
0x90: {  	(tm) =	ssettm $0x1  }
0x91: {  	s18 =	sld [smem:$0x3FFB];
	_ =	sdelay $0x3  }
0x92: {  	_ =	strace s18  }
0x93: {  	s2 =	sld [smem:$0x3FFC];
	_ =	sdelay $0x3  }
0x94: {  	_ =	strace s2  }
0x95: {  	s2 =	sld [smem:$0x3FFD];
	_ =	sdelay $0x3  }
0x96: {  	_ =	strace s2  }
0x97: {  	_ =	strace $0x8FFFFFFF  }
0x98: {  	s19 =	sld [smem:$0x3FDB];
	_ =	sdelay $0x1  }
0x99: {  	s20 =	simm.s32 $_scs_section_size  }
0x9a: {  	s4 =	simm.s32 $_size__tile_overlayer_lowered;
	s5 =	simm.s32 $_tile_overlayer_lowered  }
0x9b: {  	s6 =	simm.s32 $0x1BFF;
	s21 =	sshll.u32 s5, $0x1;
	s3 =	sadd.s32 s20, s19  }
0x9c: {  	s22 =	simm.s32 $0x0;
	s4 =	sshll.u32 s4, $0x1;
	s5 =	sadd.s32 s21, s3  }
0x9d: {  	[timem:s22], [sflag:s6] =	dma.local [hbm:s5], s4  }
0x9e: {  	_ =	swait.ge [sflag:s6], s4  }
0x9f: {  	s4 =	ssub.s32 $0x0, s4;
	[sflag:s6] =	ssyncset.done $0x0  }
0xa0: {  	[sflag:s6] =	ssyncadd.s32 s4;
	_ =	sdelay $0x1  }
0xa1: {  	s23 =	simm.s32 $0x1B8B  }
0xa2: {  	_ =	swait.ge [sflag:s23], $0x1  }
0xa3: {  	[sflag:s23] =	ssyncset.done $0x0  }
0xa4: {  	[sflag:s23] =	ssyncadd.s32 $0xFFFFFFFF  }
0xa5: {  	s4 =	sld [smem:$0x0]  }
0xa6: {  	s5 =	sand.u32 $0xFFFFFFFE, s1  }
0xa7: {  	p0 =	sne.s32 s1, s5  }
0xa8: {  	s5 =	sshll.u32 @p0 s5, $0xE  }
0xa9: {  	s5 =	sadd.s32 @p0 $0x11B8D, s5;
	s6 =	sshll.u32 @p0 s4, $0x11  }
0xaa: {  	s5 =	sor.u32 @p0 s6, s5  }
0xab: {  	[sflag:s5] =	ssyncadd.remote.s32 @p0 $0x1;
	_ =	sdelay $0x1  }
0xac: {  	s5 =	simm.s32 @p0 $0x1B8D  }
0xad: {  	_ =	swait.eq @p0 [sflag:s5], $0x1  }
0xae: {  	[sflag:s5] =	ssyncadd.s32 @p0 $0xFFFFFFFF  }
0xaf: {  	s6 =	sshll.u32 @!p0 s1, $0xE  }
0xb0: {  	s6 =	sor.u32 @!p0 $0x4000, s6;
	s5 =	simm.s32 @!p0 $0x1B8D  }
0xb1: {  	s4 =	sshll.u32 @!p0 s4, $0x11;
	s6 =	sadd.s32 @!p0 $0x11B8D, s6;
	_ =	swait.eq @!p0 [sflag:s5], $0x1  }
0xb2: {  	s4 =	sor.u32 @!p0 s4, s6;
	[sflag:s5] =	ssyncadd.s32 @!p0 $0xFFFFFFFF  }
0xb3: {  	s25 =	simm.s32 $0x1B8E;
	s24 =	sld [smem:$0x3FFE];
	[sflag:s4] =	ssyncadd.remote.s32 @!p0 $0x1  }
0xb4: {  	s26 =	simm.s32 $execute0_lowered;
	[smem:$0x3FD2] =	sst s25  }
0xb5: {  	s5 =	sshll.u32 s26, $0x1;
	_ =	strace $0x8000004C;
	[dreg:$0x1] =	wrdreg $0xFFFFFFFF  }
0xb6: {  	s28 =	simm.s32 $_size_execute0_lowered;
	s3 =	sadd.s32 s3, s5;
	[dreg:$0x0] =	wrdreg $0x0  }
0xb7: {  	s5 =	sshll.u32 s28, $0x1;
	[dreg:$0x2] =	wrdreg s3  }
0xb8: {  	[dreg:$0x3] =	wrdreg s5  }
0xb9: {  	[dreg:$0x4] =	wrdreg $0xC0  }
0xba: {  	_ =	task [dreg:s22], $0x5FFFF  }
0xbb: {  	[dreg:$0x1] =	wrdreg $0xFFFFFFFF  }
0xbc: {  	[dreg:$0x0] =	wrdreg $0x60  }
0xbd: {  	[dreg:$0x2] =	wrdreg s24  }
0xbe: {  	[dreg:$0x3] =	wrdreg $0xC  }
0xbf: {  	_ =	task.clear_ibuf [dreg:s22], $0x4FFFF;
	_ =	strace $0x9000004C  }
0xc0: {  	s29 =	simm.s32 $0xC;
	_ =	strace $0x8000004E  }
0xc1: {  	_ =	swait.ge [sflag:s29], $0x1  }
0xc2: {  	[sflag:s29] =	ssyncadd.s32 $0xFFFFFFFF  }
0xc3: {  	_ =	strace $0x9000004E  }
0xc4: {  	_ =	sfence  }
0xc5: {  	s30 =	sld [smem:$0x0];
	_ =	sdelay $0x2  }
0xc6: {  	s31 =	sshll.u32 s1, $0xD;
	s1 =	sshrl.u32 s1, $0x2  }
0xc7: {  	s4 =	sand.u32 $0x4000, s31;
	s1 =	sadd.s32 s1, s30  }
0xc8: {  	s0 =	sor.u32 s4, s0;
	s1 =	sshll.u32 s1, $0x11  }
0xc9: {  	s0 =	sor.u32 s1, s0  }
0xca: {  	s0 =	sadd.s32 $0x8F2B, s0  }
0xcb: {  	[sflag:s0] =	ssyncadd.remote.s32 $0x1  }
0xcc: {  	_ =	sfence.sel $0xFFFF  }
0xcd: {  	[dreg:$0x0] =	wrdreg $0xFFFFFFFF;
	(pc) =	sbr.abs _section_cstart, $3  }
0xce: {  	[dreg:$0x1] =	wrdreg $0xFFFFFFFF  }
0xcf: {  	_ =	task.clear_ibuf [dreg:s22], $0x2FFFF;
	_ =	strace $0x9FFFFFFF  }
0xd0: {  	(tm) =	ssettm $0x7FFFFFFF  }
0xd1: {  	_ =	shalt  }
tec
execute0_lowered:
.L_overlay_start_1:
0x0: {  	(tag) =	ssettag $0x1  }
0x1: {  	s0 =	srdreg.scid  }
0x2: {  	s1 =	stileid.u32;
	s0 =	sand.u32 $0x1, s0  }
0x3: {  	s1 =	sshll.u32 s1, $0xC;
	s2 =	sshll.u32 s0, $0xB  }
0x4: {  	s1 =	sor.u32 s2, s1  }
0x5: {  	s3 =	rddreg [dreg:$0x0];
	s4 =	sshrl.u32 s1, $0x3  }
0x6: {  	s2 =	simm.s32 $0x0;
	s1 =	sshll.u32 s1, $0x5;
	s4 =	sadd.s32 s4, s3  }
0x7: {  	[smem:$0x7FF] =	sst s2;
	s1 =	sadd.s32 s1, s3;
	s4 =	sadd.s32 $0x91600, s4  }
0x8: {  	_ =	strace $0x8000004D;
	s15 =	sadd.s32 $0x193600, s1;
	[dreg:$0x2] =	wrdreg s4  }
0x9: {  	s16 =	sadd.s32 $0x194600, s1;
	[dreg:$0x3] =	wrdreg s15  }
0xa: {  	s17 =	sadd.s32 $0x195600, s1;
	[dreg:$0x4] =	wrdreg s16  }
0xb: {  	s18 =	sadd.s32 $0x196600, s1;
	[dreg:$0x5] =	wrdreg s17  }
0xc: {  	s19 =	sadd.s32 $0x197600, s1;
	[dreg:$0x6] =	wrdreg s18  }
0xd: {  	s20 =	sadd.s32 $0x198600, s1;
	[dreg:$0x7] =	wrdreg s19  }
0xe: {  	s21 =	sadd.s32 $0x199600, s1;
	[dreg:$0x8] =	wrdreg s20  }
0xf: {  	s22 =	sadd.s32 $0x19A600, s1;
	[dreg:$0x9] =	wrdreg s21  }
0x10: {  	s23 =	sadd.s32 $0x19B600, s1;
	[dreg:$0xa] =	wrdreg s22  }
0x11: {  	s24 =	sadd.s32 $0x19C600, s1;
	[dreg:$0xb] =	wrdreg s23  }
0x12: {  	s29 =	simm.s32 $0x3;
	s25 =	sadd.s32 $0x19D600, s1;
	[dreg:$0xc] =	wrdreg s24  }
0x13: {  	s0 =	ssub.s32 $0x2, s0;
	s26 =	sadd.s32 $0x19E600, s1;
	[dreg:$0xd] =	wrdreg s25  }
0x14: {  	s5 =	sshrl.u32 s0, $0x1;
	s28 =	sadd.s32 $0x19F600, s1;
	[dreg:$0xe] =	wrdreg s26  }
0x15: {  	s0 =	ssub.s32 s0, s5;
	s30 =	sadd.s32 $0x1A0600, s1;
	[dreg:$0xf] =	wrdreg s28  }
0x16: {  	v2 =	vlaneseq.u32;
	s3 =	sadd.s32 $0x93600, s3;
	s31 =	sadd.s32 $0x1A1600, s1;
	[dreg:$0x10] =	wrdreg s30  }
0x17: {  	vm0 =	vmmov $0xffff;
	v1 =	vshrl.u32 v2, $0x3;
	s0 =	smax.u32 s0, $0x1;
	s1 =	sadd.s32 $0x1A2600, s1;
	[dreg:$0x11] =	wrdreg s31  }
0x18: {  	v0 =	vand.u32 $0x7, v2;
	v2 =	vor.u32 $0x8, v2;
	v1 =	vmul.u32 $0x8, v1;
	[dreg:$0x12] =	wrdreg s1;
	s22 =	simm.s32 $0x1;
	s26 =	simm.s32 $0x2  }
.LBB2_1:
0x19: {  	[dreg:$0x13] =	wrdreg s0  }
0x1a: {  	s31 =	rddreg [dreg:$0x2];
	s15 =	simm.s32 $0x5  }
0x1b: {  	[tilespmem:s2], [sflag:$0x5] =	stream.linear.gather [hbm4b:s31+s2], $0x800, $0x38;
	[tilespmem:$0x18800] =	vst v63  }
0x1c: {  	_ =	swait.ge [sflag:s15], $0x800  }
0x1d: {  	[sflag:s15] =	ssyncset.done $0x0  }
0x1e: {  	[sflag:s15] =	ssyncadd.s32 $0xFFFFF800  }
0x1f: {  	v3 =	vld [tilespmem:$0x0];
	_ =	sdelay $0x4  }
0x20: {  	v4 =	vshll.u32 v3, $0x1  }
0x21: {  	v3 =	vand.u32 $0x7, v3;
	v4 =	vand.u32 $0xFFFFFFF0, v4  }
0x22: {  	v3 =	vor.u32 v3, v4  }
0x23: {  	v4 =	vperm.xlane v3, v0;
	_ =	sdelay $0x1  }
0x24: {  	v3 =	vperm.xlane v3, v2;
	v4 =	vadd.s32 v1, v4;
	_ =	sdelay $0x1  }
0x25: {  	v3 =	vadd.s32 v1, v3;
	_ =	sdelay $0x1  }
0x26: {  	s16 =	simm.s32 $0x800  }
0x27: {  	[tilespmem:s16], [sflag:$0x1] =	stream.indirect_vreg.gather [hbm4b:s3+s2], $0x80, v4, vm0, $0xb8;
	[tilespmem:$0x18800] =	vst v63  }
0x28: {  	s17 =	simm.s32 $0x1000  }
0x29: {  	[tilespmem:s17], [sflag:$0x1] =	stream.indirect_vreg.gather [hbm4b:s3+s2], $0x80, v3, vm0, $0xb8;
	[tilespmem:$0x18800] =	vst v63  }
0x2a: {  	v3 =	vld [tilespmem:$0x10];
	_ =	sdelay $0x4  }
0x2b: {  	v49 =	vshll.u32 v3, $0x1  }
0x2c: {  	v3 =	vand.u32 $0x7, v3;
	v4 =	vand.u32 $0xFFFFFFF0, v49  }
0x2d: {  	v3 =	vor.u32 v3, v4  }
0x2e: {  	v4 =	vperm.xlane v3, v0;
	_ =	sdelay $0x1  }
0x2f: {  	v3 =	vperm.xlane v3, v2;
	v4 =	vadd.s32 v1, v4;
	_ =	sdelay $0x1  }
0x30: {  	v3 =	vadd.s32 v1, v3;
	_ =	sdelay $0x1  }
0x31: {  	s18 =	simm.s32 $0x1800  }
0x32: {  	[tilespmem:s18], [sflag:$0x1] =	stream.indirect_vreg.gather [hbm4b:s3+s2], $0x80, v4, vm0, $0xb8;
	[tilespmem:$0x18800] =	vst v63  }
0x33: {  	s19 =	simm.s32 $0x2000  }
0x34: {  	[tilespmem:s19], [sflag:$0x1] =	stream.indirect_vreg.gather [hbm4b:s3+s2], $0x80, v3, vm0, $0xb8;
	[tilespmem:$0x18800] =	vst v63  }
0x35: {  	v3 =	vld [tilespmem:$0x20];
	_ =	sdelay $0x4  }
0x36: {  	v50 =	vshll.u32 v3, $0x1  }
0x37: {  	v3 =	vand.u32 $0x7, v3;
	v4 =	vand.u32 $0xFFFFFFF0, v50  }
0x38: {  	v3 =	vor.u32 v3, v4  }
0x39: {  	v4 =	vperm.xlane v3, v0;
	_ =	sdelay $0x1  }
0x3a: {  	v3 =	vperm.xlane v3, v2;
	v4 =	vadd.s32 v1, v4;
	_ =	sdelay $0x1  }
0x3b: {  	v3 =	vadd.s32 v1, v3;
	_ =	sdelay $0x1  }
0x3c: {  	s20 =	simm.s32 $0x2800  }
0x3d: {  	[tilespmem:s20], [sflag:$0x1] =	stream.indirect_vreg.gather [hbm4b:s3+s2], $0x80, v4, vm0, $0xb8;
	[tilespmem:$0x18800] =	vst v63  }
0x3e: {  	s21 =	simm.s32 $0x3000  }
0x3f: {  	[tilespmem:s21], [sflag:$0x1] =	stream.indirect_vreg.gather [hbm4b:s3+s2], $0x80, v3, vm0, $0xb8;
	[tilespmem:$0x18800] =	vst v63  }
0x40: {  	v3 =	vld [tilespmem:$0x30];
	_ =	sdelay $0x4  }
0x41: {  	v51 =	vshll.u32 v3, $0x1  }
0x42: {  	v3 =	vand.u32 $0x7, v3;
	v4 =	vand.u32 $0xFFFFFFF0, v51  }
0x43: {  	v3 =	vor.u32 v3, v4  }
0x44: {  	v4 =	vperm.xlane v3, v0;
	_ =	sdelay $0x1  }
0x45: {  	v3 =	vperm.xlane v3, v2;
	v4 =	vadd.s32 v1, v4;
	_ =	sdelay $0x1  }
0x46: {  	v3 =	vadd.s32 v1, v3;
	_ =	sdelay $0x1  }
0x47: {  	s23 =	simm.s32 $0x3800  }
0x48: {  	[tilespmem:s23], [sflag:$0x1] =	stream.indirect_vreg.gather [hbm4b:s3+s2], $0x80, v4, vm0, $0xb8;
	[tilespmem:$0x18800] =	vst v63  }
0x49: {  	s24 =	simm.s32 $0x4000  }
0x4a: {  	[tilespmem:s24], [sflag:$0x1] =	stream.indirect_vreg.gather [hbm4b:s3+s2], $0x80, v3, vm0, $0xb8;
	[tilespmem:$0x18800] =	vst v63  }
0x4b: {  	v3 =	vld [tilespmem:$0x40];
	_ =	sdelay $0x4  }
0x4c: {  	v52 =	vshll.u32 v3, $0x1  }
0x4d: {  	v3 =	vand.u32 $0x7, v3;
	v4 =	vand.u32 $0xFFFFFFF0, v52  }
0x4e: {  	v3 =	vor.u32 v3, v4  }
0x4f: {  	v4 =	vperm.xlane v3, v0;
	_ =	sdelay $0x1  }
0x50: {  	v3 =	vperm.xlane v3, v2;
	v4 =	vadd.s32 v1, v4;
	_ =	sdelay $0x1  }
0x51: {  	v3 =	vadd.s32 v1, v3;
	_ =	sdelay $0x1  }
0x52: {  	s25 =	simm.s32 $0x4800  }
0x53: {  	[tilespmem:s25], [sflag:$0x1] =	stream.indirect_vreg.gather [hbm4b:s3+s2], $0x80, v4, vm0, $0xb8;
	[tilespmem:$0x18800] =	vst v63  }
0x54: {  	s28 =	simm.s32 $0x5000  }
0x55: {  	[tilespmem:s28], [sflag:$0x1] =	stream.indirect_vreg.gather [hbm4b:s3+s2], $0x80, v3, vm0, $0xb8;
	[tilespmem:$0x18800] =	vst v63  }
0x56: {  	v3 =	vld [tilespmem:$0x50];
	_ =	sdelay $0x4  }
0x57: {  	v53 =	vshll.u32 v3, $0x1  }
0x58: {  	v3 =	vand.u32 $0x7, v3;
	v4 =	vand.u32 $0xFFFFFFF0, v53  }
0x59: {  	v3 =	vor.u32 v3, v4  }
0x5a: {  	v4 =	vperm.xlane v3, v0;
	_ =	sdelay $0x1  }
0x5b: {  	v3 =	vperm.xlane v3, v2;
	v4 =	vadd.s32 v1, v4;
	_ =	sdelay $0x1  }
0x5c: {  	v3 =	vadd.s32 v1, v3;
	_ =	sdelay $0x1  }
0x5d: {  	s30 =	simm.s32 $0x5800  }
0x5e: {  	[tilespmem:s30], [sflag:$0x1] =	stream.indirect_vreg.gather [hbm4b:s3+s2], $0x80, v4, vm0, $0xb8;
	[tilespmem:$0x18800] =	vst v63  }
0x5f: {  	s31 =	simm.s32 $0x6000  }
0x60: {  	[tilespmem:s31], [sflag:$0x1] =	stream.indirect_vreg.gather [hbm4b:s3+s2], $0x80, v3, vm0, $0xb8;
	[tilespmem:$0x18800] =	vst v63  }
0x61: {  	v3 =	vld [tilespmem:$0x60];
	_ =	sdelay $0x4  }
0x62: {  	v54 =	vshll.u32 v3, $0x1  }
0x63: {  	v3 =	vand.u32 $0x7, v3;
	v4 =	vand.u32 $0xFFFFFFF0, v54  }
0x64: {  	v3 =	vor.u32 v3, v4  }
0x65: {  	v4 =	vperm.xlane v3, v0;
	_ =	sdelay $0x1  }
0x66: {  	v3 =	vperm.xlane v3, v2;
	v4 =	vadd.s32 v1, v4;
	_ =	sdelay $0x1  }
0x67: {  	v3 =	vadd.s32 v1, v3;
	_ =	sdelay $0x1  }
0x68: {  	s4 =	simm.s32 $0x6800  }
0x69: {  	[tilespmem:s4], [sflag:$0x1] =	stream.indirect_vreg.gather [hbm4b:s3+s2], $0x80, v4, vm0, $0xb8;
	[tilespmem:$0x18800] =	vst v63  }
0x6a: {  	s7 =	simm.s32 $0x7000  }
0x6b: {  	[tilespmem:s7], [sflag:$0x1] =	stream.indirect_vreg.gather [hbm4b:s3+s2], $0x80, v3, vm0, $0xb8;
	[tilespmem:$0x18800] =	vst v63  }
0x6c: {  	v3 =	vld [tilespmem:$0x70];
	_ =	sdelay $0x4  }
0x6d: {  	v55 =	vshll.u32 v3, $0x1  }
0x6e: {  	v3 =	vand.u32 $0x7, v3;
	v4 =	vand.u32 $0xFFFFFFF0, v55  }
0x6f: {  	v3 =	vor.u32 v3, v4  }
0x70: {  	v4 =	vperm.xlane v3, v0;
	_ =	sdelay $0x1  }
0x71: {  	v3 =	vperm.xlane v3, v2;
	v4 =	vadd.s32 v1, v4;
	_ =	sdelay $0x1  }
0x72: {  	v3 =	vadd.s32 v1, v3;
	_ =	sdelay $0x1  }
0x73: {  	s8 =	simm.s32 $0x7800  }
0x74: {  	[tilespmem:s8], [sflag:$0x1] =	stream.indirect_vreg.gather [hbm4b:s3+s2], $0x80, v4, vm0, $0xb8;
	[tilespmem:$0x18800] =	vst v63  }
0x75: {  	s9 =	simm.s32 $0x8000  }
0x76: {  	[tilespmem:s9], [sflag:$0x1] =	stream.indirect_vreg.gather [hbm4b:s3+s2], $0x80, v3, vm0, $0xb8;
	[tilespmem:$0x18800] =	vst v63  }
0x77: {  	_ =	swait.ge [sflag:s22], $0x8000  }
0x78: {  	[sflag:s22] =	ssyncset.done $0x0  }
0x79: {  	s6 =	simm.s32 $0x800;
	s10 =	rddreg [dreg:$0x3];
	[sflag:s22] =	ssyncadd.s32 $0xFFFF8000  }
0x7a: {  	[hbm4b:s10+s2] =	stream.linear.scatter [tilespmem:s6], [sflag:$0x2], $0x8000, $0x38;
	[tilespmem:$0x18800] =	vst v63  }
0x7b: {  	v3 =	vld [tilespmem:$0x80];
	_ =	sdelay $0x4  }
0x7c: {  	v56 =	vshll.u32 v3, $0x1  }
0x7d: {  	v3 =	vand.u32 $0x7, v3;
	v4 =	vand.u32 $0xFFFFFFF0, v56  }
0x7e: {  	v3 =	vor.u32 v3, v4  }
0x7f: {  	v4 =	vperm.xlane v3, v0;
	_ =	sdelay $0x1  }
0x80: {  	v3 =	vperm.xlane v3, v2;
	v4 =	vadd.s32 v1, v4;
	_ =	sdelay $0x1  }
0x81: {  	v3 =	vadd.s32 v1, v3;
	_ =	sdelay $0x1  }
0x82: {  	s11 =	simm.s32 $0x8800  }
0x83: {  	[tilespmem:s11], [sflag:$0x1] =	stream.indirect_vreg.gather [hbm4b:s3+s2], $0x80, v4, vm0, $0xb8;
	[tilespmem:$0x18800] =	vst v63  }
0x84: {  	s12 =	simm.s32 $0x9000  }
0x85: {  	[tilespmem:s12], [sflag:$0x1] =	stream.indirect_vreg.gather [hbm4b:s3+s2], $0x80, v3, vm0, $0xb8;
	[tilespmem:$0x18800] =	vst v63  }
0x86: {  	v3 =	vld [tilespmem:$0x90];
	_ =	sdelay $0x4  }
0x87: {  	v57 =	vshll.u32 v3, $0x1  }
0x88: {  	v3 =	vand.u32 $0x7, v3;
	v4 =	vand.u32 $0xFFFFFFF0, v57  }
0x89: {  	v3 =	vor.u32 v3, v4  }
0x8a: {  	v4 =	vperm.xlane v3, v0;
	_ =	sdelay $0x1  }
0x8b: {  	v3 =	vperm.xlane v3, v2;
	v4 =	vadd.s32 v1, v4;
	_ =	sdelay $0x1  }
0x8c: {  	v3 =	vadd.s32 v1, v3;
	_ =	sdelay $0x1  }
0x8d: {  	s13 =	simm.s32 $0x9800  }
0x8e: {  	[tilespmem:s13], [sflag:$0x1] =	stream.indirect_vreg.gather [hbm4b:s3+s2], $0x80, v4, vm0, $0xb8;
	[tilespmem:$0x18800] =	vst v63  }
0x8f: {  	s14 =	simm.s32 $0xA000  }
0x90: {  	[tilespmem:s14], [sflag:$0x1] =	stream.indirect_vreg.gather [hbm4b:s3+s2], $0x80, v3, vm0, $0xb8;
	[tilespmem:$0x18800] =	vst v63  }
0x91: {  	v3 =	vld [tilespmem:$0xA0];
	_ =	sdelay $0x4  }
0x92: {  	v58 =	vshll.u32 v3, $0x1  }
0x93: {  	v3 =	vand.u32 $0x7, v3;
	v4 =	vand.u32 $0xFFFFFFF0, v58  }
0x94: {  	v3 =	vor.u32 v3, v4  }
0x95: {  	v4 =	vperm.xlane v3, v0;
	_ =	sdelay $0x1  }
0x96: {  	v3 =	vperm.xlane v3, v2;
	v4 =	vadd.s32 v1, v4;
	_ =	sdelay $0x1  }
0x97: {  	v3 =	vadd.s32 v1, v3;
	_ =	sdelay $0x1  }
0x98: {  	s15 =	simm.s32 $0xA800  }
0x99: {  	[tilespmem:s15], [sflag:$0x1] =	stream.indirect_vreg.gather [hbm4b:s3+s2], $0x80, v4, vm0, $0xb8;
	[tilespmem:$0x18800] =	vst v63  }
0x9a: {  	s17 =	simm.s32 $0xB000  }
0x9b: {  	[tilespmem:s17], [sflag:$0x1] =	stream.indirect_vreg.gather [hbm4b:s3+s2], $0x80, v3, vm0, $0xb8;
	[tilespmem:$0x18800] =	vst v63  }
0x9c: {  	v3 =	vld [tilespmem:$0xB0];
	_ =	sdelay $0x4  }
0x9d: {  	v59 =	vshll.u32 v3, $0x1  }
0x9e: {  	v3 =	vand.u32 $0x7, v3;
	v4 =	vand.u32 $0xFFFFFFF0, v59  }
0x9f: {  	v3 =	vor.u32 v3, v4  }
0xa0: {  	v4 =	vperm.xlane v3, v0;
	_ =	sdelay $0x1  }
0xa1: {  	v3 =	vperm.xlane v3, v2;
	v4 =	vadd.s32 v1, v4;
	_ =	sdelay $0x1  }
0xa2: {  	v3 =	vadd.s32 v1, v3;
	_ =	sdelay $0x1  }
0xa3: {  	s23 =	simm.s32 $0xB800  }
0xa4: {  	[tilespmem:s23], [sflag:$0x1] =	stream.indirect_vreg.gather [hbm4b:s3+s2], $0x80, v4, vm0, $0xb8;
	[tilespmem:$0x18800] =	vst v63  }
0xa5: {  	s28 =	simm.s32 $0xC000  }
0xa6: {  	[tilespmem:s28], [sflag:$0x1] =	stream.indirect_vreg.gather [hbm4b:s3+s2], $0x80, v3, vm0, $0xb8;
	[tilespmem:$0x18800] =	vst v63  }
0xa7: {  	v3 =	vld [tilespmem:$0xC0];
	_ =	sdelay $0x4  }
0xa8: {  	v60 =	vshll.u32 v3, $0x1  }
0xa9: {  	v3 =	vand.u32 $0x7, v3;
	v4 =	vand.u32 $0xFFFFFFF0, v60  }
0xaa: {  	v3 =	vor.u32 v3, v4  }
0xab: {  	v4 =	vperm.xlane v3, v0;
	_ =	sdelay $0x1  }
0xac: {  	v3 =	vperm.xlane v3, v2;
	v4 =	vadd.s32 v1, v4;
	_ =	sdelay $0x1  }
0xad: {  	v3 =	vadd.s32 v1, v3;
	_ =	sdelay $0x1  }
0xae: {  	s30 =	simm.s32 $0xC800  }
0xaf: {  	[tilespmem:s30], [sflag:$0x1] =	stream.indirect_vreg.gather [hbm4b:s3+s2], $0x80, v4, vm0, $0xb8;
	[tilespmem:$0x18800] =	vst v63  }
0xb0: {  	s31 =	simm.s32 $0xD000  }
0xb1: {  	[tilespmem:s31], [sflag:$0x1] =	stream.indirect_vreg.gather [hbm4b:s3+s2], $0x80, v3, vm0, $0xb8;
	[tilespmem:$0x18800] =	vst v63  }
0xb2: {  	v3 =	vld [tilespmem:$0xD0];
	_ =	sdelay $0x4  }
0xb3: {  	v61 =	vshll.u32 v3, $0x1  }
0xb4: {  	v3 =	vand.u32 $0x7, v3;
	v4 =	vand.u32 $0xFFFFFFF0, v61  }
0xb5: {  	v3 =	vor.u32 v3, v4  }
0xb6: {  	v4 =	vperm.xlane v3, v0;
	_ =	sdelay $0x1  }
0xb7: {  	v3 =	vperm.xlane v3, v2;
	v4 =	vadd.s32 v1, v4;
	_ =	sdelay $0x1  }
0xb8: {  	v3 =	vadd.s32 v1, v3;
	_ =	sdelay $0x1  }
0xb9: {  	s4 =	simm.s32 $0xD800  }
0xba: {  	[tilespmem:s4], [sflag:$0x1] =	stream.indirect_vreg.gather [hbm4b:s3+s2], $0x80, v4, vm0, $0xb8;
	[tilespmem:$0x18800] =	vst v63  }
0xbb: {  	s7 =	simm.s32 $0xE000  }
0xbc: {  	[tilespmem:s7], [sflag:$0x1] =	stream.indirect_vreg.gather [hbm4b:s3+s2], $0x80, v3, vm0, $0xb8;
	[tilespmem:$0x18800] =	vst v63  }
0xbd: {  	v3 =	vld [tilespmem:$0xE0];
	_ =	sdelay $0x4  }
0xbe: {  	v62 =	vshll.u32 v3, $0x1  }
0xbf: {  	v3 =	vand.u32 $0x7, v3;
	v4 =	vand.u32 $0xFFFFFFF0, v62  }
0xc0: {  	v3 =	vor.u32 v3, v4  }
0xc1: {  	v4 =	vperm.xlane v3, v0;
	_ =	sdelay $0x1  }
0xc2: {  	v3 =	vperm.xlane v3, v2;
	v4 =	vadd.s32 v1, v4;
	_ =	sdelay $0x1  }
0xc3: {  	v3 =	vadd.s32 v1, v3;
	_ =	sdelay $0x1  }
0xc4: {  	s8 =	simm.s32 $0xE800  }
0xc5: {  	[tilespmem:s8], [sflag:$0x1] =	stream.indirect_vreg.gather [hbm4b:s3+s2], $0x80, v4, vm0, $0xb8;
	[tilespmem:$0x18800] =	vst v63  }
0xc6: {  	s10 =	simm.s32 $0xF000  }
0xc7: {  	[tilespmem:s10], [sflag:$0x1] =	stream.indirect_vreg.gather [hbm4b:s3+s2], $0x80, v3, vm0, $0xb8;
	[tilespmem:$0x18800] =	vst v63  }
0xc8: {  	v3 =	vld [tilespmem:$0xF0];
	_ =	sdelay $0x4  }
0xc9: {  	v63 =	vshll.u32 v3, $0x1  }
0xca: {  	v3 =	vand.u32 $0x7, v3;
	v4 =	vand.u32 $0xFFFFFFF0, v63  }
0xcb: {  	v3 =	vor.u32 v3, v4  }
0xcc: {  	v4 =	vperm.xlane v3, v0;
	_ =	sdelay $0x1  }
0xcd: {  	v3 =	vperm.xlane v3, v2;
	v4 =	vadd.s32 v1, v4;
	_ =	sdelay $0x1  }
0xce: {  	v3 =	vadd.s32 v1, v3;
	_ =	sdelay $0x1  }
0xcf: {  	s11 =	simm.s32 $0xF800  }
0xd0: {  	[tilespmem:s11], [sflag:$0x1] =	stream.indirect_vreg.gather [hbm4b:s3+s2], $0x80, v4, vm0, $0xb8;
	[tilespmem:$0x18800] =	vst v63  }
0xd1: {  	s12 =	simm.s32 $0x10000  }
0xd2: {  	[tilespmem:s12], [sflag:$0x1] =	stream.indirect_vreg.gather [hbm4b:s3+s2], $0x80, v3, vm0, $0xb8;
	[tilespmem:$0x18800] =	vst v63  }
0xd3: {  	_ =	swait.ge [sflag:s22], $0x8000  }
0xd4: {  	[sflag:s22] =	ssyncset.done $0x0  }
0xd5: {  	s6 =	simm.s32 $0x8800;
	s13 =	rddreg [dreg:$0x4];
	[sflag:s22] =	ssyncadd.s32 $0xFFFF8000  }
0xd6: {  	[hbm4b:s13+s2] =	stream.linear.scatter [tilespmem:s6], [sflag:$0x3], $0x8000, $0x38;
	[tilespmem:$0x18800] =	vst v63  }
0xd7: {  	v3 =	vld [tilespmem:$0x100];
	_ =	sdelay $0x4  }
0xd8: {  	v8 =	vshll.u32 v3, $0x1  }
0xd9: {  	v3 =	vand.u32 $0x7, v3;
	v4 =	vand.u32 $0xFFFFFFF0, v8  }
0xda: {  	v3 =	vor.u32 v3, v4  }
0xdb: {  	v4 =	vperm.xlane v3, v0;
	_ =	sdelay $0x1  }
0xdc: {  	v3 =	vperm.xlane v3, v2;
	v4 =	vadd.s32 v1, v4;
	_ =	sdelay $0x1  }
0xdd: {  	v3 =	vadd.s32 v1, v3;
	_ =	sdelay $0x1  }
0xde: {  	s14 =	simm.s32 $0x10800  }
0xdf: {  	[tilespmem:s14], [sflag:$0x1] =	stream.indirect_vreg.gather [hbm4b:s3+s2], $0x80, v4, vm0, $0xb8;
	[tilespmem:$0x18800] =	vst v63  }
0xe0: {  	s15 =	simm.s32 $0x11000  }
0xe1: {  	[tilespmem:s15], [sflag:$0x1] =	stream.indirect_vreg.gather [hbm4b:s3+s2], $0x80, v3, vm0, $0xb8;
	[tilespmem:$0x18800] =	vst v63  }
0xe2: {  	v3 =	vld [tilespmem:$0x110];
	_ =	sdelay $0x4  }
0xe3: {  	v9 =	vshll.u32 v3, $0x1  }
0xe4: {  	v3 =	vand.u32 $0x7, v3;
	v4 =	vand.u32 $0xFFFFFFF0, v9  }
0xe5: {  	v3 =	vor.u32 v3, v4  }
0xe6: {  	v4 =	vperm.xlane v3, v0;
	_ =	sdelay $0x1  }
0xe7: {  	v3 =	vperm.xlane v3, v2;
	v4 =	vadd.s32 v1, v4;
	_ =	sdelay $0x1  }
0xe8: {  	v3 =	vadd.s32 v1, v3;
	_ =	sdelay $0x1  }
0xe9: {  	s17 =	simm.s32 $0x11800  }
0xea: {  	[tilespmem:s17], [sflag:$0x1] =	stream.indirect_vreg.gather [hbm4b:s3+s2], $0x80, v4, vm0, $0xb8;
	[tilespmem:$0x18800] =	vst v63  }
0xeb: {  	s23 =	simm.s32 $0x12000  }
0xec: {  	[tilespmem:s23], [sflag:$0x1] =	stream.indirect_vreg.gather [hbm4b:s3+s2], $0x80, v3, vm0, $0xb8;
	[tilespmem:$0x18800] =	vst v63  }
0xed: {  	v3 =	vld [tilespmem:$0x120];
	_ =	sdelay $0x4  }
0xee: {  	v10 =	vshll.u32 v3, $0x1  }
0xef: {  	v3 =	vand.u32 $0x7, v3;
	v4 =	vand.u32 $0xFFFFFFF0, v10  }
0xf0: {  	v3 =	vor.u32 v3, v4  }
0xf1: {  	v4 =	vperm.xlane v3, v0;
	_ =	sdelay $0x1  }
0xf2: {  	v3 =	vperm.xlane v3, v2;
	v4 =	vadd.s32 v1, v4;
	_ =	sdelay $0x1  }
0xf3: {  	v3 =	vadd.s32 v1, v3;
	_ =	sdelay $0x1  }
0xf4: {  	s28 =	simm.s32 $0x12800  }
0xf5: {  	[tilespmem:s28], [sflag:$0x1] =	stream.indirect_vreg.gather [hbm4b:s3+s2], $0x80, v4, vm0, $0xb8;
	[tilespmem:$0x18800] =	vst v63  }
0xf6: {  	s30 =	simm.s32 $0x13000  }
0xf7: {  	[tilespmem:s30], [sflag:$0x1] =	stream.indirect_vreg.gather [hbm4b:s3+s2], $0x80, v3, vm0, $0xb8;
	[tilespmem:$0x18800] =	vst v63  }
0xf8: {  	v3 =	vld [tilespmem:$0x130];
	_ =	sdelay $0x4  }
0xf9: {  	v11 =	vshll.u32 v3, $0x1  }
0xfa: {  	v3 =	vand.u32 $0x7, v3;
	v4 =	vand.u32 $0xFFFFFFF0, v11  }
0xfb: {  	v3 =	vor.u32 v3, v4  }
0xfc: {  	v4 =	vperm.xlane v3, v0;
	_ =	sdelay $0x1  }
0xfd: {  	v3 =	vperm.xlane v3, v2;
	v4 =	vadd.s32 v1, v4;
	_ =	sdelay $0x1  }
0xfe: {  	v3 =	vadd.s32 v1, v3;
	_ =	sdelay $0x1  }
0xff: {  	s31 =	simm.s32 $0x13800  }
0x100: {  	[tilespmem:s31], [sflag:$0x1] =	stream.indirect_vreg.gather [hbm4b:s3+s2], $0x80, v4, vm0, $0xb8;
	[tilespmem:$0x18800] =	vst v63  }
0x101: {  	s7 =	simm.s32 $0x14000  }
0x102: {  	[tilespmem:s7], [sflag:$0x1] =	stream.indirect_vreg.gather [hbm4b:s3+s2], $0x80, v3, vm0, $0xb8;
	[tilespmem:$0x18800] =	vst v63  }
0x103: {  	v3 =	vld [tilespmem:$0x140];
	_ =	sdelay $0x4  }
0x104: {  	v12 =	vshll.u32 v3, $0x1  }
0x105: {  	v3 =	vand.u32 $0x7, v3;
	v4 =	vand.u32 $0xFFFFFFF0, v12  }
0x106: {  	v3 =	vor.u32 v3, v4  }
0x107: {  	v4 =	vperm.xlane v3, v0;
	_ =	sdelay $0x1  }
0x108: {  	v3 =	vperm.xlane v3, v2;
	v4 =	vadd.s32 v1, v4;
	_ =	sdelay $0x1  }
0x109: {  	v3 =	vadd.s32 v1, v3;
	_ =	sdelay $0x1  }
0x10a: {  	s8 =	simm.s32 $0x14800  }
0x10b: {  	[tilespmem:s8], [sflag:$0x1] =	stream.indirect_vreg.gather [hbm4b:s3+s2], $0x80, v4, vm0, $0xb8;
	[tilespmem:$0x18800] =	vst v63  }
0x10c: {  	s14 =	simm.s32 $0x15000  }
0x10d: {  	[tilespmem:s14], [sflag:$0x1] =	stream.indirect_vreg.gather [hbm4b:s3+s2], $0x80, v3, vm0, $0xb8;
	[tilespmem:$0x18800] =	vst v63  }
0x10e: {  	v3 =	vld [tilespmem:$0x150];
	_ =	sdelay $0x4  }
0x10f: {  	v13 =	vshll.u32 v3, $0x1  }
0x110: {  	v3 =	vand.u32 $0x7, v3;
	v4 =	vand.u32 $0xFFFFFFF0, v13  }
0x111: {  	v3 =	vor.u32 v3, v4  }
0x112: {  	v4 =	vperm.xlane v3, v0;
	_ =	sdelay $0x1  }
0x113: {  	v3 =	vperm.xlane v3, v2;
	v4 =	vadd.s32 v1, v4;
	_ =	sdelay $0x1  }
0x114: {  	v3 =	vadd.s32 v1, v3;
	_ =	sdelay $0x1  }
0x115: {  	s15 =	simm.s32 $0x15800  }
0x116: {  	[tilespmem:s15], [sflag:$0x1] =	stream.indirect_vreg.gather [hbm4b:s3+s2], $0x80, v4, vm0, $0xb8;
	[tilespmem:$0x18800] =	vst v63  }
0x117: {  	s17 =	simm.s32 $0x16000  }
0x118: {  	[tilespmem:s17], [sflag:$0x1] =	stream.indirect_vreg.gather [hbm4b:s3+s2], $0x80, v3, vm0, $0xb8;
	[tilespmem:$0x18800] =	vst v63  }
0x119: {  	v3 =	vld [tilespmem:$0x160];
	_ =	sdelay $0x4  }
0x11a: {  	v14 =	vshll.u32 v3, $0x1  }
0x11b: {  	v3 =	vand.u32 $0x7, v3;
	v4 =	vand.u32 $0xFFFFFFF0, v14  }
0x11c: {  	v3 =	vor.u32 v3, v4  }
0x11d: {  	v4 =	vperm.xlane v3, v0;
	_ =	sdelay $0x1  }
0x11e: {  	v3 =	vperm.xlane v3, v2;
	v4 =	vadd.s32 v1, v4;
	_ =	sdelay $0x1  }
0x11f: {  	v3 =	vadd.s32 v1, v3;
	_ =	sdelay $0x1  }
0x120: {  	s23 =	simm.s32 $0x16800  }
0x121: {  	[tilespmem:s23], [sflag:$0x1] =	stream.indirect_vreg.gather [hbm4b:s3+s2], $0x80, v4, vm0, $0xb8;
	[tilespmem:$0x18800] =	vst v63  }
0x122: {  	s28 =	simm.s32 $0x17000  }
0x123: {  	[tilespmem:s28], [sflag:$0x1] =	stream.indirect_vreg.gather [hbm4b:s3+s2], $0x80, v3, vm0, $0xb8;
	[tilespmem:$0x18800] =	vst v63  }
0x124: {  	v3 =	vld [tilespmem:$0x170];
	_ =	sdelay $0x4  }
0x125: {  	v15 =	vshll.u32 v3, $0x1  }
0x126: {  	v3 =	vand.u32 $0x7, v3;
	v4 =	vand.u32 $0xFFFFFFF0, v15  }
0x127: {  	v3 =	vor.u32 v3, v4  }
0x128: {  	v4 =	vperm.xlane v3, v0;
	_ =	sdelay $0x1  }
0x129: {  	v3 =	vperm.xlane v3, v2;
	v4 =	vadd.s32 v1, v4;
	_ =	sdelay $0x1  }
0x12a: {  	v3 =	vadd.s32 v1, v3;
	_ =	sdelay $0x1  }
0x12b: {  	s30 =	simm.s32 $0x17800  }
0x12c: {  	[tilespmem:s30], [sflag:$0x1] =	stream.indirect_vreg.gather [hbm4b:s3+s2], $0x80, v4, vm0, $0xb8;
	[tilespmem:$0x18800] =	vst v63  }
0x12d: {  	s31 =	simm.s32 $0x18000  }
0x12e: {  	[tilespmem:s31], [sflag:$0x1] =	stream.indirect_vreg.gather [hbm4b:s3+s2], $0x80, v3, vm0, $0xb8;
	[tilespmem:$0x18800] =	vst v63  }
0x12f: {  	_ =	swait.ge [sflag:s22], $0x8000  }
0x130: {  	[sflag:s22] =	ssyncset.done $0x0  }
0x131: {  	s6 =	simm.s32 $0x10800;
	s0 =	rddreg [dreg:$0x5];
	[sflag:s22] =	ssyncadd.s32 $0xFFFF8000  }
0x132: {  	[hbm4b:s0+s2] =	stream.linear.scatter [tilespmem:s6], [sflag:$0x4], $0x8000, $0x38;
	[tilespmem:$0x18800] =	vst v63  }
0x133: {  	_ =	swait.ge [sflag:s26], $0x8000  }
0x134: {  	[sflag:s26] =	ssyncset.done $0x0  }
0x135: {  	[sflag:s26] =	ssyncadd.s32 $0xFFFF8000  }
0x136: {  	v3 =	vld [tilespmem:$0x180];
	_ =	sdelay $0x4  }
0x137: {  	v16 =	vshll.u32 v3, $0x1  }
0x138: {  	v3 =	vand.u32 $0x7, v3;
	v4 =	vand.u32 $0xFFFFFFF0, v16  }
0x139: {  	v3 =	vor.u32 v3, v4  }
0x13a: {  	v4 =	vperm.xlane v3, v0;
	_ =	sdelay $0x1  }
0x13b: {  	v3 =	vperm.xlane v3, v2;
	v4 =	vadd.s32 v1, v4;
	_ =	sdelay $0x1  }
0x13c: {  	v3 =	vadd.s32 v1, v3;
	_ =	sdelay $0x1  }
0x13d: {  	s17 =	simm.s32 $0x800  }
0x13e: {  	[tilespmem:s17], [sflag:$0x1] =	stream.indirect_vreg.gather [hbm4b:s3+s2], $0x80, v4, vm0, $0xb8;
	[tilespmem:$0x18800] =	vst v63  }
0x13f: {  	s1 =	simm.s32 $0x1000  }
0x140: {  	[tilespmem:s1], [sflag:$0x1] =	stream.indirect_vreg.gather [hbm4b:s3+s2], $0x80, v3, vm0, $0xb8;
	[tilespmem:$0x18800] =	vst v63  }
0x141: {  	v3 =	vld [tilespmem:$0x190];
	_ =	sdelay $0x4  }
0x142: {  	v17 =	vshll.u32 v3, $0x1  }
0x143: {  	v3 =	vand.u32 $0x7, v3;
	v4 =	vand.u32 $0xFFFFFFF0, v17  }
0x144: {  	v3 =	vor.u32 v3, v4  }
0x145: {  	v4 =	vperm.xlane v3, v0;
	_ =	sdelay $0x1  }
0x146: {  	v3 =	vperm.xlane v3, v2;
	v4 =	vadd.s32 v1, v4;
	_ =	sdelay $0x1  }
0x147: {  	v3 =	vadd.s32 v1, v3;
	_ =	sdelay $0x1  }
0x148: {  	s0 =	simm.s32 $0x1800  }
0x149: {  	[tilespmem:s0], [sflag:$0x1] =	stream.indirect_vreg.gather [hbm4b:s3+s2], $0x80, v4, vm0, $0xb8;
	[tilespmem:$0x18800] =	vst v63  }
0x14a: {  	s5 =	simm.s32 $0x2000  }
0x14b: {  	[tilespmem:s5], [sflag:$0x1] =	stream.indirect_vreg.gather [hbm4b:s3+s2], $0x80, v3, vm0, $0xb8;
	[tilespmem:$0x18800] =	vst v63  }
0x14c: {  	v3 =	vld [tilespmem:$0x1A0];
	_ =	sdelay $0x4  }
0x14d: {  	v18 =	vshll.u32 v3, $0x1  }
0x14e: {  	v3 =	vand.u32 $0x7, v3;
	v4 =	vand.u32 $0xFFFFFFF0, v18  }
0x14f: {  	v3 =	vor.u32 v3, v4  }
0x150: {  	v4 =	vperm.xlane v3, v0;
	_ =	sdelay $0x1  }
0x151: {  	v3 =	vperm.xlane v3, v2;
	v4 =	vadd.s32 v1, v4;
	_ =	sdelay $0x1  }
0x152: {  	v3 =	vadd.s32 v1, v3;
	_ =	sdelay $0x1  }
0x153: {  	s5 =	simm.s32 $0x2800  }
0x154: {  	[tilespmem:s5], [sflag:$0x1] =	stream.indirect_vreg.gather [hbm4b:s3+s2], $0x80, v4, vm0, $0xb8;
	[tilespmem:$0x18800] =	vst v63  }
0x155: {  	s19 =	simm.s32 $0x3000  }
0x156: {  	[tilespmem:s19], [sflag:$0x1] =	stream.indirect_vreg.gather [hbm4b:s3+s2], $0x80, v3, vm0, $0xb8;
	[tilespmem:$0x18800] =	vst v63  }
0x157: {  	v3 =	vld [tilespmem:$0x1B0];
	_ =	sdelay $0x4  }
0x158: {  	v19 =	vshll.u32 v3, $0x1  }
0x159: {  	v3 =	vand.u32 $0x7, v3;
	v4 =	vand.u32 $0xFFFFFFF0, v19  }
0x15a: {  	v3 =	vor.u32 v3, v4  }
0x15b: {  	v4 =	vperm.xlane v3, v0;
	_ =	sdelay $0x1  }
0x15c: {  	v3 =	vperm.xlane v3, v2;
	v4 =	vadd.s32 v1, v4;
	_ =	sdelay $0x1  }
0x15d: {  	v3 =	vadd.s32 v1, v3;
	_ =	sdelay $0x1  }
0x15e: {  	s23 =	simm.s32 $0x3800  }
0x15f: {  	[tilespmem:s23], [sflag:$0x1] =	stream.indirect_vreg.gather [hbm4b:s3+s2], $0x80, v4, vm0, $0xb8;
	[tilespmem:$0x18800] =	vst v63  }
0x160: {  	s20 =	simm.s32 $0x4000  }
0x161: {  	[tilespmem:s20], [sflag:$0x1] =	stream.indirect_vreg.gather [hbm4b:s3+s2], $0x80, v3, vm0, $0xb8;
	[tilespmem:$0x18800] =	vst v63  }
0x162: {  	v3 =	vld [tilespmem:$0x1C0];
	_ =	sdelay $0x4  }
0x163: {  	v20 =	vshll.u32 v3, $0x1  }
0x164: {  	v3 =	vand.u32 $0x7, v3;
	v4 =	vand.u32 $0xFFFFFFF0, v20  }
0x165: {  	v3 =	vor.u32 v3, v4  }
0x166: {  	v4 =	vperm.xlane v3, v0;
	_ =	sdelay $0x1  }
0x167: {  	v3 =	vperm.xlane v3, v2;
	v4 =	vadd.s32 v1, v4;
	_ =	sdelay $0x1  }
0x168: {  	v3 =	vadd.s32 v1, v3;
	_ =	sdelay $0x1  }
0x169: {  	s19 =	simm.s32 $0x4800  }
0x16a: {  	[tilespmem:s19], [sflag:$0x1] =	stream.indirect_vreg.gather [hbm4b:s3+s2], $0x80, v4, vm0, $0xb8;
	[tilespmem:$0x18800] =	vst v63  }
0x16b: {  	s21 =	simm.s32 $0x5000  }
0x16c: {  	[tilespmem:s21], [sflag:$0x1] =	stream.indirect_vreg.gather [hbm4b:s3+s2], $0x80, v3, vm0, $0xb8;
	[tilespmem:$0x18800] =	vst v63  }
0x16d: {  	v3 =	vld [tilespmem:$0x1D0];
	_ =	sdelay $0x4  }
0x16e: {  	v21 =	vshll.u32 v3, $0x1  }
0x16f: {  	v3 =	vand.u32 $0x7, v3;
	v4 =	vand.u32 $0xFFFFFFF0, v21  }
0x170: {  	v3 =	vor.u32 v3, v4  }
0x171: {  	v4 =	vperm.xlane v3, v0;
	_ =	sdelay $0x1  }
0x172: {  	v3 =	vperm.xlane v3, v2;
	v4 =	vadd.s32 v1, v4;
	_ =	sdelay $0x1  }
0x173: {  	v3 =	vadd.s32 v1, v3;
	_ =	sdelay $0x1  }
0x174: {  	s20 =	simm.s32 $0x5800  }
0x175: {  	[tilespmem:s20], [sflag:$0x1] =	stream.indirect_vreg.gather [hbm4b:s3+s2], $0x80, v4, vm0, $0xb8;
	[tilespmem:$0x18800] =	vst v63  }
0x176: {  	s7 =	simm.s32 $0x6000  }
0x177: {  	[tilespmem:s7], [sflag:$0x1] =	stream.indirect_vreg.gather [hbm4b:s3+s2], $0x80, v3, vm0, $0xb8;
	[tilespmem:$0x18800] =	vst v63  }
0x178: {  	v3 =	vld [tilespmem:$0x1E0];
	_ =	sdelay $0x4  }
0x179: {  	v22 =	vshll.u32 v3, $0x1  }
0x17a: {  	v3 =	vand.u32 $0x7, v3;
	v4 =	vand.u32 $0xFFFFFFF0, v22  }
0x17b: {  	v3 =	vor.u32 v3, v4  }
0x17c: {  	v4 =	vperm.xlane v3, v0;
	_ =	sdelay $0x1  }
0x17d: {  	v3 =	vperm.xlane v3, v2;
	v4 =	vadd.s32 v1, v4;
	_ =	sdelay $0x1  }
0x17e: {  	v3 =	vadd.s32 v1, v3;
	_ =	sdelay $0x1  }
0x17f: {  	s21 =	simm.s32 $0x6800  }
0x180: {  	[tilespmem:s21], [sflag:$0x1] =	stream.indirect_vreg.gather [hbm4b:s3+s2], $0x80, v4, vm0, $0xb8;
	[tilespmem:$0x18800] =	vst v63  }
0x181: {  	s8 =	simm.s32 $0x7000  }
0x182: {  	[tilespmem:s8], [sflag:$0x1] =	stream.indirect_vreg.gather [hbm4b:s3+s2], $0x80, v3, vm0, $0xb8;
	[tilespmem:$0x18800] =	vst v63  }
0x183: {  	v3 =	vld [tilespmem:$0x1F0];
	_ =	sdelay $0x4  }
0x184: {  	v23 =	vshll.u32 v3, $0x1  }
0x185: {  	v3 =	vand.u32 $0x7, v3;
	v4 =	vand.u32 $0xFFFFFFF0, v23  }
0x186: {  	v3 =	vor.u32 v3, v4  }
0x187: {  	v4 =	vperm.xlane v3, v0;
	_ =	sdelay $0x1  }
0x188: {  	v3 =	vperm.xlane v3, v2;
	v4 =	vadd.s32 v1, v4;
	_ =	sdelay $0x1  }
0x189: {  	v3 =	vadd.s32 v1, v3;
	_ =	sdelay $0x1  }
0x18a: {  	s6 =	simm.s32 $0x7800  }
0x18b: {  	[tilespmem:s6], [sflag:$0x1] =	stream.indirect_vreg.gather [hbm4b:s3+s2], $0x80, v4, vm0, $0xb8;
	[tilespmem:$0x18800] =	vst v63  }
0x18c: {  	s9 =	simm.s32 $0x8000  }
0x18d: {  	[tilespmem:s9], [sflag:$0x1] =	stream.indirect_vreg.gather [hbm4b:s3+s2], $0x80, v3, vm0, $0xb8;
	[tilespmem:$0x18800] =	vst v63  }
0x18e: {  	_ =	swait.ge [sflag:s22], $0x8000  }
0x18f: {  	[sflag:s22] =	ssyncset.done $0x0  }
0x190: {  	s9 =	rddreg [dreg:$0x6];
	[sflag:s22] =	ssyncadd.s32 $0xFFFF8000  }
0x191: {  	[hbm4b:s9+s2] =	stream.linear.scatter [tilespmem:s17], [sflag:$0x2], $0x8000, $0x38;
	[tilespmem:$0x18800] =	vst v63  }
0x192: {  	_ =	swait.ge [sflag:s29], $0x8000  }
0x193: {  	[sflag:s29] =	ssyncset.done $0x0  }
0x194: {  	[sflag:s29] =	ssyncadd.s32 $0xFFFF8000  }
0x195: {  	v3 =	vld [tilespmem:$0x200];
	_ =	sdelay $0x4  }
0x196: {  	v24 =	vshll.u32 v3, $0x1  }
0x197: {  	v3 =	vand.u32 $0x7, v3;
	v4 =	vand.u32 $0xFFFFFFF0, v24  }
0x198: {  	v3 =	vor.u32 v3, v4  }
0x199: {  	v4 =	vperm.xlane v3, v0;
	_ =	sdelay $0x1  }
0x19a: {  	v3 =	vperm.xlane v3, v2;
	v4 =	vadd.s32 v1, v4;
	_ =	sdelay $0x1  }
0x19b: {  	v3 =	vadd.s32 v1, v3;
	_ =	sdelay $0x1  }
0x19c: {  	s9 =	simm.s32 $0x8800  }
0x19d: {  	[tilespmem:s9], [sflag:$0x1] =	stream.indirect_vreg.gather [hbm4b:s3+s2], $0x80, v4, vm0, $0xb8;
	[tilespmem:$0x18800] =	vst v63  }
0x19e: {  	s18 =	simm.s32 $0x9000  }
0x19f: {  	[tilespmem:s18], [sflag:$0x1] =	stream.indirect_vreg.gather [hbm4b:s3+s2], $0x80, v3, vm0, $0xb8;
	[tilespmem:$0x18800] =	vst v63  }
0x1a0: {  	v3 =	vld [tilespmem:$0x210];
	_ =	sdelay $0x4  }
0x1a1: {  	v25 =	vshll.u32 v3, $0x1  }
0x1a2: {  	v3 =	vand.u32 $0x7, v3;
	v4 =	vand.u32 $0xFFFFFFF0, v25  }
0x1a3: {  	v3 =	vor.u32 v3, v4  }
0x1a4: {  	v4 =	vperm.xlane v3, v0;
	_ =	sdelay $0x1  }
0x1a5: {  	v3 =	vperm.xlane v3, v2;
	v4 =	vadd.s32 v1, v4;
	_ =	sdelay $0x1  }
0x1a6: {  	v3 =	vadd.s32 v1, v3;
	_ =	sdelay $0x1  }
0x1a7: {  	s16 =	simm.s32 $0x9800  }
0x1a8: {  	[tilespmem:s16], [sflag:$0x1] =	stream.indirect_vreg.gather [hbm4b:s3+s2], $0x80, v4, vm0, $0xb8;
	[tilespmem:$0x18800] =	vst v63  }
0x1a9: {  	s24 =	simm.s32 $0xA000  }
0x1aa: {  	[tilespmem:s24], [sflag:$0x1] =	stream.indirect_vreg.gather [hbm4b:s3+s2], $0x80, v3, vm0, $0xb8;
	[tilespmem:$0x18800] =	vst v63  }
0x1ab: {  	v3 =	vld [tilespmem:$0x220];
	_ =	sdelay $0x4  }
0x1ac: {  	v26 =	vshll.u32 v3, $0x1  }
0x1ad: {  	v3 =	vand.u32 $0x7, v3;
	v4 =	vand.u32 $0xFFFFFFF0, v26  }
0x1ae: {  	v3 =	vor.u32 v3, v4  }
0x1af: {  	v4 =	vperm.xlane v3, v0;
	_ =	sdelay $0x1  }
0x1b0: {  	v3 =	vperm.xlane v3, v2;
	v4 =	vadd.s32 v1, v4;
	_ =	sdelay $0x1  }
0x1b1: {  	v3 =	vadd.s32 v1, v3;
	_ =	sdelay $0x1  }
0x1b2: {  	s17 =	simm.s32 $0xA800  }
0x1b3: {  	[tilespmem:s17], [sflag:$0x1] =	stream.indirect_vreg.gather [hbm4b:s3+s2], $0x80, v4, vm0, $0xb8;
	[tilespmem:$0x18800] =	vst v63  }
0x1b4: {  	s25 =	simm.s32 $0xB000  }
0x1b5: {  	[tilespmem:s25], [sflag:$0x1] =	stream.indirect_vreg.gather [hbm4b:s3+s2], $0x80, v3, vm0, $0xb8;
	[tilespmem:$0x18800] =	vst v63  }
0x1b6: {  	v3 =	vld [tilespmem:$0x230];
	_ =	sdelay $0x4  }
0x1b7: {  	v27 =	vshll.u32 v3, $0x1  }
0x1b8: {  	v3 =	vand.u32 $0x7, v3;
	v4 =	vand.u32 $0xFFFFFFF0, v27  }
0x1b9: {  	v3 =	vor.u32 v3, v4  }
0x1ba: {  	v4 =	vperm.xlane v3, v0;
	_ =	sdelay $0x1  }
0x1bb: {  	v3 =	vperm.xlane v3, v2;
	v4 =	vadd.s32 v1, v4;
	_ =	sdelay $0x1  }
0x1bc: {  	v3 =	vadd.s32 v1, v3;
	_ =	sdelay $0x1  }
0x1bd: {  	s18 =	simm.s32 $0xB800  }
0x1be: {  	[tilespmem:s18], [sflag:$0x1] =	stream.indirect_vreg.gather [hbm4b:s3+s2], $0x80, v4, vm0, $0xb8;
	[tilespmem:$0x18800] =	vst v63  }
0x1bf: {  	s28 =	simm.s32 $0xC000  }
0x1c0: {  	[tilespmem:s28], [sflag:$0x1] =	stream.indirect_vreg.gather [hbm4b:s3+s2], $0x80, v3, vm0, $0xb8;
	[tilespmem:$0x18800] =	vst v63  }
0x1c1: {  	v3 =	vld [tilespmem:$0x240];
	_ =	sdelay $0x4  }
0x1c2: {  	v28 =	vshll.u32 v3, $0x1  }
0x1c3: {  	v3 =	vand.u32 $0x7, v3;
	v4 =	vand.u32 $0xFFFFFFF0, v28  }
0x1c4: {  	v3 =	vor.u32 v3, v4  }
0x1c5: {  	v4 =	vperm.xlane v3, v0;
	_ =	sdelay $0x1  }
0x1c6: {  	v3 =	vperm.xlane v3, v2;
	v4 =	vadd.s32 v1, v4;
	_ =	sdelay $0x1  }
0x1c7: {  	v3 =	vadd.s32 v1, v3;
	_ =	sdelay $0x1  }
0x1c8: {  	s24 =	simm.s32 $0xC800  }
0x1c9: {  	[tilespmem:s24], [sflag:$0x1] =	stream.indirect_vreg.gather [hbm4b:s3+s2], $0x80, v4, vm0, $0xb8;
	[tilespmem:$0x18800] =	vst v63  }
0x1ca: {  	s30 =	simm.s32 $0xD000  }
0x1cb: {  	[tilespmem:s30], [sflag:$0x1] =	stream.indirect_vreg.gather [hbm4b:s3+s2], $0x80, v3, vm0, $0xb8;
	[tilespmem:$0x18800] =	vst v63  }
0x1cc: {  	v3 =	vld [tilespmem:$0x250];
	_ =	sdelay $0x4  }
0x1cd: {  	v29 =	vshll.u32 v3, $0x1  }
0x1ce: {  	v3 =	vand.u32 $0x7, v3;
	v4 =	vand.u32 $0xFFFFFFF0, v29  }
0x1cf: {  	v3 =	vor.u32 v3, v4  }
0x1d0: {  	v4 =	vperm.xlane v3, v0;
	_ =	sdelay $0x1  }
0x1d1: {  	v3 =	vperm.xlane v3, v2;
	v4 =	vadd.s32 v1, v4;
	_ =	sdelay $0x1  }
0x1d2: {  	v3 =	vadd.s32 v1, v3;
	_ =	sdelay $0x1  }
0x1d3: {  	s25 =	simm.s32 $0xD800  }
0x1d4: {  	[tilespmem:s25], [sflag:$0x1] =	stream.indirect_vreg.gather [hbm4b:s3+s2], $0x80, v4, vm0, $0xb8;
	[tilespmem:$0x18800] =	vst v63  }
0x1d5: {  	s16 =	simm.s32 $0xE000  }
0x1d6: {  	[tilespmem:s16], [sflag:$0x1] =	stream.indirect_vreg.gather [hbm4b:s3+s2], $0x80, v3, vm0, $0xb8;
	[tilespmem:$0x18800] =	vst v63  }
0x1d7: {  	v3 =	vld [tilespmem:$0x260];
	_ =	sdelay $0x4  }
0x1d8: {  	v30 =	vshll.u32 v3, $0x1  }
0x1d9: {  	v3 =	vand.u32 $0x7, v3;
	v4 =	vand.u32 $0xFFFFFFF0, v30  }
0x1da: {  	v3 =	vor.u32 v3, v4  }
0x1db: {  	v4 =	vperm.xlane v3, v0;
	_ =	sdelay $0x1  }
0x1dc: {  	v3 =	vperm.xlane v3, v2;
	v4 =	vadd.s32 v1, v4;
	_ =	sdelay $0x1  }
0x1dd: {  	v3 =	vadd.s32 v1, v3;
	_ =	sdelay $0x1  }
0x1de: {  	s4 =	simm.s32 $0xE800  }
0x1df: {  	[tilespmem:s4], [sflag:$0x1] =	stream.indirect_vreg.gather [hbm4b:s3+s2], $0x80, v4, vm0, $0xb8;
	[tilespmem:$0x18800] =	vst v63  }
0x1e0: {  	s31 =	simm.s32 $0xF000  }
0x1e1: {  	[tilespmem:s31], [sflag:$0x1] =	stream.indirect_vreg.gather [hbm4b:s3+s2], $0x80, v3, vm0, $0xb8;
	[tilespmem:$0x18800] =	vst v63  }
0x1e2: {  	v3 =	vld [tilespmem:$0x270];
	_ =	sdelay $0x4  }
0x1e3: {  	v31 =	vshll.u32 v3, $0x1  }
0x1e4: {  	v3 =	vand.u32 $0x7, v3;
	v4 =	vand.u32 $0xFFFFFFF0, v31  }
0x1e5: {  	v3 =	vor.u32 v3, v4  }
0x1e6: {  	v4 =	vperm.xlane v3, v0;
	_ =	sdelay $0x1  }
0x1e7: {  	v3 =	vperm.xlane v3, v2;
	v4 =	vadd.s32 v1, v4;
	_ =	sdelay $0x1  }
0x1e8: {  	v3 =	vadd.s32 v1, v3;
	_ =	sdelay $0x1  }
0x1e9: {  	s6 =	simm.s32 $0xF800  }
0x1ea: {  	[tilespmem:s6], [sflag:$0x1] =	stream.indirect_vreg.gather [hbm4b:s3+s2], $0x80, v4, vm0, $0xb8;
	[tilespmem:$0x18800] =	vst v63  }
0x1eb: {  	s4 =	simm.s32 $0x10000  }
0x1ec: {  	[tilespmem:s4], [sflag:$0x1] =	stream.indirect_vreg.gather [hbm4b:s3+s2], $0x80, v3, vm0, $0xb8;
	[tilespmem:$0x18800] =	vst v63  }
0x1ed: {  	_ =	swait.ge [sflag:s22], $0x8000  }
0x1ee: {  	[sflag:s22] =	ssyncset.done $0x0  }
0x1ef: {  	s1 =	simm.s32 $0x4;
	s5 =	rddreg [dreg:$0x7];
	[sflag:s22] =	ssyncadd.s32 $0xFFFF8000  }
0x1f0: {  	[hbm4b:s5+s2] =	stream.linear.scatter [tilespmem:s9], [sflag:$0x3], $0x8000, $0x38;
	[tilespmem:$0x18800] =	vst v63  }
0x1f1: {  	_ =	swait.ge [sflag:s1], $0x8000  }
0x1f2: {  	[sflag:s1] =	ssyncset.done $0x0  }
0x1f3: {  	[sflag:s1] =	ssyncadd.s32 $0xFFFF8000  }
0x1f4: {  	v3 =	vld [tilespmem:$0x280];
	_ =	sdelay $0x4  }
0x1f5: {  	v32 =	vshll.u32 v3, $0x1  }
0x1f6: {  	v3 =	vand.u32 $0x7, v3;
	v4 =	vand.u32 $0xFFFFFFF0, v32  }
0x1f7: {  	v3 =	vor.u32 v3, v4  }
0x1f8: {  	v4 =	vperm.xlane v3, v0;
	_ =	sdelay $0x1  }
0x1f9: {  	v3 =	vperm.xlane v3, v2;
	v4 =	vadd.s32 v1, v4;
	_ =	sdelay $0x1  }
0x1fa: {  	v3 =	vadd.s32 v1, v3;
	_ =	sdelay $0x1  }
0x1fb: {  	s4 =	simm.s32 $0x10800  }
0x1fc: {  	[tilespmem:s4], [sflag:$0x1] =	stream.indirect_vreg.gather [hbm4b:s3+s2], $0x80, v4, vm0, $0xb8;
	[tilespmem:$0x18800] =	vst v63  }
0x1fd: {  	s10 =	simm.s32 $0x11000  }
0x1fe: {  	[tilespmem:s10], [sflag:$0x1] =	stream.indirect_vreg.gather [hbm4b:s3+s2], $0x80, v3, vm0, $0xb8;
	[tilespmem:$0x18800] =	vst v63  }
0x1ff: {  	v3 =	vld [tilespmem:$0x290];
	_ =	sdelay $0x4  }
0x200: {  	v33 =	vshll.u32 v3, $0x1  }
0x201: {  	v3 =	vand.u32 $0x7, v3;
	v4 =	vand.u32 $0xFFFFFFF0, v33  }
0x202: {  	v3 =	vor.u32 v3, v4  }
0x203: {  	v4 =	vperm.xlane v3, v0;
	_ =	sdelay $0x1  }
0x204: {  	v3 =	vperm.xlane v3, v2;
	v4 =	vadd.s32 v1, v4;
	_ =	sdelay $0x1  }
0x205: {  	v3 =	vadd.s32 v1, v3;
	_ =	sdelay $0x1  }
0x206: {  	s16 =	simm.s32 $0x11800  }
0x207: {  	[tilespmem:s16], [sflag:$0x1] =	stream.indirect_vreg.gather [hbm4b:s3+s2], $0x80, v4, vm0, $0xb8;
	[tilespmem:$0x18800] =	vst v63  }
0x208: {  	s11 =	simm.s32 $0x12000  }
0x209: {  	[tilespmem:s11], [sflag:$0x1] =	stream.indirect_vreg.gather [hbm4b:s3+s2], $0x80, v3, vm0, $0xb8;
	[tilespmem:$0x18800] =	vst v63  }
0x20a: {  	v3 =	vld [tilespmem:$0x2A0];
	_ =	sdelay $0x4  }
0x20b: {  	v34 =	vshll.u32 v3, $0x1  }
0x20c: {  	v3 =	vand.u32 $0x7, v3;
	v4 =	vand.u32 $0xFFFFFFF0, v34  }
0x20d: {  	v3 =	vor.u32 v3, v4  }
0x20e: {  	v4 =	vperm.xlane v3, v0;
	_ =	sdelay $0x1  }
0x20f: {  	v3 =	vperm.xlane v3, v2;
	v4 =	vadd.s32 v1, v4;
	_ =	sdelay $0x1  }
0x210: {  	v3 =	vadd.s32 v1, v3;
	_ =	sdelay $0x1  }
0x211: {  	s10 =	simm.s32 $0x12800  }
0x212: {  	[tilespmem:s10], [sflag:$0x1] =	stream.indirect_vreg.gather [hbm4b:s3+s2], $0x80, v4, vm0, $0xb8;
	[tilespmem:$0x18800] =	vst v63  }
0x213: {  	s12 =	simm.s32 $0x13000  }
0x214: {  	[tilespmem:s12], [sflag:$0x1] =	stream.indirect_vreg.gather [hbm4b:s3+s2], $0x80, v3, vm0, $0xb8;
	[tilespmem:$0x18800] =	vst v63  }
0x215: {  	v3 =	vld [tilespmem:$0x2B0];
	_ =	sdelay $0x4  }
0x216: {  	v35 =	vshll.u32 v3, $0x1  }
0x217: {  	v3 =	vand.u32 $0x7, v3;
	v4 =	vand.u32 $0xFFFFFFF0, v35  }
0x218: {  	v3 =	vor.u32 v3, v4  }
0x219: {  	v4 =	vperm.xlane v3, v0;
	_ =	sdelay $0x1  }
0x21a: {  	v3 =	vperm.xlane v3, v2;
	v4 =	vadd.s32 v1, v4;
	_ =	sdelay $0x1  }
0x21b: {  	v3 =	vadd.s32 v1, v3;
	_ =	sdelay $0x1  }
0x21c: {  	s11 =	simm.s32 $0x13800  }
0x21d: {  	[tilespmem:s11], [sflag:$0x1] =	stream.indirect_vreg.gather [hbm4b:s3+s2], $0x80, v4, vm0, $0xb8;
	[tilespmem:$0x18800] =	vst v63  }
0x21e: {  	s13 =	simm.s32 $0x14000  }
0x21f: {  	[tilespmem:s13], [sflag:$0x1] =	stream.indirect_vreg.gather [hbm4b:s3+s2], $0x80, v3, vm0, $0xb8;
	[tilespmem:$0x18800] =	vst v63  }
0x220: {  	v3 =	vld [tilespmem:$0x2C0];
	_ =	sdelay $0x4  }
0x221: {  	v36 =	vshll.u32 v3, $0x1  }
0x222: {  	v3 =	vand.u32 $0x7, v3;
	v4 =	vand.u32 $0xFFFFFFF0, v36  }
0x223: {  	v3 =	vor.u32 v3, v4  }
0x224: {  	v4 =	vperm.xlane v3, v0;
	_ =	sdelay $0x1  }
0x225: {  	v3 =	vperm.xlane v3, v2;
	v4 =	vadd.s32 v1, v4;
	_ =	sdelay $0x1  }
0x226: {  	v3 =	vadd.s32 v1, v3;
	_ =	sdelay $0x1  }
0x227: {  	s12 =	simm.s32 $0x14800  }
0x228: {  	[tilespmem:s12], [sflag:$0x1] =	stream.indirect_vreg.gather [hbm4b:s3+s2], $0x80, v4, vm0, $0xb8;
	[tilespmem:$0x18800] =	vst v63  }
0x229: {  	s14 =	simm.s32 $0x15000  }
0x22a: {  	[tilespmem:s14], [sflag:$0x1] =	stream.indirect_vreg.gather [hbm4b:s3+s2], $0x80, v3, vm0, $0xb8;
	[tilespmem:$0x18800] =	vst v63  }
0x22b: {  	v3 =	vld [tilespmem:$0x2D0];
	_ =	sdelay $0x4  }
0x22c: {  	v37 =	vshll.u32 v3, $0x1  }
0x22d: {  	v3 =	vand.u32 $0x7, v3;
	v4 =	vand.u32 $0xFFFFFFF0, v37  }
0x22e: {  	v3 =	vor.u32 v3, v4  }
0x22f: {  	v4 =	vperm.xlane v3, v0;
	_ =	sdelay $0x1  }
0x230: {  	v3 =	vperm.xlane v3, v2;
	v4 =	vadd.s32 v1, v4;
	_ =	sdelay $0x1  }
0x231: {  	v3 =	vadd.s32 v1, v3;
	_ =	sdelay $0x1  }
0x232: {  	s13 =	simm.s32 $0x15800  }
0x233: {  	[tilespmem:s13], [sflag:$0x1] =	stream.indirect_vreg.gather [hbm4b:s3+s2], $0x80, v4, vm0, $0xb8;
	[tilespmem:$0x18800] =	vst v63  }
0x234: {  	s15 =	simm.s32 $0x16000  }
0x235: {  	[tilespmem:s15], [sflag:$0x1] =	stream.indirect_vreg.gather [hbm4b:s3+s2], $0x80, v3, vm0, $0xb8;
	[tilespmem:$0x18800] =	vst v63  }
0x236: {  	v3 =	vld [tilespmem:$0x2E0];
	_ =	sdelay $0x4  }
0x237: {  	v38 =	vshll.u32 v3, $0x1  }
0x238: {  	v3 =	vand.u32 $0x7, v3;
	v4 =	vand.u32 $0xFFFFFFF0, v38  }
0x239: {  	v3 =	vor.u32 v3, v4  }
0x23a: {  	v4 =	vperm.xlane v3, v0;
	_ =	sdelay $0x1  }
0x23b: {  	v3 =	vperm.xlane v3, v2;
	v4 =	vadd.s32 v1, v4;
	_ =	sdelay $0x1  }
0x23c: {  	v3 =	vadd.s32 v1, v3;
	_ =	sdelay $0x1  }
0x23d: {  	s14 =	simm.s32 $0x16800  }
0x23e: {  	[tilespmem:s14], [sflag:$0x1] =	stream.indirect_vreg.gather [hbm4b:s3+s2], $0x80, v4, vm0, $0xb8;
	[tilespmem:$0x18800] =	vst v63  }
0x23f: {  	s16 =	simm.s32 $0x17000  }
0x240: {  	[tilespmem:s16], [sflag:$0x1] =	stream.indirect_vreg.gather [hbm4b:s3+s2], $0x80, v3, vm0, $0xb8;
	[tilespmem:$0x18800] =	vst v63  }
0x241: {  	v3 =	vld [tilespmem:$0x2F0];
	_ =	sdelay $0x4  }
0x242: {  	v39 =	vshll.u32 v3, $0x1  }
0x243: {  	v3 =	vand.u32 $0x7, v3;
	v4 =	vand.u32 $0xFFFFFFF0, v39  }
0x244: {  	v3 =	vor.u32 v3, v4  }
0x245: {  	v4 =	vperm.xlane v3, v0;
	_ =	sdelay $0x1  }
0x246: {  	v3 =	vperm.xlane v3, v2;
	v4 =	vadd.s32 v1, v4;
	_ =	sdelay $0x1  }
0x247: {  	v3 =	vadd.s32 v1, v3;
	_ =	sdelay $0x1  }
0x248: {  	s15 =	simm.s32 $0x17800  }
0x249: {  	[tilespmem:s15], [sflag:$0x1] =	stream.indirect_vreg.gather [hbm4b:s3+s2], $0x80, v4, vm0, $0xb8;
	[tilespmem:$0x18800] =	vst v63  }
0x24a: {  	s31 =	simm.s32 $0x18000  }
0x24b: {  	[tilespmem:s31], [sflag:$0x1] =	stream.indirect_vreg.gather [hbm4b:s3+s2], $0x80, v3, vm0, $0xb8;
	[tilespmem:$0x18800] =	vst v63  }
0x24c: {  	_ =	swait.ge [sflag:s22], $0x8000  }
0x24d: {  	[sflag:s22] =	ssyncset.done $0x0  }
0x24e: {  	s9 =	rddreg [dreg:$0x8];
	[sflag:s22] =	ssyncadd.s32 $0xFFFF8000  }
0x24f: {  	[hbm4b:s9+s2] =	stream.linear.scatter [tilespmem:s4], [sflag:$0x4], $0x8000, $0x38;
	[tilespmem:$0x18800] =	vst v63  }
0x250: {  	_ =	swait.ge [sflag:s26], $0x8000  }
0x251: {  	[sflag:s26] =	ssyncset.done $0x0  }
0x252: {  	[sflag:s26] =	ssyncadd.s32 $0xFFFF8000  }
0x253: {  	v3 =	vld [tilespmem:$0x300];
	_ =	sdelay $0x4  }
0x254: {  	v40 =	vshll.u32 v3, $0x1  }
0x255: {  	v3 =	vand.u32 $0x7, v3;
	v4 =	vand.u32 $0xFFFFFFF0, v40  }
0x256: {  	v3 =	vor.u32 v3, v4  }
0x257: {  	v4 =	vperm.xlane v3, v0;
	_ =	sdelay $0x1  }
0x258: {  	v3 =	vperm.xlane v3, v2;
	v4 =	vadd.s32 v1, v4;
	_ =	sdelay $0x1  }
0x259: {  	v3 =	vadd.s32 v1, v3;
	_ =	sdelay $0x1  }
0x25a: {  	s4 =	simm.s32 $0x800  }
0x25b: {  	[tilespmem:s4], [sflag:$0x1] =	stream.indirect_vreg.gather [hbm4b:s3+s2], $0x80, v4, vm0, $0xb8;
	[tilespmem:$0x18800] =	vst v63  }
0x25c: {  	s31 =	simm.s32 $0x1000  }
0x25d: {  	[tilespmem:s31], [sflag:$0x1] =	stream.indirect_vreg.gather [hbm4b:s3+s2], $0x80, v3, vm0, $0xb8;
	[tilespmem:$0x18800] =	vst v63  }
0x25e: {  	v3 =	vld [tilespmem:$0x310];
	_ =	sdelay $0x4  }
0x25f: {  	v41 =	vshll.u32 v3, $0x1  }
0x260: {  	v3 =	vand.u32 $0x7, v3;
	v4 =	vand.u32 $0xFFFFFFF0, v41  }
0x261: {  	v3 =	vor.u32 v3, v4  }
0x262: {  	v4 =	vperm.xlane v3, v0;
	_ =	sdelay $0x1  }
0x263: {  	v3 =	vperm.xlane v3, v2;
	v4 =	vadd.s32 v1, v4;
	_ =	sdelay $0x1  }
0x264: {  	v3 =	vadd.s32 v1, v3;
	_ =	sdelay $0x2  }
0x265: {  	[tilespmem:s0], [sflag:$0x1] =	stream.indirect_vreg.gather [hbm4b:s3+s2], $0x80, v4, vm0, $0xb8;
	[tilespmem:$0x18800] =	vst v63  }
0x266: {  	s31 =	simm.s32 $0x2000  }
0x267: {  	[tilespmem:s31], [sflag:$0x1] =	stream.indirect_vreg.gather [hbm4b:s3+s2], $0x80, v3, vm0, $0xb8;
	[tilespmem:$0x18800] =	vst v63  }
0x268: {  	v3 =	vld [tilespmem:$0x320];
	_ =	sdelay $0x4  }
0x269: {  	v42 =	vshll.u32 v3, $0x1  }
0x26a: {  	v3 =	vand.u32 $0x7, v3;
	v4 =	vand.u32 $0xFFFFFFF0, v42  }
0x26b: {  	v3 =	vor.u32 v3, v4  }
0x26c: {  	v4 =	vperm.xlane v3, v0;
	_ =	sdelay $0x1  }
0x26d: {  	v3 =	vperm.xlane v3, v2;
	v4 =	vadd.s32 v1, v4;
	_ =	sdelay $0x1  }
0x26e: {  	v3 =	vadd.s32 v1, v3;
	_ =	sdelay $0x1  }
0x26f: {  	s9 =	simm.s32 $0x2800  }
0x270: {  	[tilespmem:s9], [sflag:$0x1] =	stream.indirect_vreg.gather [hbm4b:s3+s2], $0x80, v4, vm0, $0xb8;
	[tilespmem:$0x18800] =	vst v63  }
0x271: {  	s31 =	simm.s32 $0x3000  }
0x272: {  	[tilespmem:s31], [sflag:$0x1] =	stream.indirect_vreg.gather [hbm4b:s3+s2], $0x80, v3, vm0, $0xb8;
	[tilespmem:$0x18800] =	vst v63  }
0x273: {  	v3 =	vld [tilespmem:$0x330];
	_ =	sdelay $0x4  }
0x274: {  	v43 =	vshll.u32 v3, $0x1  }
0x275: {  	v3 =	vand.u32 $0x7, v3;
	v4 =	vand.u32 $0xFFFFFFF0, v43  }
0x276: {  	v3 =	vor.u32 v3, v4  }
0x277: {  	v4 =	vperm.xlane v3, v0;
	_ =	sdelay $0x1  }
0x278: {  	v3 =	vperm.xlane v3, v2;
	v4 =	vadd.s32 v1, v4;
	_ =	sdelay $0x1  }
0x279: {  	v3 =	vadd.s32 v1, v3;
	_ =	sdelay $0x2  }
0x27a: {  	[tilespmem:s23], [sflag:$0x1] =	stream.indirect_vreg.gather [hbm4b:s3+s2], $0x80, v4, vm0, $0xb8;
	[tilespmem:$0x18800] =	vst v63  }
0x27b: {  	s9 =	simm.s32 $0x4000  }
0x27c: {  	[tilespmem:s9], [sflag:$0x1] =	stream.indirect_vreg.gather [hbm4b:s3+s2], $0x80, v3, vm0, $0xb8;
	[tilespmem:$0x18800] =	vst v63  }
0x27d: {  	v3 =	vld [tilespmem:$0x340];
	_ =	sdelay $0x4  }
0x27e: {  	v44 =	vshll.u32 v3, $0x1  }
0x27f: {  	v3 =	vand.u32 $0x7, v3;
	v4 =	vand.u32 $0xFFFFFFF0, v44  }
0x280: {  	v3 =	vor.u32 v3, v4  }
0x281: {  	v4 =	vperm.xlane v3, v0;
	_ =	sdelay $0x1  }
0x282: {  	v3 =	vperm.xlane v3, v2;
	v4 =	vadd.s32 v1, v4;
	_ =	sdelay $0x1  }
0x283: {  	v3 =	vadd.s32 v1, v3;
	_ =	sdelay $0x2  }
0x284: {  	[tilespmem:s19], [sflag:$0x1] =	stream.indirect_vreg.gather [hbm4b:s3+s2], $0x80, v4, vm0, $0xb8;
	[tilespmem:$0x18800] =	vst v63  }
0x285: {  	s19 =	simm.s32 $0x5000  }
0x286: {  	[tilespmem:s19], [sflag:$0x1] =	stream.indirect_vreg.gather [hbm4b:s3+s2], $0x80, v3, vm0, $0xb8;
	[tilespmem:$0x18800] =	vst v63  }
0x287: {  	v3 =	vld [tilespmem:$0x350];
	_ =	sdelay $0x4  }
0x288: {  	v45 =	vshll.u32 v3, $0x1  }
0x289: {  	v3 =	vand.u32 $0x7, v3;
	v4 =	vand.u32 $0xFFFFFFF0, v45  }
0x28a: {  	v3 =	vor.u32 v3, v4  }
0x28b: {  	v4 =	vperm.xlane v3, v0;
	_ =	sdelay $0x1  }
0x28c: {  	v3 =	vperm.xlane v3, v2;
	v4 =	vadd.s32 v1, v4;
	_ =	sdelay $0x1  }
0x28d: {  	v3 =	vadd.s32 v1, v3;
	_ =	sdelay $0x2  }
0x28e: {  	[tilespmem:s20], [sflag:$0x1] =	stream.indirect_vreg.gather [hbm4b:s3+s2], $0x80, v4, vm0, $0xb8;
	[tilespmem:$0x18800] =	vst v63  }
0x28f: {  	_ = 	snop  }
0x290: {  	[tilespmem:s7], [sflag:$0x1] =	stream.indirect_vreg.gather [hbm4b:s3+s2], $0x80, v3, vm0, $0xb8;
	[tilespmem:$0x18800] =	vst v63  }
0x291: {  	v3 =	vld [tilespmem:$0x360];
	_ =	sdelay $0x4  }
0x292: {  	v46 =	vshll.u32 v3, $0x1  }
0x293: {  	v3 =	vand.u32 $0x7, v3;
	v4 =	vand.u32 $0xFFFFFFF0, v46  }
0x294: {  	v3 =	vor.u32 v3, v4  }
0x295: {  	v4 =	vperm.xlane v3, v0;
	_ =	sdelay $0x1  }
0x296: {  	v3 =	vperm.xlane v3, v2;
	v4 =	vadd.s32 v1, v4;
	_ =	sdelay $0x1  }
0x297: {  	v3 =	vadd.s32 v1, v3;
	_ =	sdelay $0x2  }
0x298: {  	[tilespmem:s21], [sflag:$0x1] =	stream.indirect_vreg.gather [hbm4b:s3+s2], $0x80, v4, vm0, $0xb8;
	[tilespmem:$0x18800] =	vst v63  }
0x299: {  	_ = 	snop  }
0x29a: {  	[tilespmem:s8], [sflag:$0x1] =	stream.indirect_vreg.gather [hbm4b:s3+s2], $0x80, v3, vm0, $0xb8;
	[tilespmem:$0x18800] =	vst v63  }
0x29b: {  	v3 =	vld [tilespmem:$0x370];
	_ =	sdelay $0x4  }
0x29c: {  	v47 =	vshll.u32 v3, $0x1  }
0x29d: {  	v3 =	vand.u32 $0x7, v3;
	v4 =	vand.u32 $0xFFFFFFF0, v47  }
0x29e: {  	v3 =	vor.u32 v3, v4  }
0x29f: {  	v4 =	vperm.xlane v3, v0;
	_ =	sdelay $0x1  }
0x2a0: {  	v3 =	vperm.xlane v3, v2;
	v4 =	vadd.s32 v1, v4;
	_ =	sdelay $0x1  }
0x2a1: {  	v3 =	vadd.s32 v1, v3;
	_ =	sdelay $0x1  }
0x2a2: {  	s21 =	simm.s32 $0x7800  }
0x2a3: {  	[tilespmem:s21], [sflag:$0x1] =	stream.indirect_vreg.gather [hbm4b:s3+s2], $0x80, v4, vm0, $0xb8;
	[tilespmem:$0x18800] =	vst v63  }
0x2a4: {  	s31 =	simm.s32 $0x8000  }
0x2a5: {  	[tilespmem:s31], [sflag:$0x1] =	stream.indirect_vreg.gather [hbm4b:s3+s2], $0x80, v3, vm0, $0xb8;
	[tilespmem:$0x18800] =	vst v63  }
0x2a6: {  	_ =	swait.ge [sflag:s22], $0x8000  }
0x2a7: {  	[sflag:s22] =	ssyncset.done $0x0  }
0x2a8: {  	s7 =	rddreg [dreg:$0x9];
	[sflag:s22] =	ssyncadd.s32 $0xFFFF8000  }
0x2a9: {  	[hbm4b:s7+s2] =	stream.linear.scatter [tilespmem:s4], [sflag:$0x2], $0x8000, $0x38;
	[tilespmem:$0x18800] =	vst v63  }
0x2aa: {  	_ =	swait.ge [sflag:s29], $0x8000  }
0x2ab: {  	[sflag:s29] =	ssyncset.done $0x0  }
0x2ac: {  	[sflag:s29] =	ssyncadd.s32 $0xFFFF8000  }
0x2ad: {  	v3 =	vld [tilespmem:$0x380];
	_ =	sdelay $0x4  }
0x2ae: {  	v48 =	vshll.u32 v3, $0x1  }
0x2af: {  	v3 =	vand.u32 $0x7, v3;
	v4 =	vand.u32 $0xFFFFFFF0, v48  }
0x2b0: {  	v3 =	vor.u32 v3, v4  }
0x2b1: {  	v4 =	vperm.xlane v3, v0;
	_ =	sdelay $0x1  }
0x2b2: {  	v3 =	vperm.xlane v3, v2;
	v4 =	vadd.s32 v1, v4;
	_ =	sdelay $0x1  }
0x2b3: {  	v3 =	vadd.s32 v1, v3;
	_ =	sdelay $0x1  }
0x2b4: {  	s8 =	simm.s32 $0x8800  }
0x2b5: {  	[tilespmem:s8], [sflag:$0x1] =	stream.indirect_vreg.gather [hbm4b:s3+s2], $0x80, v4, vm0, $0xb8;
	[tilespmem:$0x18800] =	vst v63  }
0x2b6: {  	s19 =	simm.s32 $0x9000  }
0x2b7: {  	[tilespmem:s19], [sflag:$0x1] =	stream.indirect_vreg.gather [hbm4b:s3+s2], $0x80, v3, vm0, $0xb8;
	[tilespmem:$0x18800] =	vst v63  }
0x2b8: {  	v3 =	vld [tilespmem:$0x390];
	_ =	sdelay $0x4  }
0x2b9: {  	v49 =	vshll.u32 v3, $0x1  }
0x2ba: {  	v3 =	vand.u32 $0x7, v3;
	v4 =	vand.u32 $0xFFFFFFF0, v49  }
0x2bb: {  	v3 =	vor.u32 v3, v4  }
0x2bc: {  	v4 =	vperm.xlane v3, v0;
	_ =	sdelay $0x1  }
0x2bd: {  	v3 =	vperm.xlane v3, v2;
	v4 =	vadd.s32 v1, v4;
	_ =	sdelay $0x1  }
0x2be: {  	v3 =	vadd.s32 v1, v3;
	_ =	sdelay $0x1  }
0x2bf: {  	s20 =	simm.s32 $0x9800  }
0x2c0: {  	[tilespmem:s20], [sflag:$0x1] =	stream.indirect_vreg.gather [hbm4b:s3+s2], $0x80, v4, vm0, $0xb8;
	[tilespmem:$0x18800] =	vst v63  }
0x2c1: {  	s21 =	simm.s32 $0xA000  }
0x2c2: {  	[tilespmem:s21], [sflag:$0x1] =	stream.indirect_vreg.gather [hbm4b:s3+s2], $0x80, v3, vm0, $0xb8;
	[tilespmem:$0x18800] =	vst v63  }
0x2c3: {  	v3 =	vld [tilespmem:$0x3A0];
	_ =	sdelay $0x4  }
0x2c4: {  	v50 =	vshll.u32 v3, $0x1  }
0x2c5: {  	v3 =	vand.u32 $0x7, v3;
	v4 =	vand.u32 $0xFFFFFFF0, v50  }
0x2c6: {  	v3 =	vor.u32 v3, v4  }
0x2c7: {  	v4 =	vperm.xlane v3, v0;
	_ =	sdelay $0x1  }
0x2c8: {  	v3 =	vperm.xlane v3, v2;
	v4 =	vadd.s32 v1, v4;
	_ =	sdelay $0x1  }
0x2c9: {  	v3 =	vadd.s32 v1, v3;
	_ =	sdelay $0x2  }
0x2ca: {  	[tilespmem:s17], [sflag:$0x1] =	stream.indirect_vreg.gather [hbm4b:s3+s2], $0x80, v4, vm0, $0xb8;
	[tilespmem:$0x18800] =	vst v63  }
0x2cb: {  	s9 =	simm.s32 $0xB000  }
0x2cc: {  	[tilespmem:s9], [sflag:$0x1] =	stream.indirect_vreg.gather [hbm4b:s3+s2], $0x80, v3, vm0, $0xb8;
	[tilespmem:$0x18800] =	vst v63  }
0x2cd: {  	v3 =	vld [tilespmem:$0x3B0];
	_ =	sdelay $0x4  }
0x2ce: {  	v51 =	vshll.u32 v3, $0x1  }
0x2cf: {  	v3 =	vand.u32 $0x7, v3;
	v4 =	vand.u32 $0xFFFFFFF0, v51  }
0x2d0: {  	v3 =	vor.u32 v3, v4  }
0x2d1: {  	v4 =	vperm.xlane v3, v0;
	_ =	sdelay $0x1  }
0x2d2: {  	v3 =	vperm.xlane v3, v2;
	v4 =	vadd.s32 v1, v4;
	_ =	sdelay $0x1  }
0x2d3: {  	v3 =	vadd.s32 v1, v3;
	_ =	sdelay $0x2  }
0x2d4: {  	[tilespmem:s18], [sflag:$0x1] =	stream.indirect_vreg.gather [hbm4b:s3+s2], $0x80, v4, vm0, $0xb8;
	[tilespmem:$0x18800] =	vst v63  }
0x2d5: {  	_ = 	snop  }
0x2d6: {  	[tilespmem:s28], [sflag:$0x1] =	stream.indirect_vreg.gather [hbm4b:s3+s2], $0x80, v3, vm0, $0xb8;
	[tilespmem:$0x18800] =	vst v63  }
0x2d7: {  	v3 =	vld [tilespmem:$0x3C0];
	_ =	sdelay $0x4  }
0x2d8: {  	v52 =	vshll.u32 v3, $0x1  }
0x2d9: {  	v3 =	vand.u32 $0x7, v3;
	v4 =	vand.u32 $0xFFFFFFF0, v52  }
0x2da: {  	v3 =	vor.u32 v3, v4  }
0x2db: {  	v4 =	vperm.xlane v3, v0;
	_ =	sdelay $0x1  }
0x2dc: {  	v3 =	vperm.xlane v3, v2;
	v4 =	vadd.s32 v1, v4;
	_ =	sdelay $0x1  }
0x2dd: {  	v3 =	vadd.s32 v1, v3;
	_ =	sdelay $0x2  }
0x2de: {  	[tilespmem:s24], [sflag:$0x1] =	stream.indirect_vreg.gather [hbm4b:s3+s2], $0x80, v4, vm0, $0xb8;
	[tilespmem:$0x18800] =	vst v63  }
0x2df: {  	_ = 	snop  }
0x2e0: {  	[tilespmem:s30], [sflag:$0x1] =	stream.indirect_vreg.gather [hbm4b:s3+s2], $0x80, v3, vm0, $0xb8;
	[tilespmem:$0x18800] =	vst v63  }
0x2e1: {  	v3 =	vld [tilespmem:$0x3D0];
	_ =	sdelay $0x4  }
0x2e2: {  	v53 =	vshll.u32 v3, $0x1  }
0x2e3: {  	v3 =	vand.u32 $0x7, v3;
	v4 =	vand.u32 $0xFFFFFFF0, v53  }
0x2e4: {  	v3 =	vor.u32 v3, v4  }
0x2e5: {  	v4 =	vperm.xlane v3, v0;
	_ =	sdelay $0x1  }
0x2e6: {  	v3 =	vperm.xlane v3, v2;
	v4 =	vadd.s32 v1, v4;
	_ =	sdelay $0x1  }
0x2e7: {  	v3 =	vadd.s32 v1, v3;
	_ =	sdelay $0x2  }
0x2e8: {  	[tilespmem:s25], [sflag:$0x1] =	stream.indirect_vreg.gather [hbm4b:s3+s2], $0x80, v4, vm0, $0xb8;
	[tilespmem:$0x18800] =	vst v63  }
0x2e9: {  	s28 =	simm.s32 $0xE000  }
0x2ea: {  	[tilespmem:s28], [sflag:$0x1] =	stream.indirect_vreg.gather [hbm4b:s3+s2], $0x80, v3, vm0, $0xb8;
	[tilespmem:$0x18800] =	vst v63  }
0x2eb: {  	v3 =	vld [tilespmem:$0x3E0];
	_ =	sdelay $0x4  }
0x2ec: {  	v54 =	vshll.u32 v3, $0x1  }
0x2ed: {  	v3 =	vand.u32 $0x7, v3;
	v4 =	vand.u32 $0xFFFFFFF0, v54  }
0x2ee: {  	v3 =	vor.u32 v3, v4  }
0x2ef: {  	v4 =	vperm.xlane v3, v0;
	_ =	sdelay $0x1  }
0x2f0: {  	v3 =	vperm.xlane v3, v2;
	v4 =	vadd.s32 v1, v4;
	_ =	sdelay $0x1  }
0x2f1: {  	v3 =	vadd.s32 v1, v3;
	_ =	sdelay $0x1  }
0x2f2: {  	s18 =	simm.s32 $0xE800  }
0x2f3: {  	[tilespmem:s18], [sflag:$0x1] =	stream.indirect_vreg.gather [hbm4b:s3+s2], $0x80, v4, vm0, $0xb8;
	[tilespmem:$0x18800] =	vst v63  }
0x2f4: {  	s30 =	simm.s32 $0xF000  }
0x2f5: {  	[tilespmem:s30], [sflag:$0x1] =	stream.indirect_vreg.gather [hbm4b:s3+s2], $0x80, v3, vm0, $0xb8;
	[tilespmem:$0x18800] =	vst v63  }
0x2f6: {  	v3 =	vld [tilespmem:$0x3F0];
	_ =	sdelay $0x4  }
0x2f7: {  	v55 =	vshll.u32 v3, $0x1  }
0x2f8: {  	v3 =	vand.u32 $0x7, v3;
	v4 =	vand.u32 $0xFFFFFFF0, v55  }
0x2f9: {  	v3 =	vor.u32 v3, v4  }
0x2fa: {  	v4 =	vperm.xlane v3, v0;
	_ =	sdelay $0x1  }
0x2fb: {  	v3 =	vperm.xlane v3, v2;
	v4 =	vadd.s32 v1, v4;
	_ =	sdelay $0x1  }
0x2fc: {  	v3 =	vadd.s32 v1, v3;
	_ =	sdelay $0x2  }
0x2fd: {  	[tilespmem:s6], [sflag:$0x1] =	stream.indirect_vreg.gather [hbm4b:s3+s2], $0x80, v4, vm0, $0xb8;
	[tilespmem:$0x18800] =	vst v63  }
0x2fe: {  	s31 =	simm.s32 $0x10000  }
0x2ff: {  	[tilespmem:s31], [sflag:$0x1] =	stream.indirect_vreg.gather [hbm4b:s3+s2], $0x80, v3, vm0, $0xb8;
	[tilespmem:$0x18800] =	vst v63  }
0x300: {  	_ =	swait.ge [sflag:s22], $0x8000  }
0x301: {  	[sflag:s22] =	ssyncset.done $0x0  }
0x302: {  	s6 =	rddreg [dreg:$0xa];
	[sflag:s22] =	ssyncadd.s32 $0xFFFF8000  }
0x303: {  	[hbm4b:s6+s2] =	stream.linear.scatter [tilespmem:s8], [sflag:$0x3], $0x8000, $0x38;
	[tilespmem:$0x18800] =	vst v63  }
0x304: {  	_ =	swait.ge [sflag:s1], $0x8000  }
0x305: {  	[sflag:s1] =	ssyncset.done $0x0  }
0x306: {  	[sflag:s1] =	ssyncadd.s32 $0xFFFF8000  }
0x307: {  	v3 =	vld [tilespmem:$0x400];
	_ =	sdelay $0x4  }
0x308: {  	v56 =	vshll.u32 v3, $0x1  }
0x309: {  	v3 =	vand.u32 $0x7, v3;
	v4 =	vand.u32 $0xFFFFFFF0, v56  }
0x30a: {  	v3 =	vor.u32 v3, v4  }
0x30b: {  	v4 =	vperm.xlane v3, v0;
	_ =	sdelay $0x1  }
0x30c: {  	v3 =	vperm.xlane v3, v2;
	v4 =	vadd.s32 v1, v4;
	_ =	sdelay $0x1  }
0x30d: {  	v3 =	vadd.s32 v1, v3;
	_ =	sdelay $0x1  }
0x30e: {  	s5 =	simm.s32 $0x10800  }
0x30f: {  	[tilespmem:s5], [sflag:$0x1] =	stream.indirect_vreg.gather [hbm4b:s3+s2], $0x80, v4, vm0, $0xb8;
	[tilespmem:$0x18800] =	vst v63  }
0x310: {  	s17 =	simm.s32 $0x11000  }
0x311: {  	[tilespmem:s17], [sflag:$0x1] =	stream.indirect_vreg.gather [hbm4b:s3+s2], $0x80, v3, vm0, $0xb8;
	[tilespmem:$0x18800] =	vst v63  }
0x312: {  	v3 =	vld [tilespmem:$0x410];
	_ =	sdelay $0x4  }
0x313: {  	v57 =	vshll.u32 v3, $0x1  }
0x314: {  	v3 =	vand.u32 $0x7, v3;
	v4 =	vand.u32 $0xFFFFFFF0, v57  }
0x315: {  	v3 =	vor.u32 v3, v4  }
0x316: {  	v4 =	vperm.xlane v3, v0;
	_ =	sdelay $0x1  }
0x317: {  	v3 =	vperm.xlane v3, v2;
	v4 =	vadd.s32 v1, v4;
	_ =	sdelay $0x1  }
0x318: {  	v3 =	vadd.s32 v1, v3;
	_ =	sdelay $0x1  }
0x319: {  	s8 =	simm.s32 $0x11800  }
0x31a: {  	[tilespmem:s8], [sflag:$0x1] =	stream.indirect_vreg.gather [hbm4b:s3+s2], $0x80, v4, vm0, $0xb8;
	[tilespmem:$0x18800] =	vst v63  }
0x31b: {  	s0 =	simm.s32 $0x12000  }
0x31c: {  	[tilespmem:s0], [sflag:$0x1] =	stream.indirect_vreg.gather [hbm4b:s3+s2], $0x80, v3, vm0, $0xb8;
	[tilespmem:$0x18800] =	vst v63  }
0x31d: {  	v3 =	vld [tilespmem:$0x420];
	_ =	sdelay $0x4  }
0x31e: {  	v58 =	vshll.u32 v3, $0x1  }
0x31f: {  	v3 =	vand.u32 $0x7, v3;
	v4 =	vand.u32 $0xFFFFFFF0, v58  }
0x320: {  	v3 =	vor.u32 v3, v4  }
0x321: {  	v4 =	vperm.xlane v3, v0;
	_ =	sdelay $0x1  }
0x322: {  	v3 =	vperm.xlane v3, v2;
	v4 =	vadd.s32 v1, v4;
	_ =	sdelay $0x1  }
0x323: {  	v3 =	vadd.s32 v1, v3;
	_ =	sdelay $0x2  }
0x324: {  	[tilespmem:s10], [sflag:$0x1] =	stream.indirect_vreg.gather [hbm4b:s3+s2], $0x80, v4, vm0, $0xb8;
	[tilespmem:$0x18800] =	vst v63  }
0x325: {  	s25 =	simm.s32 $0x13000  }
0x326: {  	[tilespmem:s25], [sflag:$0x1] =	stream.indirect_vreg.gather [hbm4b:s3+s2], $0x80, v3, vm0, $0xb8;
	[tilespmem:$0x18800] =	vst v63  }
0x327: {  	v3 =	vld [tilespmem:$0x430];
	_ =	sdelay $0x4  }
0x328: {  	v59 =	vshll.u32 v3, $0x1  }
0x329: {  	v3 =	vand.u32 $0x7, v3;
	v4 =	vand.u32 $0xFFFFFFF0, v59  }
0x32a: {  	v3 =	vor.u32 v3, v4  }
0x32b: {  	v4 =	vperm.xlane v3, v0;
	_ =	sdelay $0x1  }
0x32c: {  	v3 =	vperm.xlane v3, v2;
	v4 =	vadd.s32 v1, v4;
	_ =	sdelay $0x1  }
0x32d: {  	v3 =	vadd.s32 v1, v3;
	_ =	sdelay $0x2  }
0x32e: {  	[tilespmem:s11], [sflag:$0x1] =	stream.indirect_vreg.gather [hbm4b:s3+s2], $0x80, v4, vm0, $0xb8;
	[tilespmem:$0x18800] =	vst v63  }
0x32f: {  	s28 =	simm.s32 $0x14000  }
0x330: {  	[tilespmem:s28], [sflag:$0x1] =	stream.indirect_vreg.gather [hbm4b:s3+s2], $0x80, v3, vm0, $0xb8;
	[tilespmem:$0x18800] =	vst v63  }
0x331: {  	v3 =	vld [tilespmem:$0x440];
	_ =	sdelay $0x4  }
0x332: {  	v60 =	vshll.u32 v3, $0x1  }
0x333: {  	v3 =	vand.u32 $0x7, v3;
	v4 =	vand.u32 $0xFFFFFFF0, v60  }
0x334: {  	v3 =	vor.u32 v3, v4  }
0x335: {  	v4 =	vperm.xlane v3, v0;
	_ =	sdelay $0x1  }
0x336: {  	v3 =	vperm.xlane v3, v2;
	v4 =	vadd.s32 v1, v4;
	_ =	sdelay $0x1  }
0x337: {  	v3 =	vadd.s32 v1, v3;
	_ =	sdelay $0x2  }
0x338: {  	[tilespmem:s12], [sflag:$0x1] =	stream.indirect_vreg.gather [hbm4b:s3+s2], $0x80, v4, vm0, $0xb8;
	[tilespmem:$0x18800] =	vst v63  }
0x339: {  	s6 =	simm.s32 $0x15000  }
0x33a: {  	[tilespmem:s6], [sflag:$0x1] =	stream.indirect_vreg.gather [hbm4b:s3+s2], $0x80, v3, vm0, $0xb8;
	[tilespmem:$0x18800] =	vst v63  }
0x33b: {  	v3 =	vld [tilespmem:$0x450];
	_ =	sdelay $0x4  }
0x33c: {  	v61 =	vshll.u32 v3, $0x1  }
0x33d: {  	v3 =	vand.u32 $0x7, v3;
	v4 =	vand.u32 $0xFFFFFFF0, v61  }
0x33e: {  	v3 =	vor.u32 v3, v4  }
0x33f: {  	v4 =	vperm.xlane v3, v0;
	_ =	sdelay $0x1  }
0x340: {  	v3 =	vperm.xlane v3, v2;
	v4 =	vadd.s32 v1, v4;
	_ =	sdelay $0x1  }
0x341: {  	v3 =	vadd.s32 v1, v3;
	_ =	sdelay $0x2  }
0x342: {  	[tilespmem:s13], [sflag:$0x1] =	stream.indirect_vreg.gather [hbm4b:s3+s2], $0x80, v4, vm0, $0xb8;
	[tilespmem:$0x18800] =	vst v63  }
0x343: {  	s7 =	simm.s32 $0x16000  }
0x344: {  	[tilespmem:s7], [sflag:$0x1] =	stream.indirect_vreg.gather [hbm4b:s3+s2], $0x80, v3, vm0, $0xb8;
	[tilespmem:$0x18800] =	vst v63  }
0x345: {  	v3 =	vld [tilespmem:$0x460];
	_ =	sdelay $0x4  }
0x346: {  	v62 =	vshll.u32 v3, $0x1  }
0x347: {  	v3 =	vand.u32 $0x7, v3;
	v4 =	vand.u32 $0xFFFFFFF0, v62  }
0x348: {  	v3 =	vor.u32 v3, v4  }
0x349: {  	v4 =	vperm.xlane v3, v0;
	_ =	sdelay $0x1  }
0x34a: {  	v3 =	vperm.xlane v3, v2;
	v4 =	vadd.s32 v1, v4;
	_ =	sdelay $0x1  }
0x34b: {  	v3 =	vadd.s32 v1, v3;
	_ =	sdelay $0x2  }
0x34c: {  	[tilespmem:s14], [sflag:$0x1] =	stream.indirect_vreg.gather [hbm4b:s3+s2], $0x80, v4, vm0, $0xb8;
	[tilespmem:$0x18800] =	vst v63  }
0x34d: {  	_ = 	snop  }
0x34e: {  	[tilespmem:s16], [sflag:$0x1] =	stream.indirect_vreg.gather [hbm4b:s3+s2], $0x80, v3, vm0, $0xb8;
	[tilespmem:$0x18800] =	vst v63  }
0x34f: {  	v3 =	vld [tilespmem:$0x470];
	_ =	sdelay $0x4  }
0x350: {  	v63 =	vshll.u32 v3, $0x1  }
0x351: {  	v3 =	vand.u32 $0x7, v3;
	v4 =	vand.u32 $0xFFFFFFF0, v63  }
0x352: {  	v3 =	vor.u32 v3, v4  }
0x353: {  	v4 =	vperm.xlane v3, v0;
	_ =	sdelay $0x1  }
0x354: {  	v3 =	vperm.xlane v3, v2;
	v4 =	vadd.s32 v1, v4;
	_ =	sdelay $0x1  }
0x355: {  	v3 =	vadd.s32 v1, v3;
	_ =	sdelay $0x2  }
0x356: {  	[tilespmem:s15], [sflag:$0x1] =	stream.indirect_vreg.gather [hbm4b:s3+s2], $0x80, v4, vm0, $0xb8;
	[tilespmem:$0x18800] =	vst v63  }
0x357: {  	s8 =	simm.s32 $0x18000  }
0x358: {  	[tilespmem:s8], [sflag:$0x1] =	stream.indirect_vreg.gather [hbm4b:s3+s2], $0x80, v3, vm0, $0xb8;
	[tilespmem:$0x18800] =	vst v63  }
0x359: {  	_ =	swait.ge [sflag:s22], $0x8000  }
0x35a: {  	[sflag:s22] =	ssyncset.done $0x0  }
0x35b: {  	s19 =	rddreg [dreg:$0xb];
	[sflag:s22] =	ssyncadd.s32 $0xFFFF8000  }
0x35c: {  	[hbm4b:s19+s2] =	stream.linear.scatter [tilespmem:s5], [sflag:$0x4], $0x8000, $0x38;
	[tilespmem:$0x18800] =	vst v63  }
0x35d: {  	_ =	swait.ge [sflag:s26], $0x8000  }
0x35e: {  	[sflag:s26] =	ssyncset.done $0x0  }
0x35f: {  	[sflag:s26] =	ssyncadd.s32 $0xFFFF8000  }
0x360: {  	v3 =	vld [tilespmem:$0x480];
	_ =	sdelay $0x4  }
0x361: {  	v8 =	vshll.u32 v3, $0x1  }
0x362: {  	v3 =	vand.u32 $0x7, v3;
	v4 =	vand.u32 $0xFFFFFFF0, v8  }
0x363: {  	v3 =	vor.u32 v3, v4  }
0x364: {  	v4 =	vperm.xlane v3, v0;
	_ =	sdelay $0x1  }
0x365: {  	v3 =	vperm.xlane v3, v2;
	v4 =	vadd.s32 v1, v4;
	_ =	sdelay $0x1  }
0x366: {  	v3 =	vadd.s32 v1, v3;
	_ =	sdelay $0x1  }
0x367: {  	s4 =	simm.s32 $0x800  }
0x368: {  	[tilespmem:s4], [sflag:$0x1] =	stream.indirect_vreg.gather [hbm4b:s3+s2], $0x80, v4, vm0, $0xb8;
	[tilespmem:$0x18800] =	vst v63  }
0x369: {  	s5 =	simm.s32 $0x1000  }
0x36a: {  	[tilespmem:s5], [sflag:$0x1] =	stream.indirect_vreg.gather [hbm4b:s3+s2], $0x80, v3, vm0, $0xb8;
	[tilespmem:$0x18800] =	vst v63  }
0x36b: {  	v3 =	vld [tilespmem:$0x490];
	_ =	sdelay $0x4  }
0x36c: {  	v9 =	vshll.u32 v3, $0x1  }
0x36d: {  	v3 =	vand.u32 $0x7, v3;
	v4 =	vand.u32 $0xFFFFFFF0, v9  }
0x36e: {  	v3 =	vor.u32 v3, v4  }
0x36f: {  	v4 =	vperm.xlane v3, v0;
	_ =	sdelay $0x1  }
0x370: {  	v3 =	vperm.xlane v3, v2;
	v4 =	vadd.s32 v1, v4;
	_ =	sdelay $0x1  }
0x371: {  	v3 =	vadd.s32 v1, v3;
	_ =	sdelay $0x1  }
0x372: {  	s15 =	simm.s32 $0x1800  }
0x373: {  	[tilespmem:s15], [sflag:$0x1] =	stream.indirect_vreg.gather [hbm4b:s3+s2], $0x80, v4, vm0, $0xb8;
	[tilespmem:$0x18800] =	vst v63  }
0x374: {  	s20 =	simm.s32 $0x2000  }
0x375: {  	[tilespmem:s20], [sflag:$0x1] =	stream.indirect_vreg.gather [hbm4b:s3+s2], $0x80, v3, vm0, $0xb8;
	[tilespmem:$0x18800] =	vst v63  }
0x376: {  	v3 =	vld [tilespmem:$0x4A0];
	_ =	sdelay $0x4  }
0x377: {  	v10 =	vshll.u32 v3, $0x1  }
0x378: {  	v3 =	vand.u32 $0x7, v3;
	v4 =	vand.u32 $0xFFFFFFF0, v10  }
0x379: {  	v3 =	vor.u32 v3, v4  }
0x37a: {  	v4 =	vperm.xlane v3, v0;
	_ =	sdelay $0x1  }
0x37b: {  	v3 =	vperm.xlane v3, v2;
	v4 =	vadd.s32 v1, v4;
	_ =	sdelay $0x1  }
0x37c: {  	v3 =	vadd.s32 v1, v3;
	_ =	sdelay $0x1  }
0x37d: {  	s16 =	simm.s32 $0x2800  }
0x37e: {  	[tilespmem:s16], [sflag:$0x1] =	stream.indirect_vreg.gather [hbm4b:s3+s2], $0x80, v4, vm0, $0xb8;
	[tilespmem:$0x18800] =	vst v63  }
0x37f: {  	s10 =	simm.s32 $0x3000  }
0x380: {  	[tilespmem:s10], [sflag:$0x1] =	stream.indirect_vreg.gather [hbm4b:s3+s2], $0x80, v3, vm0, $0xb8;
	[tilespmem:$0x18800] =	vst v63  }
0x381: {  	v3 =	vld [tilespmem:$0x4B0];
	_ =	sdelay $0x4  }
0x382: {  	v11 =	vshll.u32 v3, $0x1  }
0x383: {  	v3 =	vand.u32 $0x7, v3;
	v4 =	vand.u32 $0xFFFFFFF0, v11  }
0x384: {  	v3 =	vor.u32 v3, v4  }
0x385: {  	v4 =	vperm.xlane v3, v0;
	_ =	sdelay $0x1  }
0x386: {  	v3 =	vperm.xlane v3, v2;
	v4 =	vadd.s32 v1, v4;
	_ =	sdelay $0x1  }
0x387: {  	v3 =	vadd.s32 v1, v3;
	_ =	sdelay $0x1  }
0x388: {  	s14 =	simm.s32 $0x3800  }
0x389: {  	[tilespmem:s14], [sflag:$0x1] =	stream.indirect_vreg.gather [hbm4b:s3+s2], $0x80, v4, vm0, $0xb8;
	[tilespmem:$0x18800] =	vst v63  }
0x38a: {  	s11 =	simm.s32 $0x4000  }
0x38b: {  	[tilespmem:s11], [sflag:$0x1] =	stream.indirect_vreg.gather [hbm4b:s3+s2], $0x80, v3, vm0, $0xb8;
	[tilespmem:$0x18800] =	vst v63  }
0x38c: {  	v3 =	vld [tilespmem:$0x4C0];
	_ =	sdelay $0x4  }
0x38d: {  	v12 =	vshll.u32 v3, $0x1  }
0x38e: {  	v3 =	vand.u32 $0x7, v3;
	v4 =	vand.u32 $0xFFFFFFF0, v12  }
0x38f: {  	v3 =	vor.u32 v3, v4  }
0x390: {  	v4 =	vperm.xlane v3, v0;
	_ =	sdelay $0x1  }
0x391: {  	v3 =	vperm.xlane v3, v2;
	v4 =	vadd.s32 v1, v4;
	_ =	sdelay $0x1  }
0x392: {  	v3 =	vadd.s32 v1, v3;
	_ =	sdelay $0x1  }
0x393: {  	s20 =	simm.s32 $0x4800  }
0x394: {  	[tilespmem:s20], [sflag:$0x1] =	stream.indirect_vreg.gather [hbm4b:s3+s2], $0x80, v4, vm0, $0xb8;
	[tilespmem:$0x18800] =	vst v63  }
0x395: {  	s12 =	simm.s32 $0x5000  }
0x396: {  	[tilespmem:s12], [sflag:$0x1] =	stream.indirect_vreg.gather [hbm4b:s3+s2], $0x80, v3, vm0, $0xb8;
	[tilespmem:$0x18800] =	vst v63  }
0x397: {  	v3 =	vld [tilespmem:$0x4D0];
	_ =	sdelay $0x4  }
0x398: {  	v13 =	vshll.u32 v3, $0x1  }
0x399: {  	v3 =	vand.u32 $0x7, v3;
	v4 =	vand.u32 $0xFFFFFFF0, v13  }
0x39a: {  	v3 =	vor.u32 v3, v4  }
0x39b: {  	v4 =	vperm.xlane v3, v0;
	_ =	sdelay $0x1  }
0x39c: {  	v3 =	vperm.xlane v3, v2;
	v4 =	vadd.s32 v1, v4;
	_ =	sdelay $0x1  }
0x39d: {  	v3 =	vadd.s32 v1, v3;
	_ =	sdelay $0x1  }
0x39e: {  	s19 =	simm.s32 $0x5800  }
0x39f: {  	[tilespmem:s19], [sflag:$0x1] =	stream.indirect_vreg.gather [hbm4b:s3+s2], $0x80, v4, vm0, $0xb8;
	[tilespmem:$0x18800] =	vst v63  }
0x3a0: {  	s21 =	simm.s32 $0x6000  }
0x3a1: {  	[tilespmem:s21], [sflag:$0x1] =	stream.indirect_vreg.gather [hbm4b:s3+s2], $0x80, v3, vm0, $0xb8;
	[tilespmem:$0x18800] =	vst v63  }
0x3a2: {  	v3 =	vld [tilespmem:$0x4E0];
	_ =	sdelay $0x4  }
0x3a3: {  	v14 =	vshll.u32 v3, $0x1  }
0x3a4: {  	v3 =	vand.u32 $0x7, v3;
	v4 =	vand.u32 $0xFFFFFFF0, v14  }
0x3a5: {  	v3 =	vor.u32 v3, v4  }
0x3a6: {  	v4 =	vperm.xlane v3, v0;
	_ =	sdelay $0x1  }
0x3a7: {  	v3 =	vperm.xlane v3, v2;
	v4 =	vadd.s32 v1, v4;
	_ =	sdelay $0x1  }
0x3a8: {  	v3 =	vadd.s32 v1, v3;
	_ =	sdelay $0x1  }
0x3a9: {  	s21 =	simm.s32 $0x6800  }
0x3aa: {  	[tilespmem:s21], [sflag:$0x1] =	stream.indirect_vreg.gather [hbm4b:s3+s2], $0x80, v4, vm0, $0xb8;
	[tilespmem:$0x18800] =	vst v63  }
0x3ab: {  	s23 =	simm.s32 $0x7000  }
0x3ac: {  	[tilespmem:s23], [sflag:$0x1] =	stream.indirect_vreg.gather [hbm4b:s3+s2], $0x80, v3, vm0, $0xb8;
	[tilespmem:$0x18800] =	vst v63  }
0x3ad: {  	v3 =	vld [tilespmem:$0x4F0];
	_ =	sdelay $0x4  }
0x3ae: {  	v15 =	vshll.u32 v3, $0x1  }
0x3af: {  	v3 =	vand.u32 $0x7, v3;
	v4 =	vand.u32 $0xFFFFFFF0, v15  }
0x3b0: {  	v3 =	vor.u32 v3, v4  }
0x3b1: {  	v4 =	vperm.xlane v3, v0;
	_ =	sdelay $0x1  }
0x3b2: {  	v3 =	vperm.xlane v3, v2;
	v4 =	vadd.s32 v1, v4;
	_ =	sdelay $0x1  }
0x3b3: {  	v3 =	vadd.s32 v1, v3;
	_ =	sdelay $0x1  }
0x3b4: {  	s23 =	simm.s32 $0x7800  }
0x3b5: {  	[tilespmem:s23], [sflag:$0x1] =	stream.indirect_vreg.gather [hbm4b:s3+s2], $0x80, v4, vm0, $0xb8;
	[tilespmem:$0x18800] =	vst v63  }
0x3b6: {  	s13 =	simm.s32 $0x8000  }
0x3b7: {  	[tilespmem:s13], [sflag:$0x1] =	stream.indirect_vreg.gather [hbm4b:s3+s2], $0x80, v3, vm0, $0xb8;
	[tilespmem:$0x18800] =	vst v63  }
0x3b8: {  	_ =	swait.ge [sflag:s22], $0x8000  }
0x3b9: {  	[sflag:s22] =	ssyncset.done $0x0  }
0x3ba: {  	s24 =	rddreg [dreg:$0xc];
	[sflag:s22] =	ssyncadd.s32 $0xFFFF8000  }
0x3bb: {  	[hbm4b:s24+s2] =	stream.linear.scatter [tilespmem:s4], [sflag:$0x2], $0x8000, $0x38;
	[tilespmem:$0x18800] =	vst v63  }
0x3bc: {  	_ =	swait.ge [sflag:s29], $0x8000  }
0x3bd: {  	[sflag:s29] =	ssyncset.done $0x0  }
0x3be: {  	[sflag:s29] =	ssyncadd.s32 $0xFFFF8000  }
0x3bf: {  	v3 =	vld [tilespmem:$0x500];
	_ =	sdelay $0x4  }
0x3c0: {  	v16 =	vshll.u32 v3, $0x1  }
0x3c1: {  	v3 =	vand.u32 $0x7, v3;
	v4 =	vand.u32 $0xFFFFFFF0, v16  }
0x3c2: {  	v3 =	vor.u32 v3, v4  }
0x3c3: {  	v4 =	vperm.xlane v3, v0;
	_ =	sdelay $0x1  }
0x3c4: {  	v3 =	vperm.xlane v3, v2;
	v4 =	vadd.s32 v1, v4;
	_ =	sdelay $0x1  }
0x3c5: {  	v3 =	vadd.s32 v1, v3;
	_ =	sdelay $0x1  }
0x3c6: {  	s30 =	simm.s32 $0x8800  }
0x3c7: {  	[tilespmem:s30], [sflag:$0x1] =	stream.indirect_vreg.gather [hbm4b:s3+s2], $0x80, v4, vm0, $0xb8;
	[tilespmem:$0x18800] =	vst v63  }
0x3c8: {  	s31 =	simm.s32 $0x9000  }
0x3c9: {  	[tilespmem:s31], [sflag:$0x1] =	stream.indirect_vreg.gather [hbm4b:s3+s2], $0x80, v3, vm0, $0xb8;
	[tilespmem:$0x18800] =	vst v63  }
0x3ca: {  	v3 =	vld [tilespmem:$0x510];
	_ =	sdelay $0x4  }
0x3cb: {  	v17 =	vshll.u32 v3, $0x1  }
0x3cc: {  	v3 =	vand.u32 $0x7, v3;
	v4 =	vand.u32 $0xFFFFFFF0, v17  }
0x3cd: {  	v3 =	vor.u32 v3, v4  }
0x3ce: {  	v4 =	vperm.xlane v3, v0;
	_ =	sdelay $0x1  }
0x3cf: {  	v3 =	vperm.xlane v3, v2;
	v4 =	vadd.s32 v1, v4;
	_ =	sdelay $0x1  }
0x3d0: {  	v3 =	vadd.s32 v1, v3;
	_ =	sdelay $0x1  }
0x3d1: {  	s4 =	simm.s32 $0x9800  }
0x3d2: {  	[tilespmem:s4], [sflag:$0x1] =	stream.indirect_vreg.gather [hbm4b:s3+s2], $0x80, v4, vm0, $0xb8;
	[tilespmem:$0x18800] =	vst v63  }
0x3d3: {  	s24 =	simm.s32 $0xA000  }
0x3d4: {  	[tilespmem:s24], [sflag:$0x1] =	stream.indirect_vreg.gather [hbm4b:s3+s2], $0x80, v3, vm0, $0xb8;
	[tilespmem:$0x18800] =	vst v63  }
0x3d5: {  	v3 =	vld [tilespmem:$0x520];
	_ =	sdelay $0x4  }
0x3d6: {  	v18 =	vshll.u32 v3, $0x1  }
0x3d7: {  	v3 =	vand.u32 $0x7, v3;
	v4 =	vand.u32 $0xFFFFFFF0, v18  }
0x3d8: {  	v3 =	vor.u32 v3, v4  }
0x3d9: {  	v4 =	vperm.xlane v3, v0;
	_ =	sdelay $0x1  }
0x3da: {  	v3 =	vperm.xlane v3, v2;
	v4 =	vadd.s32 v1, v4;
	_ =	sdelay $0x1  }
0x3db: {  	v3 =	vadd.s32 v1, v3;
	_ =	sdelay $0x1  }
0x3dc: {  	s31 =	simm.s32 $0xA800  }
0x3dd: {  	[tilespmem:s31], [sflag:$0x1] =	stream.indirect_vreg.gather [hbm4b:s3+s2], $0x80, v4, vm0, $0xb8;
	[tilespmem:$0x18800] =	vst v63  }
0x3de: {  	_ = 	snop  }
0x3df: {  	[tilespmem:s9], [sflag:$0x1] =	stream.indirect_vreg.gather [hbm4b:s3+s2], $0x80, v3, vm0, $0xb8;
	[tilespmem:$0x18800] =	vst v63  }
0x3e0: {  	v3 =	vld [tilespmem:$0x530];
	_ =	sdelay $0x4  }
0x3e1: {  	v19 =	vshll.u32 v3, $0x1  }
0x3e2: {  	v3 =	vand.u32 $0x7, v3;
	v4 =	vand.u32 $0xFFFFFFF0, v19  }
0x3e3: {  	v3 =	vor.u32 v3, v4  }
0x3e4: {  	v4 =	vperm.xlane v3, v0;
	_ =	sdelay $0x1  }
0x3e5: {  	v3 =	vperm.xlane v3, v2;
	v4 =	vadd.s32 v1, v4;
	_ =	sdelay $0x1  }
0x3e6: {  	v3 =	vadd.s32 v1, v3;
	_ =	sdelay $0x1  }
0x3e7: {  	s24 =	simm.s32 $0xB800  }
0x3e8: {  	[tilespmem:s24], [sflag:$0x1] =	stream.indirect_vreg.gather [hbm4b:s3+s2], $0x80, v4, vm0, $0xb8;
	[tilespmem:$0x18800] =	vst v63  }
0x3e9: {  	s31 =	simm.s32 $0xC000  }
0x3ea: {  	[tilespmem:s31], [sflag:$0x1] =	stream.indirect_vreg.gather [hbm4b:s3+s2], $0x80, v3, vm0, $0xb8;
	[tilespmem:$0x18800] =	vst v63  }
0x3eb: {  	v3 =	vld [tilespmem:$0x540];
	_ =	sdelay $0x4  }
0x3ec: {  	v20 =	vshll.u32 v3, $0x1  }
0x3ed: {  	v3 =	vand.u32 $0x7, v3;
	v4 =	vand.u32 $0xFFFFFFF0, v20  }
0x3ee: {  	v3 =	vor.u32 v3, v4  }
0x3ef: {  	v4 =	vperm.xlane v3, v0;
	_ =	sdelay $0x1  }
0x3f0: {  	v3 =	vperm.xlane v3, v2;
	v4 =	vadd.s32 v1, v4;
	_ =	sdelay $0x1  }
0x3f1: {  	v3 =	vadd.s32 v1, v3;
	_ =	sdelay $0x1  }
0x3f2: {  	s9 =	simm.s32 $0xC800  }
0x3f3: {  	[tilespmem:s9], [sflag:$0x1] =	stream.indirect_vreg.gather [hbm4b:s3+s2], $0x80, v4, vm0, $0xb8;
	[tilespmem:$0x18800] =	vst v63  }
0x3f4: {  	s24 =	simm.s32 $0xD000  }
0x3f5: {  	[tilespmem:s24], [sflag:$0x1] =	stream.indirect_vreg.gather [hbm4b:s3+s2], $0x80, v3, vm0, $0xb8;
	[tilespmem:$0x18800] =	vst v63  }
0x3f6: {  	v3 =	vld [tilespmem:$0x550];
	_ =	sdelay $0x4  }
0x3f7: {  	v21 =	vshll.u32 v3, $0x1  }
0x3f8: {  	v3 =	vand.u32 $0x7, v3;
	v4 =	vand.u32 $0xFFFFFFF0, v21  }
0x3f9: {  	v3 =	vor.u32 v3, v4  }
0x3fa: {  	v4 =	vperm.xlane v3, v0;
	_ =	sdelay $0x1  }
0x3fb: {  	v3 =	vperm.xlane v3, v2;
	v4 =	vadd.s32 v1, v4;
	_ =	sdelay $0x1  }
0x3fc: {  	v3 =	vadd.s32 v1, v3;
	_ =	sdelay $0x1  }
0x3fd: {  	s31 =	simm.s32 $0xD800  }
0x3fe: {  	[tilespmem:s31], [sflag:$0x1] =	stream.indirect_vreg.gather [hbm4b:s3+s2], $0x80, v4, vm0, $0xb8;
	[tilespmem:$0x18800] =	vst v63  }
0x3ff: {  	s9 =	simm.s32 $0xE000  }
0x400: {  	[tilespmem:s9], [sflag:$0x1] =	stream.indirect_vreg.gather [hbm4b:s3+s2], $0x80, v3, vm0, $0xb8;
	[tilespmem:$0x18800] =	vst v63  }
0x401: {  	v3 =	vld [tilespmem:$0x560];
	_ =	sdelay $0x4  }
0x402: {  	v22 =	vshll.u32 v3, $0x1  }
0x403: {  	v3 =	vand.u32 $0x7, v3;
	v4 =	vand.u32 $0xFFFFFFF0, v22  }
0x404: {  	v3 =	vor.u32 v3, v4  }
0x405: {  	v4 =	vperm.xlane v3, v0;
	_ =	sdelay $0x1  }
0x406: {  	v3 =	vperm.xlane v3, v2;
	v4 =	vadd.s32 v1, v4;
	_ =	sdelay $0x1  }
0x407: {  	v3 =	vadd.s32 v1, v3;
	_ =	sdelay $0x2  }
0x408: {  	[tilespmem:s18], [sflag:$0x1] =	stream.indirect_vreg.gather [hbm4b:s3+s2], $0x80, v4, vm0, $0xb8;
	[tilespmem:$0x18800] =	vst v63  }
0x409: {  	s18 =	simm.s32 $0xF000  }
0x40a: {  	[tilespmem:s18], [sflag:$0x1] =	stream.indirect_vreg.gather [hbm4b:s3+s2], $0x80, v3, vm0, $0xb8;
	[tilespmem:$0x18800] =	vst v63  }
0x40b: {  	v3 =	vld [tilespmem:$0x570];
	_ =	sdelay $0x4  }
0x40c: {  	v23 =	vshll.u32 v3, $0x1  }
0x40d: {  	v3 =	vand.u32 $0x7, v3;
	v4 =	vand.u32 $0xFFFFFFF0, v23  }
0x40e: {  	v3 =	vor.u32 v3, v4  }
0x40f: {  	v4 =	vperm.xlane v3, v0;
	_ =	sdelay $0x1  }
0x410: {  	v3 =	vperm.xlane v3, v2;
	v4 =	vadd.s32 v1, v4;
	_ =	sdelay $0x1  }
0x411: {  	v3 =	vadd.s32 v1, v3;
	_ =	sdelay $0x1  }
0x412: {  	s24 =	simm.s32 $0xF800  }
0x413: {  	[tilespmem:s24], [sflag:$0x1] =	stream.indirect_vreg.gather [hbm4b:s3+s2], $0x80, v4, vm0, $0xb8;
	[tilespmem:$0x18800] =	vst v63  }
0x414: {  	s31 =	simm.s32 $0x10000  }
0x415: {  	[tilespmem:s31], [sflag:$0x1] =	stream.indirect_vreg.gather [hbm4b:s3+s2], $0x80, v3, vm0, $0xb8;
	[tilespmem:$0x18800] =	vst v63  }
0x416: {  	_ =	swait.ge [sflag:s22], $0x8000  }
0x417: {  	[sflag:s22] =	ssyncset.done $0x0  }
0x418: {  	s4 =	rddreg [dreg:$0xd];
	[sflag:s22] =	ssyncadd.s32 $0xFFFF8000  }
0x419: {  	[hbm4b:s4+s2] =	stream.linear.scatter [tilespmem:s30], [sflag:$0x3], $0x8000, $0x38;
	[tilespmem:$0x18800] =	vst v63  }
0x41a: {  	_ =	swait.ge [sflag:s1], $0x8000  }
0x41b: {  	[sflag:s1] =	ssyncset.done $0x0  }
0x41c: {  	[sflag:s1] =	ssyncadd.s32 $0xFFFF8000  }
0x41d: {  	v3 =	vld [tilespmem:$0x580];
	_ =	sdelay $0x4  }
0x41e: {  	v24 =	vshll.u32 v3, $0x1  }
0x41f: {  	v3 =	vand.u32 $0x7, v3;
	v4 =	vand.u32 $0xFFFFFFF0, v24  }
0x420: {  	v3 =	vor.u32 v3, v4  }
0x421: {  	v4 =	vperm.xlane v3, v0;
	_ =	sdelay $0x1  }
0x422: {  	v3 =	vperm.xlane v3, v2;
	v4 =	vadd.s32 v1, v4;
	_ =	sdelay $0x1  }
0x423: {  	v3 =	vadd.s32 v1, v3;
	_ =	sdelay $0x1  }
0x424: {  	s4 =	simm.s32 $0x10800  }
0x425: {  	[tilespmem:s4], [sflag:$0x1] =	stream.indirect_vreg.gather [hbm4b:s3+s2], $0x80, v4, vm0, $0xb8;
	[tilespmem:$0x18800] =	vst v63  }
0x426: {  	_ = 	snop  }
0x427: {  	[tilespmem:s17], [sflag:$0x1] =	stream.indirect_vreg.gather [hbm4b:s3+s2], $0x80, v3, vm0, $0xb8;
	[tilespmem:$0x18800] =	vst v63  }
0x428: {  	v3 =	vld [tilespmem:$0x590];
	_ =	sdelay $0x4  }
0x429: {  	v25 =	vshll.u32 v3, $0x1  }
0x42a: {  	v3 =	vand.u32 $0x7, v3;
	v4 =	vand.u32 $0xFFFFFFF0, v25  }
0x42b: {  	v3 =	vor.u32 v3, v4  }
0x42c: {  	v4 =	vperm.xlane v3, v0;
	_ =	sdelay $0x1  }
0x42d: {  	v3 =	vperm.xlane v3, v2;
	v4 =	vadd.s32 v1, v4;
	_ =	sdelay $0x1  }
0x42e: {  	v3 =	vadd.s32 v1, v3;
	_ =	sdelay $0x1  }
0x42f: {  	s9 =	simm.s32 $0x11800  }
0x430: {  	[tilespmem:s9], [sflag:$0x1] =	stream.indirect_vreg.gather [hbm4b:s3+s2], $0x80, v4, vm0, $0xb8;
	[tilespmem:$0x18800] =	vst v63  }
0x431: {  	_ = 	snop  }
0x432: {  	[tilespmem:s0], [sflag:$0x1] =	stream.indirect_vreg.gather [hbm4b:s3+s2], $0x80, v3, vm0, $0xb8;
	[tilespmem:$0x18800] =	vst v63  }
0x433: {  	v3 =	vld [tilespmem:$0x5A0];
	_ =	sdelay $0x4  }
0x434: {  	v26 =	vshll.u32 v3, $0x1  }
0x435: {  	v3 =	vand.u32 $0x7, v3;
	v4 =	vand.u32 $0xFFFFFFF0, v26  }
0x436: {  	v3 =	vor.u32 v3, v4  }
0x437: {  	v4 =	vperm.xlane v3, v0;
	_ =	sdelay $0x1  }
0x438: {  	v3 =	vperm.xlane v3, v2;
	v4 =	vadd.s32 v1, v4;
	_ =	sdelay $0x1  }
0x439: {  	v3 =	vadd.s32 v1, v3;
	_ =	sdelay $0x1  }
0x43a: {  	s17 =	simm.s32 $0x12800  }
0x43b: {  	[tilespmem:s17], [sflag:$0x1] =	stream.indirect_vreg.gather [hbm4b:s3+s2], $0x80, v4, vm0, $0xb8;
	[tilespmem:$0x18800] =	vst v63  }
0x43c: {  	_ = 	snop  }
0x43d: {  	[tilespmem:s25], [sflag:$0x1] =	stream.indirect_vreg.gather [hbm4b:s3+s2], $0x80, v3, vm0, $0xb8;
	[tilespmem:$0x18800] =	vst v63  }
0x43e: {  	v3 =	vld [tilespmem:$0x5B0];
	_ =	sdelay $0x4  }
0x43f: {  	v27 =	vshll.u32 v3, $0x1  }
0x440: {  	v3 =	vand.u32 $0x7, v3;
	v4 =	vand.u32 $0xFFFFFFF0, v27  }
0x441: {  	v3 =	vor.u32 v3, v4  }
0x442: {  	v4 =	vperm.xlane v3, v0;
	_ =	sdelay $0x1  }
0x443: {  	v3 =	vperm.xlane v3, v2;
	v4 =	vadd.s32 v1, v4;
	_ =	sdelay $0x1  }
0x444: {  	v3 =	vadd.s32 v1, v3;
	_ =	sdelay $0x1  }
0x445: {  	s18 =	simm.s32 $0x13800  }
0x446: {  	[tilespmem:s18], [sflag:$0x1] =	stream.indirect_vreg.gather [hbm4b:s3+s2], $0x80, v4, vm0, $0xb8;
	[tilespmem:$0x18800] =	vst v63  }
0x447: {  	_ = 	snop  }
0x448: {  	[tilespmem:s28], [sflag:$0x1] =	stream.indirect_vreg.gather [hbm4b:s3+s2], $0x80, v3, vm0, $0xb8;
	[tilespmem:$0x18800] =	vst v63  }
0x449: {  	v3 =	vld [tilespmem:$0x5C0];
	_ =	sdelay $0x4  }
0x44a: {  	v28 =	vshll.u32 v3, $0x1  }
0x44b: {  	v3 =	vand.u32 $0x7, v3;
	v4 =	vand.u32 $0xFFFFFFF0, v28  }
0x44c: {  	v3 =	vor.u32 v3, v4  }
0x44d: {  	v4 =	vperm.xlane v3, v0;
	_ =	sdelay $0x1  }
0x44e: {  	v3 =	vperm.xlane v3, v2;
	v4 =	vadd.s32 v1, v4;
	_ =	sdelay $0x1  }
0x44f: {  	v3 =	vadd.s32 v1, v3;
	_ =	sdelay $0x1  }
0x450: {  	s24 =	simm.s32 $0x14800  }
0x451: {  	[tilespmem:s24], [sflag:$0x1] =	stream.indirect_vreg.gather [hbm4b:s3+s2], $0x80, v4, vm0, $0xb8;
	[tilespmem:$0x18800] =	vst v63  }
0x452: {  	_ = 	snop  }
0x453: {  	[tilespmem:s6], [sflag:$0x1] =	stream.indirect_vreg.gather [hbm4b:s3+s2], $0x80, v3, vm0, $0xb8;
	[tilespmem:$0x18800] =	vst v63  }
0x454: {  	v3 =	vld [tilespmem:$0x5D0];
	_ =	sdelay $0x4  }
0x455: {  	v29 =	vshll.u32 v3, $0x1  }
0x456: {  	v3 =	vand.u32 $0x7, v3;
	v4 =	vand.u32 $0xFFFFFFF0, v29  }
0x457: {  	v3 =	vor.u32 v3, v4  }
0x458: {  	v4 =	vperm.xlane v3, v0;
	_ =	sdelay $0x1  }
0x459: {  	v3 =	vperm.xlane v3, v2;
	v4 =	vadd.s32 v1, v4;
	_ =	sdelay $0x1  }
0x45a: {  	v3 =	vadd.s32 v1, v3;
	_ =	sdelay $0x1  }
0x45b: {  	s6 =	simm.s32 $0x15800  }
0x45c: {  	[tilespmem:s6], [sflag:$0x1] =	stream.indirect_vreg.gather [hbm4b:s3+s2], $0x80, v4, vm0, $0xb8;
	[tilespmem:$0x18800] =	vst v63  }
0x45d: {  	_ = 	snop  }
0x45e: {  	[tilespmem:s7], [sflag:$0x1] =	stream.indirect_vreg.gather [hbm4b:s3+s2], $0x80, v3, vm0, $0xb8;
	[tilespmem:$0x18800] =	vst v63  }
0x45f: {  	v3 =	vld [tilespmem:$0x5E0];
	_ =	sdelay $0x4  }
0x460: {  	v30 =	vshll.u32 v3, $0x1  }
0x461: {  	v3 =	vand.u32 $0x7, v3;
	v4 =	vand.u32 $0xFFFFFFF0, v30  }
0x462: {  	v3 =	vor.u32 v3, v4  }
0x463: {  	v4 =	vperm.xlane v3, v0;
	_ =	sdelay $0x1  }
0x464: {  	v3 =	vperm.xlane v3, v2;
	v4 =	vadd.s32 v1, v4;
	_ =	sdelay $0x1  }
0x465: {  	v3 =	vadd.s32 v1, v3;
	_ =	sdelay $0x1  }
0x466: {  	s7 =	simm.s32 $0x16800  }
0x467: {  	[tilespmem:s7], [sflag:$0x1] =	stream.indirect_vreg.gather [hbm4b:s3+s2], $0x80, v4, vm0, $0xb8;
	[tilespmem:$0x18800] =	vst v63  }
0x468: {  	s31 =	simm.s32 $0x17000  }
0x469: {  	[tilespmem:s31], [sflag:$0x1] =	stream.indirect_vreg.gather [hbm4b:s3+s2], $0x80, v3, vm0, $0xb8;
	[tilespmem:$0x18800] =	vst v63  }
0x46a: {  	v3 =	vld [tilespmem:$0x5F0];
	_ =	sdelay $0x4  }
0x46b: {  	v31 =	vshll.u32 v3, $0x1  }
0x46c: {  	v3 =	vand.u32 $0x7, v3;
	v4 =	vand.u32 $0xFFFFFFF0, v31  }
0x46d: {  	v3 =	vor.u32 v3, v4  }
0x46e: {  	v4 =	vperm.xlane v3, v0;
	_ =	sdelay $0x1  }
0x46f: {  	v3 =	vperm.xlane v3, v2;
	v4 =	vadd.s32 v1, v4;
	_ =	sdelay $0x1  }
0x470: {  	v3 =	vadd.s32 v1, v3;
	_ =	sdelay $0x1  }
0x471: {  	s6 =	simm.s32 $0x17800  }
0x472: {  	[tilespmem:s6], [sflag:$0x1] =	stream.indirect_vreg.gather [hbm4b:s3+s2], $0x80, v4, vm0, $0xb8;
	[tilespmem:$0x18800] =	vst v63  }
0x473: {  	_ = 	snop  }
0x474: {  	[tilespmem:s8], [sflag:$0x1] =	stream.indirect_vreg.gather [hbm4b:s3+s2], $0x80, v3, vm0, $0xb8;
	[tilespmem:$0x18800] =	vst v63  }
0x475: {  	_ =	swait.ge [sflag:s22], $0x8000  }
0x476: {  	[sflag:s22] =	ssyncset.done $0x0  }
0x477: {  	s7 =	rddreg [dreg:$0xe];
	[sflag:s22] =	ssyncadd.s32 $0xFFFF8000  }
0x478: {  	[hbm4b:s7+s2] =	stream.linear.scatter [tilespmem:s4], [sflag:$0x4], $0x8000, $0x38;
	[tilespmem:$0x18800] =	vst v63  }
0x479: {  	_ =	swait.ge [sflag:s26], $0x8000  }
0x47a: {  	[sflag:s26] =	ssyncset.done $0x0  }
0x47b: {  	[sflag:s26] =	ssyncadd.s32 $0xFFFF8000  }
0x47c: {  	v3 =	vld [tilespmem:$0x600];
	_ =	sdelay $0x4  }
0x47d: {  	v32 =	vshll.u32 v3, $0x1  }
0x47e: {  	v3 =	vand.u32 $0x7, v3;
	v4 =	vand.u32 $0xFFFFFFF0, v32  }
0x47f: {  	v3 =	vor.u32 v3, v4  }
0x480: {  	v4 =	vperm.xlane v3, v0;
	_ =	sdelay $0x1  }
0x481: {  	v3 =	vperm.xlane v3, v2;
	v4 =	vadd.s32 v1, v4;
	_ =	sdelay $0x1  }
0x482: {  	v3 =	vadd.s32 v1, v3;
	_ =	sdelay $0x1  }
0x483: {  	s0 =	simm.s32 $0x800  }
0x484: {  	[tilespmem:s0], [sflag:$0x1] =	stream.indirect_vreg.gather [hbm4b:s3+s2], $0x80, v4, vm0, $0xb8;
	[tilespmem:$0x18800] =	vst v63  }
0x485: {  	_ = 	snop  }
0x486: {  	[tilespmem:s5], [sflag:$0x1] =	stream.indirect_vreg.gather [hbm4b:s3+s2], $0x80, v3, vm0, $0xb8;
	[tilespmem:$0x18800] =	vst v63  }
0x487: {  	v3 =	vld [tilespmem:$0x610];
	_ =	sdelay $0x4  }
0x488: {  	v33 =	vshll.u32 v3, $0x1  }
0x489: {  	v3 =	vand.u32 $0x7, v3;
	v4 =	vand.u32 $0xFFFFFFF0, v33  }
0x48a: {  	v3 =	vor.u32 v3, v4  }
0x48b: {  	v4 =	vperm.xlane v3, v0;
	_ =	sdelay $0x1  }
0x48c: {  	v3 =	vperm.xlane v3, v2;
	v4 =	vadd.s32 v1, v4;
	_ =	sdelay $0x1  }
0x48d: {  	v3 =	vadd.s32 v1, v3;
	_ =	sdelay $0x2  }
0x48e: {  	[tilespmem:s15], [sflag:$0x1] =	stream.indirect_vreg.gather [hbm4b:s3+s2], $0x80, v4, vm0, $0xb8;
	[tilespmem:$0x18800] =	vst v63  }
0x48f: {  	s8 =	simm.s32 $0x2000  }
0x490: {  	[tilespmem:s8], [sflag:$0x1] =	stream.indirect_vreg.gather [hbm4b:s3+s2], $0x80, v3, vm0, $0xb8;
	[tilespmem:$0x18800] =	vst v63  }
0x491: {  	v3 =	vld [tilespmem:$0x620];
	_ =	sdelay $0x4  }
0x492: {  	v34 =	vshll.u32 v3, $0x1  }
0x493: {  	v3 =	vand.u32 $0x7, v3;
	v4 =	vand.u32 $0xFFFFFFF0, v34  }
0x494: {  	v3 =	vor.u32 v3, v4  }
0x495: {  	v4 =	vperm.xlane v3, v0;
	_ =	sdelay $0x1  }
0x496: {  	v3 =	vperm.xlane v3, v2;
	v4 =	vadd.s32 v1, v4;
	_ =	sdelay $0x1  }
0x497: {  	v3 =	vadd.s32 v1, v3;
	_ =	sdelay $0x2  }
0x498: {  	[tilespmem:s16], [sflag:$0x1] =	stream.indirect_vreg.gather [hbm4b:s3+s2], $0x80, v4, vm0, $0xb8;
	[tilespmem:$0x18800] =	vst v63  }
0x499: {  	_ = 	snop  }
0x49a: {  	[tilespmem:s10], [sflag:$0x1] =	stream.indirect_vreg.gather [hbm4b:s3+s2], $0x80, v3, vm0, $0xb8;
	[tilespmem:$0x18800] =	vst v63  }
0x49b: {  	v3 =	vld [tilespmem:$0x630];
	_ =	sdelay $0x4  }
0x49c: {  	v35 =	vshll.u32 v3, $0x1  }
0x49d: {  	v3 =	vand.u32 $0x7, v3;
	v4 =	vand.u32 $0xFFFFFFF0, v35  }
0x49e: {  	v3 =	vor.u32 v3, v4  }
0x49f: {  	v4 =	vperm.xlane v3, v0;
	_ =	sdelay $0x1  }
0x4a0: {  	v3 =	vperm.xlane v3, v2;
	v4 =	vadd.s32 v1, v4;
	_ =	sdelay $0x1  }
0x4a1: {  	v3 =	vadd.s32 v1, v3;
	_ =	sdelay $0x2  }
0x4a2: {  	[tilespmem:s14], [sflag:$0x1] =	stream.indirect_vreg.gather [hbm4b:s3+s2], $0x80, v4, vm0, $0xb8;
	[tilespmem:$0x18800] =	vst v63  }
0x4a3: {  	_ = 	snop  }
0x4a4: {  	[tilespmem:s11], [sflag:$0x1] =	stream.indirect_vreg.gather [hbm4b:s3+s2], $0x80, v3, vm0, $0xb8;
	[tilespmem:$0x18800] =	vst v63  }
0x4a5: {  	v3 =	vld [tilespmem:$0x640];
	_ =	sdelay $0x4  }
0x4a6: {  	v36 =	vshll.u32 v3, $0x1  }
0x4a7: {  	v3 =	vand.u32 $0x7, v3;
	v4 =	vand.u32 $0xFFFFFFF0, v36  }
0x4a8: {  	v3 =	vor.u32 v3, v4  }
0x4a9: {  	v4 =	vperm.xlane v3, v0;
	_ =	sdelay $0x1  }
0x4aa: {  	v3 =	vperm.xlane v3, v2;
	v4 =	vadd.s32 v1, v4;
	_ =	sdelay $0x1  }
0x4ab: {  	v3 =	vadd.s32 v1, v3;
	_ =	sdelay $0x2  }
0x4ac: {  	[tilespmem:s20], [sflag:$0x1] =	stream.indirect_vreg.gather [hbm4b:s3+s2], $0x80, v4, vm0, $0xb8;
	[tilespmem:$0x18800] =	vst v63  }
0x4ad: {  	_ = 	snop  }
0x4ae: {  	[tilespmem:s12], [sflag:$0x1] =	stream.indirect_vreg.gather [hbm4b:s3+s2], $0x80, v3, vm0, $0xb8;
	[tilespmem:$0x18800] =	vst v63  }
0x4af: {  	v3 =	vld [tilespmem:$0x650];
	_ =	sdelay $0x4  }
0x4b0: {  	v37 =	vshll.u32 v3, $0x1  }
0x4b1: {  	v3 =	vand.u32 $0x7, v3;
	v4 =	vand.u32 $0xFFFFFFF0, v37  }
0x4b2: {  	v3 =	vor.u32 v3, v4  }
0x4b3: {  	v4 =	vperm.xlane v3, v0;
	_ =	sdelay $0x1  }
0x4b4: {  	v3 =	vperm.xlane v3, v2;
	v4 =	vadd.s32 v1, v4;
	_ =	sdelay $0x1  }
0x4b5: {  	v3 =	vadd.s32 v1, v3;
	_ =	sdelay $0x2  }
0x4b6: {  	[tilespmem:s19], [sflag:$0x1] =	stream.indirect_vreg.gather [hbm4b:s3+s2], $0x80, v4, vm0, $0xb8;
	[tilespmem:$0x18800] =	vst v63  }
0x4b7: {  	s20 =	simm.s32 $0x6000  }
0x4b8: {  	[tilespmem:s20], [sflag:$0x1] =	stream.indirect_vreg.gather [hbm4b:s3+s2], $0x80, v3, vm0, $0xb8;
	[tilespmem:$0x18800] =	vst v63  }
0x4b9: {  	v3 =	vld [tilespmem:$0x660];
	_ =	sdelay $0x4  }
0x4ba: {  	v38 =	vshll.u32 v3, $0x1  }
0x4bb: {  	v3 =	vand.u32 $0x7, v3;
	v4 =	vand.u32 $0xFFFFFFF0, v38  }
0x4bc: {  	v3 =	vor.u32 v3, v4  }
0x4bd: {  	v4 =	vperm.xlane v3, v0;
	_ =	sdelay $0x1  }
0x4be: {  	v3 =	vperm.xlane v3, v2;
	v4 =	vadd.s32 v1, v4;
	_ =	sdelay $0x1  }
0x4bf: {  	v3 =	vadd.s32 v1, v3;
	_ =	sdelay $0x2  }
0x4c0: {  	[tilespmem:s21], [sflag:$0x1] =	stream.indirect_vreg.gather [hbm4b:s3+s2], $0x80, v4, vm0, $0xb8;
	[tilespmem:$0x18800] =	vst v63  }
0x4c1: {  	s20 =	simm.s32 $0x7000  }
0x4c2: {  	[tilespmem:s20], [sflag:$0x1] =	stream.indirect_vreg.gather [hbm4b:s3+s2], $0x80, v3, vm0, $0xb8;
	[tilespmem:$0x18800] =	vst v63  }
0x4c3: {  	v3 =	vld [tilespmem:$0x670];
	_ =	sdelay $0x4  }
0x4c4: {  	v39 =	vshll.u32 v3, $0x1  }
0x4c5: {  	v3 =	vand.u32 $0x7, v3;
	v4 =	vand.u32 $0xFFFFFFF0, v39  }
0x4c6: {  	v3 =	vor.u32 v3, v4  }
0x4c7: {  	v4 =	vperm.xlane v3, v0;
	_ =	sdelay $0x1  }
0x4c8: {  	v3 =	vperm.xlane v3, v2;
	v4 =	vadd.s32 v1, v4;
	_ =	sdelay $0x1  }
0x4c9: {  	v3 =	vadd.s32 v1, v3;
	_ =	sdelay $0x2  }
0x4ca: {  	[tilespmem:s23], [sflag:$0x1] =	stream.indirect_vreg.gather [hbm4b:s3+s2], $0x80, v4, vm0, $0xb8;
	[tilespmem:$0x18800] =	vst v63  }
0x4cb: {  	_ = 	snop  }
0x4cc: {  	[tilespmem:s13], [sflag:$0x1] =	stream.indirect_vreg.gather [hbm4b:s3+s2], $0x80, v3, vm0, $0xb8;
	[tilespmem:$0x18800] =	vst v63  }
0x4cd: {  	_ =	swait.ge [sflag:s22], $0x8000  }
0x4ce: {  	[sflag:s22] =	ssyncset.done $0x0  }
0x4cf: {  	s21 =	rddreg [dreg:$0xf];
	[sflag:s22] =	ssyncadd.s32 $0xFFFF8000  }
0x4d0: {  	[hbm4b:s21+s2] =	stream.linear.scatter [tilespmem:s0], [sflag:$0x2], $0x8000, $0x38;
	[tilespmem:$0x18800] =	vst v63  }
0x4d1: {  	_ =	swait.ge [sflag:s29], $0x8000  }
0x4d2: {  	[sflag:s29] =	ssyncset.done $0x0  }
0x4d3: {  	[sflag:s29] =	ssyncadd.s32 $0xFFFF8000  }
0x4d4: {  	v3 =	vld [tilespmem:$0x680];
	_ =	sdelay $0x4  }
0x4d5: {  	v40 =	vshll.u32 v3, $0x1  }
0x4d6: {  	v3 =	vand.u32 $0x7, v3;
	v4 =	vand.u32 $0xFFFFFFF0, v40  }
0x4d7: {  	v3 =	vor.u32 v3, v4  }
0x4d8: {  	v4 =	vperm.xlane v3, v0;
	_ =	sdelay $0x1  }
0x4d9: {  	v3 =	vperm.xlane v3, v2;
	v4 =	vadd.s32 v1, v4;
	_ =	sdelay $0x1  }
0x4da: {  	v3 =	vadd.s32 v1, v3;
	_ =	sdelay $0x2  }
0x4db: {  	[tilespmem:s30], [sflag:$0x1] =	stream.indirect_vreg.gather [hbm4b:s3+s2], $0x80, v4, vm0, $0xb8;
	[tilespmem:$0x18800] =	vst v63  }
0x4dc: {  	s23 =	simm.s32 $0x9000  }
0x4dd: {  	[tilespmem:s23], [sflag:$0x1] =	stream.indirect_vreg.gather [hbm4b:s3+s2], $0x80, v3, vm0, $0xb8;
	[tilespmem:$0x18800] =	vst v63  }
0x4de: {  	v3 =	vld [tilespmem:$0x690];
	_ =	sdelay $0x4  }
0x4df: {  	v41 =	vshll.u32 v3, $0x1  }
0x4e0: {  	v3 =	vand.u32 $0x7, v3;
	v4 =	vand.u32 $0xFFFFFFF0, v41  }
0x4e1: {  	v3 =	vor.u32 v3, v4  }
0x4e2: {  	v4 =	vperm.xlane v3, v0;
	_ =	sdelay $0x1  }
0x4e3: {  	v3 =	vperm.xlane v3, v2;
	v4 =	vadd.s32 v1, v4;
	_ =	sdelay $0x1  }
0x4e4: {  	v3 =	vadd.s32 v1, v3;
	_ =	sdelay $0x1  }
0x4e5: {  	s31 =	simm.s32 $0x9800  }
0x4e6: {  	[tilespmem:s31], [sflag:$0x1] =	stream.indirect_vreg.gather [hbm4b:s3+s2], $0x80, v4, vm0, $0xb8;
	[tilespmem:$0x18800] =	vst v63  }
0x4e7: {  	s21 =	simm.s32 $0xA000  }
0x4e8: {  	[tilespmem:s21], [sflag:$0x1] =	stream.indirect_vreg.gather [hbm4b:s3+s2], $0x80, v3, vm0, $0xb8;
	[tilespmem:$0x18800] =	vst v63  }
0x4e9: {  	v3 =	vld [tilespmem:$0x6A0];
	_ =	sdelay $0x4  }
0x4ea: {  	v42 =	vshll.u32 v3, $0x1  }
0x4eb: {  	v3 =	vand.u32 $0x7, v3;
	v4 =	vand.u32 $0xFFFFFFF0, v42  }
0x4ec: {  	v3 =	vor.u32 v3, v4  }
0x4ed: {  	v4 =	vperm.xlane v3, v0;
	_ =	sdelay $0x1  }
0x4ee: {  	v3 =	vperm.xlane v3, v2;
	v4 =	vadd.s32 v1, v4;
	_ =	sdelay $0x1  }
0x4ef: {  	v3 =	vadd.s32 v1, v3;
	_ =	sdelay $0x1  }
0x4f0: {  	s23 =	simm.s32 $0xA800  }
0x4f1: {  	[tilespmem:s23], [sflag:$0x1] =	stream.indirect_vreg.gather [hbm4b:s3+s2], $0x80, v4, vm0, $0xb8;
	[tilespmem:$0x18800] =	vst v63  }
0x4f2: {  	s31 =	simm.s32 $0xB000  }
0x4f3: {  	[tilespmem:s31], [sflag:$0x1] =	stream.indirect_vreg.gather [hbm4b:s3+s2], $0x80, v3, vm0, $0xb8;
	[tilespmem:$0x18800] =	vst v63  }
0x4f4: {  	v3 =	vld [tilespmem:$0x6B0];
	_ =	sdelay $0x4  }
0x4f5: {  	v43 =	vshll.u32 v3, $0x1  }
0x4f6: {  	v3 =	vand.u32 $0x7, v3;
	v4 =	vand.u32 $0xFFFFFFF0, v43  }
0x4f7: {  	v3 =	vor.u32 v3, v4  }
0x4f8: {  	v4 =	vperm.xlane v3, v0;
	_ =	sdelay $0x1  }
0x4f9: {  	v3 =	vperm.xlane v3, v2;
	v4 =	vadd.s32 v1, v4;
	_ =	sdelay $0x1  }
0x4fa: {  	v3 =	vadd.s32 v1, v3;
	_ =	sdelay $0x1  }
0x4fb: {  	s21 =	simm.s32 $0xB800  }
0x4fc: {  	[tilespmem:s21], [sflag:$0x1] =	stream.indirect_vreg.gather [hbm4b:s3+s2], $0x80, v4, vm0, $0xb8;
	[tilespmem:$0x18800] =	vst v63  }
0x4fd: {  	s23 =	simm.s32 $0xC000  }
0x4fe: {  	[tilespmem:s23], [sflag:$0x1] =	stream.indirect_vreg.gather [hbm4b:s3+s2], $0x80, v3, vm0, $0xb8;
	[tilespmem:$0x18800] =	vst v63  }
0x4ff: {  	v3 =	vld [tilespmem:$0x6C0];
	_ =	sdelay $0x4  }
0x500: {  	v44 =	vshll.u32 v3, $0x1  }
0x501: {  	v3 =	vand.u32 $0x7, v3;
	v4 =	vand.u32 $0xFFFFFFF0, v44  }
0x502: {  	v3 =	vor.u32 v3, v4  }
0x503: {  	v4 =	vperm.xlane v3, v0;
	_ =	sdelay $0x1  }
0x504: {  	v3 =	vperm.xlane v3, v2;
	v4 =	vadd.s32 v1, v4;
	_ =	sdelay $0x1  }
0x505: {  	v3 =	vadd.s32 v1, v3;
	_ =	sdelay $0x1  }
0x506: {  	s31 =	simm.s32 $0xC800  }
0x507: {  	[tilespmem:s31], [sflag:$0x1] =	stream.indirect_vreg.gather [hbm4b:s3+s2], $0x80, v4, vm0, $0xb8;
	[tilespmem:$0x18800] =	vst v63  }
0x508: {  	s21 =	simm.s32 $0xD000  }
0x509: {  	[tilespmem:s21], [sflag:$0x1] =	stream.indirect_vreg.gather [hbm4b:s3+s2], $0x80, v3, vm0, $0xb8;
	[tilespmem:$0x18800] =	vst v63  }
0x50a: {  	v3 =	vld [tilespmem:$0x6D0];
	_ =	sdelay $0x4  }
0x50b: {  	v45 =	vshll.u32 v3, $0x1  }
0x50c: {  	v3 =	vand.u32 $0x7, v3;
	v4 =	vand.u32 $0xFFFFFFF0, v45  }
0x50d: {  	v3 =	vor.u32 v3, v4  }
0x50e: {  	v4 =	vperm.xlane v3, v0;
	_ =	sdelay $0x1  }
0x50f: {  	v3 =	vperm.xlane v3, v2;
	v4 =	vadd.s32 v1, v4;
	_ =	sdelay $0x1  }
0x510: {  	v3 =	vadd.s32 v1, v3;
	_ =	sdelay $0x1  }
0x511: {  	s23 =	simm.s32 $0xD800  }
0x512: {  	[tilespmem:s23], [sflag:$0x1] =	stream.indirect_vreg.gather [hbm4b:s3+s2], $0x80, v4, vm0, $0xb8;
	[tilespmem:$0x18800] =	vst v63  }
0x513: {  	s31 =	simm.s32 $0xE000  }
0x514: {  	[tilespmem:s31], [sflag:$0x1] =	stream.indirect_vreg.gather [hbm4b:s3+s2], $0x80, v3, vm0, $0xb8;
	[tilespmem:$0x18800] =	vst v63  }
0x515: {  	v3 =	vld [tilespmem:$0x6E0];
	_ =	sdelay $0x4  }
0x516: {  	v46 =	vshll.u32 v3, $0x1  }
0x517: {  	v3 =	vand.u32 $0x7, v3;
	v4 =	vand.u32 $0xFFFFFFF0, v46  }
0x518: {  	v3 =	vor.u32 v3, v4  }
0x519: {  	v4 =	vperm.xlane v3, v0;
	_ =	sdelay $0x1  }
0x51a: {  	v3 =	vperm.xlane v3, v2;
	v4 =	vadd.s32 v1, v4;
	_ =	sdelay $0x1  }
0x51b: {  	v3 =	vadd.s32 v1, v3;
	_ =	sdelay $0x1  }
0x51c: {  	s21 =	simm.s32 $0xE800  }
0x51d: {  	[tilespmem:s21], [sflag:$0x1] =	stream.indirect_vreg.gather [hbm4b:s3+s2], $0x80, v4, vm0, $0xb8;
	[tilespmem:$0x18800] =	vst v63  }
0x51e: {  	s23 =	simm.s32 $0xF000  }
0x51f: {  	[tilespmem:s23], [sflag:$0x1] =	stream.indirect_vreg.gather [hbm4b:s3+s2], $0x80, v3, vm0, $0xb8;
	[tilespmem:$0x18800] =	vst v63  }
0x520: {  	v3 =	vld [tilespmem:$0x6F0];
	_ =	sdelay $0x4  }
0x521: {  	v47 =	vshll.u32 v3, $0x1  }
0x522: {  	v3 =	vand.u32 $0x7, v3;
	v4 =	vand.u32 $0xFFFFFFF0, v47  }
0x523: {  	v3 =	vor.u32 v3, v4  }
0x524: {  	v4 =	vperm.xlane v3, v0;
	_ =	sdelay $0x1  }
0x525: {  	v3 =	vperm.xlane v3, v2;
	v4 =	vadd.s32 v1, v4;
	_ =	sdelay $0x1  }
0x526: {  	v3 =	vadd.s32 v1, v3;
	_ =	sdelay $0x1  }
0x527: {  	s31 =	simm.s32 $0xF800  }
0x528: {  	[tilespmem:s31], [sflag:$0x1] =	stream.indirect_vreg.gather [hbm4b:s3+s2], $0x80, v4, vm0, $0xb8;
	[tilespmem:$0x18800] =	vst v63  }
0x529: {  	s21 =	simm.s32 $0x10000  }
0x52a: {  	[tilespmem:s21], [sflag:$0x1] =	stream.indirect_vreg.gather [hbm4b:s3+s2], $0x80, v3, vm0, $0xb8;
	[tilespmem:$0x18800] =	vst v63  }
0x52b: {  	_ =	swait.ge [sflag:s22], $0x8000  }
0x52c: {  	[sflag:s22] =	ssyncset.done $0x0  }
0x52d: {  	s23 =	rddreg [dreg:$0x10];
	[sflag:s22] =	ssyncadd.s32 $0xFFFF8000  }
0x52e: {  	[hbm4b:s23+s2] =	stream.linear.scatter [tilespmem:s30], [sflag:$0x3], $0x8000, $0x38;
	[tilespmem:$0x18800] =	vst v63  }
0x52f: {  	_ =	swait.ge [sflag:s1], $0x8000  }
0x530: {  	[sflag:s1] =	ssyncset.done $0x0  }
0x531: {  	[sflag:s1] =	ssyncadd.s32 $0xFFFF8000  }
0x532: {  	v3 =	vld [tilespmem:$0x700];
	_ =	sdelay $0x4  }
0x533: {  	v48 =	vshll.u32 v3, $0x1  }
0x534: {  	v3 =	vand.u32 $0x7, v3;
	v4 =	vand.u32 $0xFFFFFFF0, v48  }
0x535: {  	v3 =	vor.u32 v3, v4  }
0x536: {  	v4 =	vperm.xlane v3, v0;
	_ =	sdelay $0x1  }
0x537: {  	v3 =	vperm.xlane v3, v2;
	v4 =	vadd.s32 v1, v4;
	_ =	sdelay $0x1  }
0x538: {  	v3 =	vadd.s32 v1, v3;
	_ =	sdelay $0x1  }
0x539: {  	s4 =	simm.s32 $0x10800  }
0x53a: {  	[tilespmem:s4], [sflag:$0x1] =	stream.indirect_vreg.gather [hbm4b:s3+s2], $0x80, v4, vm0, $0xb8;
	[tilespmem:$0x18800] =	vst v63  }
0x53b: {  	s31 =	simm.s32 $0x11000  }
0x53c: {  	[tilespmem:s31], [sflag:$0x1] =	stream.indirect_vreg.gather [hbm4b:s3+s2], $0x80, v3, vm0, $0xb8;
	[tilespmem:$0x18800] =	vst v63  }
0x53d: {  	v3 =	vld [tilespmem:$0x710];
	_ =	sdelay $0x4  }
0x53e: {  	v49 =	vshll.u32 v3, $0x1  }
0x53f: {  	v3 =	vand.u32 $0x7, v3;
	v4 =	vand.u32 $0xFFFFFFF0, v49  }
0x540: {  	v3 =	vor.u32 v3, v4  }
0x541: {  	v4 =	vperm.xlane v3, v0;
	_ =	sdelay $0x1  }
0x542: {  	v3 =	vperm.xlane v3, v2;
	v4 =	vadd.s32 v1, v4;
	_ =	sdelay $0x1  }
0x543: {  	v3 =	vadd.s32 v1, v3;
	_ =	sdelay $0x2  }
0x544: {  	[tilespmem:s9], [sflag:$0x1] =	stream.indirect_vreg.gather [hbm4b:s3+s2], $0x80, v4, vm0, $0xb8;
	[tilespmem:$0x18800] =	vst v63  }
0x545: {  	s21 =	simm.s32 $0x12000  }
0x546: {  	[tilespmem:s21], [sflag:$0x1] =	stream.indirect_vreg.gather [hbm4b:s3+s2], $0x80, v3, vm0, $0xb8;
	[tilespmem:$0x18800] =	vst v63  }
0x547: {  	v3 =	vld [tilespmem:$0x720];
	_ =	sdelay $0x4  }
0x548: {  	v50 =	vshll.u32 v3, $0x1  }
0x549: {  	v3 =	vand.u32 $0x7, v3;
	v4 =	vand.u32 $0xFFFFFFF0, v50  }
0x54a: {  	v3 =	vor.u32 v3, v4  }
0x54b: {  	v4 =	vperm.xlane v3, v0;
	_ =	sdelay $0x1  }
0x54c: {  	v3 =	vperm.xlane v3, v2;
	v4 =	vadd.s32 v1, v4;
	_ =	sdelay $0x1  }
0x54d: {  	v3 =	vadd.s32 v1, v3;
	_ =	sdelay $0x2  }
0x54e: {  	[tilespmem:s17], [sflag:$0x1] =	stream.indirect_vreg.gather [hbm4b:s3+s2], $0x80, v4, vm0, $0xb8;
	[tilespmem:$0x18800] =	vst v63  }
0x54f: {  	s23 =	simm.s32 $0x13000  }
0x550: {  	[tilespmem:s23], [sflag:$0x1] =	stream.indirect_vreg.gather [hbm4b:s3+s2], $0x80, v3, vm0, $0xb8;
	[tilespmem:$0x18800] =	vst v63  }
0x551: {  	v3 =	vld [tilespmem:$0x730];
	_ =	sdelay $0x4  }
0x552: {  	v51 =	vshll.u32 v3, $0x1  }
0x553: {  	v3 =	vand.u32 $0x7, v3;
	v4 =	vand.u32 $0xFFFFFFF0, v51  }
0x554: {  	v3 =	vor.u32 v3, v4  }
0x555: {  	v4 =	vperm.xlane v3, v0;
	_ =	sdelay $0x1  }
0x556: {  	v3 =	vperm.xlane v3, v2;
	v4 =	vadd.s32 v1, v4;
	_ =	sdelay $0x1  }
0x557: {  	v3 =	vadd.s32 v1, v3;
	_ =	sdelay $0x2  }
0x558: {  	[tilespmem:s18], [sflag:$0x1] =	stream.indirect_vreg.gather [hbm4b:s3+s2], $0x80, v4, vm0, $0xb8;
	[tilespmem:$0x18800] =	vst v63  }
0x559: {  	s28 =	simm.s32 $0x14000  }
0x55a: {  	[tilespmem:s28], [sflag:$0x1] =	stream.indirect_vreg.gather [hbm4b:s3+s2], $0x80, v3, vm0, $0xb8;
	[tilespmem:$0x18800] =	vst v63  }
0x55b: {  	v3 =	vld [tilespmem:$0x740];
	_ =	sdelay $0x4  }
0x55c: {  	v52 =	vshll.u32 v3, $0x1  }
0x55d: {  	v3 =	vand.u32 $0x7, v3;
	v4 =	vand.u32 $0xFFFFFFF0, v52  }
0x55e: {  	v3 =	vor.u32 v3, v4  }
0x55f: {  	v4 =	vperm.xlane v3, v0;
	_ =	sdelay $0x1  }
0x560: {  	v3 =	vperm.xlane v3, v2;
	v4 =	vadd.s32 v1, v4;
	_ =	sdelay $0x1  }
0x561: {  	v3 =	vadd.s32 v1, v3;
	_ =	sdelay $0x2  }
0x562: {  	[tilespmem:s24], [sflag:$0x1] =	stream.indirect_vreg.gather [hbm4b:s3+s2], $0x80, v4, vm0, $0xb8;
	[tilespmem:$0x18800] =	vst v63  }
0x563: {  	s25 =	simm.s32 $0x15000  }
0x564: {  	[tilespmem:s25], [sflag:$0x1] =	stream.indirect_vreg.gather [hbm4b:s3+s2], $0x80, v3, vm0, $0xb8;
	[tilespmem:$0x18800] =	vst v63  }
0x565: {  	v3 =	vld [tilespmem:$0x750];
	_ =	sdelay $0x4  }
0x566: {  	v53 =	vshll.u32 v3, $0x1  }
0x567: {  	v3 =	vand.u32 $0x7, v3;
	v4 =	vand.u32 $0xFFFFFFF0, v53  }
0x568: {  	v3 =	vor.u32 v3, v4  }
0x569: {  	v4 =	vperm.xlane v3, v0;
	_ =	sdelay $0x1  }
0x56a: {  	v3 =	vperm.xlane v3, v2;
	v4 =	vadd.s32 v1, v4;
	_ =	sdelay $0x1  }
0x56b: {  	v3 =	vadd.s32 v1, v3;
	_ =	sdelay $0x1  }
0x56c: {  	s30 =	simm.s32 $0x15800  }
0x56d: {  	[tilespmem:s30], [sflag:$0x1] =	stream.indirect_vreg.gather [hbm4b:s3+s2], $0x80, v4, vm0, $0xb8;
	[tilespmem:$0x18800] =	vst v63  }
0x56e: {  	s31 =	simm.s32 $0x16000  }
0x56f: {  	[tilespmem:s31], [sflag:$0x1] =	stream.indirect_vreg.gather [hbm4b:s3+s2], $0x80, v3, vm0, $0xb8;
	[tilespmem:$0x18800] =	vst v63  }
0x570: {  	v3 =	vld [tilespmem:$0x760];
	_ =	sdelay $0x4  }
0x571: {  	v54 =	vshll.u32 v3, $0x1  }
0x572: {  	v3 =	vand.u32 $0x7, v3;
	v4 =	vand.u32 $0xFFFFFFF0, v54  }
0x573: {  	v3 =	vor.u32 v3, v4  }
0x574: {  	v4 =	vperm.xlane v3, v0;
	_ =	sdelay $0x1  }
0x575: {  	v3 =	vperm.xlane v3, v2;
	v4 =	vadd.s32 v1, v4;
	_ =	sdelay $0x1  }
0x576: {  	v3 =	vadd.s32 v1, v3;
	_ =	sdelay $0x1  }
0x577: {  	s9 =	simm.s32 $0x16800  }
0x578: {  	[tilespmem:s9], [sflag:$0x1] =	stream.indirect_vreg.gather [hbm4b:s3+s2], $0x80, v4, vm0, $0xb8;
	[tilespmem:$0x18800] =	vst v63  }
0x579: {  	s17 =	simm.s32 $0x17000  }
0x57a: {  	[tilespmem:s17], [sflag:$0x1] =	stream.indirect_vreg.gather [hbm4b:s3+s2], $0x80, v3, vm0, $0xb8;
	[tilespmem:$0x18800] =	vst v63  }
0x57b: {  	v3 =	vld [tilespmem:$0x770];
	_ =	sdelay $0x4  }
0x57c: {  	v55 =	vshll.u32 v3, $0x1  }
0x57d: {  	v3 =	vand.u32 $0x7, v3;
	v4 =	vand.u32 $0xFFFFFFF0, v55  }
0x57e: {  	v3 =	vor.u32 v3, v4  }
0x57f: {  	v4 =	vperm.xlane v3, v0;
	_ =	sdelay $0x1  }
0x580: {  	v3 =	vperm.xlane v3, v2;
	v4 =	vadd.s32 v1, v4;
	_ =	sdelay $0x1  }
0x581: {  	v3 =	vadd.s32 v1, v3;
	_ =	sdelay $0x1  }
0x582: {  	s18 =	simm.s32 $0x17800  }
0x583: {  	[tilespmem:s18], [sflag:$0x1] =	stream.indirect_vreg.gather [hbm4b:s3+s2], $0x80, v4, vm0, $0xb8;
	[tilespmem:$0x18800] =	vst v63  }
0x584: {  	s21 =	simm.s32 $0x18000  }
0x585: {  	[tilespmem:s21], [sflag:$0x1] =	stream.indirect_vreg.gather [hbm4b:s3+s2], $0x80, v3, vm0, $0xb8;
	[tilespmem:$0x18800] =	vst v63  }
0x586: {  	_ =	swait.ge [sflag:s22], $0x8000  }
0x587: {  	[sflag:s22] =	ssyncset.done $0x0  }
0x588: {  	s23 =	rddreg [dreg:$0x11];
	[sflag:s22] =	ssyncadd.s32 $0xFFFF8000  }
0x589: {  	[hbm4b:s23+s2] =	stream.linear.scatter [tilespmem:s4], [sflag:$0x4], $0x8000, $0x38;
	[tilespmem:$0x18800] =	vst v63  }
0x58a: {  	_ =	swait.ge [sflag:s26], $0x8000  }
0x58b: {  	[sflag:s26] =	ssyncset.done $0x0  }
0x58c: {  	[sflag:s26] =	ssyncadd.s32 $0xFFFF8000  }
0x58d: {  	v3 =	vld [tilespmem:$0x780];
	_ =	sdelay $0x4  }
0x58e: {  	v56 =	vshll.u32 v3, $0x1  }
0x58f: {  	v3 =	vand.u32 $0x7, v3;
	v4 =	vand.u32 $0xFFFFFFF0, v56  }
0x590: {  	v3 =	vor.u32 v3, v4  }
0x591: {  	v4 =	vperm.xlane v3, v0;
	_ =	sdelay $0x1  }
0x592: {  	v3 =	vperm.xlane v3, v2;
	v4 =	vadd.s32 v1, v4;
	_ =	sdelay $0x1  }
0x593: {  	v3 =	vadd.s32 v1, v3;
	_ =	sdelay $0x1  }
0x594: {  	s14 =	simm.s32 $0x800  }
0x595: {  	[tilespmem:s14], [sflag:$0x1] =	stream.indirect_vreg.gather [hbm4b:s3+s2], $0x80, v4, vm0, $0xb8;
	[tilespmem:$0x18800] =	vst v63  }
0x596: {  	s24 =	simm.s32 $0x1000  }
0x597: {  	[tilespmem:s24], [sflag:$0x1] =	stream.indirect_vreg.gather [hbm4b:s3+s2], $0x80, v3, vm0, $0xb8;
	[tilespmem:$0x18800] =	vst v63  }
0x598: {  	v3 =	vld [tilespmem:$0x790];
	_ =	sdelay $0x4  }
0x599: {  	v57 =	vshll.u32 v3, $0x1  }
0x59a: {  	v3 =	vand.u32 $0x7, v3;
	v4 =	vand.u32 $0xFFFFFFF0, v57  }
0x59b: {  	v3 =	vor.u32 v3, v4  }
0x59c: {  	v4 =	vperm.xlane v3, v0;
	_ =	sdelay $0x1  }
0x59d: {  	v3 =	vperm.xlane v3, v2;
	v4 =	vadd.s32 v1, v4;
	_ =	sdelay $0x1  }
0x59e: {  	v3 =	vadd.s32 v1, v3;
	_ =	sdelay $0x1  }
0x59f: {  	s15 =	simm.s32 $0x1800  }
0x5a0: {  	[tilespmem:s15], [sflag:$0x1] =	stream.indirect_vreg.gather [hbm4b:s3+s2], $0x80, v4, vm0, $0xb8;
	[tilespmem:$0x18800] =	vst v63  }
0x5a1: {  	s25 =	simm.s32 $0x2000  }
0x5a2: {  	[tilespmem:s25], [sflag:$0x1] =	stream.indirect_vreg.gather [hbm4b:s3+s2], $0x80, v3, vm0, $0xb8;
	[tilespmem:$0x18800] =	vst v63  }
0x5a3: {  	v3 =	vld [tilespmem:$0x7A0];
	_ =	sdelay $0x4  }
0x5a4: {  	v58 =	vshll.u32 v3, $0x1  }
0x5a5: {  	v3 =	vand.u32 $0x7, v3;
	v4 =	vand.u32 $0xFFFFFFF0, v58  }
0x5a6: {  	v3 =	vor.u32 v3, v4  }
0x5a7: {  	v4 =	vperm.xlane v3, v0;
	_ =	sdelay $0x1  }
0x5a8: {  	v3 =	vperm.xlane v3, v2;
	v4 =	vadd.s32 v1, v4;
	_ =	sdelay $0x1  }
0x5a9: {  	v3 =	vadd.s32 v1, v3;
	_ =	sdelay $0x1  }
0x5aa: {  	s16 =	simm.s32 $0x2800  }
0x5ab: {  	[tilespmem:s16], [sflag:$0x1] =	stream.indirect_vreg.gather [hbm4b:s3+s2], $0x80, v4, vm0, $0xb8;
	[tilespmem:$0x18800] =	vst v63  }
0x5ac: {  	s10 =	simm.s32 $0x3000  }
0x5ad: {  	[tilespmem:s10], [sflag:$0x1] =	stream.indirect_vreg.gather [hbm4b:s3+s2], $0x80, v3, vm0, $0xb8;
	[tilespmem:$0x18800] =	vst v63  }
0x5ae: {  	v3 =	vld [tilespmem:$0x7B0];
	_ =	sdelay $0x4  }
0x5af: {  	v59 =	vshll.u32 v3, $0x1  }
0x5b0: {  	v3 =	vand.u32 $0x7, v3;
	v4 =	vand.u32 $0xFFFFFFF0, v59  }
0x5b1: {  	v3 =	vor.u32 v3, v4  }
0x5b2: {  	v4 =	vperm.xlane v3, v0;
	_ =	sdelay $0x1  }
0x5b3: {  	v3 =	vperm.xlane v3, v2;
	v4 =	vadd.s32 v1, v4;
	_ =	sdelay $0x1  }
0x5b4: {  	v3 =	vadd.s32 v1, v3;
	_ =	sdelay $0x1  }
0x5b5: {  	s28 =	simm.s32 $0x3800  }
0x5b6: {  	[tilespmem:s28], [sflag:$0x1] =	stream.indirect_vreg.gather [hbm4b:s3+s2], $0x80, v4, vm0, $0xb8;
	[tilespmem:$0x18800] =	vst v63  }
0x5b7: {  	s11 =	simm.s32 $0x4000  }
0x5b8: {  	[tilespmem:s11], [sflag:$0x1] =	stream.indirect_vreg.gather [hbm4b:s3+s2], $0x80, v3, vm0, $0xb8;
	[tilespmem:$0x18800] =	vst v63  }
0x5b9: {  	v3 =	vld [tilespmem:$0x7C0];
	_ =	sdelay $0x4  }
0x5ba: {  	v60 =	vshll.u32 v3, $0x1  }
0x5bb: {  	v3 =	vand.u32 $0x7, v3;
	v4 =	vand.u32 $0xFFFFFFF0, v60  }
0x5bc: {  	v3 =	vor.u32 v3, v4  }
0x5bd: {  	v4 =	vperm.xlane v3, v0;
	_ =	sdelay $0x1  }
0x5be: {  	v3 =	vperm.xlane v3, v2;
	v4 =	vadd.s32 v1, v4;
	_ =	sdelay $0x1  }
0x5bf: {  	v3 =	vadd.s32 v1, v3;
	_ =	sdelay $0x1  }
0x5c0: {  	s6 =	simm.s32 $0x4800  }
0x5c1: {  	[tilespmem:s6], [sflag:$0x1] =	stream.indirect_vreg.gather [hbm4b:s3+s2], $0x80, v4, vm0, $0xb8;
	[tilespmem:$0x18800] =	vst v63  }
0x5c2: {  	s12 =	simm.s32 $0x5000  }
0x5c3: {  	[tilespmem:s12], [sflag:$0x1] =	stream.indirect_vreg.gather [hbm4b:s3+s2], $0x80, v3, vm0, $0xb8;
	[tilespmem:$0x18800] =	vst v63  }
0x5c4: {  	v3 =	vld [tilespmem:$0x7D0];
	_ =	sdelay $0x4  }
0x5c5: {  	v61 =	vshll.u32 v3, $0x1  }
0x5c6: {  	v3 =	vand.u32 $0x7, v3;
	v4 =	vand.u32 $0xFFFFFFF0, v61  }
0x5c7: {  	v3 =	vor.u32 v3, v4  }
0x5c8: {  	v4 =	vperm.xlane v3, v0;
	_ =	sdelay $0x1  }
0x5c9: {  	v3 =	vperm.xlane v3, v2;
	v4 =	vadd.s32 v1, v4;
	_ =	sdelay $0x1  }
0x5ca: {  	v3 =	vadd.s32 v1, v3;
	_ =	sdelay $0x1  }
0x5cb: {  	s5 =	simm.s32 $0x5800  }
0x5cc: {  	[tilespmem:s5], [sflag:$0x1] =	stream.indirect_vreg.gather [hbm4b:s3+s2], $0x80, v4, vm0, $0xb8;
	[tilespmem:$0x18800] =	vst v63  }
0x5cd: {  	s19 =	simm.s32 $0x6000  }
0x5ce: {  	[tilespmem:s19], [sflag:$0x1] =	stream.indirect_vreg.gather [hbm4b:s3+s2], $0x80, v3, vm0, $0xb8;
	[tilespmem:$0x18800] =	vst v63  }
0x5cf: {  	v3 =	vld [tilespmem:$0x7E0];
	_ =	sdelay $0x4  }
0x5d0: {  	v62 =	vshll.u32 v3, $0x1  }
0x5d1: {  	v3 =	vand.u32 $0x7, v3;
	v4 =	vand.u32 $0xFFFFFFF0, v62  }
0x5d2: {  	v3 =	vor.u32 v3, v4  }
0x5d3: {  	v4 =	vperm.xlane v3, v0;
	_ =	sdelay $0x1  }
0x5d4: {  	v3 =	vperm.xlane v3, v2;
	v4 =	vadd.s32 v1, v4;
	_ =	sdelay $0x1  }
0x5d5: {  	v3 =	vadd.s32 v1, v3;
	_ =	sdelay $0x1  }
0x5d6: {  	s7 =	simm.s32 $0x6800  }
0x5d7: {  	[tilespmem:s7], [sflag:$0x1] =	stream.indirect_vreg.gather [hbm4b:s3+s2], $0x80, v4, vm0, $0xb8;
	[tilespmem:$0x18800] =	vst v63  }
0x5d8: {  	_ = 	snop  }
0x5d9: {  	[tilespmem:s20], [sflag:$0x1] =	stream.indirect_vreg.gather [hbm4b:s3+s2], $0x80, v3, vm0, $0xb8;
	[tilespmem:$0x18800] =	vst v63  }
0x5da: {  	v3 =	vld [tilespmem:$0x7F0];
	_ =	sdelay $0x4  }
0x5db: {  	v63 =	vshll.u32 v3, $0x1  }
0x5dc: {  	v3 =	vand.u32 $0x7, v3;
	v4 =	vand.u32 $0xFFFFFFF0, v63  }
0x5dd: {  	v3 =	vor.u32 v3, v4  }
0x5de: {  	v4 =	vperm.xlane v3, v0;
	_ =	sdelay $0x1  }
0x5df: {  	v3 =	vperm.xlane v3, v2;
	v4 =	vadd.s32 v1, v4;
	_ =	sdelay $0x1  }
0x5e0: {  	v3 =	vadd.s32 v1, v3;
	_ =	sdelay $0x1  }
0x5e1: {  	s8 =	simm.s32 $0x7800  }
0x5e2: {  	[tilespmem:s8], [sflag:$0x1] =	stream.indirect_vreg.gather [hbm4b:s3+s2], $0x80, v4, vm0, $0xb8;
	[tilespmem:$0x18800] =	vst v63  }
0x5e3: {  	s13 =	simm.s32 $0x8000  }
0x5e4: {  	[tilespmem:s13], [sflag:$0x1] =	stream.indirect_vreg.gather [hbm4b:s3+s2], $0x80, v3, vm0, $0xb8;
	[tilespmem:$0x18800] =	vst v63  }
0x5e5: {  	_ =	swait.ge [sflag:s22], $0x8000  }
0x5e6: {  	[sflag:s22] =	ssyncset.done $0x0  }
0x5e7: {  	s30 =	rddreg [dreg:$0x12];
	[sflag:s22] =	ssyncadd.s32 $0xFFFF8000  }
0x5e8: {  	[hbm4b:s30+s2] =	stream.linear.scatter [tilespmem:s14], [sflag:$0x2], $0x8000, $0x38;
	[tilespmem:$0x18800] =	vst v63  }
0x5e9: {  	s31 =	rddreg [dreg:$0x13];
	_ =	swait.ge [sflag:s26], $0x8000  }
0x5ea: {  	[sflag:s26] =	ssyncset.done $0x0  }
0x5eb: {  	[sflag:s26] =	ssyncadd.s32 $0xFFFF8000  }
0x5ec: {  	p0 =	sne.s32 s31, $0x1;
	_ =	swait.ge [sflag:s29], $0x8000  }
.Ltmp0:
0x5ed: {  	[sflag:s29] =	ssyncset.done $0x0;
	(pc) =	sbr.rel @p0 .LBB2_1-.Ltmp0, $4  }
0x5ee: {  	[sflag:s29] =	ssyncadd.s32 $0xFFFF8000  }
0x5ef: {  	_ =	swait.ge [sflag:s1], $0x8000  }
0x5f0: {  	[sflag:s1] =	ssyncset.done $0x0  }
0x5f1: {  	s0 =	sadd.s32 $0xFFFFFFFF, s31;
	[sflag:s1] =	ssyncadd.s32 $0xFFFF8000  }
0x5f2: {  	_ =	sfence.sel $0x180000  }
0x5f3: {  	[bflag:$0x0] =	sbarrier.arrive $0xFFFF  }
0x5f4: {  	_ =	strace $0x9000004D  }
0x5f5: {  	s0 =	stileid.u32;
	[bflag:$0x2] =	sbarrier.arrive $0xFFFF  }
0x5f6: {  	p0 =	sne.s32 s0, $0x0;
	s0 =	rddreg [dreg:$0x1]  }
0x5f7: {  	s0 =	sadd.s32 @!p0 $0x100000, s0  }
0x5f8: {  	[sflag:s0] =	ssyncadd.tile.s32 @!p0 $0x1;
	_ =	shalt  }
.Lfunc_end2:
_tile_overlayer_lowered:
.L_overlay_start_2:
0x5f9: {  	(tag) =	ssettag $0x2  }
0x5fa: {  	s0 =	rddreg [dreg:$0x0];
	s2 =	stileid.u32  }
0x5fb: {  	s1 =	rddreg [dreg:$0x1];
	p0 =	sne.s32 s2, $0x0  }
0x5fc: {  	s3 =	rddreg [dreg:$0x2];
	[bflag:$0x3] =	sbarrier.arrive $0xFFFF;
	s2 =	simm.s32 @!p0 $0x1C05  }
0x5fd: {  	[timem:s3], [sflag:s2] =	dma.local @!p0 [hbm:s0], s1  }
0x5fe: {  	s0 =	simm.s32 @!p0 $0x5  }
0x5ff: {  	_ =	swait.ge @!p0 [sflag:s0], s1  }
0x600: {  	s1 =	ssub.s32 @!p0 $0x0, s1;
	[sflag:s0] =	ssyncset.done @!p0 $0x0  }
0x601: {  	[sflag:s0] =	ssyncadd.s32 @!p0 s1  }
0x602: {  	[bflag:$0x3] =	sbarrier.arrive $0xFFFF  }
0x603: {  	_ =	shalt  }

// kernel: kernel.7.cloned.1.call-start
scs
__scs_entry_jumppad:
0x0: {  	(pc) =	sbr.rel $0x88, $3  }
0x1: {  	(tag) =	ssettag $0x0;
	lr =	simm.s32 $0x1  }
0x2: {  	[smem:$0x3F99] =	sst lr;
	_ =	strace $0xD0000000  }
0x3: {  	_ = 	snop  }
0x4: {  	_ = 	snop  }
0x5: {  	_ = 	snop  }
0x6: {  	_ = 	snop  }
0x7: {  	_ = 	snop  }
__scs_overlays_trampoline_lowered:
0x8: {  	[smem:$0x3FA8] =	sst s0  }
0x9: {  	[smem:$0x3FA9] =	sst s1  }
0xa: {  	[smem:$0x3FAA] =	sst s2  }
0xb: {  	[smem:$0x3FAB] =	sst s3  }
0xc: {  	[smem:$0x3FAC] =	sst s4  }
0xd: {  	[smem:$0x3FAD] =	sst s5  }
0xe: {  	[smem:$0x3FAE] =	sst s6  }
0xf: {  	[smem:$0x3FAF] =	sst s7  }
0x10: {  	[smem:$0x3FB0] =	sst s8  }
0x11: {  	[smem:$0x3FB1] =	sst s9;
	s0 =	simm.s32 @!p0 $0x0  }
0x12: {  	s1 =	sld [smem:$0x3F97];
	s0 =	simm.s32 @p0 $0x1  }
0x13: {  	[smem:$0x3FB2] =	sst s0;
	s0 =	simm.s32 @!p1 $0x0  }
0x14: {  	s2 =	sld [smem:$0x3F96];
	s0 =	simm.s32 @p1 $0x1  }
0x15: {  	[smem:$0x3FB3] =	sst s0;
	s0 =	simm.s32 @!p2 $0x0  }
0x16: {  	s3 =	sld [smem:$0x3FDB];
	s0 =	simm.s32 @p2 $0x1  }
0x17: {  	s4 =	simm.s32 $0x1BF5;
	[smem:$0x3FB5] =	sst s0  }
0x18: {  	s0 =	sld [smem:$0x3F98];
	_ =	swait.ge [sflag:s4], $0x0  }
0x19: {  	s7 =	sld [smem:$0x3F99]  }
0x1a: {  	s8 =	sadd.s32 $0xFFFFE003, lr  }
0x1b: {  	s9 =	sadd.s32 $0xFFFFFEF7, lr;
	s5 =	simm.s32 $0xFFFFFFFF;
	p2 =	slt.u32 s8, $0xFFFFF086  }
0x1c: {  	p1 =	slt.u32 s9, $0xF7A;
	s5 =	simm.s32 @!p2 $0x0  }
0x1d: {  	s5 =	simm.s32 @p1 $0x1;
	p0 =	seq.s32 s7, s2  }
0x1e: {  	s7 =	smul.u32 @!p0 $0xF7A, s2;
	p2 =	seq.s32 @!p0 s5, $0x0  }
0x1f: {  	s9 =	smul.u32 $0xF7A, s1;
	s8 =	simm.s32 @!p0 $0x1BF5;
	p2 =	por !p2, p0  }
0x20: {  	[sflag:s8] =	ssyncset.s32 @!p0 $0xFFFFF086;
	s6 =	sadd.s32 @!p0 s3, s7;
	s7 =	simm.s32 @!p0 $0x108  }
0x21: {  	s3 =	sadd.s32 s3, s9;
	s6 =	sadd.s32 @!p0 $0x88, s6;
	s7 =	simm.s32 @p2 $0x1082  }
0x22: {  	[simem:s7], [sflag:s8] =	dma.local @!p0 [hbm:s6], $0xF7A  }
0x23: {  	s9 =	sor.u32 $0xD0000000, s2;
	s6 =	simm.s32 $0x108;
	_ =	swait.ge @!p0 [sflag:s8], $0x0  }
0x24: {  	s3 =	sadd.s32 $0x88, s3;
	s6 =	simm.s32 @!p1 $0x1082;
	[sflag:s4] =	ssyncset.s32 $0xFFFFF086  }
0x25: {  	[simem:s6], [sflag:s4] =	dma.local [hbm:s3], $0xF7A  }
0x26: {  	[smem:$0x3F99] =	sst s1;
	(tag) =	ssettag s2;
	_ =	strace s9  }
0x27: {  	s1 =	sld [smem:$0x3FA9]  }
0x28: {  	s2 =	sld [smem:$0x3FAA]  }
0x29: {  	s4 =	sld [smem:$0x3FAC]  }
0x2a: {  	p0 =	seq.s32 s5, $0x0;
	s5 =	sld [smem:$0x3FAD]  }
0x2b: {  	s6 =	sld [smem:$0x3FAE]  }
0x2c: {  	s7 =	sld [smem:$0x3FAF]  }
0x2d: {  	s3 =	simm.s32 $0x108;
	s8 =	sld [smem:$0x3FB0]  }
0x2e: {  	s3 =	simm.s32 @!p0 $0x1082;
	s9 =	sld [smem:$0x3FB1]  }
0x2f: {  	lr =	sadd.s32 s0, s3;
	s0 =	sld [smem:$0x3FA8]  }
0x30: {  	s3 =	sld [smem:$0x3FAB]  }
0x31: {  	[smem:$0x3FB4] =	sst s10  }
0x32: {  	s10 =	sld [smem:$0x3FB2];
	_ =	sdelay $0x3  }
0x33: {  	p0 =	seq.s32 s10, $0x1;
	s10 =	sld [smem:$0x3FB4];
	_ =	sdelay $0x3  }
0x34: {  	[smem:$0x3FB4] =	sst s10  }
0x35: {  	s10 =	sld [smem:$0x3FB3];
	_ =	sdelay $0x3  }
0x36: {  	p1 =	seq.s32 s10, $0x1;
	s10 =	sld [smem:$0x3FB4];
	_ =	sdelay $0x3  }
0x37: {  	[smem:$0x3FB4] =	sst s10  }
0x38: {  	s10 =	sld [smem:$0x3FB5]  }
0x39: {  	_ = 	snop;
	(pc) =	sbr.ind lr, $3  }
0x3a: {  	_ = 	snop  }
0x3b: {  	_ = 	snop  }
0x3c: {  	p2 =	seq.s32 s10, $0x1;
	s10 =	sld [smem:$0x3FB4]  }
0x3d: {  	_ =	shalt  }
0x3e: {  	_ =	shalt  }
0x3f: {  	_ =	shalt  }
0x40: {  	_ =	shalt  }
0x41: {  	_ =	shalt  }
0x42: {  	_ =	shalt  }
0x43: {  	_ =	shalt  }
0x44: {  	_ =	shalt  }
0x45: {  	_ =	shalt  }
0x46: {  	_ =	shalt  }
0x47: {  	_ =	shalt  }
0x48: {  	_ =	shalt  }
0x49: {  	_ =	shalt  }
0x4a: {  	_ =	shalt  }
0x4b: {  	_ =	shalt  }
0x4c: {  	_ =	shalt  }
0x4d: {  	_ =	shalt  }
0x4e: {  	_ =	shalt  }
0x4f: {  	_ =	shalt  }
0x50: {  	_ =	shalt  }
0x51: {  	_ =	shalt  }
0x52: {  	_ =	shalt  }
0x53: {  	_ =	shalt  }
0x54: {  	_ =	shalt  }
0x55: {  	_ =	shalt  }
0x56: {  	_ =	shalt  }
0x57: {  	_ =	shalt  }
0x58: {  	_ =	shalt  }
0x59: {  	_ =	shalt  }
0x5a: {  	_ =	shalt  }
0x5b: {  	_ =	shalt  }
0x5c: {  	_ =	shalt  }
0x5d: {  	_ =	shalt  }
0x5e: {  	_ =	shalt  }
0x5f: {  	_ =	shalt  }
0x60: {  	_ =	shalt  }
0x61: {  	_ =	shalt  }
0x62: {  	_ =	shalt  }
0x63: {  	_ =	shalt  }
0x64: {  	_ =	shalt  }
0x65: {  	_ =	shalt  }
0x66: {  	_ =	shalt  }
0x67: {  	_ =	shalt  }
0x68: {  	_ =	shalt  }
0x69: {  	_ =	shalt  }
0x6a: {  	_ =	shalt  }
0x6b: {  	_ =	shalt  }
0x6c: {  	_ =	shalt  }
0x6d: {  	_ =	shalt  }
0x6e: {  	_ =	shalt  }
0x6f: {  	_ =	shalt  }
0x70: {  	_ =	shalt  }
0x71: {  	_ =	shalt  }
0x72: {  	_ =	shalt  }
0x73: {  	_ =	shalt  }
0x74: {  	_ =	shalt  }
0x75: {  	_ =	shalt  }
0x76: {  	_ =	shalt  }
0x77: {  	_ =	shalt  }
0x78: {  	_ =	shalt  }
0x79: {  	_ =	shalt  }
0x7a: {  	_ =	shalt  }
0x7b: {  	_ =	shalt  }
0x7c: {  	_ =	shalt  }
0x7d: {  	_ =	shalt  }
0x7e: {  	_ =	shalt  }
0x7f: {  	_ =	shalt  }
0x80: {  	_ =	shalt  }
0x81: {  	_ =	shalt  }
0x82: {  	_ =	shalt  }
0x83: {  	_ =	shalt  }
0x84: {  	_ =	shalt  }
0x85: {  	_ =	shalt  }
0x86: {  	_ =	shalt  }
0x87: {  	_ =	shalt  }
.Lfunc_end0:
.L_simem_size_0:
called_computation.2_lowered:
.L_overlay_start_0:
0x88: {  	s2 =	sld [smem:$0x3FD9]  }
0x89: {  	s3 =	sld [smem:$0x3FFE];
	_ =	sdelay $0x1  }
0x8a: {  	s1 =	srdreg.scid  }
0x8b: {  	s0 =	sand.u32 $0x1, s1  }
0x8c: {  	s17 =	sshll.u32 s0, $0xA;
	s2 =	sadd.s32 s3, s2  }
0x8d: {  	s2 =	sadd.s32 s2, s17  }
0x8e: {  	[smem:$0x3FC0] =	sst s2  }
0x8f: {  	_ = 	snop  }
0x90: {  	(tm) =	ssettm $0x1  }
0x91: {  	s18 =	sld [smem:$0x3FFB];
	_ =	sdelay $0x3  }
0x92: {  	_ =	strace s18  }
0x93: {  	s2 =	sld [smem:$0x3FFC];
	_ =	sdelay $0x3  }
0x94: {  	_ =	strace s2  }
0x95: {  	s2 =	sld [smem:$0x3FFD];
	_ =	sdelay $0x3  }
0x96: {  	_ =	strace s2  }
0x97: {  	_ =	strace $0x8FFFFFFF  }
0x98: {  	s19 =	sld [smem:$0x3FDB];
	_ =	sdelay $0x1  }
0x99: {  	s20 =	simm.s32 $_scs_section_size  }
0x9a: {  	s4 =	simm.s32 $_size__tile_overlayer_lowered;
	s5 =	simm.s32 $_tile_overlayer_lowered  }
0x9b: {  	s6 =	simm.s32 $0x1BFF;
	s21 =	sshll.u32 s5, $0x1;
	s3 =	sadd.s32 s20, s19  }
0x9c: {  	s22 =	simm.s32 $0x0;
	s4 =	sshll.u32 s4, $0x1;
	s5 =	sadd.s32 s21, s3  }
0x9d: {  	[timem:s22], [sflag:s6] =	dma.local [hbm:s5], s4  }
0x9e: {  	_ =	swait.ge [sflag:s6], s4  }
0x9f: {  	s4 =	ssub.s32 $0x0, s4;
	[sflag:s6] =	ssyncset.done $0x0  }
0xa0: {  	[sflag:s6] =	ssyncadd.s32 s4;
	_ =	sdelay $0x1  }
0xa1: {  	s23 =	simm.s32 $0x1B8B  }
0xa2: {  	_ =	swait.ge [sflag:s23], $0x1  }
0xa3: {  	[sflag:s23] =	ssyncset.done $0x0  }
0xa4: {  	[sflag:s23] =	ssyncadd.s32 $0xFFFFFFFF  }
0xa5: {  	s4 =	sld [smem:$0x0]  }
0xa6: {  	s5 =	sand.u32 $0xFFFFFFFE, s1  }
0xa7: {  	p0 =	sne.s32 s1, s5  }
0xa8: {  	s5 =	sshll.u32 @p0 s5, $0xE  }
0xa9: {  	s5 =	sadd.s32 @p0 $0x11B8D, s5;
	s6 =	sshll.u32 @p0 s4, $0x11  }
0xaa: {  	s5 =	sor.u32 @p0 s6, s5  }
0xab: {  	[sflag:s5] =	ssyncadd.remote.s32 @p0 $0x1;
	_ =	sdelay $0x1  }
0xac: {  	s5 =	simm.s32 @p0 $0x1B8D  }
0xad: {  	_ =	swait.eq @p0 [sflag:s5], $0x1  }
0xae: {  	[sflag:s5] =	ssyncadd.s32 @p0 $0xFFFFFFFF  }
0xaf: {  	s6 =	sshll.u32 @!p0 s1, $0xE  }
0xb0: {  	s6 =	sor.u32 @!p0 $0x4000, s6;
	s5 =	simm.s32 @!p0 $0x1B8D  }
0xb1: {  	s4 =	sshll.u32 @!p0 s4, $0x11;
	s6 =	sadd.s32 @!p0 $0x11B8D, s6;
	_ =	swait.eq @!p0 [sflag:s5], $0x1  }
0xb2: {  	s4 =	sor.u32 @!p0 s4, s6;
	[sflag:s5] =	ssyncadd.s32 @!p0 $0xFFFFFFFF  }
0xb3: {  	s25 =	simm.s32 $0x1B8E;
	s24 =	sld [smem:$0x3FFE];
	[sflag:s4] =	ssyncadd.remote.s32 @!p0 $0x1  }
0xb4: {  	s26 =	simm.s32 $execute0_lowered;
	[smem:$0x3FD2] =	sst s25  }
0xb5: {  	s5 =	sshll.u32 s26, $0x1;
	_ =	strace $0x8000004F;
	[dreg:$0x1] =	wrdreg $0xFFFFFFFF  }
0xb6: {  	s28 =	simm.s32 $_size_execute0_lowered;
	s3 =	sadd.s32 s3, s5;
	[dreg:$0x0] =	wrdreg $0x0  }
0xb7: {  	s5 =	sshll.u32 s28, $0x1;
	[dreg:$0x2] =	wrdreg s3  }
0xb8: {  	[dreg:$0x3] =	wrdreg s5  }
0xb9: {  	[dreg:$0x4] =	wrdreg $0xC0  }
0xba: {  	_ =	task [dreg:s22], $0x5FFFF  }
0xbb: {  	[dreg:$0x1] =	wrdreg $0xFFFFFFFF  }
0xbc: {  	[dreg:$0x0] =	wrdreg $0x60  }
0xbd: {  	[dreg:$0x2] =	wrdreg s24  }
0xbe: {  	[dreg:$0x3] =	wrdreg $0xB  }
0xbf: {  	_ =	task.clear_ibuf [dreg:s22], $0x4FFFF;
	_ =	strace $0x9000004F  }
0xc0: {  	s29 =	simm.s32 $0xB;
	_ =	strace $0x80000051  }
0xc1: {  	_ =	swait.ge [sflag:s29], $0x1  }
0xc2: {  	[sflag:s29] =	ssyncadd.s32 $0xFFFFFFFF  }
0xc3: {  	_ =	strace $0x90000051  }
0xc4: {  	_ =	sfence  }
0xc5: {  	s30 =	sld [smem:$0x0];
	_ =	sdelay $0x2  }
0xc6: {  	s31 =	sshll.u32 s1, $0xD;
	s1 =	sshrl.u32 s1, $0x2  }
0xc7: {  	s4 =	sand.u32 $0x4000, s31;
	s1 =	sadd.s32 s1, s30  }
0xc8: {  	s0 =	sor.u32 s4, s0;
	s1 =	sshll.u32 s1, $0x11  }
0xc9: {  	s0 =	sor.u32 s1, s0  }
0xca: {  	s0 =	sadd.s32 $0x8F2B, s0  }
0xcb: {  	[sflag:s0] =	ssyncadd.remote.s32 $0x1  }
0xcc: {  	_ =	sfence.sel $0xFFFF  }
0xcd: {  	[dreg:$0x0] =	wrdreg $0xFFFFFFFF;
	(pc) =	sbr.abs _section_cstart, $3  }
0xce: {  	[dreg:$0x1] =	wrdreg $0xFFFFFFFF  }
0xcf: {  	_ =	task.clear_ibuf [dreg:s22], $0x2FFFF;
	_ =	strace $0x9FFFFFFF  }
0xd0: {  	(tm) =	ssettm $0x7FFFFFFF  }
0xd1: {  	_ =	shalt  }
tec
execute0_lowered:
.L_overlay_start_1:
0x0: {  	(tag) =	ssettag $0x1  }
0x1: {  	s0 =	srdreg.scid  }
0x2: {  	s1 =	stileid.u32;
	s0 =	sand.u32 $0x1, s0  }
0x3: {  	s1 =	sshll.u32 s1, $0xC;
	s2 =	sshll.u32 s0, $0xB  }
0x4: {  	s1 =	sor.u32 s2, s1  }
0x5: {  	s3 =	rddreg [dreg:$0x0];
	s4 =	sshrl.u32 s1, $0x3  }
0x6: {  	s2 =	simm.s32 $0x0;
	s1 =	sshll.u32 s1, $0x5;
	s4 =	sadd.s32 s4, s3  }
0x7: {  	[smem:$0x7FF] =	sst s2;
	s1 =	sadd.s32 s1, s3;
	s4 =	sadd.s32 $0x81600, s4  }
0x8: {  	_ =	strace $0x80000050;
	s15 =	sadd.s32 $0x393600, s1;
	[dreg:$0x2] =	wrdreg s4  }
0x9: {  	s16 =	sadd.s32 $0x394600, s1;
	[dreg:$0x3] =	wrdreg s15  }
0xa: {  	s17 =	sadd.s32 $0x395600, s1;
	[dreg:$0x4] =	wrdreg s16  }
0xb: {  	s18 =	sadd.s32 $0x396600, s1;
	[dreg:$0x5] =	wrdreg s17  }
0xc: {  	s19 =	sadd.s32 $0x397600, s1;
	[dreg:$0x6] =	wrdreg s18  }
0xd: {  	s20 =	sadd.s32 $0x398600, s1;
	[dreg:$0x7] =	wrdreg s19  }
0xe: {  	s21 =	sadd.s32 $0x399600, s1;
	[dreg:$0x8] =	wrdreg s20  }
0xf: {  	s22 =	sadd.s32 $0x39A600, s1;
	[dreg:$0x9] =	wrdreg s21  }
0x10: {  	s23 =	sadd.s32 $0x39B600, s1;
	[dreg:$0xa] =	wrdreg s22  }
0x11: {  	s24 =	sadd.s32 $0x39C600, s1;
	[dreg:$0xb] =	wrdreg s23  }
0x12: {  	s29 =	simm.s32 $0x3;
	s25 =	sadd.s32 $0x39D600, s1;
	[dreg:$0xc] =	wrdreg s24  }
0x13: {  	s0 =	ssub.s32 $0x2, s0;
	s26 =	sadd.s32 $0x39E600, s1;
	[dreg:$0xd] =	wrdreg s25  }
0x14: {  	s5 =	sshrl.u32 s0, $0x1;
	s28 =	sadd.s32 $0x39F600, s1;
	[dreg:$0xe] =	wrdreg s26  }
0x15: {  	s0 =	ssub.s32 s0, s5;
	s30 =	sadd.s32 $0x3A0600, s1;
	[dreg:$0xf] =	wrdreg s28  }
0x16: {  	v2 =	vlaneseq.u32;
	s3 =	sadd.s32 $0x93600, s3;
	s31 =	sadd.s32 $0x3A1600, s1;
	[dreg:$0x10] =	wrdreg s30  }
0x17: {  	vm0 =	vmmov $0xffff;
	v1 =	vshrl.u32 v2, $0x3;
	s0 =	smax.u32 s0, $0x1;
	s1 =	sadd.s32 $0x3A2600, s1;
	[dreg:$0x11] =	wrdreg s31  }
0x18: {  	v0 =	vand.u32 $0x7, v2;
	v2 =	vor.u32 $0x8, v2;
	v1 =	vmul.u32 $0x8, v1;
	[dreg:$0x12] =	wrdreg s1;
	s22 =	simm.s32 $0x1;
	s26 =	simm.s32 $0x2  }
.LBB2_1:
0x19: {  	[dreg:$0x13] =	wrdreg s0  }
0x1a: {  	s31 =	rddreg [dreg:$0x2];
	s15 =	simm.s32 $0x5  }
0x1b: {  	[tilespmem:s2], [sflag:$0x5] =	stream.linear.gather [hbm4b:s31+s2], $0x800, $0x38;
	[tilespmem:$0x18800] =	vst v63  }
0x1c: {  	_ =	swait.ge [sflag:s15], $0x800  }
0x1d: {  	[sflag:s15] =	ssyncset.done $0x0  }
0x1e: {  	[sflag:s15] =	ssyncadd.s32 $0xFFFFF800  }
0x1f: {  	v3 =	vld [tilespmem:$0x0];
	_ =	sdelay $0x4  }
0x20: {  	v4 =	vshll.u32 v3, $0x1  }
0x21: {  	v3 =	vand.u32 $0x7, v3;
	v4 =	vand.u32 $0xFFFFFFF0, v4  }
0x22: {  	v3 =	vor.u32 v3, v4  }
0x23: {  	v4 =	vperm.xlane v3, v0;
	_ =	sdelay $0x1  }
0x24: {  	v3 =	vperm.xlane v3, v2;
	v4 =	vadd.s32 v1, v4;
	_ =	sdelay $0x1  }
0x25: {  	v3 =	vadd.s32 v1, v3;
	_ =	sdelay $0x1  }
0x26: {  	s16 =	simm.s32 $0x800  }
0x27: {  	[tilespmem:s16], [sflag:$0x1] =	stream.indirect_vreg.gather [hbm4b:s3+s2], $0x80, v4, vm0, $0xb8;
	[tilespmem:$0x18800] =	vst v63  }
0x28: {  	s17 =	simm.s32 $0x1000  }
0x29: {  	[tilespmem:s17], [sflag:$0x1] =	stream.indirect_vreg.gather [hbm4b:s3+s2], $0x80, v3, vm0, $0xb8;
	[tilespmem:$0x18800] =	vst v63  }
0x2a: {  	v3 =	vld [tilespmem:$0x10];
	_ =	sdelay $0x4  }
0x2b: {  	v49 =	vshll.u32 v3, $0x1  }
0x2c: {  	v3 =	vand.u32 $0x7, v3;
	v4 =	vand.u32 $0xFFFFFFF0, v49  }
0x2d: {  	v3 =	vor.u32 v3, v4  }
0x2e: {  	v4 =	vperm.xlane v3, v0;
	_ =	sdelay $0x1  }
0x2f: {  	v3 =	vperm.xlane v3, v2;
	v4 =	vadd.s32 v1, v4;
	_ =	sdelay $0x1  }
0x30: {  	v3 =	vadd.s32 v1, v3;
	_ =	sdelay $0x1  }
0x31: {  	s18 =	simm.s32 $0x1800  }
0x32: {  	[tilespmem:s18], [sflag:$0x1] =	stream.indirect_vreg.gather [hbm4b:s3+s2], $0x80, v4, vm0, $0xb8;
	[tilespmem:$0x18800] =	vst v63  }
0x33: {  	s19 =	simm.s32 $0x2000  }
0x34: {  	[tilespmem:s19], [sflag:$0x1] =	stream.indirect_vreg.gather [hbm4b:s3+s2], $0x80, v3, vm0, $0xb8;
	[tilespmem:$0x18800] =	vst v63  }
0x35: {  	v3 =	vld [tilespmem:$0x20];
	_ =	sdelay $0x4  }
0x36: {  	v50 =	vshll.u32 v3, $0x1  }
0x37: {  	v3 =	vand.u32 $0x7, v3;
	v4 =	vand.u32 $0xFFFFFFF0, v50  }
0x38: {  	v3 =	vor.u32 v3, v4  }
0x39: {  	v4 =	vperm.xlane v3, v0;
	_ =	sdelay $0x1  }
0x3a: {  	v3 =	vperm.xlane v3, v2;
	v4 =	vadd.s32 v1, v4;
	_ =	sdelay $0x1  }
0x3b: {  	v3 =	vadd.s32 v1, v3;
	_ =	sdelay $0x1  }
0x3c: {  	s20 =	simm.s32 $0x2800  }
0x3d: {  	[tilespmem:s20], [sflag:$0x1] =	stream.indirect_vreg.gather [hbm4b:s3+s2], $0x80, v4, vm0, $0xb8;
	[tilespmem:$0x18800] =	vst v63  }
0x3e: {  	s21 =	simm.s32 $0x3000  }
0x3f: {  	[tilespmem:s21], [sflag:$0x1] =	stream.indirect_vreg.gather [hbm4b:s3+s2], $0x80, v3, vm0, $0xb8;
	[tilespmem:$0x18800] =	vst v63  }
0x40: {  	v3 =	vld [tilespmem:$0x30];
	_ =	sdelay $0x4  }
0x41: {  	v51 =	vshll.u32 v3, $0x1  }
0x42: {  	v3 =	vand.u32 $0x7, v3;
	v4 =	vand.u32 $0xFFFFFFF0, v51  }
0x43: {  	v3 =	vor.u32 v3, v4  }
0x44: {  	v4 =	vperm.xlane v3, v0;
	_ =	sdelay $0x1  }
0x45: {  	v3 =	vperm.xlane v3, v2;
	v4 =	vadd.s32 v1, v4;
	_ =	sdelay $0x1  }
0x46: {  	v3 =	vadd.s32 v1, v3;
	_ =	sdelay $0x1  }
0x47: {  	s23 =	simm.s32 $0x3800  }
0x48: {  	[tilespmem:s23], [sflag:$0x1] =	stream.indirect_vreg.gather [hbm4b:s3+s2], $0x80, v4, vm0, $0xb8;
	[tilespmem:$0x18800] =	vst v63  }
0x49: {  	s24 =	simm.s32 $0x4000  }
0x4a: {  	[tilespmem:s24], [sflag:$0x1] =	stream.indirect_vreg.gather [hbm4b:s3+s2], $0x80, v3, vm0, $0xb8;
	[tilespmem:$0x18800] =	vst v63  }
0x4b: {  	v3 =	vld [tilespmem:$0x40];
	_ =	sdelay $0x4  }
0x4c: {  	v52 =	vshll.u32 v3, $0x1  }
0x4d: {  	v3 =	vand.u32 $0x7, v3;
	v4 =	vand.u32 $0xFFFFFFF0, v52  }
0x4e: {  	v3 =	vor.u32 v3, v4  }
0x4f: {  	v4 =	vperm.xlane v3, v0;
	_ =	sdelay $0x1  }
0x50: {  	v3 =	vperm.xlane v3, v2;
	v4 =	vadd.s32 v1, v4;
	_ =	sdelay $0x1  }
0x51: {  	v3 =	vadd.s32 v1, v3;
	_ =	sdelay $0x1  }
0x52: {  	s25 =	simm.s32 $0x4800  }
0x53: {  	[tilespmem:s25], [sflag:$0x1] =	stream.indirect_vreg.gather [hbm4b:s3+s2], $0x80, v4, vm0, $0xb8;
	[tilespmem:$0x18800] =	vst v63  }
0x54: {  	s28 =	simm.s32 $0x5000  }
0x55: {  	[tilespmem:s28], [sflag:$0x1] =	stream.indirect_vreg.gather [hbm4b:s3+s2], $0x80, v3, vm0, $0xb8;
	[tilespmem:$0x18800] =	vst v63  }
0x56: {  	v3 =	vld [tilespmem:$0x50];
	_ =	sdelay $0x4  }
0x57: {  	v53 =	vshll.u32 v3, $0x1  }
0x58: {  	v3 =	vand.u32 $0x7, v3;
	v4 =	vand.u32 $0xFFFFFFF0, v53  }
0x59: {  	v3 =	vor.u32 v3, v4  }
0x5a: {  	v4 =	vperm.xlane v3, v0;
	_ =	sdelay $0x1  }
0x5b: {  	v3 =	vperm.xlane v3, v2;
	v4 =	vadd.s32 v1, v4;
	_ =	sdelay $0x1  }
0x5c: {  	v3 =	vadd.s32 v1, v3;
	_ =	sdelay $0x1  }
0x5d: {  	s30 =	simm.s32 $0x5800  }
0x5e: {  	[tilespmem:s30], [sflag:$0x1] =	stream.indirect_vreg.gather [hbm4b:s3+s2], $0x80, v4, vm0, $0xb8;
	[tilespmem:$0x18800] =	vst v63  }
0x5f: {  	s31 =	simm.s32 $0x6000  }
0x60: {  	[tilespmem:s31], [sflag:$0x1] =	stream.indirect_vreg.gather [hbm4b:s3+s2], $0x80, v3, vm0, $0xb8;
	[tilespmem:$0x18800] =	vst v63  }
0x61: {  	v3 =	vld [tilespmem:$0x60];
	_ =	sdelay $0x4  }
0x62: {  	v54 =	vshll.u32 v3, $0x1  }
0x63: {  	v3 =	vand.u32 $0x7, v3;
	v4 =	vand.u32 $0xFFFFFFF0, v54  }
0x64: {  	v3 =	vor.u32 v3, v4  }
0x65: {  	v4 =	vperm.xlane v3, v0;
	_ =	sdelay $0x1  }
0x66: {  	v3 =	vperm.xlane v3, v2;
	v4 =	vadd.s32 v1, v4;
	_ =	sdelay $0x1  }
0x67: {  	v3 =	vadd.s32 v1, v3;
	_ =	sdelay $0x1  }
0x68: {  	s4 =	simm.s32 $0x6800  }
0x69: {  	[tilespmem:s4], [sflag:$0x1] =	stream.indirect_vreg.gather [hbm4b:s3+s2], $0x80, v4, vm0, $0xb8;
	[tilespmem:$0x18800] =	vst v63  }
0x6a: {  	s7 =	simm.s32 $0x7000  }
0x6b: {  	[tilespmem:s7], [sflag:$0x1] =	stream.indirect_vreg.gather [hbm4b:s3+s2], $0x80, v3, vm0, $0xb8;
	[tilespmem:$0x18800] =	vst v63  }
0x6c: {  	v3 =	vld [tilespmem:$0x70];
	_ =	sdelay $0x4  }
0x6d: {  	v55 =	vshll.u32 v3, $0x1  }
0x6e: {  	v3 =	vand.u32 $0x7, v3;
	v4 =	vand.u32 $0xFFFFFFF0, v55  }
0x6f: {  	v3 =	vor.u32 v3, v4  }
0x70: {  	v4 =	vperm.xlane v3, v0;
	_ =	sdelay $0x1  }
0x71: {  	v3 =	vperm.xlane v3, v2;
	v4 =	vadd.s32 v1, v4;
	_ =	sdelay $0x1  }
0x72: {  	v3 =	vadd.s32 v1, v3;
	_ =	sdelay $0x1  }
0x73: {  	s8 =	simm.s32 $0x7800  }
0x74: {  	[tilespmem:s8], [sflag:$0x1] =	stream.indirect_vreg.gather [hbm4b:s3+s2], $0x80, v4, vm0, $0xb8;
	[tilespmem:$0x18800] =	vst v63  }
0x75: {  	s9 =	simm.s32 $0x8000  }
0x76: {  	[tilespmem:s9], [sflag:$0x1] =	stream.indirect_vreg.gather [hbm4b:s3+s2], $0x80, v3, vm0, $0xb8;
	[tilespmem:$0x18800] =	vst v63  }
0x77: {  	_ =	swait.ge [sflag:s22], $0x8000  }
0x78: {  	[sflag:s22] =	ssyncset.done $0x0  }
0x79: {  	s6 =	simm.s32 $0x800;
	s10 =	rddreg [dreg:$0x3];
	[sflag:s22] =	ssyncadd.s32 $0xFFFF8000  }
0x7a: {  	[hbm4b:s10+s2] =	stream.linear.scatter [tilespmem:s6], [sflag:$0x2], $0x8000, $0x38;
	[tilespmem:$0x18800] =	vst v63  }
0x7b: {  	v3 =	vld [tilespmem:$0x80];
	_ =	sdelay $0x4  }
0x7c: {  	v56 =	vshll.u32 v3, $0x1  }
0x7d: {  	v3 =	vand.u32 $0x7, v3;
	v4 =	vand.u32 $0xFFFFFFF0, v56  }
0x7e: {  	v3 =	vor.u32 v3, v4  }
0x7f: {  	v4 =	vperm.xlane v3, v0;
	_ =	sdelay $0x1  }
0x80: {  	v3 =	vperm.xlane v3, v2;
	v4 =	vadd.s32 v1, v4;
	_ =	sdelay $0x1  }
0x81: {  	v3 =	vadd.s32 v1, v3;
	_ =	sdelay $0x1  }
0x82: {  	s11 =	simm.s32 $0x8800  }
0x83: {  	[tilespmem:s11], [sflag:$0x1] =	stream.indirect_vreg.gather [hbm4b:s3+s2], $0x80, v4, vm0, $0xb8;
	[tilespmem:$0x18800] =	vst v63  }
0x84: {  	s12 =	simm.s32 $0x9000  }
0x85: {  	[tilespmem:s12], [sflag:$0x1] =	stream.indirect_vreg.gather [hbm4b:s3+s2], $0x80, v3, vm0, $0xb8;
	[tilespmem:$0x18800] =	vst v63  }
0x86: {  	v3 =	vld [tilespmem:$0x90];
	_ =	sdelay $0x4  }
0x87: {  	v57 =	vshll.u32 v3, $0x1  }
0x88: {  	v3 =	vand.u32 $0x7, v3;
	v4 =	vand.u32 $0xFFFFFFF0, v57  }
0x89: {  	v3 =	vor.u32 v3, v4  }
0x8a: {  	v4 =	vperm.xlane v3, v0;
	_ =	sdelay $0x1  }
0x8b: {  	v3 =	vperm.xlane v3, v2;
	v4 =	vadd.s32 v1, v4;
	_ =	sdelay $0x1  }
0x8c: {  	v3 =	vadd.s32 v1, v3;
	_ =	sdelay $0x1  }
0x8d: {  	s13 =	simm.s32 $0x9800  }
0x8e: {  	[tilespmem:s13], [sflag:$0x1] =	stream.indirect_vreg.gather [hbm4b:s3+s2], $0x80, v4, vm0, $0xb8;
	[tilespmem:$0x18800] =	vst v63  }
0x8f: {  	s14 =	simm.s32 $0xA000  }
0x90: {  	[tilespmem:s14], [sflag:$0x1] =	stream.indirect_vreg.gather [hbm4b:s3+s2], $0x80, v3, vm0, $0xb8;
	[tilespmem:$0x18800] =	vst v63  }
0x91: {  	v3 =	vld [tilespmem:$0xA0];
	_ =	sdelay $0x4  }
0x92: {  	v58 =	vshll.u32 v3, $0x1  }
0x93: {  	v3 =	vand.u32 $0x7, v3;
	v4 =	vand.u32 $0xFFFFFFF0, v58  }
0x94: {  	v3 =	vor.u32 v3, v4  }
0x95: {  	v4 =	vperm.xlane v3, v0;
	_ =	sdelay $0x1  }
0x96: {  	v3 =	vperm.xlane v3, v2;
	v4 =	vadd.s32 v1, v4;
	_ =	sdelay $0x1  }
0x97: {  	v3 =	vadd.s32 v1, v3;
	_ =	sdelay $0x1  }
0x98: {  	s15 =	simm.s32 $0xA800  }
0x99: {  	[tilespmem:s15], [sflag:$0x1] =	stream.indirect_vreg.gather [hbm4b:s3+s2], $0x80, v4, vm0, $0xb8;
	[tilespmem:$0x18800] =	vst v63  }
0x9a: {  	s17 =	simm.s32 $0xB000  }
0x9b: {  	[tilespmem:s17], [sflag:$0x1] =	stream.indirect_vreg.gather [hbm4b:s3+s2], $0x80, v3, vm0, $0xb8;
	[tilespmem:$0x18800] =	vst v63  }
0x9c: {  	v3 =	vld [tilespmem:$0xB0];
	_ =	sdelay $0x4  }
0x9d: {  	v59 =	vshll.u32 v3, $0x1  }
0x9e: {  	v3 =	vand.u32 $0x7, v3;
	v4 =	vand.u32 $0xFFFFFFF0, v59  }
0x9f: {  	v3 =	vor.u32 v3, v4  }
0xa0: {  	v4 =	vperm.xlane v3, v0;
	_ =	sdelay $0x1  }
0xa1: {  	v3 =	vperm.xlane v3, v2;
	v4 =	vadd.s32 v1, v4;
	_ =	sdelay $0x1  }
0xa2: {  	v3 =	vadd.s32 v1, v3;
	_ =	sdelay $0x1  }
0xa3: {  	s23 =	simm.s32 $0xB800  }
0xa4: {  	[tilespmem:s23], [sflag:$0x1] =	stream.indirect_vreg.gather [hbm4b:s3+s2], $0x80, v4, vm0, $0xb8;
	[tilespmem:$0x18800] =	vst v63  }
0xa5: {  	s28 =	simm.s32 $0xC000  }
0xa6: {  	[tilespmem:s28], [sflag:$0x1] =	stream.indirect_vreg.gather [hbm4b:s3+s2], $0x80, v3, vm0, $0xb8;
	[tilespmem:$0x18800] =	vst v63  }
0xa7: {  	v3 =	vld [tilespmem:$0xC0];
	_ =	sdelay $0x4  }
0xa8: {  	v60 =	vshll.u32 v3, $0x1  }
0xa9: {  	v3 =	vand.u32 $0x7, v3;
	v4 =	vand.u32 $0xFFFFFFF0, v60  }
0xaa: {  	v3 =	vor.u32 v3, v4  }
0xab: {  	v4 =	vperm.xlane v3, v0;
	_ =	sdelay $0x1  }
0xac: {  	v3 =	vperm.xlane v3, v2;
	v4 =	vadd.s32 v1, v4;
	_ =	sdelay $0x1  }
0xad: {  	v3 =	vadd.s32 v1, v3;
	_ =	sdelay $0x1  }
0xae: {  	s30 =	simm.s32 $0xC800  }
0xaf: {  	[tilespmem:s30], [sflag:$0x1] =	stream.indirect_vreg.gather [hbm4b:s3+s2], $0x80, v4, vm0, $0xb8;
	[tilespmem:$0x18800] =	vst v63  }
0xb0: {  	s31 =	simm.s32 $0xD000  }
0xb1: {  	[tilespmem:s31], [sflag:$0x1] =	stream.indirect_vreg.gather [hbm4b:s3+s2], $0x80, v3, vm0, $0xb8;
	[tilespmem:$0x18800] =	vst v63  }
0xb2: {  	v3 =	vld [tilespmem:$0xD0];
	_ =	sdelay $0x4  }
0xb3: {  	v61 =	vshll.u32 v3, $0x1  }
0xb4: {  	v3 =	vand.u32 $0x7, v3;
	v4 =	vand.u32 $0xFFFFFFF0, v61  }
0xb5: {  	v3 =	vor.u32 v3, v4  }
0xb6: {  	v4 =	vperm.xlane v3, v0;
	_ =	sdelay $0x1  }
0xb7: {  	v3 =	vperm.xlane v3, v2;
	v4 =	vadd.s32 v1, v4;
	_ =	sdelay $0x1  }
0xb8: {  	v3 =	vadd.s32 v1, v3;
	_ =	sdelay $0x1  }
0xb9: {  	s4 =	simm.s32 $0xD800  }
0xba: {  	[tilespmem:s4], [sflag:$0x1] =	stream.indirect_vreg.gather [hbm4b:s3+s2], $0x80, v4, vm0, $0xb8;
	[tilespmem:$0x18800] =	vst v63  }
0xbb: {  	s7 =	simm.s32 $0xE000  }
0xbc: {  	[tilespmem:s7], [sflag:$0x1] =	stream.indirect_vreg.gather [hbm4b:s3+s2], $0x80, v3, vm0, $0xb8;
	[tilespmem:$0x18800] =	vst v63  }
0xbd: {  	v3 =	vld [tilespmem:$0xE0];
	_ =	sdelay $0x4  }
0xbe: {  	v62 =	vshll.u32 v3, $0x1  }
0xbf: {  	v3 =	vand.u32 $0x7, v3;
	v4 =	vand.u32 $0xFFFFFFF0, v62  }
0xc0: {  	v3 =	vor.u32 v3, v4  }
0xc1: {  	v4 =	vperm.xlane v3, v0;
	_ =	sdelay $0x1  }
0xc2: {  	v3 =	vperm.xlane v3, v2;
	v4 =	vadd.s32 v1, v4;
	_ =	sdelay $0x1  }
0xc3: {  	v3 =	vadd.s32 v1, v3;
	_ =	sdelay $0x1  }
0xc4: {  	s8 =	simm.s32 $0xE800  }
0xc5: {  	[tilespmem:s8], [sflag:$0x1] =	stream.indirect_vreg.gather [hbm4b:s3+s2], $0x80, v4, vm0, $0xb8;
	[tilespmem:$0x18800] =	vst v63  }
0xc6: {  	s10 =	simm.s32 $0xF000  }
0xc7: {  	[tilespmem:s10], [sflag:$0x1] =	stream.indirect_vreg.gather [hbm4b:s3+s2], $0x80, v3, vm0, $0xb8;
	[tilespmem:$0x18800] =	vst v63  }
0xc8: {  	v3 =	vld [tilespmem:$0xF0];
	_ =	sdelay $0x4  }
0xc9: {  	v63 =	vshll.u32 v3, $0x1  }
0xca: {  	v3 =	vand.u32 $0x7, v3;
	v4 =	vand.u32 $0xFFFFFFF0, v63  }
0xcb: {  	v3 =	vor.u32 v3, v4  }
0xcc: {  	v4 =	vperm.xlane v3, v0;
	_ =	sdelay $0x1  }
0xcd: {  	v3 =	vperm.xlane v3, v2;
	v4 =	vadd.s32 v1, v4;
	_ =	sdelay $0x1  }
0xce: {  	v3 =	vadd.s32 v1, v3;
	_ =	sdelay $0x1  }
0xcf: {  	s11 =	simm.s32 $0xF800  }
0xd0: {  	[tilespmem:s11], [sflag:$0x1] =	stream.indirect_vreg.gather [hbm4b:s3+s2], $0x80, v4, vm0, $0xb8;
	[tilespmem:$0x18800] =	vst v63  }
0xd1: {  	s12 =	simm.s32 $0x10000  }
0xd2: {  	[tilespmem:s12], [sflag:$0x1] =	stream.indirect_vreg.gather [hbm4b:s3+s2], $0x80, v3, vm0, $0xb8;
	[tilespmem:$0x18800] =	vst v63  }
0xd3: {  	_ =	swait.ge [sflag:s22], $0x8000  }
0xd4: {  	[sflag:s22] =	ssyncset.done $0x0  }
0xd5: {  	s6 =	simm.s32 $0x8800;
	s13 =	rddreg [dreg:$0x4];
	[sflag:s22] =	ssyncadd.s32 $0xFFFF8000  }
0xd6: {  	[hbm4b:s13+s2] =	stream.linear.scatter [tilespmem:s6], [sflag:$0x3], $0x8000, $0x38;
	[tilespmem:$0x18800] =	vst v63  }
0xd7: {  	v3 =	vld [tilespmem:$0x100];
	_ =	sdelay $0x4  }
0xd8: {  	v8 =	vshll.u32 v3, $0x1  }
0xd9: {  	v3 =	vand.u32 $0x7, v3;
	v4 =	vand.u32 $0xFFFFFFF0, v8  }
0xda: {  	v3 =	vor.u32 v3, v4  }
0xdb: {  	v4 =	vperm.xlane v3, v0;
	_ =	sdelay $0x1  }
0xdc: {  	v3 =	vperm.xlane v3, v2;
	v4 =	vadd.s32 v1, v4;
	_ =	sdelay $0x1  }
0xdd: {  	v3 =	vadd.s32 v1, v3;
	_ =	sdelay $0x1  }
0xde: {  	s14 =	simm.s32 $0x10800  }
0xdf: {  	[tilespmem:s14], [sflag:$0x1] =	stream.indirect_vreg.gather [hbm4b:s3+s2], $0x80, v4, vm0, $0xb8;
	[tilespmem:$0x18800] =	vst v63  }
0xe0: {  	s15 =	simm.s32 $0x11000  }
0xe1: {  	[tilespmem:s15], [sflag:$0x1] =	stream.indirect_vreg.gather [hbm4b:s3+s2], $0x80, v3, vm0, $0xb8;
	[tilespmem:$0x18800] =	vst v63  }
0xe2: {  	v3 =	vld [tilespmem:$0x110];
	_ =	sdelay $0x4  }
0xe3: {  	v9 =	vshll.u32 v3, $0x1  }
0xe4: {  	v3 =	vand.u32 $0x7, v3;
	v4 =	vand.u32 $0xFFFFFFF0, v9  }
0xe5: {  	v3 =	vor.u32 v3, v4  }
0xe6: {  	v4 =	vperm.xlane v3, v0;
	_ =	sdelay $0x1  }
0xe7: {  	v3 =	vperm.xlane v3, v2;
	v4 =	vadd.s32 v1, v4;
	_ =	sdelay $0x1  }
0xe8: {  	v3 =	vadd.s32 v1, v3;
	_ =	sdelay $0x1  }
0xe9: {  	s17 =	simm.s32 $0x11800  }
0xea: {  	[tilespmem:s17], [sflag:$0x1] =	stream.indirect_vreg.gather [hbm4b:s3+s2], $0x80, v4, vm0, $0xb8;
	[tilespmem:$0x18800] =	vst v63  }
0xeb: {  	s23 =	simm.s32 $0x12000  }
0xec: {  	[tilespmem:s23], [sflag:$0x1] =	stream.indirect_vreg.gather [hbm4b:s3+s2], $0x80, v3, vm0, $0xb8;
	[tilespmem:$0x18800] =	vst v63  }
0xed: {  	v3 =	vld [tilespmem:$0x120];
	_ =	sdelay $0x4  }
0xee: {  	v10 =	vshll.u32 v3, $0x1  }
0xef: {  	v3 =	vand.u32 $0x7, v3;
	v4 =	vand.u32 $0xFFFFFFF0, v10  }
0xf0: {  	v3 =	vor.u32 v3, v4  }
0xf1: {  	v4 =	vperm.xlane v3, v0;
	_ =	sdelay $0x1  }
0xf2: {  	v3 =	vperm.xlane v3, v2;
	v4 =	vadd.s32 v1, v4;
	_ =	sdelay $0x1  }
0xf3: {  	v3 =	vadd.s32 v1, v3;
	_ =	sdelay $0x1  }
0xf4: {  	s28 =	simm.s32 $0x12800  }
0xf5: {  	[tilespmem:s28], [sflag:$0x1] =	stream.indirect_vreg.gather [hbm4b:s3+s2], $0x80, v4, vm0, $0xb8;
	[tilespmem:$0x18800] =	vst v63  }
0xf6: {  	s30 =	simm.s32 $0x13000  }
0xf7: {  	[tilespmem:s30], [sflag:$0x1] =	stream.indirect_vreg.gather [hbm4b:s3+s2], $0x80, v3, vm0, $0xb8;
	[tilespmem:$0x18800] =	vst v63  }
0xf8: {  	v3 =	vld [tilespmem:$0x130];
	_ =	sdelay $0x4  }
0xf9: {  	v11 =	vshll.u32 v3, $0x1  }
0xfa: {  	v3 =	vand.u32 $0x7, v3;
	v4 =	vand.u32 $0xFFFFFFF0, v11  }
0xfb: {  	v3 =	vor.u32 v3, v4  }
0xfc: {  	v4 =	vperm.xlane v3, v0;
	_ =	sdelay $0x1  }
0xfd: {  	v3 =	vperm.xlane v3, v2;
	v4 =	vadd.s32 v1, v4;
	_ =	sdelay $0x1  }
0xfe: {  	v3 =	vadd.s32 v1, v3;
	_ =	sdelay $0x1  }
0xff: {  	s31 =	simm.s32 $0x13800  }
0x100: {  	[tilespmem:s31], [sflag:$0x1] =	stream.indirect_vreg.gather [hbm4b:s3+s2], $0x80, v4, vm0, $0xb8;
	[tilespmem:$0x18800] =	vst v63  }
0x101: {  	s7 =	simm.s32 $0x14000  }
0x102: {  	[tilespmem:s7], [sflag:$0x1] =	stream.indirect_vreg.gather [hbm4b:s3+s2], $0x80, v3, vm0, $0xb8;
	[tilespmem:$0x18800] =	vst v63  }
0x103: {  	v3 =	vld [tilespmem:$0x140];
	_ =	sdelay $0x4  }
0x104: {  	v12 =	vshll.u32 v3, $0x1  }
0x105: {  	v3 =	vand.u32 $0x7, v3;
	v4 =	vand.u32 $0xFFFFFFF0, v12  }
0x106: {  	v3 =	vor.u32 v3, v4  }
0x107: {  	v4 =	vperm.xlane v3, v0;
	_ =	sdelay $0x1  }
0x108: {  	v3 =	vperm.xlane v3, v2;
	v4 =	vadd.s32 v1, v4;
	_ =	sdelay $0x1  }
0x109: {  	v3 =	vadd.s32 v1, v3;
	_ =	sdelay $0x1  }
0x10a: {  	s8 =	simm.s32 $0x14800  }
0x10b: {  	[tilespmem:s8], [sflag:$0x1] =	stream.indirect_vreg.gather [hbm4b:s3+s2], $0x80, v4, vm0, $0xb8;
	[tilespmem:$0x18800] =	vst v63  }
0x10c: {  	s14 =	simm.s32 $0x15000  }
0x10d: {  	[tilespmem:s14], [sflag:$0x1] =	stream.indirect_vreg.gather [hbm4b:s3+s2], $0x80, v3, vm0, $0xb8;
	[tilespmem:$0x18800] =	vst v63  }
0x10e: {  	v3 =	vld [tilespmem:$0x150];
	_ =	sdelay $0x4  }
0x10f: {  	v13 =	vshll.u32 v3, $0x1  }
0x110: {  	v3 =	vand.u32 $0x7, v3;
	v4 =	vand.u32 $0xFFFFFFF0, v13  }
0x111: {  	v3 =	vor.u32 v3, v4  }
0x112: {  	v4 =	vperm.xlane v3, v0;
	_ =	sdelay $0x1  }
0x113: {  	v3 =	vperm.xlane v3, v2;
	v4 =	vadd.s32 v1, v4;
	_ =	sdelay $0x1  }
0x114: {  	v3 =	vadd.s32 v1, v3;
	_ =	sdelay $0x1  }
0x115: {  	s15 =	simm.s32 $0x15800  }
0x116: {  	[tilespmem:s15], [sflag:$0x1] =	stream.indirect_vreg.gather [hbm4b:s3+s2], $0x80, v4, vm0, $0xb8;
	[tilespmem:$0x18800] =	vst v63  }
0x117: {  	s17 =	simm.s32 $0x16000  }
0x118: {  	[tilespmem:s17], [sflag:$0x1] =	stream.indirect_vreg.gather [hbm4b:s3+s2], $0x80, v3, vm0, $0xb8;
	[tilespmem:$0x18800] =	vst v63  }
0x119: {  	v3 =	vld [tilespmem:$0x160];
	_ =	sdelay $0x4  }
0x11a: {  	v14 =	vshll.u32 v3, $0x1  }
0x11b: {  	v3 =	vand.u32 $0x7, v3;
	v4 =	vand.u32 $0xFFFFFFF0, v14  }
0x11c: {  	v3 =	vor.u32 v3, v4  }
0x11d: {  	v4 =	vperm.xlane v3, v0;
	_ =	sdelay $0x1  }
0x11e: {  	v3 =	vperm.xlane v3, v2;
	v4 =	vadd.s32 v1, v4;
	_ =	sdelay $0x1  }
0x11f: {  	v3 =	vadd.s32 v1, v3;
	_ =	sdelay $0x1  }
0x120: {  	s23 =	simm.s32 $0x16800  }
0x121: {  	[tilespmem:s23], [sflag:$0x1] =	stream.indirect_vreg.gather [hbm4b:s3+s2], $0x80, v4, vm0, $0xb8;
	[tilespmem:$0x18800] =	vst v63  }
0x122: {  	s28 =	simm.s32 $0x17000  }
0x123: {  	[tilespmem:s28], [sflag:$0x1] =	stream.indirect_vreg.gather [hbm4b:s3+s2], $0x80, v3, vm0, $0xb8;
	[tilespmem:$0x18800] =	vst v63  }
0x124: {  	v3 =	vld [tilespmem:$0x170];
	_ =	sdelay $0x4  }
0x125: {  	v15 =	vshll.u32 v3, $0x1  }
0x126: {  	v3 =	vand.u32 $0x7, v3;
	v4 =	vand.u32 $0xFFFFFFF0, v15  }
0x127: {  	v3 =	vor.u32 v3, v4  }
0x128: {  	v4 =	vperm.xlane v3, v0;
	_ =	sdelay $0x1  }
0x129: {  	v3 =	vperm.xlane v3, v2;
	v4 =	vadd.s32 v1, v4;
	_ =	sdelay $0x1  }
0x12a: {  	v3 =	vadd.s32 v1, v3;
	_ =	sdelay $0x1  }
0x12b: {  	s30 =	simm.s32 $0x17800  }
0x12c: {  	[tilespmem:s30], [sflag:$0x1] =	stream.indirect_vreg.gather [hbm4b:s3+s2], $0x80, v4, vm0, $0xb8;
	[tilespmem:$0x18800] =	vst v63  }
0x12d: {  	s31 =	simm.s32 $0x18000  }
0x12e: {  	[tilespmem:s31], [sflag:$0x1] =	stream.indirect_vreg.gather [hbm4b:s3+s2], $0x80, v3, vm0, $0xb8;
	[tilespmem:$0x18800] =	vst v63  }
0x12f: {  	_ =	swait.ge [sflag:s22], $0x8000  }
0x130: {  	[sflag:s22] =	ssyncset.done $0x0  }
0x131: {  	s6 =	simm.s32 $0x10800;
	s0 =	rddreg [dreg:$0x5];
	[sflag:s22] =	ssyncadd.s32 $0xFFFF8000  }
0x132: {  	[hbm4b:s0+s2] =	stream.linear.scatter [tilespmem:s6], [sflag:$0x4], $0x8000, $0x38;
	[tilespmem:$0x18800] =	vst v63  }
0x133: {  	_ =	swait.ge [sflag:s26], $0x8000  }
0x134: {  	[sflag:s26] =	ssyncset.done $0x0  }
0x135: {  	[sflag:s26] =	ssyncadd.s32 $0xFFFF8000  }
0x136: {  	v3 =	vld [tilespmem:$0x180];
	_ =	sdelay $0x4  }
0x137: {  	v16 =	vshll.u32 v3, $0x1  }
0x138: {  	v3 =	vand.u32 $0x7, v3;
	v4 =	vand.u32 $0xFFFFFFF0, v16  }
0x139: {  	v3 =	vor.u32 v3, v4  }
0x13a: {  	v4 =	vperm.xlane v3, v0;
	_ =	sdelay $0x1  }
0x13b: {  	v3 =	vperm.xlane v3, v2;
	v4 =	vadd.s32 v1, v4;
	_ =	sdelay $0x1  }
0x13c: {  	v3 =	vadd.s32 v1, v3;
	_ =	sdelay $0x1  }
0x13d: {  	s17 =	simm.s32 $0x800  }
0x13e: {  	[tilespmem:s17], [sflag:$0x1] =	stream.indirect_vreg.gather [hbm4b:s3+s2], $0x80, v4, vm0, $0xb8;
	[tilespmem:$0x18800] =	vst v63  }
0x13f: {  	s1 =	simm.s32 $0x1000  }
0x140: {  	[tilespmem:s1], [sflag:$0x1] =	stream.indirect_vreg.gather [hbm4b:s3+s2], $0x80, v3, vm0, $0xb8;
	[tilespmem:$0x18800] =	vst v63  }
0x141: {  	v3 =	vld [tilespmem:$0x190];
	_ =	sdelay $0x4  }
0x142: {  	v17 =	vshll.u32 v3, $0x1  }
0x143: {  	v3 =	vand.u32 $0x7, v3;
	v4 =	vand.u32 $0xFFFFFFF0, v17  }
0x144: {  	v3 =	vor.u32 v3, v4  }
0x145: {  	v4 =	vperm.xlane v3, v0;
	_ =	sdelay $0x1  }
0x146: {  	v3 =	vperm.xlane v3, v2;
	v4 =	vadd.s32 v1, v4;
	_ =	sdelay $0x1  }
0x147: {  	v3 =	vadd.s32 v1, v3;
	_ =	sdelay $0x1  }
0x148: {  	s0 =	simm.s32 $0x1800  }
0x149: {  	[tilespmem:s0], [sflag:$0x1] =	stream.indirect_vreg.gather [hbm4b:s3+s2], $0x80, v4, vm0, $0xb8;
	[tilespmem:$0x18800] =	vst v63  }
0x14a: {  	s5 =	simm.s32 $0x2000  }
0x14b: {  	[tilespmem:s5], [sflag:$0x1] =	stream.indirect_vreg.gather [hbm4b:s3+s2], $0x80, v3, vm0, $0xb8;
	[tilespmem:$0x18800] =	vst v63  }
0x14c: {  	v3 =	vld [tilespmem:$0x1A0];
	_ =	sdelay $0x4  }
0x14d: {  	v18 =	vshll.u32 v3, $0x1  }
0x14e: {  	v3 =	vand.u32 $0x7, v3;
	v4 =	vand.u32 $0xFFFFFFF0, v18  }
0x14f: {  	v3 =	vor.u32 v3, v4  }
0x150: {  	v4 =	vperm.xlane v3, v0;
	_ =	sdelay $0x1  }
0x151: {  	v3 =	vperm.xlane v3, v2;
	v4 =	vadd.s32 v1, v4;
	_ =	sdelay $0x1  }
0x152: {  	v3 =	vadd.s32 v1, v3;
	_ =	sdelay $0x1  }
0x153: {  	s5 =	simm.s32 $0x2800  }
0x154: {  	[tilespmem:s5], [sflag:$0x1] =	stream.indirect_vreg.gather [hbm4b:s3+s2], $0x80, v4, vm0, $0xb8;
	[tilespmem:$0x18800] =	vst v63  }
0x155: {  	s19 =	simm.s32 $0x3000  }
0x156: {  	[tilespmem:s19], [sflag:$0x1] =	stream.indirect_vreg.gather [hbm4b:s3+s2], $0x80, v3, vm0, $0xb8;
	[tilespmem:$0x18800] =	vst v63  }
0x157: {  	v3 =	vld [tilespmem:$0x1B0];
	_ =	sdelay $0x4  }
0x158: {  	v19 =	vshll.u32 v3, $0x1  }
0x159: {  	v3 =	vand.u32 $0x7, v3;
	v4 =	vand.u32 $0xFFFFFFF0, v19  }
0x15a: {  	v3 =	vor.u32 v3, v4  }
0x15b: {  	v4 =	vperm.xlane v3, v0;
	_ =	sdelay $0x1  }
0x15c: {  	v3 =	vperm.xlane v3, v2;
	v4 =	vadd.s32 v1, v4;
	_ =	sdelay $0x1  }
0x15d: {  	v3 =	vadd.s32 v1, v3;
	_ =	sdelay $0x1  }
0x15e: {  	s23 =	simm.s32 $0x3800  }
0x15f: {  	[tilespmem:s23], [sflag:$0x1] =	stream.indirect_vreg.gather [hbm4b:s3+s2], $0x80, v4, vm0, $0xb8;
	[tilespmem:$0x18800] =	vst v63  }
0x160: {  	s20 =	simm.s32 $0x4000  }
0x161: {  	[tilespmem:s20], [sflag:$0x1] =	stream.indirect_vreg.gather [hbm4b:s3+s2], $0x80, v3, vm0, $0xb8;
	[tilespmem:$0x18800] =	vst v63  }
0x162: {  	v3 =	vld [tilespmem:$0x1C0];
	_ =	sdelay $0x4  }
0x163: {  	v20 =	vshll.u32 v3, $0x1  }
0x164: {  	v3 =	vand.u32 $0x7, v3;
	v4 =	vand.u32 $0xFFFFFFF0, v20  }
0x165: {  	v3 =	vor.u32 v3, v4  }
0x166: {  	v4 =	vperm.xlane v3, v0;
	_ =	sdelay $0x1  }
0x167: {  	v3 =	vperm.xlane v3, v2;
	v4 =	vadd.s32 v1, v4;
	_ =	sdelay $0x1  }
0x168: {  	v3 =	vadd.s32 v1, v3;
	_ =	sdelay $0x1  }
0x169: {  	s19 =	simm.s32 $0x4800  }
0x16a: {  	[tilespmem:s19], [sflag:$0x1] =	stream.indirect_vreg.gather [hbm4b:s3+s2], $0x80, v4, vm0, $0xb8;
	[tilespmem:$0x18800] =	vst v63  }
0x16b: {  	s21 =	simm.s32 $0x5000  }
0x16c: {  	[tilespmem:s21], [sflag:$0x1] =	stream.indirect_vreg.gather [hbm4b:s3+s2], $0x80, v3, vm0, $0xb8;
	[tilespmem:$0x18800] =	vst v63  }
0x16d: {  	v3 =	vld [tilespmem:$0x1D0];
	_ =	sdelay $0x4  }
0x16e: {  	v21 =	vshll.u32 v3, $0x1  }
0x16f: {  	v3 =	vand.u32 $0x7, v3;
	v4 =	vand.u32 $0xFFFFFFF0, v21  }
0x170: {  	v3 =	vor.u32 v3, v4  }
0x171: {  	v4 =	vperm.xlane v3, v0;
	_ =	sdelay $0x1  }
0x172: {  	v3 =	vperm.xlane v3, v2;
	v4 =	vadd.s32 v1, v4;
	_ =	sdelay $0x1  }
0x173: {  	v3 =	vadd.s32 v1, v3;
	_ =	sdelay $0x1  }
0x174: {  	s20 =	simm.s32 $0x5800  }
0x175: {  	[tilespmem:s20], [sflag:$0x1] =	stream.indirect_vreg.gather [hbm4b:s3+s2], $0x80, v4, vm0, $0xb8;
	[tilespmem:$0x18800] =	vst v63  }
0x176: {  	s7 =	simm.s32 $0x6000  }
0x177: {  	[tilespmem:s7], [sflag:$0x1] =	stream.indirect_vreg.gather [hbm4b:s3+s2], $0x80, v3, vm0, $0xb8;
	[tilespmem:$0x18800] =	vst v63  }
0x178: {  	v3 =	vld [tilespmem:$0x1E0];
	_ =	sdelay $0x4  }
0x179: {  	v22 =	vshll.u32 v3, $0x1  }
0x17a: {  	v3 =	vand.u32 $0x7, v3;
	v4 =	vand.u32 $0xFFFFFFF0, v22  }
0x17b: {  	v3 =	vor.u32 v3, v4  }
0x17c: {  	v4 =	vperm.xlane v3, v0;
	_ =	sdelay $0x1  }
0x17d: {  	v3 =	vperm.xlane v3, v2;
	v4 =	vadd.s32 v1, v4;
	_ =	sdelay $0x1  }
0x17e: {  	v3 =	vadd.s32 v1, v3;
	_ =	sdelay $0x1  }
0x17f: {  	s21 =	simm.s32 $0x6800  }
0x180: {  	[tilespmem:s21], [sflag:$0x1] =	stream.indirect_vreg.gather [hbm4b:s3+s2], $0x80, v4, vm0, $0xb8;
	[tilespmem:$0x18800] =	vst v63  }
0x181: {  	s8 =	simm.s32 $0x7000  }
0x182: {  	[tilespmem:s8], [sflag:$0x1] =	stream.indirect_vreg.gather [hbm4b:s3+s2], $0x80, v3, vm0, $0xb8;
	[tilespmem:$0x18800] =	vst v63  }
0x183: {  	v3 =	vld [tilespmem:$0x1F0];
	_ =	sdelay $0x4  }
0x184: {  	v23 =	vshll.u32 v3, $0x1  }
0x185: {  	v3 =	vand.u32 $0x7, v3;
	v4 =	vand.u32 $0xFFFFFFF0, v23  }
0x186: {  	v3 =	vor.u32 v3, v4  }
0x187: {  	v4 =	vperm.xlane v3, v0;
	_ =	sdelay $0x1  }
0x188: {  	v3 =	vperm.xlane v3, v2;
	v4 =	vadd.s32 v1, v4;
	_ =	sdelay $0x1  }
0x189: {  	v3 =	vadd.s32 v1, v3;
	_ =	sdelay $0x1  }
0x18a: {  	s6 =	simm.s32 $0x7800  }
0x18b: {  	[tilespmem:s6], [sflag:$0x1] =	stream.indirect_vreg.gather [hbm4b:s3+s2], $0x80, v4, vm0, $0xb8;
	[tilespmem:$0x18800] =	vst v63  }
0x18c: {  	s9 =	simm.s32 $0x8000  }
0x18d: {  	[tilespmem:s9], [sflag:$0x1] =	stream.indirect_vreg.gather [hbm4b:s3+s2], $0x80, v3, vm0, $0xb8;
	[tilespmem:$0x18800] =	vst v63  }
0x18e: {  	_ =	swait.ge [sflag:s22], $0x8000  }
0x18f: {  	[sflag:s22] =	ssyncset.done $0x0  }
0x190: {  	s9 =	rddreg [dreg:$0x6];
	[sflag:s22] =	ssyncadd.s32 $0xFFFF8000  }
0x191: {  	[hbm4b:s9+s2] =	stream.linear.scatter [tilespmem:s17], [sflag:$0x2], $0x8000, $0x38;
	[tilespmem:$0x18800] =	vst v63  }
0x192: {  	_ =	swait.ge [sflag:s29], $0x8000  }
0x193: {  	[sflag:s29] =	ssyncset.done $0x0  }
0x194: {  	[sflag:s29] =	ssyncadd.s32 $0xFFFF8000  }
0x195: {  	v3 =	vld [tilespmem:$0x200];
	_ =	sdelay $0x4  }
0x196: {  	v24 =	vshll.u32 v3, $0x1  }
0x197: {  	v3 =	vand.u32 $0x7, v3;
	v4 =	vand.u32 $0xFFFFFFF0, v24  }
0x198: {  	v3 =	vor.u32 v3, v4  }
0x199: {  	v4 =	vperm.xlane v3, v0;
	_ =	sdelay $0x1  }
0x19a: {  	v3 =	vperm.xlane v3, v2;
	v4 =	vadd.s32 v1, v4;
	_ =	sdelay $0x1  }
0x19b: {  	v3 =	vadd.s32 v1, v3;
	_ =	sdelay $0x1  }
0x19c: {  	s9 =	simm.s32 $0x8800  }
0x19d: {  	[tilespmem:s9], [sflag:$0x1] =	stream.indirect_vreg.gather [hbm4b:s3+s2], $0x80, v4, vm0, $0xb8;
	[tilespmem:$0x18800] =	vst v63  }
0x19e: {  	s18 =	simm.s32 $0x9000  }
0x19f: {  	[tilespmem:s18], [sflag:$0x1] =	stream.indirect_vreg.gather [hbm4b:s3+s2], $0x80, v3, vm0, $0xb8;
	[tilespmem:$0x18800] =	vst v63  }
0x1a0: {  	v3 =	vld [tilespmem:$0x210];
	_ =	sdelay $0x4  }
0x1a1: {  	v25 =	vshll.u32 v3, $0x1  }
0x1a2: {  	v3 =	vand.u32 $0x7, v3;
	v4 =	vand.u32 $0xFFFFFFF0, v25  }
0x1a3: {  	v3 =	vor.u32 v3, v4  }
0x1a4: {  	v4 =	vperm.xlane v3, v0;
	_ =	sdelay $0x1  }
0x1a5: {  	v3 =	vperm.xlane v3, v2;
	v4 =	vadd.s32 v1, v4;
	_ =	sdelay $0x1  }
0x1a6: {  	v3 =	vadd.s32 v1, v3;
	_ =	sdelay $0x1  }
0x1a7: {  	s16 =	simm.s32 $0x9800  }
0x1a8: {  	[tilespmem:s16], [sflag:$0x1] =	stream.indirect_vreg.gather [hbm4b:s3+s2], $0x80, v4, vm0, $0xb8;
	[tilespmem:$0x18800] =	vst v63  }
0x1a9: {  	s24 =	simm.s32 $0xA000  }
0x1aa: {  	[tilespmem:s24], [sflag:$0x1] =	stream.indirect_vreg.gather [hbm4b:s3+s2], $0x80, v3, vm0, $0xb8;
	[tilespmem:$0x18800] =	vst v63  }
0x1ab: {  	v3 =	vld [tilespmem:$0x220];
	_ =	sdelay $0x4  }
0x1ac: {  	v26 =	vshll.u32 v3, $0x1  }
0x1ad: {  	v3 =	vand.u32 $0x7, v3;
	v4 =	vand.u32 $0xFFFFFFF0, v26  }
0x1ae: {  	v3 =	vor.u32 v3, v4  }
0x1af: {  	v4 =	vperm.xlane v3, v0;
	_ =	sdelay $0x1  }
0x1b0: {  	v3 =	vperm.xlane v3, v2;
	v4 =	vadd.s32 v1, v4;
	_ =	sdelay $0x1  }
0x1b1: {  	v3 =	vadd.s32 v1, v3;
	_ =	sdelay $0x1  }
0x1b2: {  	s17 =	simm.s32 $0xA800  }
0x1b3: {  	[tilespmem:s17], [sflag:$0x1] =	stream.indirect_vreg.gather [hbm4b:s3+s2], $0x80, v4, vm0, $0xb8;
	[tilespmem:$0x18800] =	vst v63  }
0x1b4: {  	s25 =	simm.s32 $0xB000  }
0x1b5: {  	[tilespmem:s25], [sflag:$0x1] =	stream.indirect_vreg.gather [hbm4b:s3+s2], $0x80, v3, vm0, $0xb8;
	[tilespmem:$0x18800] =	vst v63  }
0x1b6: {  	v3 =	vld [tilespmem:$0x230];
	_ =	sdelay $0x4  }
0x1b7: {  	v27 =	vshll.u32 v3, $0x1  }
0x1b8: {  	v3 =	vand.u32 $0x7, v3;
	v4 =	vand.u32 $0xFFFFFFF0, v27  }
0x1b9: {  	v3 =	vor.u32 v3, v4  }
0x1ba: {  	v4 =	vperm.xlane v3, v0;
	_ =	sdelay $0x1  }
0x1bb: {  	v3 =	vperm.xlane v3, v2;
	v4 =	vadd.s32 v1, v4;
	_ =	sdelay $0x1  }
0x1bc: {  	v3 =	vadd.s32 v1, v3;
	_ =	sdelay $0x1  }
0x1bd: {  	s18 =	simm.s32 $0xB800  }
0x1be: {  	[tilespmem:s18], [sflag:$0x1] =	stream.indirect_vreg.gather [hbm4b:s3+s2], $0x80, v4, vm0, $0xb8;
	[tilespmem:$0x18800] =	vst v63  }
0x1bf: {  	s28 =	simm.s32 $0xC000  }
0x1c0: {  	[tilespmem:s28], [sflag:$0x1] =	stream.indirect_vreg.gather [hbm4b:s3+s2], $0x80, v3, vm0, $0xb8;
	[tilespmem:$0x18800] =	vst v63  }
0x1c1: {  	v3 =	vld [tilespmem:$0x240];
	_ =	sdelay $0x4  }
0x1c2: {  	v28 =	vshll.u32 v3, $0x1  }
0x1c3: {  	v3 =	vand.u32 $0x7, v3;
	v4 =	vand.u32 $0xFFFFFFF0, v28  }
0x1c4: {  	v3 =	vor.u32 v3, v4  }
0x1c5: {  	v4 =	vperm.xlane v3, v0;
	_ =	sdelay $0x1  }
0x1c6: {  	v3 =	vperm.xlane v3, v2;
	v4 =	vadd.s32 v1, v4;
	_ =	sdelay $0x1  }
0x1c7: {  	v3 =	vadd.s32 v1, v3;
	_ =	sdelay $0x1  }
0x1c8: {  	s24 =	simm.s32 $0xC800  }
0x1c9: {  	[tilespmem:s24], [sflag:$0x1] =	stream.indirect_vreg.gather [hbm4b:s3+s2], $0x80, v4, vm0, $0xb8;
	[tilespmem:$0x18800] =	vst v63  }
0x1ca: {  	s30 =	simm.s32 $0xD000  }
0x1cb: {  	[tilespmem:s30], [sflag:$0x1] =	stream.indirect_vreg.gather [hbm4b:s3+s2], $0x80, v3, vm0, $0xb8;
	[tilespmem:$0x18800] =	vst v63  }
0x1cc: {  	v3 =	vld [tilespmem:$0x250];
	_ =	sdelay $0x4  }
0x1cd: {  	v29 =	vshll.u32 v3, $0x1  }
0x1ce: {  	v3 =	vand.u32 $0x7, v3;
	v4 =	vand.u32 $0xFFFFFFF0, v29  }
0x1cf: {  	v3 =	vor.u32 v3, v4  }
0x1d0: {  	v4 =	vperm.xlane v3, v0;
	_ =	sdelay $0x1  }
0x1d1: {  	v3 =	vperm.xlane v3, v2;
	v4 =	vadd.s32 v1, v4;
	_ =	sdelay $0x1  }
0x1d2: {  	v3 =	vadd.s32 v1, v3;
	_ =	sdelay $0x1  }
0x1d3: {  	s25 =	simm.s32 $0xD800  }
0x1d4: {  	[tilespmem:s25], [sflag:$0x1] =	stream.indirect_vreg.gather [hbm4b:s3+s2], $0x80, v4, vm0, $0xb8;
	[tilespmem:$0x18800] =	vst v63  }
0x1d5: {  	s16 =	simm.s32 $0xE000  }
0x1d6: {  	[tilespmem:s16], [sflag:$0x1] =	stream.indirect_vreg.gather [hbm4b:s3+s2], $0x80, v3, vm0, $0xb8;
	[tilespmem:$0x18800] =	vst v63  }
0x1d7: {  	v3 =	vld [tilespmem:$0x260];
	_ =	sdelay $0x4  }
0x1d8: {  	v30 =	vshll.u32 v3, $0x1  }
0x1d9: {  	v3 =	vand.u32 $0x7, v3;
	v4 =	vand.u32 $0xFFFFFFF0, v30  }
0x1da: {  	v3 =	vor.u32 v3, v4  }
0x1db: {  	v4 =	vperm.xlane v3, v0;
	_ =	sdelay $0x1  }
0x1dc: {  	v3 =	vperm.xlane v3, v2;
	v4 =	vadd.s32 v1, v4;
	_ =	sdelay $0x1  }
0x1dd: {  	v3 =	vadd.s32 v1, v3;
	_ =	sdelay $0x1  }
0x1de: {  	s4 =	simm.s32 $0xE800  }
0x1df: {  	[tilespmem:s4], [sflag:$0x1] =	stream.indirect_vreg.gather [hbm4b:s3+s2], $0x80, v4, vm0, $0xb8;
	[tilespmem:$0x18800] =	vst v63  }
0x1e0: {  	s31 =	simm.s32 $0xF000  }
0x1e1: {  	[tilespmem:s31], [sflag:$0x1] =	stream.indirect_vreg.gather [hbm4b:s3+s2], $0x80, v3, vm0, $0xb8;
	[tilespmem:$0x18800] =	vst v63  }
0x1e2: {  	v3 =	vld [tilespmem:$0x270];
	_ =	sdelay $0x4  }
0x1e3: {  	v31 =	vshll.u32 v3, $0x1  }
0x1e4: {  	v3 =	vand.u32 $0x7, v3;
	v4 =	vand.u32 $0xFFFFFFF0, v31  }
0x1e5: {  	v3 =	vor.u32 v3, v4  }
0x1e6: {  	v4 =	vperm.xlane v3, v0;
	_ =	sdelay $0x1  }
0x1e7: {  	v3 =	vperm.xlane v3, v2;
	v4 =	vadd.s32 v1, v4;
	_ =	sdelay $0x1  }
0x1e8: {  	v3 =	vadd.s32 v1, v3;
	_ =	sdelay $0x1  }
0x1e9: {  	s6 =	simm.s32 $0xF800  }
0x1ea: {  	[tilespmem:s6], [sflag:$0x1] =	stream.indirect_vreg.gather [hbm4b:s3+s2], $0x80, v4, vm0, $0xb8;
	[tilespmem:$0x18800] =	vst v63  }
0x1eb: {  	s4 =	simm.s32 $0x10000  }
0x1ec: {  	[tilespmem:s4], [sflag:$0x1] =	stream.indirect_vreg.gather [hbm4b:s3+s2], $0x80, v3, vm0, $0xb8;
	[tilespmem:$0x18800] =	vst v63  }
0x1ed: {  	_ =	swait.ge [sflag:s22], $0x8000  }
0x1ee: {  	[sflag:s22] =	ssyncset.done $0x0  }
0x1ef: {  	s1 =	simm.s32 $0x4;
	s5 =	rddreg [dreg:$0x7];
	[sflag:s22] =	ssyncadd.s32 $0xFFFF8000  }
0x1f0: {  	[hbm4b:s5+s2] =	stream.linear.scatter [tilespmem:s9], [sflag:$0x3], $0x8000, $0x38;
	[tilespmem:$0x18800] =	vst v63  }
0x1f1: {  	_ =	swait.ge [sflag:s1], $0x8000  }
0x1f2: {  	[sflag:s1] =	ssyncset.done $0x0  }
0x1f3: {  	[sflag:s1] =	ssyncadd.s32 $0xFFFF8000  }
0x1f4: {  	v3 =	vld [tilespmem:$0x280];
	_ =	sdelay $0x4  }
0x1f5: {  	v32 =	vshll.u32 v3, $0x1  }
0x1f6: {  	v3 =	vand.u32 $0x7, v3;
	v4 =	vand.u32 $0xFFFFFFF0, v32  }
0x1f7: {  	v3 =	vor.u32 v3, v4  }
0x1f8: {  	v4 =	vperm.xlane v3, v0;
	_ =	sdelay $0x1  }
0x1f9: {  	v3 =	vperm.xlane v3, v2;
	v4 =	vadd.s32 v1, v4;
	_ =	sdelay $0x1  }
0x1fa: {  	v3 =	vadd.s32 v1, v3;
	_ =	sdelay $0x1  }
0x1fb: {  	s4 =	simm.s32 $0x10800  }
0x1fc: {  	[tilespmem:s4], [sflag:$0x1] =	stream.indirect_vreg.gather [hbm4b:s3+s2], $0x80, v4, vm0, $0xb8;
	[tilespmem:$0x18800] =	vst v63  }
0x1fd: {  	s10 =	simm.s32 $0x11000  }
0x1fe: {  	[tilespmem:s10], [sflag:$0x1] =	stream.indirect_vreg.gather [hbm4b:s3+s2], $0x80, v3, vm0, $0xb8;
	[tilespmem:$0x18800] =	vst v63  }
0x1ff: {  	v3 =	vld [tilespmem:$0x290];
	_ =	sdelay $0x4  }
0x200: {  	v33 =	vshll.u32 v3, $0x1  }
0x201: {  	v3 =	vand.u32 $0x7, v3;
	v4 =	vand.u32 $0xFFFFFFF0, v33  }
0x202: {  	v3 =	vor.u32 v3, v4  }
0x203: {  	v4 =	vperm.xlane v3, v0;
	_ =	sdelay $0x1  }
0x204: {  	v3 =	vperm.xlane v3, v2;
	v4 =	vadd.s32 v1, v4;
	_ =	sdelay $0x1  }
0x205: {  	v3 =	vadd.s32 v1, v3;
	_ =	sdelay $0x1  }
0x206: {  	s16 =	simm.s32 $0x11800  }
0x207: {  	[tilespmem:s16], [sflag:$0x1] =	stream.indirect_vreg.gather [hbm4b:s3+s2], $0x80, v4, vm0, $0xb8;
	[tilespmem:$0x18800] =	vst v63  }
0x208: {  	s11 =	simm.s32 $0x12000  }
0x209: {  	[tilespmem:s11], [sflag:$0x1] =	stream.indirect_vreg.gather [hbm4b:s3+s2], $0x80, v3, vm0, $0xb8;
	[tilespmem:$0x18800] =	vst v63  }
0x20a: {  	v3 =	vld [tilespmem:$0x2A0];
	_ =	sdelay $0x4  }
0x20b: {  	v34 =	vshll.u32 v3, $0x1  }
0x20c: {  	v3 =	vand.u32 $0x7, v3;
	v4 =	vand.u32 $0xFFFFFFF0, v34  }
0x20d: {  	v3 =	vor.u32 v3, v4  }
0x20e: {  	v4 =	vperm.xlane v3, v0;
	_ =	sdelay $0x1  }
0x20f: {  	v3 =	vperm.xlane v3, v2;
	v4 =	vadd.s32 v1, v4;
	_ =	sdelay $0x1  }
0x210: {  	v3 =	vadd.s32 v1, v3;
	_ =	sdelay $0x1  }
0x211: {  	s10 =	simm.s32 $0x12800  }
0x212: {  	[tilespmem:s10], [sflag:$0x1] =	stream.indirect_vreg.gather [hbm4b:s3+s2], $0x80, v4, vm0, $0xb8;
	[tilespmem:$0x18800] =	vst v63  }
0x213: {  	s12 =	simm.s32 $0x13000  }
0x214: {  	[tilespmem:s12], [sflag:$0x1] =	stream.indirect_vreg.gather [hbm4b:s3+s2], $0x80, v3, vm0, $0xb8;
	[tilespmem:$0x18800] =	vst v63  }
0x215: {  	v3 =	vld [tilespmem:$0x2B0];
	_ =	sdelay $0x4  }
0x216: {  	v35 =	vshll.u32 v3, $0x1  }
0x217: {  	v3 =	vand.u32 $0x7, v3;
	v4 =	vand.u32 $0xFFFFFFF0, v35  }
0x218: {  	v3 =	vor.u32 v3, v4  }
0x219: {  	v4 =	vperm.xlane v3, v0;
	_ =	sdelay $0x1  }
0x21a: {  	v3 =	vperm.xlane v3, v2;
	v4 =	vadd.s32 v1, v4;
	_ =	sdelay $0x1  }
0x21b: {  	v3 =	vadd.s32 v1, v3;
	_ =	sdelay $0x1  }
0x21c: {  	s11 =	simm.s32 $0x13800  }
0x21d: {  	[tilespmem:s11], [sflag:$0x1] =	stream.indirect_vreg.gather [hbm4b:s3+s2], $0x80, v4, vm0, $0xb8;
	[tilespmem:$0x18800] =	vst v63  }
0x21e: {  	s13 =	simm.s32 $0x14000  }
0x21f: {  	[tilespmem:s13], [sflag:$0x1] =	stream.indirect_vreg.gather [hbm4b:s3+s2], $0x80, v3, vm0, $0xb8;
	[tilespmem:$0x18800] =	vst v63  }
0x220: {  	v3 =	vld [tilespmem:$0x2C0];
	_ =	sdelay $0x4  }
0x221: {  	v36 =	vshll.u32 v3, $0x1  }
0x222: {  	v3 =	vand.u32 $0x7, v3;
	v4 =	vand.u32 $0xFFFFFFF0, v36  }
0x223: {  	v3 =	vor.u32 v3, v4  }
0x224: {  	v4 =	vperm.xlane v3, v0;
	_ =	sdelay $0x1  }
0x225: {  	v3 =	vperm.xlane v3, v2;
	v4 =	vadd.s32 v1, v4;
	_ =	sdelay $0x1  }
0x226: {  	v3 =	vadd.s32 v1, v3;
	_ =	sdelay $0x1  }
0x227: {  	s12 =	simm.s32 $0x14800  }
0x228: {  	[tilespmem:s12], [sflag:$0x1] =	stream.indirect_vreg.gather [hbm4b:s3+s2], $0x80, v4, vm0, $0xb8;
	[tilespmem:$0x18800] =	vst v63  }
0x229: {  	s14 =	simm.s32 $0x15000  }
0x22a: {  	[tilespmem:s14], [sflag:$0x1] =	stream.indirect_vreg.gather [hbm4b:s3+s2], $0x80, v3, vm0, $0xb8;
	[tilespmem:$0x18800] =	vst v63  }
0x22b: {  	v3 =	vld [tilespmem:$0x2D0];
	_ =	sdelay $0x4  }
0x22c: {  	v37 =	vshll.u32 v3, $0x1  }
0x22d: {  	v3 =	vand.u32 $0x7, v3;
	v4 =	vand.u32 $0xFFFFFFF0, v37  }
0x22e: {  	v3 =	vor.u32 v3, v4  }
0x22f: {  	v4 =	vperm.xlane v3, v0;
	_ =	sdelay $0x1  }
0x230: {  	v3 =	vperm.xlane v3, v2;
	v4 =	vadd.s32 v1, v4;
	_ =	sdelay $0x1  }
0x231: {  	v3 =	vadd.s32 v1, v3;
	_ =	sdelay $0x1  }
0x232: {  	s13 =	simm.s32 $0x15800  }
0x233: {  	[tilespmem:s13], [sflag:$0x1] =	stream.indirect_vreg.gather [hbm4b:s3+s2], $0x80, v4, vm0, $0xb8;
	[tilespmem:$0x18800] =	vst v63  }
0x234: {  	s15 =	simm.s32 $0x16000  }
0x235: {  	[tilespmem:s15], [sflag:$0x1] =	stream.indirect_vreg.gather [hbm4b:s3+s2], $0x80, v3, vm0, $0xb8;
	[tilespmem:$0x18800] =	vst v63  }
0x236: {  	v3 =	vld [tilespmem:$0x2E0];
	_ =	sdelay $0x4  }
0x237: {  	v38 =	vshll.u32 v3, $0x1  }
0x238: {  	v3 =	vand.u32 $0x7, v3;
	v4 =	vand.u32 $0xFFFFFFF0, v38  }
0x239: {  	v3 =	vor.u32 v3, v4  }
0x23a: {  	v4 =	vperm.xlane v3, v0;
	_ =	sdelay $0x1  }
0x23b: {  	v3 =	vperm.xlane v3, v2;
	v4 =	vadd.s32 v1, v4;
	_ =	sdelay $0x1  }
0x23c: {  	v3 =	vadd.s32 v1, v3;
	_ =	sdelay $0x1  }
0x23d: {  	s14 =	simm.s32 $0x16800  }
0x23e: {  	[tilespmem:s14], [sflag:$0x1] =	stream.indirect_vreg.gather [hbm4b:s3+s2], $0x80, v4, vm0, $0xb8;
	[tilespmem:$0x18800] =	vst v63  }
0x23f: {  	s16 =	simm.s32 $0x17000  }
0x240: {  	[tilespmem:s16], [sflag:$0x1] =	stream.indirect_vreg.gather [hbm4b:s3+s2], $0x80, v3, vm0, $0xb8;
	[tilespmem:$0x18800] =	vst v63  }
0x241: {  	v3 =	vld [tilespmem:$0x2F0];
	_ =	sdelay $0x4  }
0x242: {  	v39 =	vshll.u32 v3, $0x1  }
0x243: {  	v3 =	vand.u32 $0x7, v3;
	v4 =	vand.u32 $0xFFFFFFF0, v39  }
0x244: {  	v3 =	vor.u32 v3, v4  }
0x245: {  	v4 =	vperm.xlane v3, v0;
	_ =	sdelay $0x1  }
0x246: {  	v3 =	vperm.xlane v3, v2;
	v4 =	vadd.s32 v1, v4;
	_ =	sdelay $0x1  }
0x247: {  	v3 =	vadd.s32 v1, v3;
	_ =	sdelay $0x1  }
0x248: {  	s15 =	simm.s32 $0x17800  }
0x249: {  	[tilespmem:s15], [sflag:$0x1] =	stream.indirect_vreg.gather [hbm4b:s3+s2], $0x80, v4, vm0, $0xb8;
	[tilespmem:$0x18800] =	vst v63  }
0x24a: {  	s31 =	simm.s32 $0x18000  }
0x24b: {  	[tilespmem:s31], [sflag:$0x1] =	stream.indirect_vreg.gather [hbm4b:s3+s2], $0x80, v3, vm0, $0xb8;
	[tilespmem:$0x18800] =	vst v63  }
0x24c: {  	_ =	swait.ge [sflag:s22], $0x8000  }
0x24d: {  	[sflag:s22] =	ssyncset.done $0x0  }
0x24e: {  	s9 =	rddreg [dreg:$0x8];
	[sflag:s22] =	ssyncadd.s32 $0xFFFF8000  }
0x24f: {  	[hbm4b:s9+s2] =	stream.linear.scatter [tilespmem:s4], [sflag:$0x4], $0x8000, $0x38;
	[tilespmem:$0x18800] =	vst v63  }
0x250: {  	_ =	swait.ge [sflag:s26], $0x8000  }
0x251: {  	[sflag:s26] =	ssyncset.done $0x0  }
0x252: {  	[sflag:s26] =	ssyncadd.s32 $0xFFFF8000  }
0x253: {  	v3 =	vld [tilespmem:$0x300];
	_ =	sdelay $0x4  }
0x254: {  	v40 =	vshll.u32 v3, $0x1  }
0x255: {  	v3 =	vand.u32 $0x7, v3;
	v4 =	vand.u32 $0xFFFFFFF0, v40  }
0x256: {  	v3 =	vor.u32 v3, v4  }
0x257: {  	v4 =	vperm.xlane v3, v0;
	_ =	sdelay $0x1  }
0x258: {  	v3 =	vperm.xlane v3, v2;
	v4 =	vadd.s32 v1, v4;
	_ =	sdelay $0x1  }
0x259: {  	v3 =	vadd.s32 v1, v3;
	_ =	sdelay $0x1  }
0x25a: {  	s4 =	simm.s32 $0x800  }
0x25b: {  	[tilespmem:s4], [sflag:$0x1] =	stream.indirect_vreg.gather [hbm4b:s3+s2], $0x80, v4, vm0, $0xb8;
	[tilespmem:$0x18800] =	vst v63  }
0x25c: {  	s31 =	simm.s32 $0x1000  }
0x25d: {  	[tilespmem:s31], [sflag:$0x1] =	stream.indirect_vreg.gather [hbm4b:s3+s2], $0x80, v3, vm0, $0xb8;
	[tilespmem:$0x18800] =	vst v63  }
0x25e: {  	v3 =	vld [tilespmem:$0x310];
	_ =	sdelay $0x4  }
0x25f: {  	v41 =	vshll.u32 v3, $0x1  }
0x260: {  	v3 =	vand.u32 $0x7, v3;
	v4 =	vand.u32 $0xFFFFFFF0, v41  }
0x261: {  	v3 =	vor.u32 v3, v4  }
0x262: {  	v4 =	vperm.xlane v3, v0;
	_ =	sdelay $0x1  }
0x263: {  	v3 =	vperm.xlane v3, v2;
	v4 =	vadd.s32 v1, v4;
	_ =	sdelay $0x1  }
0x264: {  	v3 =	vadd.s32 v1, v3;
	_ =	sdelay $0x2  }
0x265: {  	[tilespmem:s0], [sflag:$0x1] =	stream.indirect_vreg.gather [hbm4b:s3+s2], $0x80, v4, vm0, $0xb8;
	[tilespmem:$0x18800] =	vst v63  }
0x266: {  	s31 =	simm.s32 $0x2000  }
0x267: {  	[tilespmem:s31], [sflag:$0x1] =	stream.indirect_vreg.gather [hbm4b:s3+s2], $0x80, v3, vm0, $0xb8;
	[tilespmem:$0x18800] =	vst v63  }
0x268: {  	v3 =	vld [tilespmem:$0x320];
	_ =	sdelay $0x4  }
0x269: {  	v42 =	vshll.u32 v3, $0x1  }
0x26a: {  	v3 =	vand.u32 $0x7, v3;
	v4 =	vand.u32 $0xFFFFFFF0, v42  }
0x26b: {  	v3 =	vor.u32 v3, v4  }
0x26c: {  	v4 =	vperm.xlane v3, v0;
	_ =	sdelay $0x1  }
0x26d: {  	v3 =	vperm.xlane v3, v2;
	v4 =	vadd.s32 v1, v4;
	_ =	sdelay $0x1  }
0x26e: {  	v3 =	vadd.s32 v1, v3;
	_ =	sdelay $0x1  }
0x26f: {  	s9 =	simm.s32 $0x2800  }
0x270: {  	[tilespmem:s9], [sflag:$0x1] =	stream.indirect_vreg.gather [hbm4b:s3+s2], $0x80, v4, vm0, $0xb8;
	[tilespmem:$0x18800] =	vst v63  }
0x271: {  	s31 =	simm.s32 $0x3000  }
0x272: {  	[tilespmem:s31], [sflag:$0x1] =	stream.indirect_vreg.gather [hbm4b:s3+s2], $0x80, v3, vm0, $0xb8;
	[tilespmem:$0x18800] =	vst v63  }
0x273: {  	v3 =	vld [tilespmem:$0x330];
	_ =	sdelay $0x4  }
0x274: {  	v43 =	vshll.u32 v3, $0x1  }
0x275: {  	v3 =	vand.u32 $0x7, v3;
	v4 =	vand.u32 $0xFFFFFFF0, v43  }
0x276: {  	v3 =	vor.u32 v3, v4  }
0x277: {  	v4 =	vperm.xlane v3, v0;
	_ =	sdelay $0x1  }
0x278: {  	v3 =	vperm.xlane v3, v2;
	v4 =	vadd.s32 v1, v4;
	_ =	sdelay $0x1  }
0x279: {  	v3 =	vadd.s32 v1, v3;
	_ =	sdelay $0x2  }
0x27a: {  	[tilespmem:s23], [sflag:$0x1] =	stream.indirect_vreg.gather [hbm4b:s3+s2], $0x80, v4, vm0, $0xb8;
	[tilespmem:$0x18800] =	vst v63  }
0x27b: {  	s9 =	simm.s32 $0x4000  }
0x27c: {  	[tilespmem:s9], [sflag:$0x1] =	stream.indirect_vreg.gather [hbm4b:s3+s2], $0x80, v3, vm0, $0xb8;
	[tilespmem:$0x18800] =	vst v63  }
0x27d: {  	v3 =	vld [tilespmem:$0x340];
	_ =	sdelay $0x4  }
0x27e: {  	v44 =	vshll.u32 v3, $0x1  }
0x27f: {  	v3 =	vand.u32 $0x7, v3;
	v4 =	vand.u32 $0xFFFFFFF0, v44  }
0x280: {  	v3 =	vor.u32 v3, v4  }
0x281: {  	v4 =	vperm.xlane v3, v0;
	_ =	sdelay $0x1  }
0x282: {  	v3 =	vperm.xlane v3, v2;
	v4 =	vadd.s32 v1, v4;
	_ =	sdelay $0x1  }
0x283: {  	v3 =	vadd.s32 v1, v3;
	_ =	sdelay $0x2  }
0x284: {  	[tilespmem:s19], [sflag:$0x1] =	stream.indirect_vreg.gather [hbm4b:s3+s2], $0x80, v4, vm0, $0xb8;
	[tilespmem:$0x18800] =	vst v63  }
0x285: {  	s19 =	simm.s32 $0x5000  }
0x286: {  	[tilespmem:s19], [sflag:$0x1] =	stream.indirect_vreg.gather [hbm4b:s3+s2], $0x80, v3, vm0, $0xb8;
	[tilespmem:$0x18800] =	vst v63  }
0x287: {  	v3 =	vld [tilespmem:$0x350];
	_ =	sdelay $0x4  }
0x288: {  	v45 =	vshll.u32 v3, $0x1  }
0x289: {  	v3 =	vand.u32 $0x7, v3;
	v4 =	vand.u32 $0xFFFFFFF0, v45  }
0x28a: {  	v3 =	vor.u32 v3, v4  }
0x28b: {  	v4 =	vperm.xlane v3, v0;
	_ =	sdelay $0x1  }
0x28c: {  	v3 =	vperm.xlane v3, v2;
	v4 =	vadd.s32 v1, v4;
	_ =	sdelay $0x1  }
0x28d: {  	v3 =	vadd.s32 v1, v3;
	_ =	sdelay $0x2  }
0x28e: {  	[tilespmem:s20], [sflag:$0x1] =	stream.indirect_vreg.gather [hbm4b:s3+s2], $0x80, v4, vm0, $0xb8;
	[tilespmem:$0x18800] =	vst v63  }
0x28f: {  	_ = 	snop  }
0x290: {  	[tilespmem:s7], [sflag:$0x1] =	stream.indirect_vreg.gather [hbm4b:s3+s2], $0x80, v3, vm0, $0xb8;
	[tilespmem:$0x18800] =	vst v63  }
0x291: {  	v3 =	vld [tilespmem:$0x360];
	_ =	sdelay $0x4  }
0x292: {  	v46 =	vshll.u32 v3, $0x1  }
0x293: {  	v3 =	vand.u32 $0x7, v3;
	v4 =	vand.u32 $0xFFFFFFF0, v46  }
0x294: {  	v3 =	vor.u32 v3, v4  }
0x295: {  	v4 =	vperm.xlane v3, v0;
	_ =	sdelay $0x1  }
0x296: {  	v3 =	vperm.xlane v3, v2;
	v4 =	vadd.s32 v1, v4;
	_ =	sdelay $0x1  }
0x297: {  	v3 =	vadd.s32 v1, v3;
	_ =	sdelay $0x2  }
0x298: {  	[tilespmem:s21], [sflag:$0x1] =	stream.indirect_vreg.gather [hbm4b:s3+s2], $0x80, v4, vm0, $0xb8;
	[tilespmem:$0x18800] =	vst v63  }
0x299: {  	_ = 	snop  }
0x29a: {  	[tilespmem:s8], [sflag:$0x1] =	stream.indirect_vreg.gather [hbm4b:s3+s2], $0x80, v3, vm0, $0xb8;
	[tilespmem:$0x18800] =	vst v63  }
0x29b: {  	v3 =	vld [tilespmem:$0x370];
	_ =	sdelay $0x4  }
0x29c: {  	v47 =	vshll.u32 v3, $0x1  }
0x29d: {  	v3 =	vand.u32 $0x7, v3;
	v4 =	vand.u32 $0xFFFFFFF0, v47  }
0x29e: {  	v3 =	vor.u32 v3, v4  }
0x29f: {  	v4 =	vperm.xlane v3, v0;
	_ =	sdelay $0x1  }
0x2a0: {  	v3 =	vperm.xlane v3, v2;
	v4 =	vadd.s32 v1, v4;
	_ =	sdelay $0x1  }
0x2a1: {  	v3 =	vadd.s32 v1, v3;
	_ =	sdelay $0x1  }
0x2a2: {  	s21 =	simm.s32 $0x7800  }
0x2a3: {  	[tilespmem:s21], [sflag:$0x1] =	stream.indirect_vreg.gather [hbm4b:s3+s2], $0x80, v4, vm0, $0xb8;
	[tilespmem:$0x18800] =	vst v63  }
0x2a4: {  	s31 =	simm.s32 $0x8000  }
0x2a5: {  	[tilespmem:s31], [sflag:$0x1] =	stream.indirect_vreg.gather [hbm4b:s3+s2], $0x80, v3, vm0, $0xb8;
	[tilespmem:$0x18800] =	vst v63  }
0x2a6: {  	_ =	swait.ge [sflag:s22], $0x8000  }
0x2a7: {  	[sflag:s22] =	ssyncset.done $0x0  }
0x2a8: {  	s7 =	rddreg [dreg:$0x9];
	[sflag:s22] =	ssyncadd.s32 $0xFFFF8000  }
0x2a9: {  	[hbm4b:s7+s2] =	stream.linear.scatter [tilespmem:s4], [sflag:$0x2], $0x8000, $0x38;
	[tilespmem:$0x18800] =	vst v63  }
0x2aa: {  	_ =	swait.ge [sflag:s29], $0x8000  }
0x2ab: {  	[sflag:s29] =	ssyncset.done $0x0  }
0x2ac: {  	[sflag:s29] =	ssyncadd.s32 $0xFFFF8000  }
0x2ad: {  	v3 =	vld [tilespmem:$0x380];
	_ =	sdelay $0x4  }
0x2ae: {  	v48 =	vshll.u32 v3, $0x1  }
0x2af: {  	v3 =	vand.u32 $0x7, v3;
	v4 =	vand.u32 $0xFFFFFFF0, v48  }
0x2b0: {  	v3 =	vor.u32 v3, v4  }
0x2b1: {  	v4 =	vperm.xlane v3, v0;
	_ =	sdelay $0x1  }
0x2b2: {  	v3 =	vperm.xlane v3, v2;
	v4 =	vadd.s32 v1, v4;
	_ =	sdelay $0x1  }
0x2b3: {  	v3 =	vadd.s32 v1, v3;
	_ =	sdelay $0x1  }
0x2b4: {  	s8 =	simm.s32 $0x8800  }
0x2b5: {  	[tilespmem:s8], [sflag:$0x1] =	stream.indirect_vreg.gather [hbm4b:s3+s2], $0x80, v4, vm0, $0xb8;
	[tilespmem:$0x18800] =	vst v63  }
0x2b6: {  	s19 =	simm.s32 $0x9000  }
0x2b7: {  	[tilespmem:s19], [sflag:$0x1] =	stream.indirect_vreg.gather [hbm4b:s3+s2], $0x80, v3, vm0, $0xb8;
	[tilespmem:$0x18800] =	vst v63  }
0x2b8: {  	v3 =	vld [tilespmem:$0x390];
	_ =	sdelay $0x4  }
0x2b9: {  	v49 =	vshll.u32 v3, $0x1  }
0x2ba: {  	v3 =	vand.u32 $0x7, v3;
	v4 =	vand.u32 $0xFFFFFFF0, v49  }
0x2bb: {  	v3 =	vor.u32 v3, v4  }
0x2bc: {  	v4 =	vperm.xlane v3, v0;
	_ =	sdelay $0x1  }
0x2bd: {  	v3 =	vperm.xlane v3, v2;
	v4 =	vadd.s32 v1, v4;
	_ =	sdelay $0x1  }
0x2be: {  	v3 =	vadd.s32 v1, v3;
	_ =	sdelay $0x1  }
0x2bf: {  	s20 =	simm.s32 $0x9800  }
0x2c0: {  	[tilespmem:s20], [sflag:$0x1] =	stream.indirect_vreg.gather [hbm4b:s3+s2], $0x80, v4, vm0, $0xb8;
	[tilespmem:$0x18800] =	vst v63  }
0x2c1: {  	s21 =	simm.s32 $0xA000  }
0x2c2: {  	[tilespmem:s21], [sflag:$0x1] =	stream.indirect_vreg.gather [hbm4b:s3+s2], $0x80, v3, vm0, $0xb8;
	[tilespmem:$0x18800] =	vst v63  }
0x2c3: {  	v3 =	vld [tilespmem:$0x3A0];
	_ =	sdelay $0x4  }
0x2c4: {  	v50 =	vshll.u32 v3, $0x1  }
0x2c5: {  	v3 =	vand.u32 $0x7, v3;
	v4 =	vand.u32 $0xFFFFFFF0, v50  }
0x2c6: {  	v3 =	vor.u32 v3, v4  }
0x2c7: {  	v4 =	vperm.xlane v3, v0;
	_ =	sdelay $0x1  }
0x2c8: {  	v3 =	vperm.xlane v3, v2;
	v4 =	vadd.s32 v1, v4;
	_ =	sdelay $0x1  }
0x2c9: {  	v3 =	vadd.s32 v1, v3;
	_ =	sdelay $0x2  }
0x2ca: {  	[tilespmem:s17], [sflag:$0x1] =	stream.indirect_vreg.gather [hbm4b:s3+s2], $0x80, v4, vm0, $0xb8;
	[tilespmem:$0x18800] =	vst v63  }
0x2cb: {  	s9 =	simm.s32 $0xB000  }
0x2cc: {  	[tilespmem:s9], [sflag:$0x1] =	stream.indirect_vreg.gather [hbm4b:s3+s2], $0x80, v3, vm0, $0xb8;
	[tilespmem:$0x18800] =	vst v63  }
0x2cd: {  	v3 =	vld [tilespmem:$0x3B0];
	_ =	sdelay $0x4  }
0x2ce: {  	v51 =	vshll.u32 v3, $0x1  }
0x2cf: {  	v3 =	vand.u32 $0x7, v3;
	v4 =	vand.u32 $0xFFFFFFF0, v51  }
0x2d0: {  	v3 =	vor.u32 v3, v4  }
0x2d1: {  	v4 =	vperm.xlane v3, v0;
	_ =	sdelay $0x1  }
0x2d2: {  	v3 =	vperm.xlane v3, v2;
	v4 =	vadd.s32 v1, v4;
	_ =	sdelay $0x1  }
0x2d3: {  	v3 =	vadd.s32 v1, v3;
	_ =	sdelay $0x2  }
0x2d4: {  	[tilespmem:s18], [sflag:$0x1] =	stream.indirect_vreg.gather [hbm4b:s3+s2], $0x80, v4, vm0, $0xb8;
	[tilespmem:$0x18800] =	vst v63  }
0x2d5: {  	_ = 	snop  }
0x2d6: {  	[tilespmem:s28], [sflag:$0x1] =	stream.indirect_vreg.gather [hbm4b:s3+s2], $0x80, v3, vm0, $0xb8;
	[tilespmem:$0x18800] =	vst v63  }
0x2d7: {  	v3 =	vld [tilespmem:$0x3C0];
	_ =	sdelay $0x4  }
0x2d8: {  	v52 =	vshll.u32 v3, $0x1  }
0x2d9: {  	v3 =	vand.u32 $0x7, v3;
	v4 =	vand.u32 $0xFFFFFFF0, v52  }
0x2da: {  	v3 =	vor.u32 v3, v4  }
0x2db: {  	v4 =	vperm.xlane v3, v0;
	_ =	sdelay $0x1  }
0x2dc: {  	v3 =	vperm.xlane v3, v2;
	v4 =	vadd.s32 v1, v4;
	_ =	sdelay $0x1  }
0x2dd: {  	v3 =	vadd.s32 v1, v3;
	_ =	sdelay $0x2  }
0x2de: {  	[tilespmem:s24], [sflag:$0x1] =	stream.indirect_vreg.gather [hbm4b:s3+s2], $0x80, v4, vm0, $0xb8;
	[tilespmem:$0x18800] =	vst v63  }
0x2df: {  	_ = 	snop  }
0x2e0: {  	[tilespmem:s30], [sflag:$0x1] =	stream.indirect_vreg.gather [hbm4b:s3+s2], $0x80, v3, vm0, $0xb8;
	[tilespmem:$0x18800] =	vst v63  }
0x2e1: {  	v3 =	vld [tilespmem:$0x3D0];
	_ =	sdelay $0x4  }
0x2e2: {  	v53 =	vshll.u32 v3, $0x1  }
0x2e3: {  	v3 =	vand.u32 $0x7, v3;
	v4 =	vand.u32 $0xFFFFFFF0, v53  }
0x2e4: {  	v3 =	vor.u32 v3, v4  }
0x2e5: {  	v4 =	vperm.xlane v3, v0;
	_ =	sdelay $0x1  }
0x2e6: {  	v3 =	vperm.xlane v3, v2;
	v4 =	vadd.s32 v1, v4;
	_ =	sdelay $0x1  }
0x2e7: {  	v3 =	vadd.s32 v1, v3;
	_ =	sdelay $0x2  }
0x2e8: {  	[tilespmem:s25], [sflag:$0x1] =	stream.indirect_vreg.gather [hbm4b:s3+s2], $0x80, v4, vm0, $0xb8;
	[tilespmem:$0x18800] =	vst v63  }
0x2e9: {  	s28 =	simm.s32 $0xE000  }
0x2ea: {  	[tilespmem:s28], [sflag:$0x1] =	stream.indirect_vreg.gather [hbm4b:s3+s2], $0x80, v3, vm0, $0xb8;
	[tilespmem:$0x18800] =	vst v63  }
0x2eb: {  	v3 =	vld [tilespmem:$0x3E0];
	_ =	sdelay $0x4  }
0x2ec: {  	v54 =	vshll.u32 v3, $0x1  }
0x2ed: {  	v3 =	vand.u32 $0x7, v3;
	v4 =	vand.u32 $0xFFFFFFF0, v54  }
0x2ee: {  	v3 =	vor.u32 v3, v4  }
0x2ef: {  	v4 =	vperm.xlane v3, v0;
	_ =	sdelay $0x1  }
0x2f0: {  	v3 =	vperm.xlane v3, v2;
	v4 =	vadd.s32 v1, v4;
	_ =	sdelay $0x1  }
0x2f1: {  	v3 =	vadd.s32 v1, v3;
	_ =	sdelay $0x1  }
0x2f2: {  	s18 =	simm.s32 $0xE800  }
0x2f3: {  	[tilespmem:s18], [sflag:$0x1] =	stream.indirect_vreg.gather [hbm4b:s3+s2], $0x80, v4, vm0, $0xb8;
	[tilespmem:$0x18800] =	vst v63  }
0x2f4: {  	s30 =	simm.s32 $0xF000  }
0x2f5: {  	[tilespmem:s30], [sflag:$0x1] =	stream.indirect_vreg.gather [hbm4b:s3+s2], $0x80, v3, vm0, $0xb8;
	[tilespmem:$0x18800] =	vst v63  }
0x2f6: {  	v3 =	vld [tilespmem:$0x3F0];
	_ =	sdelay $0x4  }
0x2f7: {  	v55 =	vshll.u32 v3, $0x1  }
0x2f8: {  	v3 =	vand.u32 $0x7, v3;
	v4 =	vand.u32 $0xFFFFFFF0, v55  }
0x2f9: {  	v3 =	vor.u32 v3, v4  }
0x2fa: {  	v4 =	vperm.xlane v3, v0;
	_ =	sdelay $0x1  }
0x2fb: {  	v3 =	vperm.xlane v3, v2;
	v4 =	vadd.s32 v1, v4;
	_ =	sdelay $0x1  }
0x2fc: {  	v3 =	vadd.s32 v1, v3;
	_ =	sdelay $0x2  }
0x2fd: {  	[tilespmem:s6], [sflag:$0x1] =	stream.indirect_vreg.gather [hbm4b:s3+s2], $0x80, v4, vm0, $0xb8;
	[tilespmem:$0x18800] =	vst v63  }
0x2fe: {  	s31 =	simm.s32 $0x10000  }
0x2ff: {  	[tilespmem:s31], [sflag:$0x1] =	stream.indirect_vreg.gather [hbm4b:s3+s2], $0x80, v3, vm0, $0xb8;
	[tilespmem:$0x18800] =	vst v63  }
0x300: {  	_ =	swait.ge [sflag:s22], $0x8000  }
0x301: {  	[sflag:s22] =	ssyncset.done $0x0  }
0x302: {  	s6 =	rddreg [dreg:$0xa];
	[sflag:s22] =	ssyncadd.s32 $0xFFFF8000  }
0x303: {  	[hbm4b:s6+s2] =	stream.linear.scatter [tilespmem:s8], [sflag:$0x3], $0x8000, $0x38;
	[tilespmem:$0x18800] =	vst v63  }
0x304: {  	_ =	swait.ge [sflag:s1], $0x8000  }
0x305: {  	[sflag:s1] =	ssyncset.done $0x0  }
0x306: {  	[sflag:s1] =	ssyncadd.s32 $0xFFFF8000  }
0x307: {  	v3 =	vld [tilespmem:$0x400];
	_ =	sdelay $0x4  }
0x308: {  	v56 =	vshll.u32 v3, $0x1  }
0x309: {  	v3 =	vand.u32 $0x7, v3;
	v4 =	vand.u32 $0xFFFFFFF0, v56  }
0x30a: {  	v3 =	vor.u32 v3, v4  }
0x30b: {  	v4 =	vperm.xlane v3, v0;
	_ =	sdelay $0x1  }
0x30c: {  	v3 =	vperm.xlane v3, v2;
	v4 =	vadd.s32 v1, v4;
	_ =	sdelay $0x1  }
0x30d: {  	v3 =	vadd.s32 v1, v3;
	_ =	sdelay $0x1  }
0x30e: {  	s5 =	simm.s32 $0x10800  }
0x30f: {  	[tilespmem:s5], [sflag:$0x1] =	stream.indirect_vreg.gather [hbm4b:s3+s2], $0x80, v4, vm0, $0xb8;
	[tilespmem:$0x18800] =	vst v63  }
0x310: {  	s17 =	simm.s32 $0x11000  }
0x311: {  	[tilespmem:s17], [sflag:$0x1] =	stream.indirect_vreg.gather [hbm4b:s3+s2], $0x80, v3, vm0, $0xb8;
	[tilespmem:$0x18800] =	vst v63  }
0x312: {  	v3 =	vld [tilespmem:$0x410];
	_ =	sdelay $0x4  }
0x313: {  	v57 =	vshll.u32 v3, $0x1  }
0x314: {  	v3 =	vand.u32 $0x7, v3;
	v4 =	vand.u32 $0xFFFFFFF0, v57  }
0x315: {  	v3 =	vor.u32 v3, v4  }
0x316: {  	v4 =	vperm.xlane v3, v0;
	_ =	sdelay $0x1  }
0x317: {  	v3 =	vperm.xlane v3, v2;
	v4 =	vadd.s32 v1, v4;
	_ =	sdelay $0x1  }
0x318: {  	v3 =	vadd.s32 v1, v3;
	_ =	sdelay $0x1  }
0x319: {  	s8 =	simm.s32 $0x11800  }
0x31a: {  	[tilespmem:s8], [sflag:$0x1] =	stream.indirect_vreg.gather [hbm4b:s3+s2], $0x80, v4, vm0, $0xb8;
	[tilespmem:$0x18800] =	vst v63  }
0x31b: {  	s0 =	simm.s32 $0x12000  }
0x31c: {  	[tilespmem:s0], [sflag:$0x1] =	stream.indirect_vreg.gather [hbm4b:s3+s2], $0x80, v3, vm0, $0xb8;
	[tilespmem:$0x18800] =	vst v63  }
0x31d: {  	v3 =	vld [tilespmem:$0x420];
	_ =	sdelay $0x4  }
0x31e: {  	v58 =	vshll.u32 v3, $0x1  }
0x31f: {  	v3 =	vand.u32 $0x7, v3;
	v4 =	vand.u32 $0xFFFFFFF0, v58  }
0x320: {  	v3 =	vor.u32 v3, v4  }
0x321: {  	v4 =	vperm.xlane v3, v0;
	_ =	sdelay $0x1  }
0x322: {  	v3 =	vperm.xlane v3, v2;
	v4 =	vadd.s32 v1, v4;
	_ =	sdelay $0x1  }
0x323: {  	v3 =	vadd.s32 v1, v3;
	_ =	sdelay $0x2  }
0x324: {  	[tilespmem:s10], [sflag:$0x1] =	stream.indirect_vreg.gather [hbm4b:s3+s2], $0x80, v4, vm0, $0xb8;
	[tilespmem:$0x18800] =	vst v63  }
0x325: {  	s25 =	simm.s32 $0x13000  }
0x326: {  	[tilespmem:s25], [sflag:$0x1] =	stream.indirect_vreg.gather [hbm4b:s3+s2], $0x80, v3, vm0, $0xb8;
	[tilespmem:$0x18800] =	vst v63  }
0x327: {  	v3 =	vld [tilespmem:$0x430];
	_ =	sdelay $0x4  }
0x328: {  	v59 =	vshll.u32 v3, $0x1  }
0x329: {  	v3 =	vand.u32 $0x7, v3;
	v4 =	vand.u32 $0xFFFFFFF0, v59  }
0x32a: {  	v3 =	vor.u32 v3, v4  }
0x32b: {  	v4 =	vperm.xlane v3, v0;
	_ =	sdelay $0x1  }
0x32c: {  	v3 =	vperm.xlane v3, v2;
	v4 =	vadd.s32 v1, v4;
	_ =	sdelay $0x1  }
0x32d: {  	v3 =	vadd.s32 v1, v3;
	_ =	sdelay $0x2  }
0x32e: {  	[tilespmem:s11], [sflag:$0x1] =	stream.indirect_vreg.gather [hbm4b:s3+s2], $0x80, v4, vm0, $0xb8;
	[tilespmem:$0x18800] =	vst v63  }
0x32f: {  	s28 =	simm.s32 $0x14000  }
0x330: {  	[tilespmem:s28], [sflag:$0x1] =	stream.indirect_vreg.gather [hbm4b:s3+s2], $0x80, v3, vm0, $0xb8;
	[tilespmem:$0x18800] =	vst v63  }
0x331: {  	v3 =	vld [tilespmem:$0x440];
	_ =	sdelay $0x4  }
0x332: {  	v60 =	vshll.u32 v3, $0x1  }
0x333: {  	v3 =	vand.u32 $0x7, v3;
	v4 =	vand.u32 $0xFFFFFFF0, v60  }
0x334: {  	v3 =	vor.u32 v3, v4  }
0x335: {  	v4 =	vperm.xlane v3, v0;
	_ =	sdelay $0x1  }
0x336: {  	v3 =	vperm.xlane v3, v2;
	v4 =	vadd.s32 v1, v4;
	_ =	sdelay $0x1  }
0x337: {  	v3 =	vadd.s32 v1, v3;
	_ =	sdelay $0x2  }
0x338: {  	[tilespmem:s12], [sflag:$0x1] =	stream.indirect_vreg.gather [hbm4b:s3+s2], $0x80, v4, vm0, $0xb8;
	[tilespmem:$0x18800] =	vst v63  }
0x339: {  	s6 =	simm.s32 $0x15000  }
0x33a: {  	[tilespmem:s6], [sflag:$0x1] =	stream.indirect_vreg.gather [hbm4b:s3+s2], $0x80, v3, vm0, $0xb8;
	[tilespmem:$0x18800] =	vst v63  }
0x33b: {  	v3 =	vld [tilespmem:$0x450];
	_ =	sdelay $0x4  }
0x33c: {  	v61 =	vshll.u32 v3, $0x1  }
0x33d: {  	v3 =	vand.u32 $0x7, v3;
	v4 =	vand.u32 $0xFFFFFFF0, v61  }
0x33e: {  	v3 =	vor.u32 v3, v4  }
0x33f: {  	v4 =	vperm.xlane v3, v0;
	_ =	sdelay $0x1  }
0x340: {  	v3 =	vperm.xlane v3, v2;
	v4 =	vadd.s32 v1, v4;
	_ =	sdelay $0x1  }
0x341: {  	v3 =	vadd.s32 v1, v3;
	_ =	sdelay $0x2  }
0x342: {  	[tilespmem:s13], [sflag:$0x1] =	stream.indirect_vreg.gather [hbm4b:s3+s2], $0x80, v4, vm0, $0xb8;
	[tilespmem:$0x18800] =	vst v63  }
0x343: {  	s7 =	simm.s32 $0x16000  }
0x344: {  	[tilespmem:s7], [sflag:$0x1] =	stream.indirect_vreg.gather [hbm4b:s3+s2], $0x80, v3, vm0, $0xb8;
	[tilespmem:$0x18800] =	vst v63  }
0x345: {  	v3 =	vld [tilespmem:$0x460];
	_ =	sdelay $0x4  }
0x346: {  	v62 =	vshll.u32 v3, $0x1  }
0x347: {  	v3 =	vand.u32 $0x7, v3;
	v4 =	vand.u32 $0xFFFFFFF0, v62  }
0x348: {  	v3 =	vor.u32 v3, v4  }
0x349: {  	v4 =	vperm.xlane v3, v0;
	_ =	sdelay $0x1  }
0x34a: {  	v3 =	vperm.xlane v3, v2;
	v4 =	vadd.s32 v1, v4;
	_ =	sdelay $0x1  }
0x34b: {  	v3 =	vadd.s32 v1, v3;
	_ =	sdelay $0x2  }
0x34c: {  	[tilespmem:s14], [sflag:$0x1] =	stream.indirect_vreg.gather [hbm4b:s3+s2], $0x80, v4, vm0, $0xb8;
	[tilespmem:$0x18800] =	vst v63  }
0x34d: {  	_ = 	snop  }
0x34e: {  	[tilespmem:s16], [sflag:$0x1] =	stream.indirect_vreg.gather [hbm4b:s3+s2], $0x80, v3, vm0, $0xb8;
	[tilespmem:$0x18800] =	vst v63  }
0x34f: {  	v3 =	vld [tilespmem:$0x470];
	_ =	sdelay $0x4  }
0x350: {  	v63 =	vshll.u32 v3, $0x1  }
0x351: {  	v3 =	vand.u32 $0x7, v3;
	v4 =	vand.u32 $0xFFFFFFF0, v63  }
0x352: {  	v3 =	vor.u32 v3, v4  }
0x353: {  	v4 =	vperm.xlane v3, v0;
	_ =	sdelay $0x1  }
0x354: {  	v3 =	vperm.xlane v3, v2;
	v4 =	vadd.s32 v1, v4;
	_ =	sdelay $0x1  }
0x355: {  	v3 =	vadd.s32 v1, v3;
	_ =	sdelay $0x2  }
0x356: {  	[tilespmem:s15], [sflag:$0x1] =	stream.indirect_vreg.gather [hbm4b:s3+s2], $0x80, v4, vm0, $0xb8;
	[tilespmem:$0x18800] =	vst v63  }
0x357: {  	s8 =	simm.s32 $0x18000  }
0x358: {  	[tilespmem:s8], [sflag:$0x1] =	stream.indirect_vreg.gather [hbm4b:s3+s2], $0x80, v3, vm0, $0xb8;
	[tilespmem:$0x18800] =	vst v63  }
0x359: {  	_ =	swait.ge [sflag:s22], $0x8000  }
0x35a: {  	[sflag:s22] =	ssyncset.done $0x0  }
0x35b: {  	s19 =	rddreg [dreg:$0xb];
	[sflag:s22] =	ssyncadd.s32 $0xFFFF8000  }
0x35c: {  	[hbm4b:s19+s2] =	stream.linear.scatter [tilespmem:s5], [sflag:$0x4], $0x8000, $0x38;
	[tilespmem:$0x18800] =	vst v63  }
0x35d: {  	_ =	swait.ge [sflag:s26], $0x8000  }
0x35e: {  	[sflag:s26] =	ssyncset.done $0x0  }
0x35f: {  	[sflag:s26] =	ssyncadd.s32 $0xFFFF8000  }
0x360: {  	v3 =	vld [tilespmem:$0x480];
	_ =	sdelay $0x4  }
0x361: {  	v8 =	vshll.u32 v3, $0x1  }
0x362: {  	v3 =	vand.u32 $0x7, v3;
	v4 =	vand.u32 $0xFFFFFFF0, v8  }
0x363: {  	v3 =	vor.u32 v3, v4  }
0x364: {  	v4 =	vperm.xlane v3, v0;
	_ =	sdelay $0x1  }
0x365: {  	v3 =	vperm.xlane v3, v2;
	v4 =	vadd.s32 v1, v4;
	_ =	sdelay $0x1  }
0x366: {  	v3 =	vadd.s32 v1, v3;
	_ =	sdelay $0x1  }
0x367: {  	s4 =	simm.s32 $0x800  }
0x368: {  	[tilespmem:s4], [sflag:$0x1] =	stream.indirect_vreg.gather [hbm4b:s3+s2], $0x80, v4, vm0, $0xb8;
	[tilespmem:$0x18800] =	vst v63  }
0x369: {  	s5 =	simm.s32 $0x1000  }
0x36a: {  	[tilespmem:s5], [sflag:$0x1] =	stream.indirect_vreg.gather [hbm4b:s3+s2], $0x80, v3, vm0, $0xb8;
	[tilespmem:$0x18800] =	vst v63  }
0x36b: {  	v3 =	vld [tilespmem:$0x490];
	_ =	sdelay $0x4  }
0x36c: {  	v9 =	vshll.u32 v3, $0x1  }
0x36d: {  	v3 =	vand.u32 $0x7, v3;
	v4 =	vand.u32 $0xFFFFFFF0, v9  }
0x36e: {  	v3 =	vor.u32 v3, v4  }
0x36f: {  	v4 =	vperm.xlane v3, v0;
	_ =	sdelay $0x1  }
0x370: {  	v3 =	vperm.xlane v3, v2;
	v4 =	vadd.s32 v1, v4;
	_ =	sdelay $0x1  }
0x371: {  	v3 =	vadd.s32 v1, v3;
	_ =	sdelay $0x1  }
0x372: {  	s15 =	simm.s32 $0x1800  }
0x373: {  	[tilespmem:s15], [sflag:$0x1] =	stream.indirect_vreg.gather [hbm4b:s3+s2], $0x80, v4, vm0, $0xb8;
	[tilespmem:$0x18800] =	vst v63  }
0x374: {  	s20 =	simm.s32 $0x2000  }
0x375: {  	[tilespmem:s20], [sflag:$0x1] =	stream.indirect_vreg.gather [hbm4b:s3+s2], $0x80, v3, vm0, $0xb8;
	[tilespmem:$0x18800] =	vst v63  }
0x376: {  	v3 =	vld [tilespmem:$0x4A0];
	_ =	sdelay $0x4  }
0x377: {  	v10 =	vshll.u32 v3, $0x1  }
0x378: {  	v3 =	vand.u32 $0x7, v3;
	v4 =	vand.u32 $0xFFFFFFF0, v10  }
0x379: {  	v3 =	vor.u32 v3, v4  }
0x37a: {  	v4 =	vperm.xlane v3, v0;
	_ =	sdelay $0x1  }
0x37b: {  	v3 =	vperm.xlane v3, v2;
	v4 =	vadd.s32 v1, v4;
	_ =	sdelay $0x1  }
0x37c: {  	v3 =	vadd.s32 v1, v3;
	_ =	sdelay $0x1  }
0x37d: {  	s16 =	simm.s32 $0x2800  }
0x37e: {  	[tilespmem:s16], [sflag:$0x1] =	stream.indirect_vreg.gather [hbm4b:s3+s2], $0x80, v4, vm0, $0xb8;
	[tilespmem:$0x18800] =	vst v63  }
0x37f: {  	s10 =	simm.s32 $0x3000  }
0x380: {  	[tilespmem:s10], [sflag:$0x1] =	stream.indirect_vreg.gather [hbm4b:s3+s2], $0x80, v3, vm0, $0xb8;
	[tilespmem:$0x18800] =	vst v63  }
0x381: {  	v3 =	vld [tilespmem:$0x4B0];
	_ =	sdelay $0x4  }
0x382: {  	v11 =	vshll.u32 v3, $0x1  }
0x383: {  	v3 =	vand.u32 $0x7, v3;
	v4 =	vand.u32 $0xFFFFFFF0, v11  }
0x384: {  	v3 =	vor.u32 v3, v4  }
0x385: {  	v4 =	vperm.xlane v3, v0;
	_ =	sdelay $0x1  }
0x386: {  	v3 =	vperm.xlane v3, v2;
	v4 =	vadd.s32 v1, v4;
	_ =	sdelay $0x1  }
0x387: {  	v3 =	vadd.s32 v1, v3;
	_ =	sdelay $0x1  }
0x388: {  	s14 =	simm.s32 $0x3800  }
0x389: {  	[tilespmem:s14], [sflag:$0x1] =	stream.indirect_vreg.gather [hbm4b:s3+s2], $0x80, v4, vm0, $0xb8;
	[tilespmem:$0x18800] =	vst v63  }
0x38a: {  	s11 =	simm.s32 $0x4000  }
0x38b: {  	[tilespmem:s11], [sflag:$0x1] =	stream.indirect_vreg.gather [hbm4b:s3+s2], $0x80, v3, vm0, $0xb8;
	[tilespmem:$0x18800] =	vst v63  }
0x38c: {  	v3 =	vld [tilespmem:$0x4C0];
	_ =	sdelay $0x4  }
0x38d: {  	v12 =	vshll.u32 v3, $0x1  }
0x38e: {  	v3 =	vand.u32 $0x7, v3;
	v4 =	vand.u32 $0xFFFFFFF0, v12  }
0x38f: {  	v3 =	vor.u32 v3, v4  }
0x390: {  	v4 =	vperm.xlane v3, v0;
	_ =	sdelay $0x1  }
0x391: {  	v3 =	vperm.xlane v3, v2;
	v4 =	vadd.s32 v1, v4;
	_ =	sdelay $0x1  }
0x392: {  	v3 =	vadd.s32 v1, v3;
	_ =	sdelay $0x1  }
0x393: {  	s20 =	simm.s32 $0x4800  }
0x394: {  	[tilespmem:s20], [sflag:$0x1] =	stream.indirect_vreg.gather [hbm4b:s3+s2], $0x80, v4, vm0, $0xb8;
	[tilespmem:$0x18800] =	vst v63  }
0x395: {  	s12 =	simm.s32 $0x5000  }
0x396: {  	[tilespmem:s12], [sflag:$0x1] =	stream.indirect_vreg.gather [hbm4b:s3+s2], $0x80, v3, vm0, $0xb8;
	[tilespmem:$0x18800] =	vst v63  }
0x397: {  	v3 =	vld [tilespmem:$0x4D0];
	_ =	sdelay $0x4  }
0x398: {  	v13 =	vshll.u32 v3, $0x1  }
0x399: {  	v3 =	vand.u32 $0x7, v3;
	v4 =	vand.u32 $0xFFFFFFF0, v13  }
0x39a: {  	v3 =	vor.u32 v3, v4  }
0x39b: {  	v4 =	vperm.xlane v3, v0;
	_ =	sdelay $0x1  }
0x39c: {  	v3 =	vperm.xlane v3, v2;
	v4 =	vadd.s32 v1, v4;
	_ =	sdelay $0x1  }
0x39d: {  	v3 =	vadd.s32 v1, v3;
	_ =	sdelay $0x1  }
0x39e: {  	s19 =	simm.s32 $0x5800  }
0x39f: {  	[tilespmem:s19], [sflag:$0x1] =	stream.indirect_vreg.gather [hbm4b:s3+s2], $0x80, v4, vm0, $0xb8;
	[tilespmem:$0x18800] =	vst v63  }
0x3a0: {  	s21 =	simm.s32 $0x6000  }
0x3a1: {  	[tilespmem:s21], [sflag:$0x1] =	stream.indirect_vreg.gather [hbm4b:s3+s2], $0x80, v3, vm0, $0xb8;
	[tilespmem:$0x18800] =	vst v63  }
0x3a2: {  	v3 =	vld [tilespmem:$0x4E0];
	_ =	sdelay $0x4  }
0x3a3: {  	v14 =	vshll.u32 v3, $0x1  }
0x3a4: {  	v3 =	vand.u32 $0x7, v3;
	v4 =	vand.u32 $0xFFFFFFF0, v14  }
0x3a5: {  	v3 =	vor.u32 v3, v4  }
0x3a6: {  	v4 =	vperm.xlane v3, v0;
	_ =	sdelay $0x1  }
0x3a7: {  	v3 =	vperm.xlane v3, v2;
	v4 =	vadd.s32 v1, v4;
	_ =	sdelay $0x1  }
0x3a8: {  	v3 =	vadd.s32 v1, v3;
	_ =	sdelay $0x1  }
0x3a9: {  	s21 =	simm.s32 $0x6800  }
0x3aa: {  	[tilespmem:s21], [sflag:$0x1] =	stream.indirect_vreg.gather [hbm4b:s3+s2], $0x80, v4, vm0, $0xb8;
	[tilespmem:$0x18800] =	vst v63  }
0x3ab: {  	s23 =	simm.s32 $0x7000  }
0x3ac: {  	[tilespmem:s23], [sflag:$0x1] =	stream.indirect_vreg.gather [hbm4b:s3+s2], $0x80, v3, vm0, $0xb8;
	[tilespmem:$0x18800] =	vst v63  }
0x3ad: {  	v3 =	vld [tilespmem:$0x4F0];
	_ =	sdelay $0x4  }
0x3ae: {  	v15 =	vshll.u32 v3, $0x1  }
0x3af: {  	v3 =	vand.u32 $0x7, v3;
	v4 =	vand.u32 $0xFFFFFFF0, v15  }
0x3b0: {  	v3 =	vor.u32 v3, v4  }
0x3b1: {  	v4 =	vperm.xlane v3, v0;
	_ =	sdelay $0x1  }
0x3b2: {  	v3 =	vperm.xlane v3, v2;
	v4 =	vadd.s32 v1, v4;
	_ =	sdelay $0x1  }
0x3b3: {  	v3 =	vadd.s32 v1, v3;
	_ =	sdelay $0x1  }
0x3b4: {  	s23 =	simm.s32 $0x7800  }
0x3b5: {  	[tilespmem:s23], [sflag:$0x1] =	stream.indirect_vreg.gather [hbm4b:s3+s2], $0x80, v4, vm0, $0xb8;
	[tilespmem:$0x18800] =	vst v63  }
0x3b6: {  	s13 =	simm.s32 $0x8000  }
0x3b7: {  	[tilespmem:s13], [sflag:$0x1] =	stream.indirect_vreg.gather [hbm4b:s3+s2], $0x80, v3, vm0, $0xb8;
	[tilespmem:$0x18800] =	vst v63  }
0x3b8: {  	_ =	swait.ge [sflag:s22], $0x8000  }
0x3b9: {  	[sflag:s22] =	ssyncset.done $0x0  }
0x3ba: {  	s24 =	rddreg [dreg:$0xc];
	[sflag:s22] =	ssyncadd.s32 $0xFFFF8000  }
0x3bb: {  	[hbm4b:s24+s2] =	stream.linear.scatter [tilespmem:s4], [sflag:$0x2], $0x8000, $0x38;
	[tilespmem:$0x18800] =	vst v63  }
0x3bc: {  	_ =	swait.ge [sflag:s29], $0x8000  }
0x3bd: {  	[sflag:s29] =	ssyncset.done $0x0  }
0x3be: {  	[sflag:s29] =	ssyncadd.s32 $0xFFFF8000  }
0x3bf: {  	v3 =	vld [tilespmem:$0x500];
	_ =	sdelay $0x4  }
0x3c0: {  	v16 =	vshll.u32 v3, $0x1  }
0x3c1: {  	v3 =	vand.u32 $0x7, v3;
	v4 =	vand.u32 $0xFFFFFFF0, v16  }
0x3c2: {  	v3 =	vor.u32 v3, v4  }
0x3c3: {  	v4 =	vperm.xlane v3, v0;
	_ =	sdelay $0x1  }
0x3c4: {  	v3 =	vperm.xlane v3, v2;
	v4 =	vadd.s32 v1, v4;
	_ =	sdelay $0x1  }
0x3c5: {  	v3 =	vadd.s32 v1, v3;
	_ =	sdelay $0x1  }
0x3c6: {  	s30 =	simm.s32 $0x8800  }
0x3c7: {  	[tilespmem:s30], [sflag:$0x1] =	stream.indirect_vreg.gather [hbm4b:s3+s2], $0x80, v4, vm0, $0xb8;
	[tilespmem:$0x18800] =	vst v63  }
0x3c8: {  	s31 =	simm.s32 $0x9000  }
0x3c9: {  	[tilespmem:s31], [sflag:$0x1] =	stream.indirect_vreg.gather [hbm4b:s3+s2], $0x80, v3, vm0, $0xb8;
	[tilespmem:$0x18800] =	vst v63  }
0x3ca: {  	v3 =	vld [tilespmem:$0x510];
	_ =	sdelay $0x4  }
0x3cb: {  	v17 =	vshll.u32 v3, $0x1  }
0x3cc: {  	v3 =	vand.u32 $0x7, v3;
	v4 =	vand.u32 $0xFFFFFFF0, v17  }
0x3cd: {  	v3 =	vor.u32 v3, v4  }
0x3ce: {  	v4 =	vperm.xlane v3, v0;
	_ =	sdelay $0x1  }
0x3cf: {  	v3 =	vperm.xlane v3, v2;
	v4 =	vadd.s32 v1, v4;
	_ =	sdelay $0x1  }
0x3d0: {  	v3 =	vadd.s32 v1, v3;
	_ =	sdelay $0x1  }
0x3d1: {  	s4 =	simm.s32 $0x9800  }
0x3d2: {  	[tilespmem:s4], [sflag:$0x1] =	stream.indirect_vreg.gather [hbm4b:s3+s2], $0x80, v4, vm0, $0xb8;
	[tilespmem:$0x18800] =	vst v63  }
0x3d3: {  	s24 =	simm.s32 $0xA000  }
0x3d4: {  	[tilespmem:s24], [sflag:$0x1] =	stream.indirect_vreg.gather [hbm4b:s3+s2], $0x80, v3, vm0, $0xb8;
	[tilespmem:$0x18800] =	vst v63  }
0x3d5: {  	v3 =	vld [tilespmem:$0x520];
	_ =	sdelay $0x4  }
0x3d6: {  	v18 =	vshll.u32 v3, $0x1  }
0x3d7: {  	v3 =	vand.u32 $0x7, v3;
	v4 =	vand.u32 $0xFFFFFFF0, v18  }
0x3d8: {  	v3 =	vor.u32 v3, v4  }
0x3d9: {  	v4 =	vperm.xlane v3, v0;
	_ =	sdelay $0x1  }
0x3da: {  	v3 =	vperm.xlane v3, v2;
	v4 =	vadd.s32 v1, v4;
	_ =	sdelay $0x1  }
0x3db: {  	v3 =	vadd.s32 v1, v3;
	_ =	sdelay $0x1  }
0x3dc: {  	s31 =	simm.s32 $0xA800  }
0x3dd: {  	[tilespmem:s31], [sflag:$0x1] =	stream.indirect_vreg.gather [hbm4b:s3+s2], $0x80, v4, vm0, $0xb8;
	[tilespmem:$0x18800] =	vst v63  }
0x3de: {  	_ = 	snop  }
0x3df: {  	[tilespmem:s9], [sflag:$0x1] =	stream.indirect_vreg.gather [hbm4b:s3+s2], $0x80, v3, vm0, $0xb8;
	[tilespmem:$0x18800] =	vst v63  }
0x3e0: {  	v3 =	vld [tilespmem:$0x530];
	_ =	sdelay $0x4  }
0x3e1: {  	v19 =	vshll.u32 v3, $0x1  }
0x3e2: {  	v3 =	vand.u32 $0x7, v3;
	v4 =	vand.u32 $0xFFFFFFF0, v19  }
0x3e3: {  	v3 =	vor.u32 v3, v4  }
0x3e4: {  	v4 =	vperm.xlane v3, v0;
	_ =	sdelay $0x1  }
0x3e5: {  	v3 =	vperm.xlane v3, v2;
	v4 =	vadd.s32 v1, v4;
	_ =	sdelay $0x1  }
0x3e6: {  	v3 =	vadd.s32 v1, v3;
	_ =	sdelay $0x1  }
0x3e7: {  	s24 =	simm.s32 $0xB800  }
0x3e8: {  	[tilespmem:s24], [sflag:$0x1] =	stream.indirect_vreg.gather [hbm4b:s3+s2], $0x80, v4, vm0, $0xb8;
	[tilespmem:$0x18800] =	vst v63  }
0x3e9: {  	s31 =	simm.s32 $0xC000  }
0x3ea: {  	[tilespmem:s31], [sflag:$0x1] =	stream.indirect_vreg.gather [hbm4b:s3+s2], $0x80, v3, vm0, $0xb8;
	[tilespmem:$0x18800] =	vst v63  }
0x3eb: {  	v3 =	vld [tilespmem:$0x540];
	_ =	sdelay $0x4  }
0x3ec: {  	v20 =	vshll.u32 v3, $0x1  }
0x3ed: {  	v3 =	vand.u32 $0x7, v3;
	v4 =	vand.u32 $0xFFFFFFF0, v20  }
0x3ee: {  	v3 =	vor.u32 v3, v4  }
0x3ef: {  	v4 =	vperm.xlane v3, v0;
	_ =	sdelay $0x1  }
0x3f0: {  	v3 =	vperm.xlane v3, v2;
	v4 =	vadd.s32 v1, v4;
	_ =	sdelay $0x1  }
0x3f1: {  	v3 =	vadd.s32 v1, v3;
	_ =	sdelay $0x1  }
0x3f2: {  	s9 =	simm.s32 $0xC800  }
0x3f3: {  	[tilespmem:s9], [sflag:$0x1] =	stream.indirect_vreg.gather [hbm4b:s3+s2], $0x80, v4, vm0, $0xb8;
	[tilespmem:$0x18800] =	vst v63  }
0x3f4: {  	s24 =	simm.s32 $0xD000  }
0x3f5: {  	[tilespmem:s24], [sflag:$0x1] =	stream.indirect_vreg.gather [hbm4b:s3+s2], $0x80, v3, vm0, $0xb8;
	[tilespmem:$0x18800] =	vst v63  }
0x3f6: {  	v3 =	vld [tilespmem:$0x550];
	_ =	sdelay $0x4  }
0x3f7: {  	v21 =	vshll.u32 v3, $0x1  }
0x3f8: {  	v3 =	vand.u32 $0x7, v3;
	v4 =	vand.u32 $0xFFFFFFF0, v21  }
0x3f9: {  	v3 =	vor.u32 v3, v4  }
0x3fa: {  	v4 =	vperm.xlane v3, v0;
	_ =	sdelay $0x1  }
0x3fb: {  	v3 =	vperm.xlane v3, v2;
	v4 =	vadd.s32 v1, v4;
	_ =	sdelay $0x1  }
0x3fc: {  	v3 =	vadd.s32 v1, v3;
	_ =	sdelay $0x1  }
0x3fd: {  	s31 =	simm.s32 $0xD800  }
0x3fe: {  	[tilespmem:s31], [sflag:$0x1] =	stream.indirect_vreg.gather [hbm4b:s3+s2], $0x80, v4, vm0, $0xb8;
	[tilespmem:$0x18800] =	vst v63  }
0x3ff: {  	s9 =	simm.s32 $0xE000  }
0x400: {  	[tilespmem:s9], [sflag:$0x1] =	stream.indirect_vreg.gather [hbm4b:s3+s2], $0x80, v3, vm0, $0xb8;
	[tilespmem:$0x18800] =	vst v63  }
0x401: {  	v3 =	vld [tilespmem:$0x560];
	_ =	sdelay $0x4  }
0x402: {  	v22 =	vshll.u32 v3, $0x1  }
0x403: {  	v3 =	vand.u32 $0x7, v3;
	v4 =	vand.u32 $0xFFFFFFF0, v22  }
0x404: {  	v3 =	vor.u32 v3, v4  }
0x405: {  	v4 =	vperm.xlane v3, v0;
	_ =	sdelay $0x1  }
0x406: {  	v3 =	vperm.xlane v3, v2;
	v4 =	vadd.s32 v1, v4;
	_ =	sdelay $0x1  }
0x407: {  	v3 =	vadd.s32 v1, v3;
	_ =	sdelay $0x2  }
0x408: {  	[tilespmem:s18], [sflag:$0x1] =	stream.indirect_vreg.gather [hbm4b:s3+s2], $0x80, v4, vm0, $0xb8;
	[tilespmem:$0x18800] =	vst v63  }
0x409: {  	s18 =	simm.s32 $0xF000  }
0x40a: {  	[tilespmem:s18], [sflag:$0x1] =	stream.indirect_vreg.gather [hbm4b:s3+s2], $0x80, v3, vm0, $0xb8;
	[tilespmem:$0x18800] =	vst v63  }
0x40b: {  	v3 =	vld [tilespmem:$0x570];
	_ =	sdelay $0x4  }
0x40c: {  	v23 =	vshll.u32 v3, $0x1  }
0x40d: {  	v3 =	vand.u32 $0x7, v3;
	v4 =	vand.u32 $0xFFFFFFF0, v23  }
0x40e: {  	v3 =	vor.u32 v3, v4  }
0x40f: {  	v4 =	vperm.xlane v3, v0;
	_ =	sdelay $0x1  }
0x410: {  	v3 =	vperm.xlane v3, v2;
	v4 =	vadd.s32 v1, v4;
	_ =	sdelay $0x1  }
0x411: {  	v3 =	vadd.s32 v1, v3;
	_ =	sdelay $0x1  }
0x412: {  	s24 =	simm.s32 $0xF800  }
0x413: {  	[tilespmem:s24], [sflag:$0x1] =	stream.indirect_vreg.gather [hbm4b:s3+s2], $0x80, v4, vm0, $0xb8;
	[tilespmem:$0x18800] =	vst v63  }
0x414: {  	s31 =	simm.s32 $0x10000  }
0x415: {  	[tilespmem:s31], [sflag:$0x1] =	stream.indirect_vreg.gather [hbm4b:s3+s2], $0x80, v3, vm0, $0xb8;
	[tilespmem:$0x18800] =	vst v63  }
0x416: {  	_ =	swait.ge [sflag:s22], $0x8000  }
0x417: {  	[sflag:s22] =	ssyncset.done $0x0  }
0x418: {  	s4 =	rddreg [dreg:$0xd];
	[sflag:s22] =	ssyncadd.s32 $0xFFFF8000  }
0x419: {  	[hbm4b:s4+s2] =	stream.linear.scatter [tilespmem:s30], [sflag:$0x3], $0x8000, $0x38;
	[tilespmem:$0x18800] =	vst v63  }
0x41a: {  	_ =	swait.ge [sflag:s1], $0x8000  }
0x41b: {  	[sflag:s1] =	ssyncset.done $0x0  }
0x41c: {  	[sflag:s1] =	ssyncadd.s32 $0xFFFF8000  }
0x41d: {  	v3 =	vld [tilespmem:$0x580];
	_ =	sdelay $0x4  }
0x41e: {  	v24 =	vshll.u32 v3, $0x1  }
0x41f: {  	v3 =	vand.u32 $0x7, v3;
	v4 =	vand.u32 $0xFFFFFFF0, v24  }
0x420: {  	v3 =	vor.u32 v3, v4  }
0x421: {  	v4 =	vperm.xlane v3, v0;
	_ =	sdelay $0x1  }
0x422: {  	v3 =	vperm.xlane v3, v2;
	v4 =	vadd.s32 v1, v4;
	_ =	sdelay $0x1  }
0x423: {  	v3 =	vadd.s32 v1, v3;
	_ =	sdelay $0x1  }
0x424: {  	s4 =	simm.s32 $0x10800  }
0x425: {  	[tilespmem:s4], [sflag:$0x1] =	stream.indirect_vreg.gather [hbm4b:s3+s2], $0x80, v4, vm0, $0xb8;
	[tilespmem:$0x18800] =	vst v63  }
0x426: {  	_ = 	snop  }
0x427: {  	[tilespmem:s17], [sflag:$0x1] =	stream.indirect_vreg.gather [hbm4b:s3+s2], $0x80, v3, vm0, $0xb8;
	[tilespmem:$0x18800] =	vst v63  }
0x428: {  	v3 =	vld [tilespmem:$0x590];
	_ =	sdelay $0x4  }
0x429: {  	v25 =	vshll.u32 v3, $0x1  }
0x42a: {  	v3 =	vand.u32 $0x7, v3;
	v4 =	vand.u32 $0xFFFFFFF0, v25  }
0x42b: {  	v3 =	vor.u32 v3, v4  }
0x42c: {  	v4 =	vperm.xlane v3, v0;
	_ =	sdelay $0x1  }
0x42d: {  	v3 =	vperm.xlane v3, v2;
	v4 =	vadd.s32 v1, v4;
	_ =	sdelay $0x1  }
0x42e: {  	v3 =	vadd.s32 v1, v3;
	_ =	sdelay $0x1  }
0x42f: {  	s9 =	simm.s32 $0x11800  }
0x430: {  	[tilespmem:s9], [sflag:$0x1] =	stream.indirect_vreg.gather [hbm4b:s3+s2], $0x80, v4, vm0, $0xb8;
	[tilespmem:$0x18800] =	vst v63  }
0x431: {  	_ = 	snop  }
0x432: {  	[tilespmem:s0], [sflag:$0x1] =	stream.indirect_vreg.gather [hbm4b:s3+s2], $0x80, v3, vm0, $0xb8;
	[tilespmem:$0x18800] =	vst v63  }
0x433: {  	v3 =	vld [tilespmem:$0x5A0];
	_ =	sdelay $0x4  }
0x434: {  	v26 =	vshll.u32 v3, $0x1  }
0x435: {  	v3 =	vand.u32 $0x7, v3;
	v4 =	vand.u32 $0xFFFFFFF0, v26  }
0x436: {  	v3 =	vor.u32 v3, v4  }
0x437: {  	v4 =	vperm.xlane v3, v0;
	_ =	sdelay $0x1  }
0x438: {  	v3 =	vperm.xlane v3, v2;
	v4 =	vadd.s32 v1, v4;
	_ =	sdelay $0x1  }
0x439: {  	v3 =	vadd.s32 v1, v3;
	_ =	sdelay $0x1  }
0x43a: {  	s17 =	simm.s32 $0x12800  }
0x43b: {  	[tilespmem:s17], [sflag:$0x1] =	stream.indirect_vreg.gather [hbm4b:s3+s2], $0x80, v4, vm0, $0xb8;
	[tilespmem:$0x18800] =	vst v63  }
0x43c: {  	_ = 	snop  }
0x43d: {  	[tilespmem:s25], [sflag:$0x1] =	stream.indirect_vreg.gather [hbm4b:s3+s2], $0x80, v3, vm0, $0xb8;
	[tilespmem:$0x18800] =	vst v63  }
0x43e: {  	v3 =	vld [tilespmem:$0x5B0];
	_ =	sdelay $0x4  }
0x43f: {  	v27 =	vshll.u32 v3, $0x1  }
0x440: {  	v3 =	vand.u32 $0x7, v3;
	v4 =	vand.u32 $0xFFFFFFF0, v27  }
0x441: {  	v3 =	vor.u32 v3, v4  }
0x442: {  	v4 =	vperm.xlane v3, v0;
	_ =	sdelay $0x1  }
0x443: {  	v3 =	vperm.xlane v3, v2;
	v4 =	vadd.s32 v1, v4;
	_ =	sdelay $0x1  }
0x444: {  	v3 =	vadd.s32 v1, v3;
	_ =	sdelay $0x1  }
0x445: {  	s18 =	simm.s32 $0x13800  }
0x446: {  	[tilespmem:s18], [sflag:$0x1] =	stream.indirect_vreg.gather [hbm4b:s3+s2], $0x80, v4, vm0, $0xb8;
	[tilespmem:$0x18800] =	vst v63  }
0x447: {  	_ = 	snop  }
0x448: {  	[tilespmem:s28], [sflag:$0x1] =	stream.indirect_vreg.gather [hbm4b:s3+s2], $0x80, v3, vm0, $0xb8;
	[tilespmem:$0x18800] =	vst v63  }
0x449: {  	v3 =	vld [tilespmem:$0x5C0];
	_ =	sdelay $0x4  }
0x44a: {  	v28 =	vshll.u32 v3, $0x1  }
0x44b: {  	v3 =	vand.u32 $0x7, v3;
	v4 =	vand.u32 $0xFFFFFFF0, v28  }
0x44c: {  	v3 =	vor.u32 v3, v4  }
0x44d: {  	v4 =	vperm.xlane v3, v0;
	_ =	sdelay $0x1  }
0x44e: {  	v3 =	vperm.xlane v3, v2;
	v4 =	vadd.s32 v1, v4;
	_ =	sdelay $0x1  }
0x44f: {  	v3 =	vadd.s32 v1, v3;
	_ =	sdelay $0x1  }
0x450: {  	s24 =	simm.s32 $0x14800  }
0x451: {  	[tilespmem:s24], [sflag:$0x1] =	stream.indirect_vreg.gather [hbm4b:s3+s2], $0x80, v4, vm0, $0xb8;
	[tilespmem:$0x18800] =	vst v63  }
0x452: {  	_ = 	snop  }
0x453: {  	[tilespmem:s6], [sflag:$0x1] =	stream.indirect_vreg.gather [hbm4b:s3+s2], $0x80, v3, vm0, $0xb8;
	[tilespmem:$0x18800] =	vst v63  }
0x454: {  	v3 =	vld [tilespmem:$0x5D0];
	_ =	sdelay $0x4  }
0x455: {  	v29 =	vshll.u32 v3, $0x1  }
0x456: {  	v3 =	vand.u32 $0x7, v3;
	v4 =	vand.u32 $0xFFFFFFF0, v29  }
0x457: {  	v3 =	vor.u32 v3, v4  }
0x458: {  	v4 =	vperm.xlane v3, v0;
	_ =	sdelay $0x1  }
0x459: {  	v3 =	vperm.xlane v3, v2;
	v4 =	vadd.s32 v1, v4;
	_ =	sdelay $0x1  }
0x45a: {  	v3 =	vadd.s32 v1, v3;
	_ =	sdelay $0x1  }
0x45b: {  	s6 =	simm.s32 $0x15800  }
0x45c: {  	[tilespmem:s6], [sflag:$0x1] =	stream.indirect_vreg.gather [hbm4b:s3+s2], $0x80, v4, vm0, $0xb8;
	[tilespmem:$0x18800] =	vst v63  }
0x45d: {  	_ = 	snop  }
0x45e: {  	[tilespmem:s7], [sflag:$0x1] =	stream.indirect_vreg.gather [hbm4b:s3+s2], $0x80, v3, vm0, $0xb8;
	[tilespmem:$0x18800] =	vst v63  }
0x45f: {  	v3 =	vld [tilespmem:$0x5E0];
	_ =	sdelay $0x4  }
0x460: {  	v30 =	vshll.u32 v3, $0x1  }
0x461: {  	v3 =	vand.u32 $0x7, v3;
	v4 =	vand.u32 $0xFFFFFFF0, v30  }
0x462: {  	v3 =	vor.u32 v3, v4  }
0x463: {  	v4 =	vperm.xlane v3, v0;
	_ =	sdelay $0x1  }
0x464: {  	v3 =	vperm.xlane v3, v2;
	v4 =	vadd.s32 v1, v4;
	_ =	sdelay $0x1  }
0x465: {  	v3 =	vadd.s32 v1, v3;
	_ =	sdelay $0x1  }
0x466: {  	s7 =	simm.s32 $0x16800  }
0x467: {  	[tilespmem:s7], [sflag:$0x1] =	stream.indirect_vreg.gather [hbm4b:s3+s2], $0x80, v4, vm0, $0xb8;
	[tilespmem:$0x18800] =	vst v63  }
0x468: {  	s31 =	simm.s32 $0x17000  }
0x469: {  	[tilespmem:s31], [sflag:$0x1] =	stream.indirect_vreg.gather [hbm4b:s3+s2], $0x80, v3, vm0, $0xb8;
	[tilespmem:$0x18800] =	vst v63  }
0x46a: {  	v3 =	vld [tilespmem:$0x5F0];
	_ =	sdelay $0x4  }
0x46b: {  	v31 =	vshll.u32 v3, $0x1  }
0x46c: {  	v3 =	vand.u32 $0x7, v3;
	v4 =	vand.u32 $0xFFFFFFF0, v31  }
0x46d: {  	v3 =	vor.u32 v3, v4  }
0x46e: {  	v4 =	vperm.xlane v3, v0;
	_ =	sdelay $0x1  }
0x46f: {  	v3 =	vperm.xlane v3, v2;
	v4 =	vadd.s32 v1, v4;
	_ =	sdelay $0x1  }
0x470: {  	v3 =	vadd.s32 v1, v3;
	_ =	sdelay $0x1  }
0x471: {  	s6 =	simm.s32 $0x17800  }
0x472: {  	[tilespmem:s6], [sflag:$0x1] =	stream.indirect_vreg.gather [hbm4b:s3+s2], $0x80, v4, vm0, $0xb8;
	[tilespmem:$0x18800] =	vst v63  }
0x473: {  	_ = 	snop  }
0x474: {  	[tilespmem:s8], [sflag:$0x1] =	stream.indirect_vreg.gather [hbm4b:s3+s2], $0x80, v3, vm0, $0xb8;
	[tilespmem:$0x18800] =	vst v63  }
0x475: {  	_ =	swait.ge [sflag:s22], $0x8000  }
0x476: {  	[sflag:s22] =	ssyncset.done $0x0  }
0x477: {  	s7 =	rddreg [dreg:$0xe];
	[sflag:s22] =	ssyncadd.s32 $0xFFFF8000  }
0x478: {  	[hbm4b:s7+s2] =	stream.linear.scatter [tilespmem:s4], [sflag:$0x4], $0x8000, $0x38;
	[tilespmem:$0x18800] =	vst v63  }
0x479: {  	_ =	swait.ge [sflag:s26], $0x8000  }
0x47a: {  	[sflag:s26] =	ssyncset.done $0x0  }
0x47b: {  	[sflag:s26] =	ssyncadd.s32 $0xFFFF8000  }
0x47c: {  	v3 =	vld [tilespmem:$0x600];
	_ =	sdelay $0x4  }
0x47d: {  	v32 =	vshll.u32 v3, $0x1  }
0x47e: {  	v3 =	vand.u32 $0x7, v3;
	v4 =	vand.u32 $0xFFFFFFF0, v32  }
0x47f: {  	v3 =	vor.u32 v3, v4  }
0x480: {  	v4 =	vperm.xlane v3, v0;
	_ =	sdelay $0x1  }
0x481: {  	v3 =	vperm.xlane v3, v2;
	v4 =	vadd.s32 v1, v4;
	_ =	sdelay $0x1  }
0x482: {  	v3 =	vadd.s32 v1, v3;
	_ =	sdelay $0x1  }
0x483: {  	s0 =	simm.s32 $0x800  }
0x484: {  	[tilespmem:s0], [sflag:$0x1] =	stream.indirect_vreg.gather [hbm4b:s3+s2], $0x80, v4, vm0, $0xb8;
	[tilespmem:$0x18800] =	vst v63  }
0x485: {  	_ = 	snop  }
0x486: {  	[tilespmem:s5], [sflag:$0x1] =	stream.indirect_vreg.gather [hbm4b:s3+s2], $0x80, v3, vm0, $0xb8;
	[tilespmem:$0x18800] =	vst v63  }
0x487: {  	v3 =	vld [tilespmem:$0x610];
	_ =	sdelay $0x4  }
0x488: {  	v33 =	vshll.u32 v3, $0x1  }
0x489: {  	v3 =	vand.u32 $0x7, v3;
	v4 =	vand.u32 $0xFFFFFFF0, v33  }
0x48a: {  	v3 =	vor.u32 v3, v4  }
0x48b: {  	v4 =	vperm.xlane v3, v0;
	_ =	sdelay $0x1  }
0x48c: {  	v3 =	vperm.xlane v3, v2;
	v4 =	vadd.s32 v1, v4;
	_ =	sdelay $0x1  }
0x48d: {  	v3 =	vadd.s32 v1, v3;
	_ =	sdelay $0x2  }
0x48e: {  	[tilespmem:s15], [sflag:$0x1] =	stream.indirect_vreg.gather [hbm4b:s3+s2], $0x80, v4, vm0, $0xb8;
	[tilespmem:$0x18800] =	vst v63  }
0x48f: {  	s8 =	simm.s32 $0x2000  }
0x490: {  	[tilespmem:s8], [sflag:$0x1] =	stream.indirect_vreg.gather [hbm4b:s3+s2], $0x80, v3, vm0, $0xb8;
	[tilespmem:$0x18800] =	vst v63  }
0x491: {  	v3 =	vld [tilespmem:$0x620];
	_ =	sdelay $0x4  }
0x492: {  	v34 =	vshll.u32 v3, $0x1  }
0x493: {  	v3 =	vand.u32 $0x7, v3;
	v4 =	vand.u32 $0xFFFFFFF0, v34  }
0x494: {  	v3 =	vor.u32 v3, v4  }
0x495: {  	v4 =	vperm.xlane v3, v0;
	_ =	sdelay $0x1  }
0x496: {  	v3 =	vperm.xlane v3, v2;
	v4 =	vadd.s32 v1, v4;
	_ =	sdelay $0x1  }
0x497: {  	v3 =	vadd.s32 v1, v3;
	_ =	sdelay $0x2  }
0x498: {  	[tilespmem:s16], [sflag:$0x1] =	stream.indirect_vreg.gather [hbm4b:s3+s2], $0x80, v4, vm0, $0xb8;
	[tilespmem:$0x18800] =	vst v63  }
0x499: {  	_ = 	snop  }
0x49a: {  	[tilespmem:s10], [sflag:$0x1] =	stream.indirect_vreg.gather [hbm4b:s3+s2], $0x80, v3, vm0, $0xb8;
	[tilespmem:$0x18800] =	vst v63  }
0x49b: {  	v3 =	vld [tilespmem:$0x630];
	_ =	sdelay $0x4  }
0x49c: {  	v35 =	vshll.u32 v3, $0x1  }
0x49d: {  	v3 =	vand.u32 $0x7, v3;
	v4 =	vand.u32 $0xFFFFFFF0, v35  }
0x49e: {  	v3 =	vor.u32 v3, v4  }
0x49f: {  	v4 =	vperm.xlane v3, v0;
	_ =	sdelay $0x1  }
0x4a0: {  	v3 =	vperm.xlane v3, v2;
	v4 =	vadd.s32 v1, v4;
	_ =	sdelay $0x1  }
0x4a1: {  	v3 =	vadd.s32 v1, v3;
	_ =	sdelay $0x2  }
0x4a2: {  	[tilespmem:s14], [sflag:$0x1] =	stream.indirect_vreg.gather [hbm4b:s3+s2], $0x80, v4, vm0, $0xb8;
	[tilespmem:$0x18800] =	vst v63  }
0x4a3: {  	_ = 	snop  }
0x4a4: {  	[tilespmem:s11], [sflag:$0x1] =	stream.indirect_vreg.gather [hbm4b:s3+s2], $0x80, v3, vm0, $0xb8;
	[tilespmem:$0x18800] =	vst v63  }
0x4a5: {  	v3 =	vld [tilespmem:$0x640];
	_ =	sdelay $0x4  }
0x4a6: {  	v36 =	vshll.u32 v3, $0x1  }
0x4a7: {  	v3 =	vand.u32 $0x7, v3;
	v4 =	vand.u32 $0xFFFFFFF0, v36  }
0x4a8: {  	v3 =	vor.u32 v3, v4  }
0x4a9: {  	v4 =	vperm.xlane v3, v0;
	_ =	sdelay $0x1  }
0x4aa: {  	v3 =	vperm.xlane v3, v2;
	v4 =	vadd.s32 v1, v4;
	_ =	sdelay $0x1  }
0x4ab: {  	v3 =	vadd.s32 v1, v3;
	_ =	sdelay $0x2  }
0x4ac: {  	[tilespmem:s20], [sflag:$0x1] =	stream.indirect_vreg.gather [hbm4b:s3+s2], $0x80, v4, vm0, $0xb8;
	[tilespmem:$0x18800] =	vst v63  }
0x4ad: {  	_ = 	snop  }
0x4ae: {  	[tilespmem:s12], [sflag:$0x1] =	stream.indirect_vreg.gather [hbm4b:s3+s2], $0x80, v3, vm0, $0xb8;
	[tilespmem:$0x18800] =	vst v63  }
0x4af: {  	v3 =	vld [tilespmem:$0x650];
	_ =	sdelay $0x4  }
0x4b0: {  	v37 =	vshll.u32 v3, $0x1  }
0x4b1: {  	v3 =	vand.u32 $0x7, v3;
	v4 =	vand.u32 $0xFFFFFFF0, v37  }
0x4b2: {  	v3 =	vor.u32 v3, v4  }
0x4b3: {  	v4 =	vperm.xlane v3, v0;
	_ =	sdelay $0x1  }
0x4b4: {  	v3 =	vperm.xlane v3, v2;
	v4 =	vadd.s32 v1, v4;
	_ =	sdelay $0x1  }
0x4b5: {  	v3 =	vadd.s32 v1, v3;
	_ =	sdelay $0x2  }
0x4b6: {  	[tilespmem:s19], [sflag:$0x1] =	stream.indirect_vreg.gather [hbm4b:s3+s2], $0x80, v4, vm0, $0xb8;
	[tilespmem:$0x18800] =	vst v63  }
0x4b7: {  	s20 =	simm.s32 $0x6000  }
0x4b8: {  	[tilespmem:s20], [sflag:$0x1] =	stream.indirect_vreg.gather [hbm4b:s3+s2], $0x80, v3, vm0, $0xb8;
	[tilespmem:$0x18800] =	vst v63  }
0x4b9: {  	v3 =	vld [tilespmem:$0x660];
	_ =	sdelay $0x4  }
0x4ba: {  	v38 =	vshll.u32 v3, $0x1  }
0x4bb: {  	v3 =	vand.u32 $0x7, v3;
	v4 =	vand.u32 $0xFFFFFFF0, v38  }
0x4bc: {  	v3 =	vor.u32 v3, v4  }
0x4bd: {  	v4 =	vperm.xlane v3, v0;
	_ =	sdelay $0x1  }
0x4be: {  	v3 =	vperm.xlane v3, v2;
	v4 =	vadd.s32 v1, v4;
	_ =	sdelay $0x1  }
0x4bf: {  	v3 =	vadd.s32 v1, v3;
	_ =	sdelay $0x2  }
0x4c0: {  	[tilespmem:s21], [sflag:$0x1] =	stream.indirect_vreg.gather [hbm4b:s3+s2], $0x80, v4, vm0, $0xb8;
	[tilespmem:$0x18800] =	vst v63  }
0x4c1: {  	s20 =	simm.s32 $0x7000  }
0x4c2: {  	[tilespmem:s20], [sflag:$0x1] =	stream.indirect_vreg.gather [hbm4b:s3+s2], $0x80, v3, vm0, $0xb8;
	[tilespmem:$0x18800] =	vst v63  }
0x4c3: {  	v3 =	vld [tilespmem:$0x670];
	_ =	sdelay $0x4  }
0x4c4: {  	v39 =	vshll.u32 v3, $0x1  }
0x4c5: {  	v3 =	vand.u32 $0x7, v3;
	v4 =	vand.u32 $0xFFFFFFF0, v39  }
0x4c6: {  	v3 =	vor.u32 v3, v4  }
0x4c7: {  	v4 =	vperm.xlane v3, v0;
	_ =	sdelay $0x1  }
0x4c8: {  	v3 =	vperm.xlane v3, v2;
	v4 =	vadd.s32 v1, v4;
	_ =	sdelay $0x1  }
0x4c9: {  	v3 =	vadd.s32 v1, v3;
	_ =	sdelay $0x2  }
0x4ca: {  	[tilespmem:s23], [sflag:$0x1] =	stream.indirect_vreg.gather [hbm4b:s3+s2], $0x80, v4, vm0, $0xb8;
	[tilespmem:$0x18800] =	vst v63  }
0x4cb: {  	_ = 	snop  }
0x4cc: {  	[tilespmem:s13], [sflag:$0x1] =	stream.indirect_vreg.gather [hbm4b:s3+s2], $0x80, v3, vm0, $0xb8;
	[tilespmem:$0x18800] =	vst v63  }
0x4cd: {  	_ =	swait.ge [sflag:s22], $0x8000  }
0x4ce: {  	[sflag:s22] =	ssyncset.done $0x0  }
0x4cf: {  	s21 =	rddreg [dreg:$0xf];
	[sflag:s22] =	ssyncadd.s32 $0xFFFF8000  }
0x4d0: {  	[hbm4b:s21+s2] =	stream.linear.scatter [tilespmem:s0], [sflag:$0x2], $0x8000, $0x38;
	[tilespmem:$0x18800] =	vst v63  }
0x4d1: {  	_ =	swait.ge [sflag:s29], $0x8000  }
0x4d2: {  	[sflag:s29] =	ssyncset.done $0x0  }
0x4d3: {  	[sflag:s29] =	ssyncadd.s32 $0xFFFF8000  }
0x4d4: {  	v3 =	vld [tilespmem:$0x680];
	_ =	sdelay $0x4  }
0x4d5: {  	v40 =	vshll.u32 v3, $0x1  }
0x4d6: {  	v3 =	vand.u32 $0x7, v3;
	v4 =	vand.u32 $0xFFFFFFF0, v40  }
0x4d7: {  	v3 =	vor.u32 v3, v4  }
0x4d8: {  	v4 =	vperm.xlane v3, v0;
	_ =	sdelay $0x1  }
0x4d9: {  	v3 =	vperm.xlane v3, v2;
	v4 =	vadd.s32 v1, v4;
	_ =	sdelay $0x1  }
0x4da: {  	v3 =	vadd.s32 v1, v3;
	_ =	sdelay $0x2  }
0x4db: {  	[tilespmem:s30], [sflag:$0x1] =	stream.indirect_vreg.gather [hbm4b:s3+s2], $0x80, v4, vm0, $0xb8;
	[tilespmem:$0x18800] =	vst v63  }
0x4dc: {  	s23 =	simm.s32 $0x9000  }
0x4dd: {  	[tilespmem:s23], [sflag:$0x1] =	stream.indirect_vreg.gather [hbm4b:s3+s2], $0x80, v3, vm0, $0xb8;
	[tilespmem:$0x18800] =	vst v63  }
0x4de: {  	v3 =	vld [tilespmem:$0x690];
	_ =	sdelay $0x4  }
0x4df: {  	v41 =	vshll.u32 v3, $0x1  }
0x4e0: {  	v3 =	vand.u32 $0x7, v3;
	v4 =	vand.u32 $0xFFFFFFF0, v41  }
0x4e1: {  	v3 =	vor.u32 v3, v4  }
0x4e2: {  	v4 =	vperm.xlane v3, v0;
	_ =	sdelay $0x1  }
0x4e3: {  	v3 =	vperm.xlane v3, v2;
	v4 =	vadd.s32 v1, v4;
	_ =	sdelay $0x1  }
0x4e4: {  	v3 =	vadd.s32 v1, v3;
	_ =	sdelay $0x1  }
0x4e5: {  	s31 =	simm.s32 $0x9800  }
0x4e6: {  	[tilespmem:s31], [sflag:$0x1] =	stream.indirect_vreg.gather [hbm4b:s3+s2], $0x80, v4, vm0, $0xb8;
	[tilespmem:$0x18800] =	vst v63  }
0x4e7: {  	s21 =	simm.s32 $0xA000  }
0x4e8: {  	[tilespmem:s21], [sflag:$0x1] =	stream.indirect_vreg.gather [hbm4b:s3+s2], $0x80, v3, vm0, $0xb8;
	[tilespmem:$0x18800] =	vst v63  }
0x4e9: {  	v3 =	vld [tilespmem:$0x6A0];
	_ =	sdelay $0x4  }
0x4ea: {  	v42 =	vshll.u32 v3, $0x1  }
0x4eb: {  	v3 =	vand.u32 $0x7, v3;
	v4 =	vand.u32 $0xFFFFFFF0, v42  }
0x4ec: {  	v3 =	vor.u32 v3, v4  }
0x4ed: {  	v4 =	vperm.xlane v3, v0;
	_ =	sdelay $0x1  }
0x4ee: {  	v3 =	vperm.xlane v3, v2;
	v4 =	vadd.s32 v1, v4;
	_ =	sdelay $0x1  }
0x4ef: {  	v3 =	vadd.s32 v1, v3;
	_ =	sdelay $0x1  }
0x4f0: {  	s23 =	simm.s32 $0xA800  }
0x4f1: {  	[tilespmem:s23], [sflag:$0x1] =	stream.indirect_vreg.gather [hbm4b:s3+s2], $0x80, v4, vm0, $0xb8;
	[tilespmem:$0x18800] =	vst v63  }
0x4f2: {  	s31 =	simm.s32 $0xB000  }
0x4f3: {  	[tilespmem:s31], [sflag:$0x1] =	stream.indirect_vreg.gather [hbm4b:s3+s2], $0x80, v3, vm0, $0xb8;
	[tilespmem:$0x18800] =	vst v63  }
0x4f4: {  	v3 =	vld [tilespmem:$0x6B0];
	_ =	sdelay $0x4  }
0x4f5: {  	v43 =	vshll.u32 v3, $0x1  }
0x4f6: {  	v3 =	vand.u32 $0x7, v3;
	v4 =	vand.u32 $0xFFFFFFF0, v43  }
0x4f7: {  	v3 =	vor.u32 v3, v4  }
0x4f8: {  	v4 =	vperm.xlane v3, v0;
	_ =	sdelay $0x1  }
0x4f9: {  	v3 =	vperm.xlane v3, v2;
	v4 =	vadd.s32 v1, v4;
	_ =	sdelay $0x1  }
0x4fa: {  	v3 =	vadd.s32 v1, v3;
	_ =	sdelay $0x1  }
0x4fb: {  	s21 =	simm.s32 $0xB800  }
0x4fc: {  	[tilespmem:s21], [sflag:$0x1] =	stream.indirect_vreg.gather [hbm4b:s3+s2], $0x80, v4, vm0, $0xb8;
	[tilespmem:$0x18800] =	vst v63  }
0x4fd: {  	s23 =	simm.s32 $0xC000  }
0x4fe: {  	[tilespmem:s23], [sflag:$0x1] =	stream.indirect_vreg.gather [hbm4b:s3+s2], $0x80, v3, vm0, $0xb8;
	[tilespmem:$0x18800] =	vst v63  }
0x4ff: {  	v3 =	vld [tilespmem:$0x6C0];
	_ =	sdelay $0x4  }
0x500: {  	v44 =	vshll.u32 v3, $0x1  }
0x501: {  	v3 =	vand.u32 $0x7, v3;
	v4 =	vand.u32 $0xFFFFFFF0, v44  }
0x502: {  	v3 =	vor.u32 v3, v4  }
0x503: {  	v4 =	vperm.xlane v3, v0;
	_ =	sdelay $0x1  }
0x504: {  	v3 =	vperm.xlane v3, v2;
	v4 =	vadd.s32 v1, v4;
	_ =	sdelay $0x1  }
0x505: {  	v3 =	vadd.s32 v1, v3;
	_ =	sdelay $0x1  }
0x506: {  	s31 =	simm.s32 $0xC800  }
0x507: {  	[tilespmem:s31], [sflag:$0x1] =	stream.indirect_vreg.gather [hbm4b:s3+s2], $0x80, v4, vm0, $0xb8;
	[tilespmem:$0x18800] =	vst v63  }
0x508: {  	s21 =	simm.s32 $0xD000  }
0x509: {  	[tilespmem:s21], [sflag:$0x1] =	stream.indirect_vreg.gather [hbm4b:s3+s2], $0x80, v3, vm0, $0xb8;
	[tilespmem:$0x18800] =	vst v63  }
0x50a: {  	v3 =	vld [tilespmem:$0x6D0];
	_ =	sdelay $0x4  }
0x50b: {  	v45 =	vshll.u32 v3, $0x1  }
0x50c: {  	v3 =	vand.u32 $0x7, v3;
	v4 =	vand.u32 $0xFFFFFFF0, v45  }
0x50d: {  	v3 =	vor.u32 v3, v4  }
0x50e: {  	v4 =	vperm.xlane v3, v0;
	_ =	sdelay $0x1  }
0x50f: {  	v3 =	vperm.xlane v3, v2;
	v4 =	vadd.s32 v1, v4;
	_ =	sdelay $0x1  }
0x510: {  	v3 =	vadd.s32 v1, v3;
	_ =	sdelay $0x1  }
0x511: {  	s23 =	simm.s32 $0xD800  }
0x512: {  	[tilespmem:s23], [sflag:$0x1] =	stream.indirect_vreg.gather [hbm4b:s3+s2], $0x80, v4, vm0, $0xb8;
	[tilespmem:$0x18800] =	vst v63  }
0x513: {  	s31 =	simm.s32 $0xE000  }
0x514: {  	[tilespmem:s31], [sflag:$0x1] =	stream.indirect_vreg.gather [hbm4b:s3+s2], $0x80, v3, vm0, $0xb8;
	[tilespmem:$0x18800] =	vst v63  }
0x515: {  	v3 =	vld [tilespmem:$0x6E0];
	_ =	sdelay $0x4  }
0x516: {  	v46 =	vshll.u32 v3, $0x1  }
0x517: {  	v3 =	vand.u32 $0x7, v3;
	v4 =	vand.u32 $0xFFFFFFF0, v46  }
0x518: {  	v3 =	vor.u32 v3, v4  }
0x519: {  	v4 =	vperm.xlane v3, v0;
	_ =	sdelay $0x1  }
0x51a: {  	v3 =	vperm.xlane v3, v2;
	v4 =	vadd.s32 v1, v4;
	_ =	sdelay $0x1  }
0x51b: {  	v3 =	vadd.s32 v1, v3;
	_ =	sdelay $0x1  }
0x51c: {  	s21 =	simm.s32 $0xE800  }
0x51d: {  	[tilespmem:s21], [sflag:$0x1] =	stream.indirect_vreg.gather [hbm4b:s3+s2], $0x80, v4, vm0, $0xb8;
	[tilespmem:$0x18800] =	vst v63  }
0x51e: {  	s23 =	simm.s32 $0xF000  }
0x51f: {  	[tilespmem:s23], [sflag:$0x1] =	stream.indirect_vreg.gather [hbm4b:s3+s2], $0x80, v3, vm0, $0xb8;
	[tilespmem:$0x18800] =	vst v63  }
0x520: {  	v3 =	vld [tilespmem:$0x6F0];
	_ =	sdelay $0x4  }
0x521: {  	v47 =	vshll.u32 v3, $0x1  }
0x522: {  	v3 =	vand.u32 $0x7, v3;
	v4 =	vand.u32 $0xFFFFFFF0, v47  }
0x523: {  	v3 =	vor.u32 v3, v4  }
0x524: {  	v4 =	vperm.xlane v3, v0;
	_ =	sdelay $0x1  }
0x525: {  	v3 =	vperm.xlane v3, v2;
	v4 =	vadd.s32 v1, v4;
	_ =	sdelay $0x1  }
0x526: {  	v3 =	vadd.s32 v1, v3;
	_ =	sdelay $0x1  }
0x527: {  	s31 =	simm.s32 $0xF800  }
0x528: {  	[tilespmem:s31], [sflag:$0x1] =	stream.indirect_vreg.gather [hbm4b:s3+s2], $0x80, v4, vm0, $0xb8;
	[tilespmem:$0x18800] =	vst v63  }
0x529: {  	s21 =	simm.s32 $0x10000  }
0x52a: {  	[tilespmem:s21], [sflag:$0x1] =	stream.indirect_vreg.gather [hbm4b:s3+s2], $0x80, v3, vm0, $0xb8;
	[tilespmem:$0x18800] =	vst v63  }
0x52b: {  	_ =	swait.ge [sflag:s22], $0x8000  }
0x52c: {  	[sflag:s22] =	ssyncset.done $0x0  }
0x52d: {  	s23 =	rddreg [dreg:$0x10];
	[sflag:s22] =	ssyncadd.s32 $0xFFFF8000  }
0x52e: {  	[hbm4b:s23+s2] =	stream.linear.scatter [tilespmem:s30], [sflag:$0x3], $0x8000, $0x38;
	[tilespmem:$0x18800] =	vst v63  }
0x52f: {  	_ =	swait.ge [sflag:s1], $0x8000  }
0x530: {  	[sflag:s1] =	ssyncset.done $0x0  }
0x531: {  	[sflag:s1] =	ssyncadd.s32 $0xFFFF8000  }
0x532: {  	v3 =	vld [tilespmem:$0x700];
	_ =	sdelay $0x4  }
0x533: {  	v48 =	vshll.u32 v3, $0x1  }
0x534: {  	v3 =	vand.u32 $0x7, v3;
	v4 =	vand.u32 $0xFFFFFFF0, v48  }
0x535: {  	v3 =	vor.u32 v3, v4  }
0x536: {  	v4 =	vperm.xlane v3, v0;
	_ =	sdelay $0x1  }
0x537: {  	v3 =	vperm.xlane v3, v2;
	v4 =	vadd.s32 v1, v4;
	_ =	sdelay $0x1  }
0x538: {  	v3 =	vadd.s32 v1, v3;
	_ =	sdelay $0x1  }
0x539: {  	s4 =	simm.s32 $0x10800  }
0x53a: {  	[tilespmem:s4], [sflag:$0x1] =	stream.indirect_vreg.gather [hbm4b:s3+s2], $0x80, v4, vm0, $0xb8;
	[tilespmem:$0x18800] =	vst v63  }
0x53b: {  	s31 =	simm.s32 $0x11000  }
0x53c: {  	[tilespmem:s31], [sflag:$0x1] =	stream.indirect_vreg.gather [hbm4b:s3+s2], $0x80, v3, vm0, $0xb8;
	[tilespmem:$0x18800] =	vst v63  }
0x53d: {  	v3 =	vld [tilespmem:$0x710];
	_ =	sdelay $0x4  }
0x53e: {  	v49 =	vshll.u32 v3, $0x1  }
0x53f: {  	v3 =	vand.u32 $0x7, v3;
	v4 =	vand.u32 $0xFFFFFFF0, v49  }
0x540: {  	v3 =	vor.u32 v3, v4  }
0x541: {  	v4 =	vperm.xlane v3, v0;
	_ =	sdelay $0x1  }
0x542: {  	v3 =	vperm.xlane v3, v2;
	v4 =	vadd.s32 v1, v4;
	_ =	sdelay $0x1  }
0x543: {  	v3 =	vadd.s32 v1, v3;
	_ =	sdelay $0x2  }
0x544: {  	[tilespmem:s9], [sflag:$0x1] =	stream.indirect_vreg.gather [hbm4b:s3+s2], $0x80, v4, vm0, $0xb8;
	[tilespmem:$0x18800] =	vst v63  }
0x545: {  	s21 =	simm.s32 $0x12000  }
0x546: {  	[tilespmem:s21], [sflag:$0x1] =	stream.indirect_vreg.gather [hbm4b:s3+s2], $0x80, v3, vm0, $0xb8;
	[tilespmem:$0x18800] =	vst v63  }
0x547: {  	v3 =	vld [tilespmem:$0x720];
	_ =	sdelay $0x4  }
0x548: {  	v50 =	vshll.u32 v3, $0x1  }
0x549: {  	v3 =	vand.u32 $0x7, v3;
	v4 =	vand.u32 $0xFFFFFFF0, v50  }
0x54a: {  	v3 =	vor.u32 v3, v4  }
0x54b: {  	v4 =	vperm.xlane v3, v0;
	_ =	sdelay $0x1  }
0x54c: {  	v3 =	vperm.xlane v3, v2;
	v4 =	vadd.s32 v1, v4;
	_ =	sdelay $0x1  }
0x54d: {  	v3 =	vadd.s32 v1, v3;
	_ =	sdelay $0x2  }
0x54e: {  	[tilespmem:s17], [sflag:$0x1] =	stream.indirect_vreg.gather [hbm4b:s3+s2], $0x80, v4, vm0, $0xb8;
	[tilespmem:$0x18800] =	vst v63  }
0x54f: {  	s23 =	simm.s32 $0x13000  }
0x550: {  	[tilespmem:s23], [sflag:$0x1] =	stream.indirect_vreg.gather [hbm4b:s3+s2], $0x80, v3, vm0, $0xb8;
	[tilespmem:$0x18800] =	vst v63  }
0x551: {  	v3 =	vld [tilespmem:$0x730];
	_ =	sdelay $0x4  }
0x552: {  	v51 =	vshll.u32 v3, $0x1  }
0x553: {  	v3 =	vand.u32 $0x7, v3;
	v4 =	vand.u32 $0xFFFFFFF0, v51  }
0x554: {  	v3 =	vor.u32 v3, v4  }
0x555: {  	v4 =	vperm.xlane v3, v0;
	_ =	sdelay $0x1  }
0x556: {  	v3 =	vperm.xlane v3, v2;
	v4 =	vadd.s32 v1, v4;
	_ =	sdelay $0x1  }
0x557: {  	v3 =	vadd.s32 v1, v3;
	_ =	sdelay $0x2  }
0x558: {  	[tilespmem:s18], [sflag:$0x1] =	stream.indirect_vreg.gather [hbm4b:s3+s2], $0x80, v4, vm0, $0xb8;
	[tilespmem:$0x18800] =	vst v63  }
0x559: {  	s28 =	simm.s32 $0x14000  }
0x55a: {  	[tilespmem:s28], [sflag:$0x1] =	stream.indirect_vreg.gather [hbm4b:s3+s2], $0x80, v3, vm0, $0xb8;
	[tilespmem:$0x18800] =	vst v63  }
0x55b: {  	v3 =	vld [tilespmem:$0x740];
	_ =	sdelay $0x4  }
0x55c: {  	v52 =	vshll.u32 v3, $0x1  }
0x55d: {  	v3 =	vand.u32 $0x7, v3;
	v4 =	vand.u32 $0xFFFFFFF0, v52  }
0x55e: {  	v3 =	vor.u32 v3, v4  }
0x55f: {  	v4 =	vperm.xlane v3, v0;
	_ =	sdelay $0x1  }
0x560: {  	v3 =	vperm.xlane v3, v2;
	v4 =	vadd.s32 v1, v4;
	_ =	sdelay $0x1  }
0x561: {  	v3 =	vadd.s32 v1, v3;
	_ =	sdelay $0x2  }
0x562: {  	[tilespmem:s24], [sflag:$0x1] =	stream.indirect_vreg.gather [hbm4b:s3+s2], $0x80, v4, vm0, $0xb8;
	[tilespmem:$0x18800] =	vst v63  }
0x563: {  	s25 =	simm.s32 $0x15000  }
0x564: {  	[tilespmem:s25], [sflag:$0x1] =	stream.indirect_vreg.gather [hbm4b:s3+s2], $0x80, v3, vm0, $0xb8;
	[tilespmem:$0x18800] =	vst v63  }
0x565: {  	v3 =	vld [tilespmem:$0x750];
	_ =	sdelay $0x4  }
0x566: {  	v53 =	vshll.u32 v3, $0x1  }
0x567: {  	v3 =	vand.u32 $0x7, v3;
	v4 =	vand.u32 $0xFFFFFFF0, v53  }
0x568: {  	v3 =	vor.u32 v3, v4  }
0x569: {  	v4 =	vperm.xlane v3, v0;
	_ =	sdelay $0x1  }
0x56a: {  	v3 =	vperm.xlane v3, v2;
	v4 =	vadd.s32 v1, v4;
	_ =	sdelay $0x1  }
0x56b: {  	v3 =	vadd.s32 v1, v3;
	_ =	sdelay $0x1  }
0x56c: {  	s30 =	simm.s32 $0x15800  }
0x56d: {  	[tilespmem:s30], [sflag:$0x1] =	stream.indirect_vreg.gather [hbm4b:s3+s2], $0x80, v4, vm0, $0xb8;
	[tilespmem:$0x18800] =	vst v63  }
0x56e: {  	s31 =	simm.s32 $0x16000  }
0x56f: {  	[tilespmem:s31], [sflag:$0x1] =	stream.indirect_vreg.gather [hbm4b:s3+s2], $0x80, v3, vm0, $0xb8;
	[tilespmem:$0x18800] =	vst v63  }
0x570: {  	v3 =	vld [tilespmem:$0x760];
	_ =	sdelay $0x4  }
0x571: {  	v54 =	vshll.u32 v3, $0x1  }
0x572: {  	v3 =	vand.u32 $0x7, v3;
	v4 =	vand.u32 $0xFFFFFFF0, v54  }
0x573: {  	v3 =	vor.u32 v3, v4  }
0x574: {  	v4 =	vperm.xlane v3, v0;
	_ =	sdelay $0x1  }
0x575: {  	v3 =	vperm.xlane v3, v2;
	v4 =	vadd.s32 v1, v4;
	_ =	sdelay $0x1  }
0x576: {  	v3 =	vadd.s32 v1, v3;
	_ =	sdelay $0x1  }
0x577: {  	s9 =	simm.s32 $0x16800  }
0x578: {  	[tilespmem:s9], [sflag:$0x1] =	stream.indirect_vreg.gather [hbm4b:s3+s2], $0x80, v4, vm0, $0xb8;
	[tilespmem:$0x18800] =	vst v63  }
0x579: {  	s17 =	simm.s32 $0x17000  }
0x57a: {  	[tilespmem:s17], [sflag:$0x1] =	stream.indirect_vreg.gather [hbm4b:s3+s2], $0x80, v3, vm0, $0xb8;
	[tilespmem:$0x18800] =	vst v63  }
0x57b: {  	v3 =	vld [tilespmem:$0x770];
	_ =	sdelay $0x4  }
0x57c: {  	v55 =	vshll.u32 v3, $0x1  }
0x57d: {  	v3 =	vand.u32 $0x7, v3;
	v4 =	vand.u32 $0xFFFFFFF0, v55  }
0x57e: {  	v3 =	vor.u32 v3, v4  }
0x57f: {  	v4 =	vperm.xlane v3, v0;
	_ =	sdelay $0x1  }
0x580: {  	v3 =	vperm.xlane v3, v2;
	v4 =	vadd.s32 v1, v4;
	_ =	sdelay $0x1  }
0x581: {  	v3 =	vadd.s32 v1, v3;
	_ =	sdelay $0x1  }
0x582: {  	s18 =	simm.s32 $0x17800  }
0x583: {  	[tilespmem:s18], [sflag:$0x1] =	stream.indirect_vreg.gather [hbm4b:s3+s2], $0x80, v4, vm0, $0xb8;
	[tilespmem:$0x18800] =	vst v63  }
0x584: {  	s21 =	simm.s32 $0x18000  }
0x585: {  	[tilespmem:s21], [sflag:$0x1] =	stream.indirect_vreg.gather [hbm4b:s3+s2], $0x80, v3, vm0, $0xb8;
	[tilespmem:$0x18800] =	vst v63  }
0x586: {  	_ =	swait.ge [sflag:s22], $0x8000  }
0x587: {  	[sflag:s22] =	ssyncset.done $0x0  }
0x588: {  	s23 =	rddreg [dreg:$0x11];
	[sflag:s22] =	ssyncadd.s32 $0xFFFF8000  }
0x589: {  	[hbm4b:s23+s2] =	stream.linear.scatter [tilespmem:s4], [sflag:$0x4], $0x8000, $0x38;
	[tilespmem:$0x18800] =	vst v63  }
0x58a: {  	_ =	swait.ge [sflag:s26], $0x8000  }
0x58b: {  	[sflag:s26] =	ssyncset.done $0x0  }
0x58c: {  	[sflag:s26] =	ssyncadd.s32 $0xFFFF8000  }
0x58d: {  	v3 =	vld [tilespmem:$0x780];
	_ =	sdelay $0x4  }
0x58e: {  	v56 =	vshll.u32 v3, $0x1  }
0x58f: {  	v3 =	vand.u32 $0x7, v3;
	v4 =	vand.u32 $0xFFFFFFF0, v56  }
0x590: {  	v3 =	vor.u32 v3, v4  }
0x591: {  	v4 =	vperm.xlane v3, v0;
	_ =	sdelay $0x1  }
0x592: {  	v3 =	vperm.xlane v3, v2;
	v4 =	vadd.s32 v1, v4;
	_ =	sdelay $0x1  }
0x593: {  	v3 =	vadd.s32 v1, v3;
	_ =	sdelay $0x1  }
0x594: {  	s14 =	simm.s32 $0x800  }
0x595: {  	[tilespmem:s14], [sflag:$0x1] =	stream.indirect_vreg.gather [hbm4b:s3+s2], $0x80, v4, vm0, $0xb8;
	[tilespmem:$0x18800] =	vst v63  }
0x596: {  	s24 =	simm.s32 $0x1000  }
0x597: {  	[tilespmem:s24], [sflag:$0x1] =	stream.indirect_vreg.gather [hbm4b:s3+s2], $0x80, v3, vm0, $0xb8;
	[tilespmem:$0x18800] =	vst v63  }
0x598: {  	v3 =	vld [tilespmem:$0x790];
	_ =	sdelay $0x4  }
0x599: {  	v57 =	vshll.u32 v3, $0x1  }
0x59a: {  	v3 =	vand.u32 $0x7, v3;
	v4 =	vand.u32 $0xFFFFFFF0, v57  }
0x59b: {  	v3 =	vor.u32 v3, v4  }
0x59c: {  	v4 =	vperm.xlane v3, v0;
	_ =	sdelay $0x1  }
0x59d: {  	v3 =	vperm.xlane v3, v2;
	v4 =	vadd.s32 v1, v4;
	_ =	sdelay $0x1  }
0x59e: {  	v3 =	vadd.s32 v1, v3;
	_ =	sdelay $0x1  }
0x59f: {  	s15 =	simm.s32 $0x1800  }
0x5a0: {  	[tilespmem:s15], [sflag:$0x1] =	stream.indirect_vreg.gather [hbm4b:s3+s2], $0x80, v4, vm0, $0xb8;
	[tilespmem:$0x18800] =	vst v63  }
0x5a1: {  	s25 =	simm.s32 $0x2000  }
0x5a2: {  	[tilespmem:s25], [sflag:$0x1] =	stream.indirect_vreg.gather [hbm4b:s3+s2], $0x80, v3, vm0, $0xb8;
	[tilespmem:$0x18800] =	vst v63  }
0x5a3: {  	v3 =	vld [tilespmem:$0x7A0];
	_ =	sdelay $0x4  }
0x5a4: {  	v58 =	vshll.u32 v3, $0x1  }
0x5a5: {  	v3 =	vand.u32 $0x7, v3;
	v4 =	vand.u32 $0xFFFFFFF0, v58  }
0x5a6: {  	v3 =	vor.u32 v3, v4  }
0x5a7: {  	v4 =	vperm.xlane v3, v0;
	_ =	sdelay $0x1  }
0x5a8: {  	v3 =	vperm.xlane v3, v2;
	v4 =	vadd.s32 v1, v4;
	_ =	sdelay $0x1  }
0x5a9: {  	v3 =	vadd.s32 v1, v3;
	_ =	sdelay $0x1  }
0x5aa: {  	s16 =	simm.s32 $0x2800  }
0x5ab: {  	[tilespmem:s16], [sflag:$0x1] =	stream.indirect_vreg.gather [hbm4b:s3+s2], $0x80, v4, vm0, $0xb8;
	[tilespmem:$0x18800] =	vst v63  }
0x5ac: {  	s10 =	simm.s32 $0x3000  }
0x5ad: {  	[tilespmem:s10], [sflag:$0x1] =	stream.indirect_vreg.gather [hbm4b:s3+s2], $0x80, v3, vm0, $0xb8;
	[tilespmem:$0x18800] =	vst v63  }
0x5ae: {  	v3 =	vld [tilespmem:$0x7B0];
	_ =	sdelay $0x4  }
0x5af: {  	v59 =	vshll.u32 v3, $0x1  }
0x5b0: {  	v3 =	vand.u32 $0x7, v3;
	v4 =	vand.u32 $0xFFFFFFF0, v59  }
0x5b1: {  	v3 =	vor.u32 v3, v4  }
0x5b2: {  	v4 =	vperm.xlane v3, v0;
	_ =	sdelay $0x1  }
0x5b3: {  	v3 =	vperm.xlane v3, v2;
	v4 =	vadd.s32 v1, v4;
	_ =	sdelay $0x1  }
0x5b4: {  	v3 =	vadd.s32 v1, v3;
	_ =	sdelay $0x1  }
0x5b5: {  	s28 =	simm.s32 $0x3800  }
0x5b6: {  	[tilespmem:s28], [sflag:$0x1] =	stream.indirect_vreg.gather [hbm4b:s3+s2], $0x80, v4, vm0, $0xb8;
	[tilespmem:$0x18800] =	vst v63  }
0x5b7: {  	s11 =	simm.s32 $0x4000  }
0x5b8: {  	[tilespmem:s11], [sflag:$0x1] =	stream.indirect_vreg.gather [hbm4b:s3+s2], $0x80, v3, vm0, $0xb8;
	[tilespmem:$0x18800] =	vst v63  }
0x5b9: {  	v3 =	vld [tilespmem:$0x7C0];
	_ =	sdelay $0x4  }
0x5ba: {  	v60 =	vshll.u32 v3, $0x1  }
0x5bb: {  	v3 =	vand.u32 $0x7, v3;
	v4 =	vand.u32 $0xFFFFFFF0, v60  }
0x5bc: {  	v3 =	vor.u32 v3, v4  }
0x5bd: {  	v4 =	vperm.xlane v3, v0;
	_ =	sdelay $0x1  }
0x5be: {  	v3 =	vperm.xlane v3, v2;
	v4 =	vadd.s32 v1, v4;
	_ =	sdelay $0x1  }
0x5bf: {  	v3 =	vadd.s32 v1, v3;
	_ =	sdelay $0x1  }
0x5c0: {  	s6 =	simm.s32 $0x4800  }
0x5c1: {  	[tilespmem:s6], [sflag:$0x1] =	stream.indirect_vreg.gather [hbm4b:s3+s2], $0x80, v4, vm0, $0xb8;
	[tilespmem:$0x18800] =	vst v63  }
0x5c2: {  	s12 =	simm.s32 $0x5000  }
0x5c3: {  	[tilespmem:s12], [sflag:$0x1] =	stream.indirect_vreg.gather [hbm4b:s3+s2], $0x80, v3, vm0, $0xb8;
	[tilespmem:$0x18800] =	vst v63  }
0x5c4: {  	v3 =	vld [tilespmem:$0x7D0];
	_ =	sdelay $0x4  }
0x5c5: {  	v61 =	vshll.u32 v3, $0x1  }
0x5c6: {  	v3 =	vand.u32 $0x7, v3;
	v4 =	vand.u32 $0xFFFFFFF0, v61  }
0x5c7: {  	v3 =	vor.u32 v3, v4  }
0x5c8: {  	v4 =	vperm.xlane v3, v0;
	_ =	sdelay $0x1  }
0x5c9: {  	v3 =	vperm.xlane v3, v2;
	v4 =	vadd.s32 v1, v4;
	_ =	sdelay $0x1  }
0x5ca: {  	v3 =	vadd.s32 v1, v3;
	_ =	sdelay $0x1  }
0x5cb: {  	s5 =	simm.s32 $0x5800  }
0x5cc: {  	[tilespmem:s5], [sflag:$0x1] =	stream.indirect_vreg.gather [hbm4b:s3+s2], $0x80, v4, vm0, $0xb8;
	[tilespmem:$0x18800] =	vst v63  }
0x5cd: {  	s19 =	simm.s32 $0x6000  }
0x5ce: {  	[tilespmem:s19], [sflag:$0x1] =	stream.indirect_vreg.gather [hbm4b:s3+s2], $0x80, v3, vm0, $0xb8;
	[tilespmem:$0x18800] =	vst v63  }
0x5cf: {  	v3 =	vld [tilespmem:$0x7E0];
	_ =	sdelay $0x4  }
0x5d0: {  	v62 =	vshll.u32 v3, $0x1  }
0x5d1: {  	v3 =	vand.u32 $0x7, v3;
	v4 =	vand.u32 $0xFFFFFFF0, v62  }
0x5d2: {  	v3 =	vor.u32 v3, v4  }
0x5d3: {  	v4 =	vperm.xlane v3, v0;
	_ =	sdelay $0x1  }
0x5d4: {  	v3 =	vperm.xlane v3, v2;
	v4 =	vadd.s32 v1, v4;
	_ =	sdelay $0x1  }
0x5d5: {  	v3 =	vadd.s32 v1, v3;
	_ =	sdelay $0x1  }
0x5d6: {  	s7 =	simm.s32 $0x6800  }
0x5d7: {  	[tilespmem:s7], [sflag:$0x1] =	stream.indirect_vreg.gather [hbm4b:s3+s2], $0x80, v4, vm0, $0xb8;
	[tilespmem:$0x18800] =	vst v63  }
0x5d8: {  	_ = 	snop  }
0x5d9: {  	[tilespmem:s20], [sflag:$0x1] =	stream.indirect_vreg.gather [hbm4b:s3+s2], $0x80, v3, vm0, $0xb8;
	[tilespmem:$0x18800] =	vst v63  }
0x5da: {  	v3 =	vld [tilespmem:$0x7F0];
	_ =	sdelay $0x4  }
0x5db: {  	v63 =	vshll.u32 v3, $0x1  }
0x5dc: {  	v3 =	vand.u32 $0x7, v3;
	v4 =	vand.u32 $0xFFFFFFF0, v63  }
0x5dd: {  	v3 =	vor.u32 v3, v4  }
0x5de: {  	v4 =	vperm.xlane v3, v0;
	_ =	sdelay $0x1  }
0x5df: {  	v3 =	vperm.xlane v3, v2;
	v4 =	vadd.s32 v1, v4;
	_ =	sdelay $0x1  }
0x5e0: {  	v3 =	vadd.s32 v1, v3;
	_ =	sdelay $0x1  }
0x5e1: {  	s8 =	simm.s32 $0x7800  }
0x5e2: {  	[tilespmem:s8], [sflag:$0x1] =	stream.indirect_vreg.gather [hbm4b:s3+s2], $0x80, v4, vm0, $0xb8;
	[tilespmem:$0x18800] =	vst v63  }
0x5e3: {  	s13 =	simm.s32 $0x8000  }
0x5e4: {  	[tilespmem:s13], [sflag:$0x1] =	stream.indirect_vreg.gather [hbm4b:s3+s2], $0x80, v3, vm0, $0xb8;
	[tilespmem:$0x18800] =	vst v63  }
0x5e5: {  	_ =	swait.ge [sflag:s22], $0x8000  }
0x5e6: {  	[sflag:s22] =	ssyncset.done $0x0  }
0x5e7: {  	s30 =	rddreg [dreg:$0x12];
	[sflag:s22] =	ssyncadd.s32 $0xFFFF8000  }
0x5e8: {  	[hbm4b:s30+s2] =	stream.linear.scatter [tilespmem:s14], [sflag:$0x2], $0x8000, $0x38;
	[tilespmem:$0x18800] =	vst v63  }
0x5e9: {  	s31 =	rddreg [dreg:$0x13];
	_ =	swait.ge [sflag:s26], $0x8000  }
0x5ea: {  	[sflag:s26] =	ssyncset.done $0x0  }
0x5eb: {  	[sflag:s26] =	ssyncadd.s32 $0xFFFF8000  }
0x5ec: {  	p0 =	sne.s32 s31, $0x1;
	_ =	swait.ge [sflag:s29], $0x8000  }
.Ltmp0:
0x5ed: {  	[sflag:s29] =	ssyncset.done $0x0;
	(pc) =	sbr.rel @p0 .LBB2_1-.Ltmp0, $4  }
0x5ee: {  	[sflag:s29] =	ssyncadd.s32 $0xFFFF8000  }
0x5ef: {  	_ =	swait.ge [sflag:s1], $0x8000  }
0x5f0: {  	[sflag:s1] =	ssyncset.done $0x0  }
0x5f1: {  	s0 =	sadd.s32 $0xFFFFFFFF, s31;
	[sflag:s1] =	ssyncadd.s32 $0xFFFF8000  }
0x5f2: {  	_ =	sfence.sel $0x180000  }
0x5f3: {  	[bflag:$0x0] =	sbarrier.arrive $0xFFFF  }
0x5f4: {  	_ =	strace $0x90000050  }
0x5f5: {  	s0 =	stileid.u32;
	[bflag:$0x2] =	sbarrier.arrive $0xFFFF  }
0x5f6: {  	p0 =	sne.s32 s0, $0x0;
	s0 =	rddreg [dreg:$0x1]  }
0x5f7: {  	s0 =	sadd.s32 @!p0 $0x100000, s0  }
0x5f8: {  	[sflag:s0] =	ssyncadd.tile.s32 @!p0 $0x1;
	_ =	shalt  }
.Lfunc_end2:
_tile_overlayer_lowered:
.L_overlay_start_2:
0x5f9: {  	(tag) =	ssettag $0x2  }
0x5fa: {  	s0 =	rddreg [dreg:$0x0];
	s2 =	stileid.u32  }
0x5fb: {  	s1 =	rddreg [dreg:$0x1];
	p0 =	sne.s32 s2, $0x0  }
0x5fc: {  	s3 =	rddreg [dreg:$0x2];
	[bflag:$0x3] =	sbarrier.arrive $0xFFFF;
	s2 =	simm.s32 @!p0 $0x1C05  }
0x5fd: {  	[timem:s3], [sflag:s2] =	dma.local @!p0 [hbm:s0], s1  }
0x5fe: {  	s0 =	simm.s32 @!p0 $0x5  }
0x5ff: {  	_ =	swait.ge @!p0 [sflag:s0], s1  }
0x600: {  	s1 =	ssub.s32 @!p0 $0x0, s1;
	[sflag:s0] =	ssyncset.done @!p0 $0x0  }
0x601: {  	[sflag:s0] =	ssyncadd.s32 @!p0 s1  }
0x602: {  	[bflag:$0x3] =	sbarrier.arrive $0xFFFF  }
0x603: {  	_ =	shalt  }

</sc_bundles>
